<compile_context>
chip_gen: v7x
topology: tpu7x:2x2x1
jax: 0.10.2.dev20260603
libtpu: 0.0.44.dev20260713+nightly
codegen_flags: <defaults>
</compile_context>

<pallas_src>
import functools

import jax
import jax.numpy as jnp
from jax import lax
from jax.experimental import pallas as pl
from jax.experimental.pallas import tpu as pltpu
from jax.experimental.pallas import tpu_sc as plsc

N = 10000
NP = 10112
NC = 2
NS = 16
NW = NC * NS
C = 128
K = 80
KC = 40
EPW = K * C
EP = NW * EPW
RPT = NP // NS
F32 = jnp.float32



def _sc_degree(ones, dst3):
    mesh = plsc.VectorSubcoreMesh(core_axis_name="c", subcore_axis_name="s")

    @functools.partial(
        pl.kernel,
        out_type=jax.ShapeDtypeStruct((NC, NP, 128), F32),
        mesh=mesh,
        scratch_types=[
            pltpu.VMEM((KC, C), jnp.int32),
            pltpu.VMEM((C, 128), F32),
            pltpu.VMEM_SHARED((NP, 128), F32),
            pltpu.SemaphoreType.DMA,
            pltpu.SemaphoreType.DMA,
        ],
    )
    def k(ones_hbm, dst_hbm, out_hbm, dst_v, buf, acc, ss0, ss1):
        c = lax.axis_index("c")
        s = lax.axis_index("s")
        wid = s * NC + c
        r0 = s * RPT
        chunks = [(i * C, C) for i in range(RPT // C)] + (
            [((RPT // C) * C, RPT % C)] if RPT % C else [])
        pltpu.sync_copy(ones_hbm.at[pl.ds(0, C)], buf)
        for off, sz in chunks:
            pltpu.sync_copy(buf.at[pl.ds(0, sz)], acc.at[pl.ds(r0 + off, sz)])
        plsc.subcore_barrier()

        sss = (ss0, ss1)
        for seg in range(K // KC):
            pltpu.sync_copy(dst_hbm.at[wid, pl.ds(seg * KC, KC)], dst_v)
            pltpu.async_copy(buf, acc.at[dst_v.at[0]], ss0, add=True)
            pltpu.async_copy(buf, acc.at[dst_v.at[1]], ss1, add=True)

            def outer(j2, _):
                for b in range(2):
                    j = 2 * j2 + b
                    pltpu.make_async_copy(buf, acc.at[dst_v.at[j]],
                                          sss[b]).wait()
                    pltpu.async_copy(buf, acc.at[dst_v.at[j]], sss[b],
                                     add=True)
                return 0

            lax.fori_loop(1, KC // 2, outer, 0)
            pltpu.make_async_copy(buf, acc.at[dst_v.at[KC - 2]], sss[0]).wait()
            pltpu.make_async_copy(buf, acc.at[dst_v.at[KC - 1]], sss[1]).wait()
        plsc.subcore_barrier()
        for off, sz in chunks:
            pltpu.sync_copy(acc.at[pl.ds(r0 + off, sz)], buf.at[pl.ds(0, sz)])
            pltpu.sync_copy(buf.at[pl.ds(0, sz)], out_hbm.at[c, pl.ds(r0 + off, sz)])

    return k(ones, dst3)


def _sc_aggregate(g, src3, dst3, d):
    mesh = plsc.VectorSubcoreMesh(core_axis_name="c", subcore_axis_name="s")

    @functools.partial(
        pl.kernel,
        out_type=jax.ShapeDtypeStruct((NC, NP, d), F32),
        mesh=mesh,
        scratch_types=[
            pltpu.VMEM((KC, C), jnp.int32),
            pltpu.VMEM((KC, C), jnp.int32),
            pltpu.VMEM((C, d), F32),
            pltpu.VMEM((C, d), F32),
            pltpu.VMEM_SHARED((NP, d), F32),
            pltpu.SemaphoreType.DMA,
            pltpu.SemaphoreType.DMA,
            pltpu.SemaphoreType.DMA,
            pltpu.SemaphoreType.DMA,
        ],
    )
    def k(g_hbm, src_hbm, dst_hbm, out_hbm,
          src_v, dst_v, buf0, buf1, acc, sg0, sg1, ss0, ss1):
        c = lax.axis_index("c")
        s = lax.axis_index("s")
        wid = s * NC + c
        r0 = s * RPT
        bufs = (buf0, buf1)
        sgs = (sg0, sg1)
        sss = (ss0, ss1)
        chunks = [(i * C, C) for i in range(RPT // C)] + (
            [((RPT // C) * C, RPT % C)] if RPT % C else [])
        nch = len(chunks)
        pltpu.async_copy(g_hbm.at[pl.ds(r0 + chunks[0][0], chunks[0][1])],
                         bufs[0].at[pl.ds(0, chunks[0][1])], sgs[0])
        for i, (off, sz) in enumerate(chunks):
            b = i % 2
            pltpu.make_async_copy(g_hbm.at[pl.ds(r0 + off, sz)],
                                  bufs[b].at[pl.ds(0, sz)], sgs[b]).wait()
            if i + 1 < nch:
                noff, nsz = chunks[i + 1]
                if i >= 1:
                    poff, psz = chunks[i - 1]
                    pltpu.make_async_copy(
                        bufs[1 - b].at[pl.ds(0, psz)],
                        acc.at[pl.ds(r0 + poff, psz)], sss[1 - b]).wait()
                pltpu.async_copy(g_hbm.at[pl.ds(r0 + noff, nsz)],
                                 bufs[1 - b].at[pl.ds(0, nsz)], sgs[1 - b])
            pltpu.async_copy(bufs[b].at[pl.ds(0, sz)],
                             acc.at[pl.ds(r0 + off, sz)], sss[b])
        for i in (nch - 2, nch - 1):
            off, sz = chunks[i]
            pltpu.make_async_copy(bufs[i % 2].at[pl.ds(0, sz)],
                                  acc.at[pl.ds(r0 + off, sz)], sss[i % 2]).wait()
        plsc.subcore_barrier()

        for seg in range(K // KC):
            pltpu.sync_copy(src_hbm.at[wid, pl.ds(seg * KC, KC)], src_v)
            pltpu.sync_copy(dst_hbm.at[wid, pl.ds(seg * KC, KC)], dst_v)
            pltpu.async_copy(g_hbm.at[src_v.at[0]], buf0, sg0)

            def outer(j2, _):
                for b in range(2):
                    j = 2 * j2 + b
                    pltpu.make_async_copy(g_hbm.at[src_v.at[j]], bufs[b],
                                          sgs[b]).wait()
                    pltpu.async_copy(bufs[b], acc.at[dst_v.at[j]], sss[b],
                                     add=True)

                    @pl.when(j + 1 < KC)
                    def _():
                        @pl.when(j > 0)
                        def _():
                            pltpu.make_async_copy(
                                bufs[1 - b], acc.at[dst_v.at[j]],
                                sss[1 - b]).wait()
                        pltpu.async_copy(g_hbm.at[src_v.at[j + 1]], bufs[1 - b],
                                         sgs[1 - b])
                return 0

            lax.fori_loop(0, KC // 2, outer, 0)
            pltpu.make_async_copy(bufs[0], acc.at[dst_v.at[KC - 2]], sss[0]).wait()
            pltpu.make_async_copy(bufs[1], acc.at[dst_v.at[KC - 1]], sss[1]).wait()
        plsc.subcore_barrier()
        pltpu.async_copy(acc.at[pl.ds(r0 + chunks[0][0], chunks[0][1])],
                         bufs[0].at[pl.ds(0, chunks[0][1])], sgs[0])
        for i, (off, sz) in enumerate(chunks):
            b = i % 2
            pltpu.make_async_copy(acc.at[pl.ds(r0 + off, sz)],
                                  bufs[b].at[pl.ds(0, sz)], sgs[b]).wait()
            if i + 1 < nch:
                noff, nsz = chunks[i + 1]
                if i >= 1:
                    poff, psz = chunks[i - 1]
                    pltpu.make_async_copy(
                        bufs[1 - b].at[pl.ds(0, psz)],
                        out_hbm.at[c, pl.ds(r0 + poff, psz)], sss[1 - b]).wait()
                pltpu.async_copy(acc.at[pl.ds(r0 + noff, nsz)],
                                 bufs[1 - b].at[pl.ds(0, nsz)], sgs[1 - b])
            pltpu.async_copy(bufs[b].at[pl.ds(0, sz)],
                             out_hbm.at[c, pl.ds(r0 + off, sz)], sss[b])
        for i in (nch - 2, nch - 1):
            off, sz = chunks[i]
            pltpu.make_async_copy(bufs[i % 2].at[pl.ds(0, sz)],
                                  out_hbm.at[c, pl.ds(r0 + off, sz)],
                                  sss[i % 2]).wait()

    return k(g, src3, dst3)



_R = 2528


def _dot(a, w):
    return lax.dot_general(a, w, (((1,), (0,)), ((), ())),
                           precision=lax.Precision.HIGHEST,
                           preferred_element_type=F32)


def _tc_prep(deg0, deg1, xpad, w1):

    def body(d0, d1, x, w, g_out, dv_out):
        dsum = d0[...][:, :1] + d1[...][:, :1] - 1.0
        dv = lax.rsqrt(dsum)
        dv_out[...] = dv
        g_out[...] = dv * _dot(x[...], w[...])

    return pl.pallas_call(
        body,
        grid=(NP // _R,),
        in_specs=[
            pl.BlockSpec((_R, 128), lambda i: (i, 0)),
            pl.BlockSpec((_R, 128), lambda i: (i, 0)),
            pl.BlockSpec((_R, 128), lambda i: (i, 0)),
            pl.BlockSpec((128, 128), lambda i: (0, 0)),
        ],
        out_specs=(
            pl.BlockSpec((_R, 128), lambda i: (i, 0)),
            pl.BlockSpec((_R, 1), lambda i: (i, 0)),
        ),
        out_shape=(
            jax.ShapeDtypeStruct((NP, 128), F32),
            jax.ShapeDtypeStruct((NP, 1), F32),
        ),
    )(deg0, deg1, xpad, w1)


def _tc_mid(p0, p1, g, dinv, b, w, d_out):

    def body(p0r, p1r, gr, dvr, br, wr, out):
        dv = dvr[...]
        z = dv * (p0r[...] + p1r[...] - gr[...]) + br[...]
        h = jnp.maximum(z, 0.0)
        out[...] = dv * _dot(h, wr[...])

    return pl.pallas_call(
        body,
        grid=(NP // _R,),
        in_specs=[
            pl.BlockSpec((_R, 128), lambda i: (i, 0)),
            pl.BlockSpec((_R, 128), lambda i: (i, 0)),
            pl.BlockSpec((_R, 128), lambda i: (i, 0)),
            pl.BlockSpec((_R, 1), lambda i: (i, 0)),
            pl.BlockSpec((1, 128), lambda i: (0, 0)),
            pl.BlockSpec((128, d_out), lambda i: (0, 0)),
        ],
        out_specs=pl.BlockSpec((_R, d_out), lambda i: (i, 0)),
        out_shape=jax.ShapeDtypeStruct((NP, d_out), F32),
    )(p0, p1, g, dinv, b, w)


def _tc_scale_relu(p0, p1, g, dinv, b):

    def body(p0r, p1r, gr, dvr, br, out):
        dv = dvr[...]
        z = dv * (p0r[...] + p1r[...] - gr[...]) + br[...]
        out[...] = dv * jnp.maximum(z, 0.0)

    return pl.pallas_call(
        body,
        grid=(NP // _R,),
        in_specs=[
            pl.BlockSpec((_R, 128), lambda i: (i, 0)),
            pl.BlockSpec((_R, 128), lambda i: (i, 0)),
            pl.BlockSpec((_R, 128), lambda i: (i, 0)),
            pl.BlockSpec((_R, 1), lambda i: (i, 0)),
            pl.BlockSpec((1, 128), lambda i: (0, 0)),
        ],
        out_specs=pl.BlockSpec((_R, 128), lambda i: (i, 0)),
        out_shape=jax.ShapeDtypeStruct((NP, 128), F32),
    )(p0, p1, g, dinv, b)


def _tc_final(p0, p1, u, dinv, w, b):

    def body(p0r, p1r, ur, dvr, wr, br, out):
        agg = dvr[...] * (p0r[...] + p1r[...] - ur[...])
        z = _dot(agg, wr[...]) + br[...]
        m = jnp.max(z, axis=1, keepdims=True)
        e = jnp.exp(z - m)
        lse = jnp.log(jnp.sum(e, axis=1, keepdims=True)) + m
        out[...] = z - lse

    return pl.pallas_call(
        body,
        grid=(NP // _R,),
        in_specs=[
            pl.BlockSpec((_R, 128), lambda i: (i, 0)),
            pl.BlockSpec((_R, 128), lambda i: (i, 0)),
            pl.BlockSpec((_R, 128), lambda i: (i, 0)),
            pl.BlockSpec((_R, 1), lambda i: (i, 0)),
            pl.BlockSpec((128, 16), lambda i: (0, 0)),
            pl.BlockSpec((1, 16), lambda i: (0, 0)),
        ],
        out_specs=pl.BlockSpec((_R, 16), lambda i: (i, 0)),
        out_shape=jax.ShapeDtypeStruct((NP, 16), F32),
    )(p0, p1, u, dinv, w, b)



def kernel(x, edge_index, W1, b1, W2, b2, W3, b3):
    src = edge_index[0].astype(jnp.int32)
    dst = edge_index[1].astype(jnp.int32)
    e = src.shape[0]
    pad = EP - e
    trash = N + (jnp.arange(pad, dtype=jnp.int32) % (NP - N))
    src3 = jnp.concatenate([src, trash]).reshape(NW, K, C)
    dst3 = jnp.concatenate([dst, trash]).reshape(NW, K, C)
    xpad = jnp.zeros((NP, x.shape[1]), F32).at[:N].set(x)

    degp = _sc_degree(jnp.ones((NP, 128), F32), dst3)
    g1, dinv = _tc_prep(degp[0], degp[1], xpad, W1)

    p1 = _sc_aggregate(g1, src3, dst3, 128)
    g2 = _tc_mid(p1[0], p1[1], g1, dinv, b1.reshape(1, -1), W2, 128)

    p2 = _sc_aggregate(g2, src3, dst3, 128)
    u = _tc_scale_relu(p2[0], p2[1], g2, dinv, b2.reshape(1, -1))

    p3 = _sc_aggregate(u, src3, dst3, 128)
    out = _tc_final(p3[0], p3[1], u, dinv, W3, b3.reshape(1, -1))
    return out[:N]

# --- scband reference (transcript-rebuilt; emitter-appended) ---
"""Pipeline reference for scband-crystal-gcnwith-extra-features-15865609191627 (READ-ONLY COPY).

The authoritative reference and input builder live on the scoring server;
editing this copy changes nothing except your own understanding.
"""

import jax, jax.numpy as jnp
import numpy as np

N_NODES = 10000


def gcn_conv(x, edge_index, W, b):
    n = x.shape[0]
    src = edge_index[0]
    dst = edge_index[1]
    loop = jnp.arange(n, dtype=edge_index.dtype)
    src = jnp.concatenate([src, loop])
    dst = jnp.concatenate([dst, loop])
    deg = jax.ops.segment_sum(jnp.ones(src.shape[0], dtype=x.dtype), dst, num_segments=n)
    dinv = jnp.where(deg > 0, deg ** -0.5, 0.0)
    norm = dinv[src] * dinv[dst]
    h = x @ W
    msg = jnp.take(h, src, axis=0) * norm[:, None]
    out = jax.ops.segment_sum(msg, dst, num_segments=n)
    return out + b


def setup_inputs(seed: int = 0) -> dict:
    key = jax.random.key(seed)
    k1, k2, k3, k4, k5 = jax.random.split(key, 5)
    num_features, hidden_dim, num_classes = 128, 128, 16
    x = jax.random.normal(k1, (N_NODES, num_features), dtype=jnp.float32)
    edge_index = jax.random.randint(k2, (2, 320000), 0, N_NODES, dtype=jnp.int64)
    W1 = jax.random.normal(k3, (num_features, hidden_dim), dtype=jnp.float32) * (1.0 / np.sqrt(num_features))
    b1 = jnp.zeros((hidden_dim,), dtype=jnp.float32)
    W2 = jax.random.normal(k4, (hidden_dim, hidden_dim), dtype=jnp.float32) * (1.0 / np.sqrt(hidden_dim))
    b2 = jnp.zeros((hidden_dim,), dtype=jnp.float32)
    W3 = jax.random.normal(k5, (hidden_dim, num_classes), dtype=jnp.float32) * (1.0 / np.sqrt(hidden_dim))
    b3 = jnp.zeros((num_classes,), dtype=jnp.float32)
    return {"x": x, "edge_index": edge_index, "W1": W1, "b1": b1, "W2": W2, "b2": b2, "W3": W3, "b3": b3}


def reference(x, edge_index, W1, b1, W2, b2, W3, b3):
    # layer 1 (+ relu; dropout is identity in eval mode)
    h = gcn_conv(x, edge_index, W1, b1)
    h = jax.nn.relu(h)
    # layer 2
    h = gcn_conv(h, edge_index, W2, b2)
    h = jax.nn.relu(h)
    # final layer
    h = gcn_conv(h, edge_index, W3, b3)
    return jax.nn.log_softmax(h, axis=1)

if __name__ == "__main__":
    import jax
    _d = setup_inputs()
    print(jax.jit(kernel)(*tuple(_d.values())))

</pallas_src>

<mosaic_0001>
#map = affine_map<(d0, d1) -> (0, 0)>
#map1 = affine_map<(d0, d1) -> (0, 0, 0)>
module attributes {stable_mosaic.version = 14 : i64} {
  func.func @k(%arg0: i32, %arg1: i32, %arg2: memref<10112x128xf32, #tpu.memory_space<hbm>>, %arg3: memref<32x80x128xi32, #tpu.memory_space<hbm>>, %arg4: memref<32x80x128xi32, #tpu.memory_space<hbm>>, %arg5: memref<2x10112x128xf32, #tpu.memory_space<hbm>>, %arg6: memref<40x128xi32, #tpu.memory_space<vmem>>, %arg7: memref<40x128xi32, #tpu.memory_space<vmem>>, %arg8: memref<128x128xf32, #tpu.memory_space<vmem>>, %arg9: memref<128x128xf32, #tpu.memory_space<vmem>>, %arg10: memref<10112x128xf32, #tpu.memory_space<vmem_shared>>, %arg11: memref<!tpu.dma_semaphore, #tpu.memory_space<semaphore_mem>>, %arg12: memref<!tpu.dma_semaphore, #tpu.memory_space<semaphore_mem>>, %arg13: memref<!tpu.dma_semaphore, #tpu.memory_space<semaphore_mem>>, %arg14: memref<!tpu.dma_semaphore, #tpu.memory_space<semaphore_mem>>) attributes {dimension_semantics = [#tpu.dimension_semantics<core_parallel>, #tpu.dimension_semantics<subcore_parallel>], iteration_bounds = array<i64: 2, 16>, scalar_prefetch = 0 : i64, scratch_operands = 9 : i64, tpu.core_type = #tpu.core_type<sc_vector_subcore>, window_params = [{transform_indices = #map}, {transform_indices = #map1}, {transform_indices = #map1}, {transform_indices = #map1}]} {
    %mul3A = arith.constant 2 : i32
    %mul3A_0 = arith.muli %arg1, %mul3A : i32
    %add3A = arith.addi %mul3A_0, %arg0 : i32
    %mul3A_1 = arith.constant 632 : i32
    %mul3A_2 = arith.muli %arg1, %mul3A_1 : i32
    %add3A_3 = arith.constant 0 : i32
    %add3A_4 = arith.addi %mul3A_2, %add3A_3 : i32
    %dma_start3A = arith.constant 0 : i32
    %dma_start3A_5 = arith.constant 0 : i32
    %dma_start3A_6 = tpu.memref_slice %arg8[%dma_start3A, %dma_start3A_5] : memref<128x128xf32, #tpu.memory_space<vmem>> -> memref<128x128xf32, #tpu.memory_space<vmem>>
    %dma_start3A_7 = arith.constant 0 : i32
    %dma_start3A_8 = tpu.memref_slice %arg2[%add3A_4, %dma_start3A_7] : memref<10112x128xf32, #tpu.memory_space<hbm>> -> memref<128x128xf32, #tpu.memory_space<hbm>>
    %dma_start3A_9 = arith.constant 0 : i32
    %dma_start3A_10 = arith.constant 0 : i32
    %dma_start3A_11 = tpu.memref_slice %arg8[%dma_start3A_9, %dma_start3A_10] : memref<128x128xf32, #tpu.memory_space<vmem>> -> memref<128x128xf32, #tpu.memory_space<vmem>>
    %dma_start3A_12 = arith.constant 0 : i32
    %dma_start3A_13 = tpu.memref_slice %arg2[%add3A_4, %dma_start3A_12] : memref<10112x128xf32, #tpu.memory_space<hbm>> -> memref<128x128xf32, #tpu.memory_space<hbm>>
    tpu.enqueue_dma source(%dma_start3A_13 : memref<128x128xf32, #tpu.memory_space<hbm>>) target(%dma_start3A_11 : memref<128x128xf32, #tpu.memory_space<vmem>>) target_semaphore(%arg11 : memref<!tpu.dma_semaphore, #tpu.memory_space<semaphore_mem>>)
    %add3A_14 = arith.constant 0 : i32
    %add3A_15 = arith.addi %mul3A_2, %add3A_14 : i32
    %dma_wait3A = arith.constant 0 : i32
    %dma_wait3A_16 = arith.constant 0 : i32
    %dma_wait3A_17 = tpu.memref_slice %arg8[%dma_wait3A, %dma_wait3A_16] : memref<128x128xf32, #tpu.memory_space<vmem>> -> memref<128x128xf32, #tpu.memory_space<vmem>>
    %dma_wait3A_18 = arith.constant 0 : i32
    %dma_wait3A_19 = tpu.memref_slice %arg2[%add3A_15, %dma_wait3A_18] : memref<10112x128xf32, #tpu.memory_space<hbm>> -> memref<128x128xf32, #tpu.memory_space<hbm>>
    %dma_wait3A_20 = arith.constant 0 : i32
    %dma_wait3A_21 = arith.constant 0 : i32
    %dma_wait3A_22 = tpu.memref_slice %arg8[%dma_wait3A_20, %dma_wait3A_21] : memref<128x128xf32, #tpu.memory_space<vmem>> -> memref<128x128xf32, #tpu.memory_space<vmem>>
    %dma_wait3A_23 = arith.constant 0 : i32
    %dma_wait3A_24 = tpu.memref_slice %arg2[%add3A_15, %dma_wait3A_23] : memref<10112x128xf32, #tpu.memory_space<hbm>> -> memref<128x128xf32, #tpu.memory_space<hbm>>
    tpu.wait_dma2 semaphore(%arg11 : memref<!tpu.dma_semaphore, #tpu.memory_space<semaphore_mem>>) src(%dma_wait3A_24 : memref<128x128xf32, #tpu.memory_space<hbm>>) dst(%dma_wait3A_22 : memref<128x128xf32, #tpu.memory_space<vmem>>)
    %add3A_25 = arith.constant 128 : i32
    %add3A_26 = arith.addi %mul3A_2, %add3A_25 : i32
    %dma_start3A_27 = arith.constant 0 : i32
    %dma_start3A_28 = arith.constant 0 : i32
    %dma_start3A_29 = tpu.memref_slice %arg9[%dma_start3A_27, %dma_start3A_28] : memref<128x128xf32, #tpu.memory_space<vmem>> -> memref<128x128xf32, #tpu.memory_space<vmem>>
    %dma_start3A_30 = arith.constant 0 : i32
    %dma_start3A_31 = tpu.memref_slice %arg2[%add3A_26, %dma_start3A_30] : memref<10112x128xf32, #tpu.memory_space<hbm>> -> memref<128x128xf32, #tpu.memory_space<hbm>>
    %dma_start3A_32 = arith.constant 0 : i32
    %dma_start3A_33 = arith.constant 0 : i32
    %dma_start3A_34 = tpu.memref_slice %arg9[%dma_start3A_32, %dma_start3A_33] : memref<128x128xf32, #tpu.memory_space<vmem>> -> memref<128x128xf32, #tpu.memory_space<vmem>>
    %dma_start3A_35 = arith.constant 0 : i32
    %dma_start3A_36 = tpu.memref_slice %arg2[%add3A_26, %dma_start3A_35] : memref<10112x128xf32, #tpu.memory_space<hbm>> -> memref<128x128xf32, #tpu.memory_space<hbm>>
    tpu.enqueue_dma source(%dma_start3A_36 : memref<128x128xf32, #tpu.memory_space<hbm>>) target(%dma_start3A_34 : memref<128x128xf32, #tpu.memory_space<vmem>>) target_semaphore(%arg12 : memref<!tpu.dma_semaphore, #tpu.memory_space<semaphore_mem>>)
    %add3A_37 = arith.constant 0 : i32
    %add3A_38 = arith.addi %mul3A_2, %add3A_37 : i32
    %dma_start3A_39 = arith.constant 0 : i32
    %dma_start3A_40 = arith.constant 0 : i32
    %dma_start3A_41 = tpu.memref_slice %arg8[%dma_start3A_39, %dma_start3A_40] : memref<128x128xf32, #tpu.memory_space<vmem>> -> memref<128x128xf32, #tpu.memory_space<vmem>>
    %dma_start3A_42 = arith.constant 0 : i32
    %dma_start3A_43 = tpu.memref_slice %arg10[%add3A_38, %dma_start3A_42] : memref<10112x128xf32, #tpu.memory_space<vmem_shared>> -> memref<128x128xf32, #tpu.memory_space<vmem_shared>>
    %dma_start3A_44 = arith.constant 0 : i32
    %dma_start3A_45 = tpu.memref_slice %arg10[%add3A_38, %dma_start3A_44] : memref<10112x128xf32, #tpu.memory_space<vmem_shared>> -> memref<128x128xf32, #tpu.memory_space<vmem_shared>>
    %dma_start3A_46 = arith.constant 0 : i32
    %dma_start3A_47 = arith.constant 0 : i32
    %dma_start3A_48 = tpu.memref_slice %arg8[%dma_start3A_46, %dma_start3A_47] : memref<128x128xf32, #tpu.memory_space<vmem>> -> memref<128x128xf32, #tpu.memory_space<vmem>>
    tpu.enqueue_dma source(%dma_start3A_48 : memref<128x128xf32, #tpu.memory_space<vmem>>) target(%dma_start3A_45 : memref<128x128xf32, #tpu.memory_space<vmem_shared>>) target_semaphore(%arg13 : memref<!tpu.dma_semaphore, #tpu.memory_space<semaphore_mem>>)
    %add3A_49 = arith.constant 128 : i32
    %add3A_50 = arith.addi %mul3A_2, %add3A_49 : i32
    %dma_wait3A_51 = arith.constant 0 : i32
    %dma_wait3A_52 = arith.constant 0 : i32
    %dma_wait3A_53 = tpu.memref_slice %arg9[%dma_wait3A_51, %dma_wait3A_52] : memref<128x128xf32, #tpu.memory_space<vmem>> -> memref<128x128xf32, #tpu.memory_space<vmem>>
    %dma_wait3A_54 = arith.constant 0 : i32
    %dma_wait3A_55 = tpu.memref_slice %arg2[%add3A_50, %dma_wait3A_54] : memref<10112x128xf32, #tpu.memory_space<hbm>> -> memref<128x128xf32, #tpu.memory_space<hbm>>
    %dma_wait3A_56 = arith.constant 0 : i32
    %dma_wait3A_57 = arith.constant 0 : i32
    %dma_wait3A_58 = tpu.memref_slice %arg9[%dma_wait3A_56, %dma_wait3A_57] : memref<128x128xf32, #tpu.memory_space<vmem>> -> memref<128x128xf32, #tpu.memory_space<vmem>>
    %dma_wait3A_59 = arith.constant 0 : i32
    %dma_wait3A_60 = tpu.memref_slice %arg2[%add3A_50, %dma_wait3A_59] : memref<10112x128xf32, #tpu.memory_space<hbm>> -> memref<128x128xf32, #tpu.memory_space<hbm>>
    tpu.wait_dma2 semaphore(%arg12 : memref<!tpu.dma_semaphore, #tpu.memory_space<semaphore_mem>>) src(%dma_wait3A_60 : memref<128x128xf32, #tpu.memory_space<hbm>>) dst(%dma_wait3A_58 : memref<128x128xf32, #tpu.memory_space<vmem>>)
    %add3A_61 = arith.constant 0 : i32
    %add3A_62 = arith.addi %mul3A_2, %add3A_61 : i32
    %dma_wait3A_63 = arith.constant 0 : i32
    %dma_wait3A_64 = arith.constant 0 : i32
    %dma_wait3A_65 = tpu.memref_slice %arg8[%dma_wait3A_63, %dma_wait3A_64] : memref<128x128xf32, #tpu.memory_space<vmem>> -> memref<128x128xf32, #tpu.memory_space<vmem>>
    %dma_wait3A_66 = arith.constant 0 : i32
    %dma_wait3A_67 = tpu.memref_slice %arg10[%add3A_62, %dma_wait3A_66] : memref<10112x128xf32, #tpu.memory_space<vmem_shared>> -> memref<128x128xf32, #tpu.memory_space<vmem_shared>>
    %dma_wait3A_68 = arith.constant 0 : i32
    %dma_wait3A_69 = tpu.memref_slice %arg10[%add3A_62, %dma_wait3A_68] : memref<10112x128xf32, #tpu.memory_space<vmem_shared>> -> memref<128x128xf32, #tpu.memory_space<vmem_shared>>
    %dma_wait3A_70 = arith.constant 0 : i32
    %dma_wait3A_71 = arith.constant 0 : i32
    %dma_wait3A_72 = tpu.memref_slice %arg8[%dma_wait3A_70, %dma_wait3A_71] : memref<128x128xf32, #tpu.memory_space<vmem>> -> memref<128x128xf32, #tpu.memory_space<vmem>>
    tpu.wait_dma2 semaphore(%arg13 : memref<!tpu.dma_semaphore, #tpu.memory_space<semaphore_mem>>) src(%dma_wait3A_72 : memref<128x128xf32, #tpu.memory_space<vmem>>) dst(%dma_wait3A_69 : memref<128x128xf32, #tpu.memory_space<vmem_shared>>)
    %add3A_73 = arith.constant 256 : i32
    %add3A_74 = arith.addi %mul3A_2, %add3A_73 : i32
    %dma_start3A_75 = arith.constant 0 : i32
    %dma_start3A_76 = arith.constant 0 : i32
    %dma_start3A_77 = tpu.memref_slice %arg8[%dma_start3A_75, %dma_start3A_76] : memref<128x128xf32, #tpu.memory_space<vmem>> -> memref<128x128xf32, #tpu.memory_space<vmem>>
    %dma_start3A_78 = arith.constant 0 : i32
    %dma_start3A_79 = tpu.memref_slice %arg2[%add3A_74, %dma_start3A_78] : memref<10112x128xf32, #tpu.memory_space<hbm>> -> memref<128x128xf32, #tpu.memory_space<hbm>>
    %dma_start3A_80 = arith.constant 0 : i32
    %dma_start3A_81 = arith.constant 0 : i32
    %dma_start3A_82 = tpu.memref_slice %arg8[%dma_start3A_80, %dma_start3A_81] : memref<128x128xf32, #tpu.memory_space<vmem>> -> memref<128x128xf32, #tpu.memory_space<vmem>>
    %dma_start3A_83 = arith.constant 0 : i32
    %dma_start3A_84 = tpu.memref_slice %arg2[%add3A_74, %dma_start3A_83] : memref<10112x128xf32, #tpu.memory_space<hbm>> -> memref<128x128xf32, #tpu.memory_space<hbm>>
    tpu.enqueue_dma source(%dma_start3A_84 : memref<128x128xf32, #tpu.memory_space<hbm>>) target(%dma_start3A_82 : memref<128x128xf32, #tpu.memory_space<vmem>>) target_semaphore(%arg11 : memref<!tpu.dma_semaphore, #tpu.memory_space<semaphore_mem>>)
    %add3A_85 = arith.constant 128 : i32
    %add3A_86 = arith.addi %mul3A_2, %add3A_85 : i32
    %dma_start3A_87 = arith.constant 0 : i32
    %dma_start3A_88 = arith.constant 0 : i32
    %dma_start3A_89 = tpu.memref_slice %arg9[%dma_start3A_87, %dma_start3A_88] : memref<128x128xf32, #tpu.memory_space<vmem>> -> memref<128x128xf32, #tpu.memory_space<vmem>>
    %dma_start3A_90 = arith.constant 0 : i32
    %dma_start3A_91 = tpu.memref_slice %arg10[%add3A_86, %dma_start3A_90] : memref<10112x128xf32, #tpu.memory_space<vmem_shared>> -> memref<128x128xf32, #tpu.memory_space<vmem_shared>>
    %dma_start3A_92 = arith.constant 0 : i32
    %dma_start3A_93 = tpu.memref_slice %arg10[%add3A_86, %dma_start3A_92] : memref<10112x128xf32, #tpu.memory_space<vmem_shared>> -> memref<128x128xf32, #tpu.memory_space<vmem_shared>>
    %dma_start3A_94 = arith.constant 0 : i32
    %dma_start3A_95 = arith.constant 0 : i32
    %dma_start3A_96 = tpu.memref_slice %arg9[%dma_start3A_94, %dma_start3A_95] : memref<128x128xf32, #tpu.memory_space<vmem>> -> memref<128x128xf32, #tpu.memory_space<vmem>>
    tpu.enqueue_dma source(%dma_start3A_96 : memref<128x128xf32, #tpu.memory_space<vmem>>) target(%dma_start3A_93 : memref<128x128xf32, #tpu.memory_space<vmem_shared>>) target_semaphore(%arg14 : memref<!tpu.dma_semaphore, #tpu.memory_space<semaphore_mem>>)
    %add3A_97 = arith.constant 256 : i32
    %add3A_98 = arith.addi %mul3A_2, %add3A_97 : i32
    %dma_wait3A_99 = arith.constant 0 : i32
    %dma_wait3A_100 = arith.constant 0 : i32
    %dma_wait3A_101 = tpu.memref_slice %arg8[%dma_wait3A_99, %dma_wait3A_100] : memref<128x128xf32, #tpu.memory_space<vmem>> -> memref<128x128xf32, #tpu.memory_space<vmem>>
    %dma_wait3A_102 = arith.constant 0 : i32
    %dma_wait3A_103 = tpu.memref_slice %arg2[%add3A_98, %dma_wait3A_102] : memref<10112x128xf32, #tpu.memory_space<hbm>> -> memref<128x128xf32, #tpu.memory_space<hbm>>
    %dma_wait3A_104 = arith.constant 0 : i32
    %dma_wait3A_105 = arith.constant 0 : i32
    %dma_wait3A_106 = tpu.memref_slice %arg8[%dma_wait3A_104, %dma_wait3A_105] : memref<128x128xf32, #tpu.memory_space<vmem>> -> memref<128x128xf32, #tpu.memory_space<vmem>>
    %dma_wait3A_107 = arith.constant 0 : i32
    %dma_wait3A_108 = tpu.memref_slice %arg2[%add3A_98, %dma_wait3A_107] : memref<10112x128xf32, #tpu.memory_space<hbm>> -> memref<128x128xf32, #tpu.memory_space<hbm>>
    tpu.wait_dma2 semaphore(%arg11 : memref<!tpu.dma_semaphore, #tpu.memory_space<semaphore_mem>>) src(%dma_wait3A_108 : memref<128x128xf32, #tpu.memory_space<hbm>>) dst(%dma_wait3A_106 : memref<128x128xf32, #tpu.memory_space<vmem>>)
    %add3A_109 = arith.constant 128 : i32
    %add3A_110 = arith.addi %mul3A_2, %add3A_109 : i32
    %dma_wait3A_111 = arith.constant 0 : i32
    %dma_wait3A_112 = arith.constant 0 : i32
    %dma_wait3A_113 = tpu.memref_slice %arg9[%dma_wait3A_111, %dma_wait3A_112] : memref<128x128xf32, #tpu.memory_space<vmem>> -> memref<128x128xf32, #tpu.memory_space<vmem>>
    %dma_wait3A_114 = arith.constant 0 : i32
    %dma_wait3A_115 = tpu.memref_slice %arg10[%add3A_110, %dma_wait3A_114] : memref<10112x128xf32, #tpu.memory_space<vmem_shared>> -> memref<128x128xf32, #tpu.memory_space<vmem_shared>>
    %dma_wait3A_116 = arith.constant 0 : i32
    %dma_wait3A_117 = tpu.memref_slice %arg10[%add3A_110, %dma_wait3A_116] : memref<10112x128xf32, #tpu.memory_space<vmem_shared>> -> memref<128x128xf32, #tpu.memory_space<vmem_shared>>
    %dma_wait3A_118 = arith.constant 0 : i32
    %dma_wait3A_119 = arith.constant 0 : i32
    %dma_wait3A_120 = tpu.memref_slice %arg9[%dma_wait3A_118, %dma_wait3A_119] : memref<128x128xf32, #tpu.memory_space<vmem>> -> memref<128x128xf32, #tpu.memory_space<vmem>>
    tpu.wait_dma2 semaphore(%arg14 : memref<!tpu.dma_semaphore, #tpu.memory_space<semaphore_mem>>) src(%dma_wait3A_120 : memref<128x128xf32, #tpu.memory_space<vmem>>) dst(%dma_wait3A_117 : memref<128x128xf32, #tpu.memory_space<vmem_shared>>)
    %add3A_121 = arith.constant 384 : i32
    %add3A_122 = arith.addi %mul3A_2, %add3A_121 : i32
    %dma_start3A_123 = arith.constant 0 : i32
    %dma_start3A_124 = arith.constant 0 : i32
    %dma_start3A_125 = tpu.memref_slice %arg9[%dma_start3A_123, %dma_start3A_124] : memref<128x128xf32, #tpu.memory_space<vmem>> -> memref<128x128xf32, #tpu.memory_space<vmem>>
    %dma_start3A_126 = arith.constant 0 : i32
    %dma_start3A_127 = tpu.memref_slice %arg2[%add3A_122, %dma_start3A_126] : memref<10112x128xf32, #tpu.memory_space<hbm>> -> memref<128x128xf32, #tpu.memory_space<hbm>>
    %dma_start3A_128 = arith.constant 0 : i32
    %dma_start3A_129 = arith.constant 0 : i32
    %dma_start3A_130 = tpu.memref_slice %arg9[%dma_start3A_128, %dma_start3A_129] : memref<128x128xf32, #tpu.memory_space<vmem>> -> memref<128x128xf32, #tpu.memory_space<vmem>>
    %dma_start3A_131 = arith.constant 0 : i32
    %dma_start3A_132 = tpu.memref_slice %arg2[%add3A_122, %dma_start3A_131] : memref<10112x128xf32, #tpu.memory_space<hbm>> -> memref<128x128xf32, #tpu.memory_space<hbm>>
    tpu.enqueue_dma source(%dma_start3A_132 : memref<128x128xf32, #tpu.memory_space<hbm>>) target(%dma_start3A_130 : memref<128x128xf32, #tpu.memory_space<vmem>>) target_semaphore(%arg12 : memref<!tpu.dma_semaphore, #tpu.memory_space<semaphore_mem>>)
    %add3A_133 = arith.constant 256 : i32
    %add3A_134 = arith.addi %mul3A_2, %add3A_133 : i32
    %dma_start3A_135 = arith.constant 0 : i32
    %dma_start3A_136 = arith.constant 0 : i32
    %dma_start3A_137 = tpu.memref_slice %arg8[%dma_start3A_135, %dma_start3A_136] : memref<128x128xf32, #tpu.memory_space<vmem>> -> memref<128x128xf32, #tpu.memory_space<vmem>>
    %dma_start3A_138 = arith.constant 0 : i32
    %dma_start3A_139 = tpu.memref_slice %arg10[%add3A_134, %dma_start3A_138] : memref<10112x128xf32, #tpu.memory_space<vmem_shared>> -> memref<128x128xf32, #tpu.memory_space<vmem_shared>>
    %dma_start3A_140 = arith.constant 0 : i32
    %dma_start3A_141 = tpu.memref_slice %arg10[%add3A_134, %dma_start3A_140] : memref<10112x128xf32, #tpu.memory_space<vmem_shared>> -> memref<128x128xf32, #tpu.memory_space<vmem_shared>>
    %dma_start3A_142 = arith.constant 0 : i32
    %dma_start3A_143 = arith.constant 0 : i32
    %dma_start3A_144 = tpu.memref_slice %arg8[%dma_start3A_142, %dma_start3A_143] : memref<128x128xf32, #tpu.memory_space<vmem>> -> memref<128x128xf32, #tpu.memory_space<vmem>>
    tpu.enqueue_dma source(%dma_start3A_144 : memref<128x128xf32, #tpu.memory_space<vmem>>) target(%dma_start3A_141 : memref<128x128xf32, #tpu.memory_space<vmem_shared>>) target_semaphore(%arg13 : memref<!tpu.dma_semaphore, #tpu.memory_space<semaphore_mem>>)
    %add3A_145 = arith.constant 384 : i32
    %add3A_146 = arith.addi %mul3A_2, %add3A_145 : i32
    %dma_wait3A_147 = arith.constant 0 : i32
    %dma_wait3A_148 = arith.constant 0 : i32
    %dma_wait3A_149 = tpu.memref_slice %arg9[%dma_wait3A_147, %dma_wait3A_148] : memref<128x128xf32, #tpu.memory_space<vmem>> -> memref<128x128xf32, #tpu.memory_space<vmem>>
    %dma_wait3A_150 = arith.constant 0 : i32
    %dma_wait3A_151 = tpu.memref_slice %arg2[%add3A_146, %dma_wait3A_150] : memref<10112x128xf32, #tpu.memory_space<hbm>> -> memref<128x128xf32, #tpu.memory_space<hbm>>
    %dma_wait3A_152 = arith.constant 0 : i32
    %dma_wait3A_153 = arith.constant 0 : i32
    %dma_wait3A_154 = tpu.memref_slice %arg9[%dma_wait3A_152, %dma_wait3A_153] : memref<128x128xf32, #tpu.memory_space<vmem>> -> memref<128x128xf32, #tpu.memory_space<vmem>>
    %dma_wait3A_155 = arith.constant 0 : i32
    %dma_wait3A_156 = tpu.memref_slice %arg2[%add3A_146, %dma_wait3A_155] : memref<10112x128xf32, #tpu.memory_space<hbm>> -> memref<128x128xf32, #tpu.memory_space<hbm>>
    tpu.wait_dma2 semaphore(%arg12 : memref<!tpu.dma_semaphore, #tpu.memory_space<semaphore_mem>>) src(%dma_wait3A_156 : memref<128x128xf32, #tpu.memory_space<hbm>>) dst(%dma_wait3A_154 : memref<128x128xf32, #tpu.memory_space<vmem>>)
    %add3A_157 = arith.constant 256 : i32
    %add3A_158 = arith.addi %mul3A_2, %add3A_157 : i32
    %dma_wait3A_159 = arith.constant 0 : i32
    %dma_wait3A_160 = arith.constant 0 : i32
    %dma_wait3A_161 = tpu.memref_slice %arg8[%dma_wait3A_159, %dma_wait3A_160] : memref<128x128xf32, #tpu.memory_space<vmem>> -> memref<128x128xf32, #tpu.memory_space<vmem>>
    %dma_wait3A_162 = arith.constant 0 : i32
    %dma_wait3A_163 = tpu.memref_slice %arg10[%add3A_158, %dma_wait3A_162] : memref<10112x128xf32, #tpu.memory_space<vmem_shared>> -> memref<128x128xf32, #tpu.memory_space<vmem_shared>>
    %dma_wait3A_164 = arith.constant 0 : i32
    %dma_wait3A_165 = tpu.memref_slice %arg10[%add3A_158, %dma_wait3A_164] : memref<10112x128xf32, #tpu.memory_space<vmem_shared>> -> memref<128x128xf32, #tpu.memory_space<vmem_shared>>
    %dma_wait3A_166 = arith.constant 0 : i32
    %dma_wait3A_167 = arith.constant 0 : i32
    %dma_wait3A_168 = tpu.memref_slice %arg8[%dma_wait3A_166, %dma_wait3A_167] : memref<128x128xf32, #tpu.memory_space<vmem>> -> memref<128x128xf32, #tpu.memory_space<vmem>>
    tpu.wait_dma2 semaphore(%arg13 : memref<!tpu.dma_semaphore, #tpu.memory_space<semaphore_mem>>) src(%dma_wait3A_168 : memref<128x128xf32, #tpu.memory_space<vmem>>) dst(%dma_wait3A_165 : memref<128x128xf32, #tpu.memory_space<vmem_shared>>)
    %add3A_169 = arith.constant 512 : i32
    %add3A_170 = arith.addi %mul3A_2, %add3A_169 : i32
    %dma_start3A_171 = arith.constant 0 : i32
    %dma_start3A_172 = arith.constant 0 : i32
    %dma_start3A_173 = tpu.memref_slice %arg8[%dma_start3A_171, %dma_start3A_172] : memref<128x128xf32, #tpu.memory_space<vmem>> -> memref<120x128xf32, #tpu.memory_space<vmem>>
    %dma_start3A_174 = arith.constant 0 : i32
    %dma_start3A_175 = tpu.memref_slice %arg2[%add3A_170, %dma_start3A_174] : memref<10112x128xf32, #tpu.memory_space<hbm>> -> memref<120x128xf32, #tpu.memory_space<hbm>>
    %dma_start3A_176 = arith.constant 0 : i32
    %dma_start3A_177 = arith.constant 0 : i32
    %dma_start3A_178 = tpu.memref_slice %arg8[%dma_start3A_176, %dma_start3A_177] : memref<128x128xf32, #tpu.memory_space<vmem>> -> memref<120x128xf32, #tpu.memory_space<vmem>>
    %dma_start3A_179 = arith.constant 0 : i32
    %dma_start3A_180 = tpu.memref_slice %arg2[%add3A_170, %dma_start3A_179] : memref<10112x128xf32, #tpu.memory_space<hbm>> -> memref<120x128xf32, #tpu.memory_space<hbm>>
    tpu.enqueue_dma source(%dma_start3A_180 : memref<120x128xf32, #tpu.memory_space<hbm>>) target(%dma_start3A_178 : memref<120x128xf32, #tpu.memory_space<vmem>>) target_semaphore(%arg11 : memref<!tpu.dma_semaphore, #tpu.memory_space<semaphore_mem>>)
    %add3A_181 = arith.constant 384 : i32
    %add3A_182 = arith.addi %mul3A_2, %add3A_181 : i32
    %dma_start3A_183 = arith.constant 0 : i32
    %dma_start3A_184 = arith.constant 0 : i32
    %dma_start3A_185 = tpu.memref_slice %arg9[%dma_start3A_183, %dma_start3A_184] : memref<128x128xf32, #tpu.memory_space<vmem>> -> memref<128x128xf32, #tpu.memory_space<vmem>>
    %dma_start3A_186 = arith.constant 0 : i32
    %dma_start3A_187 = tpu.memref_slice %arg10[%add3A_182, %dma_start3A_186] : memref<10112x128xf32, #tpu.memory_space<vmem_shared>> -> memref<128x128xf32, #tpu.memory_space<vmem_shared>>
    %dma_start3A_188 = arith.constant 0 : i32
    %dma_start3A_189 = tpu.memref_slice %arg10[%add3A_182, %dma_start3A_188] : memref<10112x128xf32, #tpu.memory_space<vmem_shared>> -> memref<128x128xf32, #tpu.memory_space<vmem_shared>>
    %dma_start3A_190 = arith.constant 0 : i32
    %dma_start3A_191 = arith.constant 0 : i32
    %dma_start3A_192 = tpu.memref_slice %arg9[%dma_start3A_190, %dma_start3A_191] : memref<128x128xf32, #tpu.memory_space<vmem>> -> memref<128x128xf32, #tpu.memory_space<vmem>>
    tpu.enqueue_dma source(%dma_start3A_192 : memref<128x128xf32, #tpu.memory_space<vmem>>) target(%dma_start3A_189 : memref<128x128xf32, #tpu.memory_space<vmem_shared>>) target_semaphore(%arg14 : memref<!tpu.dma_semaphore, #tpu.memory_space<semaphore_mem>>)
    %add3A_193 = arith.constant 512 : i32
    %add3A_194 = arith.addi %mul3A_2, %add3A_193 : i32
    %dma_wait3A_195 = arith.constant 0 : i32
    %dma_wait3A_196 = arith.constant 0 : i32
    %dma_wait3A_197 = tpu.memref_slice %arg8[%dma_wait3A_195, %dma_wait3A_196] : memref<128x128xf32, #tpu.memory_space<vmem>> -> memref<120x128xf32, #tpu.memory_space<vmem>>
    %dma_wait3A_198 = arith.constant 0 : i32
    %dma_wait3A_199 = tpu.memref_slice %arg2[%add3A_194, %dma_wait3A_198] : memref<10112x128xf32, #tpu.memory_space<hbm>> -> memref<120x128xf32, #tpu.memory_space<hbm>>
    %dma_wait3A_200 = arith.constant 0 : i32
    %dma_wait3A_201 = arith.constant 0 : i32
    %dma_wait3A_202 = tpu.memref_slice %arg8[%dma_wait3A_200, %dma_wait3A_201] : memref<128x128xf32, #tpu.memory_space<vmem>> -> memref<120x128xf32, #tpu.memory_space<vmem>>
    %dma_wait3A_203 = arith.constant 0 : i32
    %dma_wait3A_204 = tpu.memref_slice %arg2[%add3A_194, %dma_wait3A_203] : memref<10112x128xf32, #tpu.memory_space<hbm>> -> memref<120x128xf32, #tpu.memory_space<hbm>>
    tpu.wait_dma2 semaphore(%arg11 : memref<!tpu.dma_semaphore, #tpu.memory_space<semaphore_mem>>) src(%dma_wait3A_204 : memref<120x128xf32, #tpu.memory_space<hbm>>) dst(%dma_wait3A_202 : memref<120x128xf32, #tpu.memory_space<vmem>>)
    %add3A_205 = arith.constant 512 : i32
    %add3A_206 = arith.addi %mul3A_2, %add3A_205 : i32
    %dma_start3A_207 = arith.constant 0 : i32
    %dma_start3A_208 = arith.constant 0 : i32
    %dma_start3A_209 = tpu.memref_slice %arg8[%dma_start3A_207, %dma_start3A_208] : memref<128x128xf32, #tpu.memory_space<vmem>> -> memref<120x128xf32, #tpu.memory_space<vmem>>
    %dma_start3A_210 = arith.constant 0 : i32
    %dma_start3A_211 = tpu.memref_slice %arg10[%add3A_206, %dma_start3A_210] : memref<10112x128xf32, #tpu.memory_space<vmem_shared>> -> memref<120x128xf32, #tpu.memory_space<vmem_shared>>
    %dma_start3A_212 = arith.constant 0 : i32
    %dma_start3A_213 = tpu.memref_slice %arg10[%add3A_206, %dma_start3A_212] : memref<10112x128xf32, #tpu.memory_space<vmem_shared>> -> memref<120x128xf32, #tpu.memory_space<vmem_shared>>
    %dma_start3A_214 = arith.constant 0 : i32
    %dma_start3A_215 = arith.constant 0 : i32
    %dma_start3A_216 = tpu.memref_slice %arg8[%dma_start3A_214, %dma_start3A_215] : memref<128x128xf32, #tpu.memory_space<vmem>> -> memref<120x128xf32, #tpu.memory_space<vmem>>
    tpu.enqueue_dma source(%dma_start3A_216 : memref<120x128xf32, #tpu.memory_space<vmem>>) target(%dma_start3A_213 : memref<120x128xf32, #tpu.memory_space<vmem_shared>>) target_semaphore(%arg13 : memref<!tpu.dma_semaphore, #tpu.memory_space<semaphore_mem>>)
    %add3A_217 = arith.constant 384 : i32
    %add3A_218 = arith.addi %mul3A_2, %add3A_217 : i32
    %dma_wait3A_219 = arith.constant 0 : i32
    %dma_wait3A_220 = arith.constant 0 : i32
    %dma_wait3A_221 = tpu.memref_slice %arg9[%dma_wait3A_219, %dma_wait3A_220] : memref<128x128xf32, #tpu.memory_space<vmem>> -> memref<128x128xf32, #tpu.memory_space<vmem>>
    %dma_wait3A_222 = arith.constant 0 : i32
    %dma_wait3A_223 = tpu.memref_slice %arg10[%add3A_218, %dma_wait3A_222] : memref<10112x128xf32, #tpu.memory_space<vmem_shared>> -> memref<128x128xf32, #tpu.memory_space<vmem_shared>>
    %dma_wait3A_224 = arith.constant 0 : i32
    %dma_wait3A_225 = tpu.memref_slice %arg10[%add3A_218, %dma_wait3A_224] : memref<10112x128xf32, #tpu.memory_space<vmem_shared>> -> memref<128x128xf32, #tpu.memory_space<vmem_shared>>
    %dma_wait3A_226 = arith.constant 0 : i32
    %dma_wait3A_227 = arith.constant 0 : i32
    %dma_wait3A_228 = tpu.memref_slice %arg9[%dma_wait3A_226, %dma_wait3A_227] : memref<128x128xf32, #tpu.memory_space<vmem>> -> memref<128x128xf32, #tpu.memory_space<vmem>>
    tpu.wait_dma2 semaphore(%arg14 : memref<!tpu.dma_semaphore, #tpu.memory_space<semaphore_mem>>) src(%dma_wait3A_228 : memref<128x128xf32, #tpu.memory_space<vmem>>) dst(%dma_wait3A_225 : memref<128x128xf32, #tpu.memory_space<vmem_shared>>)
    %add3A_229 = arith.constant 512 : i32
    %add3A_230 = arith.addi %mul3A_2, %add3A_229 : i32
    %dma_wait3A_231 = arith.constant 0 : i32
    %dma_wait3A_232 = arith.constant 0 : i32
    %dma_wait3A_233 = tpu.memref_slice %arg8[%dma_wait3A_231, %dma_wait3A_232] : memref<128x128xf32, #tpu.memory_space<vmem>> -> memref<120x128xf32, #tpu.memory_space<vmem>>
    %dma_wait3A_234 = arith.constant 0 : i32
    %dma_wait3A_235 = tpu.memref_slice %arg10[%add3A_230, %dma_wait3A_234] : memref<10112x128xf32, #tpu.memory_space<vmem_shared>> -> memref<120x128xf32, #tpu.memory_space<vmem_shared>>
    %dma_wait3A_236 = arith.constant 0 : i32
    %dma_wait3A_237 = tpu.memref_slice %arg10[%add3A_230, %dma_wait3A_236] : memref<10112x128xf32, #tpu.memory_space<vmem_shared>> -> memref<120x128xf32, #tpu.memory_space<vmem_shared>>
    %dma_wait3A_238 = arith.constant 0 : i32
    %dma_wait3A_239 = arith.constant 0 : i32
    %dma_wait3A_240 = tpu.memref_slice %arg8[%dma_wait3A_238, %dma_wait3A_239] : memref<128x128xf32, #tpu.memory_space<vmem>> -> memref<120x128xf32, #tpu.memory_space<vmem>>
    tpu.wait_dma2 semaphore(%arg13 : memref<!tpu.dma_semaphore, #tpu.memory_space<semaphore_mem>>) src(%dma_wait3A_240 : memref<120x128xf32, #tpu.memory_space<vmem>>) dst(%dma_wait3A_237 : memref<120x128xf32, #tpu.memory_space<vmem_shared>>)
    %barrier3A = arith.constant 0 : index
    tpu.barrier barrier_id(%barrier3A)
    "tpu.region"() ({
      %run_scoped3A = tpu.sem_alloc : memref<!tpu.dma_semaphore, #tpu.memory_space<semaphore_mem>>
      %dma_start3A_557 = arith.constant 0 : i32
      %dma_start3A_558 = arith.constant 0 : i32
      %dma_start3A_559 = tpu.memref_slice %arg3[%add3A, %dma_start3A_557, %dma_start3A_558] : memref<32x80x128xi32, #tpu.memory_space<hbm>> -> memref<1x40x128xi32, #tpu.memory_space<hbm>>
      %dma_start3A_560 = tpu.memref_squeeze %dma_start3A_559 : memref<1x40x128xi32, #tpu.memory_space<hbm>> -> memref<40x128xi32, #tpu.memory_space<hbm>>
      %dma_start3A_561 = arith.constant 0 : i32
      %dma_start3A_562 = arith.constant 0 : i32
      %dma_start3A_563 = tpu.memref_slice %arg3[%add3A, %dma_start3A_561, %dma_start3A_562] : memref<32x80x128xi32, #tpu.memory_space<hbm>> -> memref<1x40x128xi32, #tpu.memory_space<hbm>>
      %dma_start3A_564 = tpu.memref_squeeze %dma_start3A_563 : memref<1x40x128xi32, #tpu.memory_space<hbm>> -> memref<40x128xi32, #tpu.memory_space<hbm>>
      tpu.enqueue_dma source(%dma_start3A_564 : memref<40x128xi32, #tpu.memory_space<hbm>>) target(%arg6 : memref<40x128xi32, #tpu.memory_space<vmem>>) target_semaphore(%run_scoped3A : memref<!tpu.dma_semaphore, #tpu.memory_space<semaphore_mem>>)
      %dma_wait3A_565 = arith.constant 0 : i32
      %dma_wait3A_566 = arith.constant 0 : i32
      %dma_wait3A_567 = tpu.memref_slice %arg3[%add3A, %dma_wait3A_565, %dma_wait3A_566] : memref<32x80x128xi32, #tpu.memory_space<hbm>> -> memref<1x40x128xi32, #tpu.memory_space<hbm>>
      %dma_wait3A_568 = tpu.memref_squeeze %dma_wait3A_567 : memref<1x40x128xi32, #tpu.memory_space<hbm>> -> memref<40x128xi32, #tpu.memory_space<hbm>>
      %dma_wait3A_569 = arith.constant 0 : i32
      %dma_wait3A_570 = arith.constant 0 : i32
      %dma_wait3A_571 = tpu.memref_slice %arg3[%add3A, %dma_wait3A_569, %dma_wait3A_570] : memref<32x80x128xi32, #tpu.memory_space<hbm>> -> memref<1x40x128xi32, #tpu.memory_space<hbm>>
      %dma_wait3A_572 = tpu.memref_squeeze %dma_wait3A_571 : memref<1x40x128xi32, #tpu.memory_space<hbm>> -> memref<40x128xi32, #tpu.memory_space<hbm>>
      tpu.wait_dma2 semaphore(%run_scoped3A : memref<!tpu.dma_semaphore, #tpu.memory_space<semaphore_mem>>) src(%dma_wait3A_572 : memref<40x128xi32, #tpu.memory_space<hbm>>) dst(%arg6 : memref<40x128xi32, #tpu.memory_space<vmem>>)
      tpu.yield
    }) : () -> ()
    "tpu.region"() ({
      %run_scoped3A = tpu.sem_alloc : memref<!tpu.dma_semaphore, #tpu.memory_space<semaphore_mem>>
      %dma_start3A_557 = arith.constant 0 : i32
      %dma_start3A_558 = arith.constant 0 : i32
      %dma_start3A_559 = tpu.memref_slice %arg4[%add3A, %dma_start3A_557, %dma_start3A_558] : memref<32x80x128xi32, #tpu.memory_space<hbm>> -> memref<1x40x128xi32, #tpu.memory_space<hbm>>
      %dma_start3A_560 = tpu.memref_squeeze %dma_start3A_559 : memref<1x40x128xi32, #tpu.memory_space<hbm>> -> memref<40x128xi32, #tpu.memory_space<hbm>>
      %dma_start3A_561 = arith.constant 0 : i32
      %dma_start3A_562 = arith.constant 0 : i32
      %dma_start3A_563 = tpu.memref_slice %arg4[%add3A, %dma_start3A_561, %dma_start3A_562] : memref<32x80x128xi32, #tpu.memory_space<hbm>> -> memref<1x40x128xi32, #tpu.memory_space<hbm>>
      %dma_start3A_564 = tpu.memref_squeeze %dma_start3A_563 : memref<1x40x128xi32, #tpu.memory_space<hbm>> -> memref<40x128xi32, #tpu.memory_space<hbm>>
      tpu.enqueue_dma source(%dma_start3A_564 : memref<40x128xi32, #tpu.memory_space<hbm>>) target(%arg7 : memref<40x128xi32, #tpu.memory_space<vmem>>) target_semaphore(%run_scoped3A : memref<!tpu.dma_semaphore, #tpu.memory_space<semaphore_mem>>)
      %dma_wait3A_565 = arith.constant 0 : i32
      %dma_wait3A_566 = arith.constant 0 : i32
      %dma_wait3A_567 = tpu.memref_slice %arg4[%add3A, %dma_wait3A_565, %dma_wait3A_566] : memref<32x80x128xi32, #tpu.memory_space<hbm>> -> memref<1x40x128xi32, #tpu.memory_space<hbm>>
      %dma_wait3A_568 = tpu.memref_squeeze %dma_wait3A_567 : memref<1x40x128xi32, #tpu.memory_space<hbm>> -> memref<40x128xi32, #tpu.memory_space<hbm>>
      %dma_wait3A_569 = arith.constant 0 : i32
      %dma_wait3A_570 = arith.constant 0 : i32
      %dma_wait3A_571 = tpu.memref_slice %arg4[%add3A, %dma_wait3A_569, %dma_wait3A_570] : memref<32x80x128xi32, #tpu.memory_space<hbm>> -> memref<1x40x128xi32, #tpu.memory_space<hbm>>
      %dma_wait3A_572 = tpu.memref_squeeze %dma_wait3A_571 : memref<1x40x128xi32, #tpu.memory_space<hbm>> -> memref<40x128xi32, #tpu.memory_space<hbm>>
      tpu.wait_dma2 semaphore(%run_scoped3A : memref<!tpu.dma_semaphore, #tpu.memory_space<semaphore_mem>>) src(%dma_wait3A_572 : memref<40x128xi32, #tpu.memory_space<hbm>>) dst(%arg7 : memref<40x128xi32, #tpu.memory_space<vmem>>)
      tpu.yield
    }) : () -> ()
    %dma_start3A_241 = arith.constant 0 : i32
    %dma_start3A_242 = arith.constant 0 : i32
    %dma_start3A_243 = tpu.memref_slice %arg6[%dma_start3A_241, %dma_start3A_242] : memref<40x128xi32, #tpu.memory_space<vmem>> -> memref<1x128xi32, #tpu.memory_space<vmem>>
    %dma_start3A_244 = tpu.memref_squeeze %dma_start3A_243 : memref<1x128xi32, #tpu.memory_space<vmem>> -> memref<128xi32, #tpu.memory_space<vmem>>
    %dma_start3A_245 = arith.constant 0 : i32
    %dma_start3A_246 = arith.constant 0 : i32
    %dma_start3A_247 = tpu.memref_slice %arg2[%dma_start3A_245, %dma_start3A_246] : memref<10112x128xf32, #tpu.memory_space<hbm>> -> memref<10112x128xf32, #tpu.memory_space<hbm>>
    tpu.enqueue_indirect_dma source(%dma_start3A_247 : memref<10112x128xf32, #tpu.memory_space<hbm>>) target(%arg8 : memref<128x128xf32, #tpu.memory_space<vmem>>) offsets(%dma_start3A_244 : memref<128xi32, #tpu.memory_space<vmem>>) semaphore(%arg11 : memref<!tpu.dma_semaphore, #tpu.memory_space<semaphore_mem>>)
    %scan3A = arith.constant 0 : i32
    %scan3A_248 = arith.constant 0 : i32
    %scan3A_249 = arith.constant 20 : i32
    %scan3A_250 = arith.addi %scan3A_248, %scan3A_249 : i32
    %scan3A_251 = arith.constant 1 : i32
    %scan3A_252 = scf.for %scan3A_557 = %scan3A_248 to %scan3A_250 step %scan3A_251 iter_args(%scan3A_558 = %scan3A) -> (i32)  : i32 {
      %mul3A_559 = arith.constant 2 : i32
      %mul3A_560 = arith.muli %mul3A_559, %scan3A_557 : i32
      %add3A_561 = arith.constant 0 : i32
      %add3A_562 = arith.addi %mul3A_560, %add3A_561 : i32
      %dma_wait3A_563 = arith.constant 0 : i32
      %dma_wait3A_564 = tpu.memref_slice %arg6[%add3A_562, %dma_wait3A_563] : memref<40x128xi32, #tpu.memory_space<vmem>> -> memref<1x128xi32, #tpu.memory_space<vmem>>
      %dma_wait3A_565 = tpu.memref_squeeze %dma_wait3A_564 : memref<1x128xi32, #tpu.memory_space<vmem>> -> memref<128xi32, #tpu.memory_space<vmem>>
      %dma_wait3A_566 = arith.constant 0 : i32
      %dma_wait3A_567 = arith.constant 0 : i32
      %dma_wait3A_568 = tpu.memref_slice %arg2[%dma_wait3A_566, %dma_wait3A_567] : memref<10112x128xf32, #tpu.memory_space<hbm>> -> memref<10112x128xf32, #tpu.memory_space<hbm>>
      tpu.wait_indirect_dma semaphore(%arg11 : memref<!tpu.dma_semaphore, #tpu.memory_space<semaphore_mem>>) src(%dma_wait3A_568 : memref<10112x128xf32, #tpu.memory_space<hbm>>) dst(%arg8 : memref<128x128xf32, #tpu.memory_space<vmem>>)
      %dma_start3A_569 = arith.constant 0 : i32
      %dma_start3A_570 = tpu.memref_slice %arg7[%add3A_562, %dma_start3A_569] : memref<40x128xi32, #tpu.memory_space<vmem>> -> memref<1x128xi32, #tpu.memory_space<vmem>>
      %dma_start3A_571 = tpu.memref_squeeze %dma_start3A_570 : memref<1x128xi32, #tpu.memory_space<vmem>> -> memref<128xi32, #tpu.memory_space<vmem>>
      %dma_start3A_572 = arith.constant 0 : i32
      %dma_start3A_573 = arith.constant 0 : i32
      %dma_start3A_574 = tpu.memref_slice %arg10[%dma_start3A_572, %dma_start3A_573] : memref<10112x128xf32, #tpu.memory_space<vmem_shared>> -> memref<10112x128xf32, #tpu.memory_space<vmem_shared>>
      tpu.enqueue_indirect_dma source(%arg8 : memref<128x128xf32, #tpu.memory_space<vmem>>) target(%dma_start3A_574 : memref<10112x128xf32, #tpu.memory_space<vmem_shared>>) offsets(%dma_start3A_571 : memref<128xi32, #tpu.memory_space<vmem>>) semaphore(%arg13 : memref<!tpu.dma_semaphore, #tpu.memory_space<semaphore_mem>>) {add = true}
      %add3A_575 = arith.constant 1 : i32
      %add3A_576 = arith.addi %add3A_562, %add3A_575 : i32
      %lt3A = arith.constant 40 : i32
      %lt3A_577 = arith.cmpi slt, %add3A_576, %lt3A : i32
      %convert_element_type3A = arith.extui %lt3A_577 : i1 to i32
      %cond3A = arith.constant 0 : i32
      %cond3A_578 = arith.cmpi ne, %convert_element_type3A, %cond3A : i32
      scf.if %cond3A_578 {
        %gt3A = arith.constant 0 : i32
        %gt3A_603 = arith.cmpi sgt, %add3A_562, %gt3A : i32
        %convert_element_type3A_604 = arith.extui %gt3A_603 : i1 to i32
        %cond3A_605 = arith.constant 0 : i32
        %cond3A_606 = arith.cmpi ne, %convert_element_type3A_604, %cond3A_605 : i32
        scf.if %cond3A_606 {
          %dma_wait3A_615 = arith.constant 0 : i32
          %dma_wait3A_616 = tpu.memref_slice %arg7[%add3A_562, %dma_wait3A_615] : memref<40x128xi32, #tpu.memory_space<vmem>> -> memref<1x128xi32, #tpu.memory_space<vmem>>
          %dma_wait3A_617 = tpu.memref_squeeze %dma_wait3A_616 : memref<1x128xi32, #tpu.memory_space<vmem>> -> memref<128xi32, #tpu.memory_space<vmem>>
          %dma_wait3A_618 = arith.constant 0 : i32
          %dma_wait3A_619 = arith.constant 0 : i32
          %dma_wait3A_620 = tpu.memref_slice %arg10[%dma_wait3A_618, %dma_wait3A_619] : memref<10112x128xf32, #tpu.memory_space<vmem_shared>> -> memref<10112x128xf32, #tpu.memory_space<vmem_shared>>
          tpu.wait_indirect_dma semaphore(%arg14 : memref<!tpu.dma_semaphore, #tpu.memory_space<semaphore_mem>>) src(%arg9 : memref<128x128xf32, #tpu.memory_space<vmem>>) dst(%dma_wait3A_620 : memref<10112x128xf32, #tpu.memory_space<vmem_shared>>)
        } else {
        }
        %add3A_607 = arith.constant 1 : i32
        %add3A_608 = arith.addi %add3A_562, %add3A_607 : i32
        %dma_start3A_609 = arith.constant 0 : i32
        %dma_start3A_610 = tpu.memref_slice %arg6[%add3A_608, %dma_start3A_609] : memref<40x128xi32, #tpu.memory_space<vmem>> -> memref<1x128xi32, #tpu.memory_space<vmem>>
        %dma_start3A_611 = tpu.memref_squeeze %dma_start3A_610 : memref<1x128xi32, #tpu.memory_space<vmem>> -> memref<128xi32, #tpu.memory_space<vmem>>
        %dma_start3A_612 = arith.constant 0 : i32
        %dma_start3A_613 = arith.constant 0 : i32
        %dma_start3A_614 = tpu.memref_slice %arg2[%dma_start3A_612, %dma_start3A_613] : memref<10112x128xf32, #tpu.memory_space<hbm>> -> memref<10112x128xf32, #tpu.memory_space<hbm>>
        tpu.enqueue_indirect_dma source(%dma_start3A_614 : memref<10112x128xf32, #tpu.memory_space<hbm>>) target(%arg9 : memref<128x128xf32, #tpu.memory_space<vmem>>) offsets(%dma_start3A_611 : memref<128xi32, #tpu.memory_space<vmem>>) semaphore(%arg12 : memref<!tpu.dma_semaphore, #tpu.memory_space<semaphore_mem>>)
      } else {
      }
      %mul3A_579 = arith.constant 2 : i32
      %mul3A_580 = arith.muli %mul3A_579, %scan3A_557 : i32
      %add3A_581 = arith.constant 1 : i32
      %add3A_582 = arith.addi %mul3A_580, %add3A_581 : i32
      %dma_wait3A_583 = arith.constant 0 : i32
      %dma_wait3A_584 = tpu.memref_slice %arg6[%add3A_582, %dma_wait3A_583] : memref<40x128xi32, #tpu.memory_space<vmem>> -> memref<1x128xi32, #tpu.memory_space<vmem>>
      %dma_wait3A_585 = tpu.memref_squeeze %dma_wait3A_584 : memref<1x128xi32, #tpu.memory_space<vmem>> -> memref<128xi32, #tpu.memory_space<vmem>>
      %dma_wait3A_586 = arith.constant 0 : i32
      %dma_wait3A_587 = arith.constant 0 : i32
      %dma_wait3A_588 = tpu.memref_slice %arg2[%dma_wait3A_586, %dma_wait3A_587] : memref<10112x128xf32, #tpu.memory_space<hbm>> -> memref<10112x128xf32, #tpu.memory_space<hbm>>
      tpu.wait_indirect_dma semaphore(%arg12 : memref<!tpu.dma_semaphore, #tpu.memory_space<semaphore_mem>>) src(%dma_wait3A_588 : memref<10112x128xf32, #tpu.memory_space<hbm>>) dst(%arg9 : memref<128x128xf32, #tpu.memory_space<vmem>>)
      %dma_start3A_589 = arith.constant 0 : i32
      %dma_start3A_590 = tpu.memref_slice %arg7[%add3A_582, %dma_start3A_589] : memref<40x128xi32, #tpu.memory_space<vmem>> -> memref<1x128xi32, #tpu.memory_space<vmem>>
      %dma_start3A_591 = tpu.memref_squeeze %dma_start3A_590 : memref<1x128xi32, #tpu.memory_space<vmem>> -> memref<128xi32, #tpu.memory_space<vmem>>
      %dma_start3A_592 = arith.constant 0 : i32
      %dma_start3A_593 = arith.constant 0 : i32
      %dma_start3A_594 = tpu.memref_slice %arg10[%dma_start3A_592, %dma_start3A_593] : memref<10112x128xf32, #tpu.memory_space<vmem_shared>> -> memref<10112x128xf32, #tpu.memory_space<vmem_shared>>
      tpu.enqueue_indirect_dma source(%arg9 : memref<128x128xf32, #tpu.memory_space<vmem>>) target(%dma_start3A_594 : memref<10112x128xf32, #tpu.memory_space<vmem_shared>>) offsets(%dma_start3A_591 : memref<128xi32, #tpu.memory_space<vmem>>) semaphore(%arg14 : memref<!tpu.dma_semaphore, #tpu.memory_space<semaphore_mem>>) {add = true}
      %add3A_595 = arith.constant 1 : i32
      %add3A_596 = arith.addi %add3A_582, %add3A_595 : i32
      %lt3A_597 = arith.constant 40 : i32
      %lt3A_598 = arith.cmpi slt, %add3A_596, %lt3A_597 : i32
      %convert_element_type3A_599 = arith.extui %lt3A_598 : i1 to i32
      %cond3A_600 = arith.constant 0 : i32
      %cond3A_601 = arith.cmpi ne, %convert_element_type3A_599, %cond3A_600 : i32
      scf.if %cond3A_601 {
        %gt3A = arith.constant 0 : i32
        %gt3A_603 = arith.cmpi sgt, %add3A_582, %gt3A : i32
        %convert_element_type3A_604 = arith.extui %gt3A_603 : i1 to i32
        %cond3A_605 = arith.constant 0 : i32
        %cond3A_606 = arith.cmpi ne, %convert_element_type3A_604, %cond3A_605 : i32
        scf.if %cond3A_606 {
          %dma_wait3A_615 = arith.constant 0 : i32
          %dma_wait3A_616 = tpu.memref_slice %arg7[%add3A_582, %dma_wait3A_615] : memref<40x128xi32, #tpu.memory_space<vmem>> -> memref<1x128xi32, #tpu.memory_space<vmem>>
          %dma_wait3A_617 = tpu.memref_squeeze %dma_wait3A_616 : memref<1x128xi32, #tpu.memory_space<vmem>> -> memref<128xi32, #tpu.memory_space<vmem>>
          %dma_wait3A_618 = arith.constant 0 : i32
          %dma_wait3A_619 = arith.constant 0 : i32
          %dma_wait3A_620 = tpu.memref_slice %arg10[%dma_wait3A_618, %dma_wait3A_619] : memref<10112x128xf32, #tpu.memory_space<vmem_shared>> -> memref<10112x128xf32, #tpu.memory_space<vmem_shared>>
          tpu.wait_indirect_dma semaphore(%arg13 : memref<!tpu.dma_semaphore, #tpu.memory_space<semaphore_mem>>) src(%arg8 : memref<128x128xf32, #tpu.memory_space<vmem>>) dst(%dma_wait3A_620 : memref<10112x128xf32, #tpu.memory_space<vmem_shared>>)
        } else {
        }
        %add3A_607 = arith.constant 1 : i32
        %add3A_608 = arith.addi %add3A_582, %add3A_607 : i32
        %dma_start3A_609 = arith.constant 0 : i32
        %dma_start3A_610 = tpu.memref_slice %arg6[%add3A_608, %dma_start3A_609] : memref<40x128xi32, #tpu.memory_space<vmem>> -> memref<1x128xi32, #tpu.memory_space<vmem>>
        %dma_start3A_611 = tpu.memref_squeeze %dma_start3A_610 : memref<1x128xi32, #tpu.memory_space<vmem>> -> memref<128xi32, #tpu.memory_space<vmem>>
        %dma_start3A_612 = arith.constant 0 : i32
        %dma_start3A_613 = arith.constant 0 : i32
        %dma_start3A_614 = tpu.memref_slice %arg2[%dma_start3A_612, %dma_start3A_613] : memref<10112x128xf32, #tpu.memory_space<hbm>> -> memref<10112x128xf32, #tpu.memory_space<hbm>>
        tpu.enqueue_indirect_dma source(%dma_start3A_614 : memref<10112x128xf32, #tpu.memory_space<hbm>>) target(%arg8 : memref<128x128xf32, #tpu.memory_space<vmem>>) offsets(%dma_start3A_611 : memref<128xi32, #tpu.memory_space<vmem>>) semaphore(%arg11 : memref<!tpu.dma_semaphore, #tpu.memory_space<semaphore_mem>>)
      } else {
      }
      %scan3A_602 = arith.constant 0 : i32
      scf.yield %scan3A_602 : i32
    }
    %scan3A_253 = arith.constant 20 : i32
    %dma_wait3A_254 = arith.constant 38 : i32
    %dma_wait3A_255 = arith.constant 0 : i32
    %dma_wait3A_256 = tpu.memref_slice %arg7[%dma_wait3A_254, %dma_wait3A_255] : memref<40x128xi32, #tpu.memory_space<vmem>> -> memref<1x128xi32, #tpu.memory_space<vmem>>
    %dma_wait3A_257 = tpu.memref_squeeze %dma_wait3A_256 : memref<1x128xi32, #tpu.memory_space<vmem>> -> memref<128xi32, #tpu.memory_space<vmem>>
    %dma_wait3A_258 = arith.constant 0 : i32
    %dma_wait3A_259 = arith.constant 0 : i32
    %dma_wait3A_260 = tpu.memref_slice %arg10[%dma_wait3A_258, %dma_wait3A_259] : memref<10112x128xf32, #tpu.memory_space<vmem_shared>> -> memref<10112x128xf32, #tpu.memory_space<vmem_shared>>
    tpu.wait_indirect_dma semaphore(%arg13 : memref<!tpu.dma_semaphore, #tpu.memory_space<semaphore_mem>>) src(%arg8 : memref<128x128xf32, #tpu.memory_space<vmem>>) dst(%dma_wait3A_260 : memref<10112x128xf32, #tpu.memory_space<vmem_shared>>)
    %dma_wait3A_261 = arith.constant 39 : i32
    %dma_wait3A_262 = arith.constant 0 : i32
    %dma_wait3A_263 = tpu.memref_slice %arg7[%dma_wait3A_261, %dma_wait3A_262] : memref<40x128xi32, #tpu.memory_space<vmem>> -> memref<1x128xi32, #tpu.memory_space<vmem>>
    %dma_wait3A_264 = tpu.memref_squeeze %dma_wait3A_263 : memref<1x128xi32, #tpu.memory_space<vmem>> -> memref<128xi32, #tpu.memory_space<vmem>>
    %dma_wait3A_265 = arith.constant 0 : i32
    %dma_wait3A_266 = arith.constant 0 : i32
    %dma_wait3A_267 = tpu.memref_slice %arg10[%dma_wait3A_265, %dma_wait3A_266] : memref<10112x128xf32, #tpu.memory_space<vmem_shared>> -> memref<10112x128xf32, #tpu.memory_space<vmem_shared>>
    tpu.wait_indirect_dma semaphore(%arg14 : memref<!tpu.dma_semaphore, #tpu.memory_space<semaphore_mem>>) src(%arg9 : memref<128x128xf32, #tpu.memory_space<vmem>>) dst(%dma_wait3A_267 : memref<10112x128xf32, #tpu.memory_space<vmem_shared>>)
    "tpu.region"() ({
      %run_scoped3A = tpu.sem_alloc : memref<!tpu.dma_semaphore, #tpu.memory_space<semaphore_mem>>
      %dma_start3A_557 = arith.constant 40 : i32
      %dma_start3A_558 = arith.constant 0 : i32
      %dma_start3A_559 = tpu.memref_slice %arg3[%add3A, %dma_start3A_557, %dma_start3A_558] : memref<32x80x128xi32, #tpu.memory_space<hbm>> -> memref<1x40x128xi32, #tpu.memory_space<hbm>>
      %dma_start3A_560 = tpu.memref_squeeze %dma_start3A_559 : memref<1x40x128xi32, #tpu.memory_space<hbm>> -> memref<40x128xi32, #tpu.memory_space<hbm>>
      %dma_start3A_561 = arith.constant 40 : i32
      %dma_start3A_562 = arith.constant 0 : i32
      %dma_start3A_563 = tpu.memref_slice %arg3[%add3A, %dma_start3A_561, %dma_start3A_562] : memref<32x80x128xi32, #tpu.memory_space<hbm>> -> memref<1x40x128xi32, #tpu.memory_space<hbm>>
      %dma_start3A_564 = tpu.memref_squeeze %dma_start3A_563 : memref<1x40x128xi32, #tpu.memory_space<hbm>> -> memref<40x128xi32, #tpu.memory_space<hbm>>
      tpu.enqueue_dma source(%dma_start3A_564 : memref<40x128xi32, #tpu.memory_space<hbm>>) target(%arg6 : memref<40x128xi32, #tpu.memory_space<vmem>>) target_semaphore(%run_scoped3A : memref<!tpu.dma_semaphore, #tpu.memory_space<semaphore_mem>>)
      %dma_wait3A_565 = arith.constant 40 : i32
      %dma_wait3A_566 = arith.constant 0 : i32
      %dma_wait3A_567 = tpu.memref_slice %arg3[%add3A, %dma_wait3A_565, %dma_wait3A_566] : memref<32x80x128xi32, #tpu.memory_space<hbm>> -> memref<1x40x128xi32, #tpu.memory_space<hbm>>
      %dma_wait3A_568 = tpu.memref_squeeze %dma_wait3A_567 : memref<1x40x128xi32, #tpu.memory_space<hbm>> -> memref<40x128xi32, #tpu.memory_space<hbm>>
      %dma_wait3A_569 = arith.constant 40 : i32
      %dma_wait3A_570 = arith.constant 0 : i32
      %dma_wait3A_571 = tpu.memref_slice %arg3[%add3A, %dma_wait3A_569, %dma_wait3A_570] : memref<32x80x128xi32, #tpu.memory_space<hbm>> -> memref<1x40x128xi32, #tpu.memory_space<hbm>>
      %dma_wait3A_572 = tpu.memref_squeeze %dma_wait3A_571 : memref<1x40x128xi32, #tpu.memory_space<hbm>> -> memref<40x128xi32, #tpu.memory_space<hbm>>
      tpu.wait_dma2 semaphore(%run_scoped3A : memref<!tpu.dma_semaphore, #tpu.memory_space<semaphore_mem>>) src(%dma_wait3A_572 : memref<40x128xi32, #tpu.memory_space<hbm>>) dst(%arg6 : memref<40x128xi32, #tpu.memory_space<vmem>>)
      tpu.yield
    }) : () -> ()
    "tpu.region"() ({
      %run_scoped3A = tpu.sem_alloc : memref<!tpu.dma_semaphore, #tpu.memory_space<semaphore_mem>>
      %dma_start3A_557 = arith.constant 40 : i32
      %dma_start3A_558 = arith.constant 0 : i32
      %dma_start3A_559 = tpu.memref_slice %arg4[%add3A, %dma_start3A_557, %dma_start3A_558] : memref<32x80x128xi32, #tpu.memory_space<hbm>> -> memref<1x40x128xi32, #tpu.memory_space<hbm>>
      %dma_start3A_560 = tpu.memref_squeeze %dma_start3A_559 : memref<1x40x128xi32, #tpu.memory_space<hbm>> -> memref<40x128xi32, #tpu.memory_space<hbm>>
      %dma_start3A_561 = arith.constant 40 : i32
      %dma_start3A_562 = arith.constant 0 : i32
      %dma_start3A_563 = tpu.memref_slice %arg4[%add3A, %dma_start3A_561, %dma_start3A_562] : memref<32x80x128xi32, #tpu.memory_space<hbm>> -> memref<1x40x128xi32, #tpu.memory_space<hbm>>
      %dma_start3A_564 = tpu.memref_squeeze %dma_start3A_563 : memref<1x40x128xi32, #tpu.memory_space<hbm>> -> memref<40x128xi32, #tpu.memory_space<hbm>>
      tpu.enqueue_dma source(%dma_start3A_564 : memref<40x128xi32, #tpu.memory_space<hbm>>) target(%arg7 : memref<40x128xi32, #tpu.memory_space<vmem>>) target_semaphore(%run_scoped3A : memref<!tpu.dma_semaphore, #tpu.memory_space<semaphore_mem>>)
      %dma_wait3A_565 = arith.constant 40 : i32
      %dma_wait3A_566 = arith.constant 0 : i32
      %dma_wait3A_567 = tpu.memref_slice %arg4[%add3A, %dma_wait3A_565, %dma_wait3A_566] : memref<32x80x128xi32, #tpu.memory_space<hbm>> -> memref<1x40x128xi32, #tpu.memory_space<hbm>>
      %dma_wait3A_568 = tpu.memref_squeeze %dma_wait3A_567 : memref<1x40x128xi32, #tpu.memory_space<hbm>> -> memref<40x128xi32, #tpu.memory_space<hbm>>
      %dma_wait3A_569 = arith.constant 40 : i32
      %dma_wait3A_570 = arith.constant 0 : i32
      %dma_wait3A_571 = tpu.memref_slice %arg4[%add3A, %dma_wait3A_569, %dma_wait3A_570] : memref<32x80x128xi32, #tpu.memory_space<hbm>> -> memref<1x40x128xi32, #tpu.memory_space<hbm>>
      %dma_wait3A_572 = tpu.memref_squeeze %dma_wait3A_571 : memref<1x40x128xi32, #tpu.memory_space<hbm>> -> memref<40x128xi32, #tpu.memory_space<hbm>>
      tpu.wait_dma2 semaphore(%run_scoped3A : memref<!tpu.dma_semaphore, #tpu.memory_space<semaphore_mem>>) src(%dma_wait3A_572 : memref<40x128xi32, #tpu.memory_space<hbm>>) dst(%arg7 : memref<40x128xi32, #tpu.memory_space<vmem>>)
      tpu.yield
    }) : () -> ()
    %dma_start3A_268 = arith.constant 0 : i32
    %dma_start3A_269 = arith.constant 0 : i32
    %dma_start3A_270 = tpu.memref_slice %arg6[%dma_start3A_268, %dma_start3A_269] : memref<40x128xi32, #tpu.memory_space<vmem>> -> memref<1x128xi32, #tpu.memory_space<vmem>>
    %dma_start3A_271 = tpu.memref_squeeze %dma_start3A_270 : memref<1x128xi32, #tpu.memory_space<vmem>> -> memref<128xi32, #tpu.memory_space<vmem>>
    %dma_start3A_272 = arith.constant 0 : i32
    %dma_start3A_273 = arith.constant 0 : i32
    %dma_start3A_274 = tpu.memref_slice %arg2[%dma_start3A_272, %dma_start3A_273] : memref<10112x128xf32, #tpu.memory_space<hbm>> -> memref<10112x128xf32, #tpu.memory_space<hbm>>
    tpu.enqueue_indirect_dma source(%dma_start3A_274 : memref<10112x128xf32, #tpu.memory_space<hbm>>) target(%arg8 : memref<128x128xf32, #tpu.memory_space<vmem>>) offsets(%dma_start3A_271 : memref<128xi32, #tpu.memory_space<vmem>>) semaphore(%arg11 : memref<!tpu.dma_semaphore, #tpu.memory_space<semaphore_mem>>)
    %scan3A_275 = arith.constant 0 : i32
    %scan3A_276 = arith.constant 0 : i32
    %scan3A_277 = arith.constant 20 : i32
    %scan3A_278 = arith.addi %scan3A_276, %scan3A_277 : i32
    %scan3A_279 = arith.constant 1 : i32
    %scan3A_280 = scf.for %scan3A_557 = %scan3A_276 to %scan3A_278 step %scan3A_279 iter_args(%scan3A_558 = %scan3A_275) -> (i32)  : i32 {
      %mul3A_559 = arith.constant 2 : i32
      %mul3A_560 = arith.muli %mul3A_559, %scan3A_557 : i32
      %add3A_561 = arith.constant 0 : i32
      %add3A_562 = arith.addi %mul3A_560, %add3A_561 : i32
      %dma_wait3A_563 = arith.constant 0 : i32
      %dma_wait3A_564 = tpu.memref_slice %arg6[%add3A_562, %dma_wait3A_563] : memref<40x128xi32, #tpu.memory_space<vmem>> -> memref<1x128xi32, #tpu.memory_space<vmem>>
      %dma_wait3A_565 = tpu.memref_squeeze %dma_wait3A_564 : memref<1x128xi32, #tpu.memory_space<vmem>> -> memref<128xi32, #tpu.memory_space<vmem>>
      %dma_wait3A_566 = arith.constant 0 : i32
      %dma_wait3A_567 = arith.constant 0 : i32
      %dma_wait3A_568 = tpu.memref_slice %arg2[%dma_wait3A_566, %dma_wait3A_567] : memref<10112x128xf32, #tpu.memory_space<hbm>> -> memref<10112x128xf32, #tpu.memory_space<hbm>>
      tpu.wait_indirect_dma semaphore(%arg11 : memref<!tpu.dma_semaphore, #tpu.memory_space<semaphore_mem>>) src(%dma_wait3A_568 : memref<10112x128xf32, #tpu.memory_space<hbm>>) dst(%arg8 : memref<128x128xf32, #tpu.memory_space<vmem>>)
      %dma_start3A_569 = arith.constant 0 : i32
      %dma_start3A_570 = tpu.memref_slice %arg7[%add3A_562, %dma_start3A_569] : memref<40x128xi32, #tpu.memory_space<vmem>> -> memref<1x128xi32, #tpu.memory_space<vmem>>
      %dma_start3A_571 = tpu.memref_squeeze %dma_start3A_570 : memref<1x128xi32, #tpu.memory_space<vmem>> -> memref<128xi32, #tpu.memory_space<vmem>>
      %dma_start3A_572 = arith.constant 0 : i32
      %dma_start3A_573 = arith.constant 0 : i32
      %dma_start3A_574 = tpu.memref_slice %arg10[%dma_start3A_572, %dma_start3A_573] : memref<10112x128xf32, #tpu.memory_space<vmem_shared>> -> memref<10112x128xf32, #tpu.memory_space<vmem_shared>>
      tpu.enqueue_indirect_dma source(%arg8 : memref<128x128xf32, #tpu.memory_space<vmem>>) target(%dma_start3A_574 : memref<10112x128xf32, #tpu.memory_space<vmem_shared>>) offsets(%dma_start3A_571 : memref<128xi32, #tpu.memory_space<vmem>>) semaphore(%arg13 : memref<!tpu.dma_semaphore, #tpu.memory_space<semaphore_mem>>) {add = true}
      %add3A_575 = arith.constant 1 : i32
      %add3A_576 = arith.addi %add3A_562, %add3A_575 : i32
      %lt3A = arith.constant 40 : i32
      %lt3A_577 = arith.cmpi slt, %add3A_576, %lt3A : i32
      %convert_element_type3A = arith.extui %lt3A_577 : i1 to i32
      %cond3A = arith.constant 0 : i32
      %cond3A_578 = arith.cmpi ne, %convert_element_type3A, %cond3A : i32
      scf.if %cond3A_578 {
        %gt3A = arith.constant 0 : i32
        %gt3A_603 = arith.cmpi sgt, %add3A_562, %gt3A : i32
        %convert_element_type3A_604 = arith.extui %gt3A_603 : i1 to i32
        %cond3A_605 = arith.constant 0 : i32
        %cond3A_606 = arith.cmpi ne, %convert_element_type3A_604, %cond3A_605 : i32
        scf.if %cond3A_606 {
          %dma_wait3A_615 = arith.constant 0 : i32
          %dma_wait3A_616 = tpu.memref_slice %arg7[%add3A_562, %dma_wait3A_615] : memref<40x128xi32, #tpu.memory_space<vmem>> -> memref<1x128xi32, #tpu.memory_space<vmem>>
          %dma_wait3A_617 = tpu.memref_squeeze %dma_wait3A_616 : memref<1x128xi32, #tpu.memory_space<vmem>> -> memref<128xi32, #tpu.memory_space<vmem>>
          %dma_wait3A_618 = arith.constant 0 : i32
          %dma_wait3A_619 = arith.constant 0 : i32
          %dma_wait3A_620 = tpu.memref_slice %arg10[%dma_wait3A_618, %dma_wait3A_619] : memref<10112x128xf32, #tpu.memory_space<vmem_shared>> -> memref<10112x128xf32, #tpu.memory_space<vmem_shared>>
          tpu.wait_indirect_dma semaphore(%arg14 : memref<!tpu.dma_semaphore, #tpu.memory_space<semaphore_mem>>) src(%arg9 : memref<128x128xf32, #tpu.memory_space<vmem>>) dst(%dma_wait3A_620 : memref<10112x128xf32, #tpu.memory_space<vmem_shared>>)
        } else {
        }
        %add3A_607 = arith.constant 1 : i32
        %add3A_608 = arith.addi %add3A_562, %add3A_607 : i32
        %dma_start3A_609 = arith.constant 0 : i32
        %dma_start3A_610 = tpu.memref_slice %arg6[%add3A_608, %dma_start3A_609] : memref<40x128xi32, #tpu.memory_space<vmem>> -> memref<1x128xi32, #tpu.memory_space<vmem>>
        %dma_start3A_611 = tpu.memref_squeeze %dma_start3A_610 : memref<1x128xi32, #tpu.memory_space<vmem>> -> memref<128xi32, #tpu.memory_space<vmem>>
        %dma_start3A_612 = arith.constant 0 : i32
        %dma_start3A_613 = arith.constant 0 : i32
        %dma_start3A_614 = tpu.memref_slice %arg2[%dma_start3A_612, %dma_start3A_613] : memref<10112x128xf32, #tpu.memory_space<hbm>> -> memref<10112x128xf32, #tpu.memory_space<hbm>>
        tpu.enqueue_indirect_dma source(%dma_start3A_614 : memref<10112x128xf32, #tpu.memory_space<hbm>>) target(%arg9 : memref<128x128xf32, #tpu.memory_space<vmem>>) offsets(%dma_start3A_611 : memref<128xi32, #tpu.memory_space<vmem>>) semaphore(%arg12 : memref<!tpu.dma_semaphore, #tpu.memory_space<semaphore_mem>>)
      } else {
      }
      %mul3A_579 = arith.constant 2 : i32
      %mul3A_580 = arith.muli %mul3A_579, %scan3A_557 : i32
      %add3A_581 = arith.constant 1 : i32
      %add3A_582 = arith.addi %mul3A_580, %add3A_581 : i32
      %dma_wait3A_583 = arith.constant 0 : i32
      %dma_wait3A_584 = tpu.memref_slice %arg6[%add3A_582, %dma_wait3A_583] : memref<40x128xi32, #tpu.memory_space<vmem>> -> memref<1x128xi32, #tpu.memory_space<vmem>>
      %dma_wait3A_585 = tpu.memref_squeeze %dma_wait3A_584 : memref<1x128xi32, #tpu.memory_space<vmem>> -> memref<128xi32, #tpu.memory_space<vmem>>
      %dma_wait3A_586 = arith.constant 0 : i32
      %dma_wait3A_587 = arith.constant 0 : i32
      %dma_wait3A_588 = tpu.memref_slice %arg2[%dma_wait3A_586, %dma_wait3A_587] : memref<10112x128xf32, #tpu.memory_space<hbm>> -> memref<10112x128xf32, #tpu.memory_space<hbm>>
      tpu.wait_indirect_dma semaphore(%arg12 : memref<!tpu.dma_semaphore, #tpu.memory_space<semaphore_mem>>) src(%dma_wait3A_588 : memref<10112x128xf32, #tpu.memory_space<hbm>>) dst(%arg9 : memref<128x128xf32, #tpu.memory_space<vmem>>)
      %dma_start3A_589 = arith.constant 0 : i32
      %dma_start3A_590 = tpu.memref_slice %arg7[%add3A_582, %dma_start3A_589] : memref<40x128xi32, #tpu.memory_space<vmem>> -> memref<1x128xi32, #tpu.memory_space<vmem>>
      %dma_start3A_591 = tpu.memref_squeeze %dma_start3A_590 : memref<1x128xi32, #tpu.memory_space<vmem>> -> memref<128xi32, #tpu.memory_space<vmem>>
      %dma_start3A_592 = arith.constant 0 : i32
      %dma_start3A_593 = arith.constant 0 : i32
      %dma_start3A_594 = tpu.memref_slice %arg10[%dma_start3A_592, %dma_start3A_593] : memref<10112x128xf32, #tpu.memory_space<vmem_shared>> -> memref<10112x128xf32, #tpu.memory_space<vmem_shared>>
      tpu.enqueue_indirect_dma source(%arg9 : memref<128x128xf32, #tpu.memory_space<vmem>>) target(%dma_start3A_594 : memref<10112x128xf32, #tpu.memory_space<vmem_shared>>) offsets(%dma_start3A_591 : memref<128xi32, #tpu.memory_space<vmem>>) semaphore(%arg14 : memref<!tpu.dma_semaphore, #tpu.memory_space<semaphore_mem>>) {add = true}
      %add3A_595 = arith.constant 1 : i32
      %add3A_596 = arith.addi %add3A_582, %add3A_595 : i32
      %lt3A_597 = arith.constant 40 : i32
      %lt3A_598 = arith.cmpi slt, %add3A_596, %lt3A_597 : i32
      %convert_element_type3A_599 = arith.extui %lt3A_598 : i1 to i32
      %cond3A_600 = arith.constant 0 : i32
      %cond3A_601 = arith.cmpi ne, %convert_element_type3A_599, %cond3A_600 : i32
      scf.if %cond3A_601 {
        %gt3A = arith.constant 0 : i32
        %gt3A_603 = arith.cmpi sgt, %add3A_582, %gt3A : i32
        %convert_element_type3A_604 = arith.extui %gt3A_603 : i1 to i32
        %cond3A_605 = arith.constant 0 : i32
        %cond3A_606 = arith.cmpi ne, %convert_element_type3A_604, %cond3A_605 : i32
        scf.if %cond3A_606 {
          %dma_wait3A_615 = arith.constant 0 : i32
          %dma_wait3A_616 = tpu.memref_slice %arg7[%add3A_582, %dma_wait3A_615] : memref<40x128xi32, #tpu.memory_space<vmem>> -> memref<1x128xi32, #tpu.memory_space<vmem>>
          %dma_wait3A_617 = tpu.memref_squeeze %dma_wait3A_616 : memref<1x128xi32, #tpu.memory_space<vmem>> -> memref<128xi32, #tpu.memory_space<vmem>>
          %dma_wait3A_618 = arith.constant 0 : i32
          %dma_wait3A_619 = arith.constant 0 : i32
          %dma_wait3A_620 = tpu.memref_slice %arg10[%dma_wait3A_618, %dma_wait3A_619] : memref<10112x128xf32, #tpu.memory_space<vmem_shared>> -> memref<10112x128xf32, #tpu.memory_space<vmem_shared>>
          tpu.wait_indirect_dma semaphore(%arg13 : memref<!tpu.dma_semaphore, #tpu.memory_space<semaphore_mem>>) src(%arg8 : memref<128x128xf32, #tpu.memory_space<vmem>>) dst(%dma_wait3A_620 : memref<10112x128xf32, #tpu.memory_space<vmem_shared>>)
        } else {
        }
        %add3A_607 = arith.constant 1 : i32
        %add3A_608 = arith.addi %add3A_582, %add3A_607 : i32
        %dma_start3A_609 = arith.constant 0 : i32
        %dma_start3A_610 = tpu.memref_slice %arg6[%add3A_608, %dma_start3A_609] : memref<40x128xi32, #tpu.memory_space<vmem>> -> memref<1x128xi32, #tpu.memory_space<vmem>>
        %dma_start3A_611 = tpu.memref_squeeze %dma_start3A_610 : memref<1x128xi32, #tpu.memory_space<vmem>> -> memref<128xi32, #tpu.memory_space<vmem>>
        %dma_start3A_612 = arith.constant 0 : i32
        %dma_start3A_613 = arith.constant 0 : i32
        %dma_start3A_614 = tpu.memref_slice %arg2[%dma_start3A_612, %dma_start3A_613] : memref<10112x128xf32, #tpu.memory_space<hbm>> -> memref<10112x128xf32, #tpu.memory_space<hbm>>
        tpu.enqueue_indirect_dma source(%dma_start3A_614 : memref<10112x128xf32, #tpu.memory_space<hbm>>) target(%arg8 : memref<128x128xf32, #tpu.memory_space<vmem>>) offsets(%dma_start3A_611 : memref<128xi32, #tpu.memory_space<vmem>>) semaphore(%arg11 : memref<!tpu.dma_semaphore, #tpu.memory_space<semaphore_mem>>)
      } else {
      }
      %scan3A_602 = arith.constant 0 : i32
      scf.yield %scan3A_602 : i32
    }
    %scan3A_281 = arith.constant 20 : i32
    %dma_wait3A_282 = arith.constant 38 : i32
    %dma_wait3A_283 = arith.constant 0 : i32
    %dma_wait3A_284 = tpu.memref_slice %arg7[%dma_wait3A_282, %dma_wait3A_283] : memref<40x128xi32, #tpu.memory_space<vmem>> -> memref<1x128xi32, #tpu.memory_space<vmem>>
    %dma_wait3A_285 = tpu.memref_squeeze %dma_wait3A_284 : memref<1x128xi32, #tpu.memory_space<vmem>> -> memref<128xi32, #tpu.memory_space<vmem>>
    %dma_wait3A_286 = arith.constant 0 : i32
    %dma_wait3A_287 = arith.constant 0 : i32
    %dma_wait3A_288 = tpu.memref_slice %arg10[%dma_wait3A_286, %dma_wait3A_287] : memref<10112x128xf32, #tpu.memory_space<vmem_shared>> -> memref<10112x128xf32, #tpu.memory_space<vmem_shared>>
    tpu.wait_indirect_dma semaphore(%arg13 : memref<!tpu.dma_semaphore, #tpu.memory_space<semaphore_mem>>) src(%arg8 : memref<128x128xf32, #tpu.memory_space<vmem>>) dst(%dma_wait3A_288 : memref<10112x128xf32, #tpu.memory_space<vmem_shared>>)
    %dma_wait3A_289 = arith.constant 39 : i32
    %dma_wait3A_290 = arith.constant 0 : i32
    %dma_wait3A_291 = tpu.memref_slice %arg7[%dma_wait3A_289, %dma_wait3A_290] : memref<40x128xi32, #tpu.memory_space<vmem>> -> memref<1x128xi32, #tpu.memory_space<vmem>>
    %dma_wait3A_292 = tpu.memref_squeeze %dma_wait3A_291 : memref<1x128xi32, #tpu.memory_space<vmem>> -> memref<128xi32, #tpu.memory_space<vmem>>
    %dma_wait3A_293 = arith.constant 0 : i32
    %dma_wait3A_294 = arith.constant 0 : i32
    %dma_wait3A_295 = tpu.memref_slice %arg10[%dma_wait3A_293, %dma_wait3A_294] : memref<10112x128xf32, #tpu.memory_space<vmem_shared>> -> memref<10112x128xf32, #tpu.memory_space<vmem_shared>>
    tpu.wait_indirect_dma semaphore(%arg14 : memref<!tpu.dma_semaphore, #tpu.memory_space<semaphore_mem>>) src(%arg9 : memref<128x128xf32, #tpu.memory_space<vmem>>) dst(%dma_wait3A_295 : memref<10112x128xf32, #tpu.memory_space<vmem_shared>>)
    %barrier3A_296 = arith.constant 0 : index
    tpu.barrier barrier_id(%barrier3A_296)
    %add3A_297 = arith.constant 0 : i32
    %add3A_298 = arith.addi %mul3A_2, %add3A_297 : i32
    %dma_start3A_299 = arith.constant 0 : i32
    %dma_start3A_300 = arith.constant 0 : i32
    %dma_start3A_301 = tpu.memref_slice %arg8[%dma_start3A_299, %dma_start3A_300] : memref<128x128xf32, #tpu.memory_space<vmem>> -> memref<128x128xf32, #tpu.memory_space<vmem>>
    %dma_start3A_302 = arith.constant 0 : i32
    %dma_start3A_303 = tpu.memref_slice %arg10[%add3A_298, %dma_start3A_302] : memref<10112x128xf32, #tpu.memory_space<vmem_shared>> -> memref<128x128xf32, #tpu.memory_space<vmem_shared>>
    %dma_start3A_304 = arith.constant 0 : i32
    %dma_start3A_305 = arith.constant 0 : i32
    %dma_start3A_306 = tpu.memref_slice %arg8[%dma_start3A_304, %dma_start3A_305] : memref<128x128xf32, #tpu.memory_space<vmem>> -> memref<128x128xf32, #tpu.memory_space<vmem>>
    %dma_start3A_307 = arith.constant 0 : i32
    %dma_start3A_308 = tpu.memref_slice %arg10[%add3A_298, %dma_start3A_307] : memref<10112x128xf32, #tpu.memory_space<vmem_shared>> -> memref<128x128xf32, #tpu.memory_space<vmem_shared>>
    tpu.enqueue_dma source(%dma_start3A_308 : memref<128x128xf32, #tpu.memory_space<vmem_shared>>) target(%dma_start3A_306 : memref<128x128xf32, #tpu.memory_space<vmem>>) target_semaphore(%arg11 : memref<!tpu.dma_semaphore, #tpu.memory_space<semaphore_mem>>)
    %add3A_309 = arith.constant 0 : i32
    %add3A_310 = arith.addi %mul3A_2, %add3A_309 : i32
    %dma_wait3A_311 = arith.constant 0 : i32
    %dma_wait3A_312 = arith.constant 0 : i32
    %dma_wait3A_313 = tpu.memref_slice %arg8[%dma_wait3A_311, %dma_wait3A_312] : memref<128x128xf32, #tpu.memory_space<vmem>> -> memref<128x128xf32, #tpu.memory_space<vmem>>
    %dma_wait3A_314 = arith.constant 0 : i32
    %dma_wait3A_315 = tpu.memref_slice %arg10[%add3A_310, %dma_wait3A_314] : memref<10112x128xf32, #tpu.memory_space<vmem_shared>> -> memref<128x128xf32, #tpu.memory_space<vmem_shared>>
    %dma_wait3A_316 = arith.constant 0 : i32
    %dma_wait3A_317 = arith.constant 0 : i32
    %dma_wait3A_318 = tpu.memref_slice %arg8[%dma_wait3A_316, %dma_wait3A_317] : memref<128x128xf32, #tpu.memory_space<vmem>> -> memref<128x128xf32, #tpu.memory_space<vmem>>
    %dma_wait3A_319 = arith.constant 0 : i32
    %dma_wait3A_320 = tpu.memref_slice %arg10[%add3A_310, %dma_wait3A_319] : memref<10112x128xf32, #tpu.memory_space<vmem_shared>> -> memref<128x128xf32, #tpu.memory_space<vmem_shared>>
    tpu.wait_dma2 semaphore(%arg11 : memref<!tpu.dma_semaphore, #tpu.memory_space<semaphore_mem>>) src(%dma_wait3A_320 : memref<128x128xf32, #tpu.memory_space<vmem_shared>>) dst(%dma_wait3A_318 : memref<128x128xf32, #tpu.memory_space<vmem>>)
    %add3A_321 = arith.constant 128 : i32
    %add3A_322 = arith.addi %mul3A_2, %add3A_321 : i32
    %dma_start3A_323 = arith.constant 0 : i32
    %dma_start3A_324 = arith.constant 0 : i32
    %dma_start3A_325 = tpu.memref_slice %arg9[%dma_start3A_323, %dma_start3A_324] : memref<128x128xf32, #tpu.memory_space<vmem>> -> memref<128x128xf32, #tpu.memory_space<vmem>>
    %dma_start3A_326 = arith.constant 0 : i32
    %dma_start3A_327 = tpu.memref_slice %arg10[%add3A_322, %dma_start3A_326] : memref<10112x128xf32, #tpu.memory_space<vmem_shared>> -> memref<128x128xf32, #tpu.memory_space<vmem_shared>>
    %dma_start3A_328 = arith.constant 0 : i32
    %dma_start3A_329 = arith.constant 0 : i32
    %dma_start3A_330 = tpu.memref_slice %arg9[%dma_start3A_328, %dma_start3A_329] : memref<128x128xf32, #tpu.memory_space<vmem>> -> memref<128x128xf32, #tpu.memory_space<vmem>>
    %dma_start3A_331 = arith.constant 0 : i32
    %dma_start3A_332 = tpu.memref_slice %arg10[%add3A_322, %dma_start3A_331] : memref<10112x128xf32, #tpu.memory_space<vmem_shared>> -> memref<128x128xf32, #tpu.memory_space<vmem_shared>>
    tpu.enqueue_dma source(%dma_start3A_332 : memref<128x128xf32, #tpu.memory_space<vmem_shared>>) target(%dma_start3A_330 : memref<128x128xf32, #tpu.memory_space<vmem>>) target_semaphore(%arg12 : memref<!tpu.dma_semaphore, #tpu.memory_space<semaphore_mem>>)
    %add3A_333 = arith.constant 0 : i32
    %add3A_334 = arith.addi %mul3A_2, %add3A_333 : i32
    %dma_start3A_335 = arith.constant 0 : i32
    %dma_start3A_336 = arith.constant 0 : i32
    %dma_start3A_337 = tpu.memref_slice %arg8[%dma_start3A_335, %dma_start3A_336] : memref<128x128xf32, #tpu.memory_space<vmem>> -> memref<128x128xf32, #tpu.memory_space<vmem>>
    %dma_start3A_338 = arith.constant 0 : i32
    %dma_start3A_339 = tpu.memref_slice %arg5[%arg0, %add3A_334, %dma_start3A_338] : memref<2x10112x128xf32, #tpu.memory_space<hbm>> -> memref<1x128x128xf32, #tpu.memory_space<hbm>>
    %dma_start3A_340 = tpu.memref_squeeze %dma_start3A_339 : memref<1x128x128xf32, #tpu.memory_space<hbm>> -> memref<128x128xf32, #tpu.memory_space<hbm>>
    %dma_start3A_341 = arith.constant 0 : i32
    %dma_start3A_342 = tpu.memref_slice %arg5[%arg0, %add3A_334, %dma_start3A_341] : memref<2x10112x128xf32, #tpu.memory_space<hbm>> -> memref<1x128x128xf32, #tpu.memory_space<hbm>>
    %dma_start3A_343 = tpu.memref_squeeze %dma_start3A_342 : memref<1x128x128xf32, #tpu.memory_space<hbm>> -> memref<128x128xf32, #tpu.memory_space<hbm>>
    %dma_start3A_344 = arith.constant 0 : i32
    %dma_start3A_345 = arith.constant 0 : i32
    %dma_start3A_346 = tpu.memref_slice %arg8[%dma_start3A_344, %dma_start3A_345] : memref<128x128xf32, #tpu.memory_space<vmem>> -> memref<128x128xf32, #tpu.memory_space<vmem>>
    tpu.enqueue_dma source(%dma_start3A_346 : memref<128x128xf32, #tpu.memory_space<vmem>>) target(%dma_start3A_343 : memref<128x128xf32, #tpu.memory_space<hbm>>) target_semaphore(%arg13 : memref<!tpu.dma_semaphore, #tpu.memory_space<semaphore_mem>>)
    %add3A_347 = arith.constant 128 : i32
    %add3A_348 = arith.addi %mul3A_2, %add3A_347 : i32
    %dma_wait3A_349 = arith.constant 0 : i32
    %dma_wait3A_350 = arith.constant 0 : i32
    %dma_wait3A_351 = tpu.memref_slice %arg9[%dma_wait3A_349, %dma_wait3A_350] : memref<128x128xf32, #tpu.memory_space<vmem>> -> memref<128x128xf32, #tpu.memory_space<vmem>>
    %dma_wait3A_352 = arith.constant 0 : i32
    %dma_wait3A_353 = tpu.memref_slice %arg10[%add3A_348, %dma_wait3A_352] : memref<10112x128xf32, #tpu.memory_space<vmem_shared>> -> memref<128x128xf32, #tpu.memory_space<vmem_shared>>
    %dma_wait3A_354 = arith.constant 0 : i32
    %dma_wait3A_355 = arith.constant 0 : i32
    %dma_wait3A_356 = tpu.memref_slice %arg9[%dma_wait3A_354, %dma_wait3A_355] : memref<128x128xf32, #tpu.memory_space<vmem>> -> memref<128x128xf32, #tpu.memory_space<vmem>>
    %dma_wait3A_357 = arith.constant 0 : i32
    %dma_wait3A_358 = tpu.memref_slice %arg10[%add3A_348, %dma_wait3A_357] : memref<10112x128xf32, #tpu.memory_space<vmem_shared>> -> memref<128x128xf32, #tpu.memory_space<vmem_shared>>
    tpu.wait_dma2 semaphore(%arg12 : memref<!tpu.dma_semaphore, #tpu.memory_space<semaphore_mem>>) src(%dma_wait3A_358 : memref<128x128xf32, #tpu.memory_space<vmem_shared>>) dst(%dma_wait3A_356 : memref<128x128xf32, #tpu.memory_space<vmem>>)
    %add3A_359 = arith.constant 0 : i32
    %add3A_360 = arith.addi %mul3A_2, %add3A_359 : i32
    %dma_wait3A_361 = arith.constant 0 : i32
    %dma_wait3A_362 = arith.constant 0 : i32
    %dma_wait3A_363 = tpu.memref_slice %arg8[%dma_wait3A_361, %dma_wait3A_362] : memref<128x128xf32, #tpu.memory_space<vmem>> -> memref<128x128xf32, #tpu.memory_space<vmem>>
    %dma_wait3A_364 = arith.constant 0 : i32
    %dma_wait3A_365 = tpu.memref_slice %arg5[%arg0, %add3A_360, %dma_wait3A_364] : memref<2x10112x128xf32, #tpu.memory_space<hbm>> -> memref<1x128x128xf32, #tpu.memory_space<hbm>>
    %dma_wait3A_366 = tpu.memref_squeeze %dma_wait3A_365 : memref<1x128x128xf32, #tpu.memory_space<hbm>> -> memref<128x128xf32, #tpu.memory_space<hbm>>
    %dma_wait3A_367 = arith.constant 0 : i32
    %dma_wait3A_368 = tpu.memref_slice %arg5[%arg0, %add3A_360, %dma_wait3A_367] : memref<2x10112x128xf32, #tpu.memory_space<hbm>> -> memref<1x128x128xf32, #tpu.memory_space<hbm>>
    %dma_wait3A_369 = tpu.memref_squeeze %dma_wait3A_368 : memref<1x128x128xf32, #tpu.memory_space<hbm>> -> memref<128x128xf32, #tpu.memory_space<hbm>>
    %dma_wait3A_370 = arith.constant 0 : i32
    %dma_wait3A_371 = arith.constant 0 : i32
    %dma_wait3A_372 = tpu.memref_slice %arg8[%dma_wait3A_370, %dma_wait3A_371] : memref<128x128xf32, #tpu.memory_space<vmem>> -> memref<128x128xf32, #tpu.memory_space<vmem>>
    tpu.wait_dma2 semaphore(%arg13 : memref<!tpu.dma_semaphore, #tpu.memory_space<semaphore_mem>>) src(%dma_wait3A_372 : memref<128x128xf32, #tpu.memory_space<vmem>>) dst(%dma_wait3A_369 : memref<128x128xf32, #tpu.memory_space<hbm>>)
    %add3A_373 = arith.constant 256 : i32
    %add3A_374 = arith.addi %mul3A_2, %add3A_373 : i32
    %dma_start3A_375 = arith.constant 0 : i32
    %dma_start3A_376 = arith.constant 0 : i32
    %dma_start3A_377 = tpu.memref_slice %arg8[%dma_start3A_375, %dma_start3A_376] : memref<128x128xf32, #tpu.memory_space<vmem>> -> memref<128x128xf32, #tpu.memory_space<vmem>>
    %dma_start3A_378 = arith.constant 0 : i32
    %dma_start3A_379 = tpu.memref_slice %arg10[%add3A_374, %dma_start3A_378] : memref<10112x128xf32, #tpu.memory_space<vmem_shared>> -> memref<128x128xf32, #tpu.memory_space<vmem_shared>>
    %dma_start3A_380 = arith.constant 0 : i32
    %dma_start3A_381 = arith.constant 0 : i32
    %dma_start3A_382 = tpu.memref_slice %arg8[%dma_start3A_380, %dma_start3A_381] : memref<128x128xf32, #tpu.memory_space<vmem>> -> memref<128x128xf32, #tpu.memory_space<vmem>>
    %dma_start3A_383 = arith.constant 0 : i32
    %dma_start3A_384 = tpu.memref_slice %arg10[%add3A_374, %dma_start3A_383] : memref<10112x128xf32, #tpu.memory_space<vmem_shared>> -> memref<128x128xf32, #tpu.memory_space<vmem_shared>>
    tpu.enqueue_dma source(%dma_start3A_384 : memref<128x128xf32, #tpu.memory_space<vmem_shared>>) target(%dma_start3A_382 : memref<128x128xf32, #tpu.memory_space<vmem>>) target_semaphore(%arg11 : memref<!tpu.dma_semaphore, #tpu.memory_space<semaphore_mem>>)
    %add3A_385 = arith.constant 128 : i32
    %add3A_386 = arith.addi %mul3A_2, %add3A_385 : i32
    %dma_start3A_387 = arith.constant 0 : i32
    %dma_start3A_388 = arith.constant 0 : i32
    %dma_start3A_389 = tpu.memref_slice %arg9[%dma_start3A_387, %dma_start3A_388] : memref<128x128xf32, #tpu.memory_space<vmem>> -> memref<128x128xf32, #tpu.memory_space<vmem>>
    %dma_start3A_390 = arith.constant 0 : i32
    %dma_start3A_391 = tpu.memref_slice %arg5[%arg0, %add3A_386, %dma_start3A_390] : memref<2x10112x128xf32, #tpu.memory_space<hbm>> -> memref<1x128x128xf32, #tpu.memory_space<hbm>>
    %dma_start3A_392 = tpu.memref_squeeze %dma_start3A_391 : memref<1x128x128xf32, #tpu.memory_space<hbm>> -> memref<128x128xf32, #tpu.memory_space<hbm>>
    %dma_start3A_393 = arith.constant 0 : i32
    %dma_start3A_394 = tpu.memref_slice %arg5[%arg0, %add3A_386, %dma_start3A_393] : memref<2x10112x128xf32, #tpu.memory_space<hbm>> -> memref<1x128x128xf32, #tpu.memory_space<hbm>>
    %dma_start3A_395 = tpu.memref_squeeze %dma_start3A_394 : memref<1x128x128xf32, #tpu.memory_space<hbm>> -> memref<128x128xf32, #tpu.memory_space<hbm>>
    %dma_start3A_396 = arith.constant 0 : i32
    %dma_start3A_397 = arith.constant 0 : i32
    %dma_start3A_398 = tpu.memref_slice %arg9[%dma_start3A_396, %dma_start3A_397] : memref<128x128xf32, #tpu.memory_space<vmem>> -> memref<128x128xf32, #tpu.memory_space<vmem>>
    tpu.enqueue_dma source(%dma_start3A_398 : memref<128x128xf32, #tpu.memory_space<vmem>>) target(%dma_start3A_395 : memref<128x128xf32, #tpu.memory_space<hbm>>) target_semaphore(%arg14 : memref<!tpu.dma_semaphore, #tpu.memory_space<semaphore_mem>>)
    %add3A_399 = arith.constant 256 : i32
    %add3A_400 = arith.addi %mul3A_2, %add3A_399 : i32
    %dma_wait3A_401 = arith.constant 0 : i32
    %dma_wait3A_402 = arith.constant 0 : i32
    %dma_wait3A_403 = tpu.memref_slice %arg8[%dma_wait3A_401, %dma_wait3A_402] : memref<128x128xf32, #tpu.memory_space<vmem>> -> memref<128x128xf32, #tpu.memory_space<vmem>>
    %dma_wait3A_404 = arith.constant 0 : i32
    %dma_wait3A_405 = tpu.memref_slice %arg10[%add3A_400, %dma_wait3A_404] : memref<10112x128xf32, #tpu.memory_space<vmem_shared>> -> memref<128x128xf32, #tpu.memory_space<vmem_shared>>
    %dma_wait3A_406 = arith.constant 0 : i32
    %dma_wait3A_407 = arith.constant 0 : i32
    %dma_wait3A_408 = tpu.memref_slice %arg8[%dma_wait3A_406, %dma_wait3A_407] : memref<128x128xf32, #tpu.memory_space<vmem>> -> memref<128x128xf32, #tpu.memory_space<vmem>>
    %dma_wait3A_409 = arith.constant 0 : i32
    %dma_wait3A_410 = tpu.memref_slice %arg10[%add3A_400, %dma_wait3A_409] : memref<10112x128xf32, #tpu.memory_space<vmem_shared>> -> memref<128x128xf32, #tpu.memory_space<vmem_shared>>
    tpu.wait_dma2 semaphore(%arg11 : memref<!tpu.dma_semaphore, #tpu.memory_space<semaphore_mem>>) src(%dma_wait3A_410 : memref<128x128xf32, #tpu.memory_space<vmem_shared>>) dst(%dma_wait3A_408 : memref<128x128xf32, #tpu.memory_space<vmem>>)
    %add3A_411 = arith.constant 128 : i32
    %add3A_412 = arith.addi %mul3A_2, %add3A_411 : i32
    %dma_wait3A_413 = arith.constant 0 : i32
    %dma_wait3A_414 = arith.constant 0 : i32
    %dma_wait3A_415 = tpu.memref_slice %arg9[%dma_wait3A_413, %dma_wait3A_414] : memref<128x128xf32, #tpu.memory_space<vmem>> -> memref<128x128xf32, #tpu.memory_space<vmem>>
    %dma_wait3A_416 = arith.constant 0 : i32
    %dma_wait3A_417 = tpu.memref_slice %arg5[%arg0, %add3A_412, %dma_wait3A_416] : memref<2x10112x128xf32, #tpu.memory_space<hbm>> -> memref<1x128x128xf32, #tpu.memory_space<hbm>>
    %dma_wait3A_418 = tpu.memref_squeeze %dma_wait3A_417 : memref<1x128x128xf32, #tpu.memory_space<hbm>> -> memref<128x128xf32, #tpu.memory_space<hbm>>
    %dma_wait3A_419 = arith.constant 0 : i32
    %dma_wait3A_420 = tpu.memref_slice %arg5[%arg0, %add3A_412, %dma_wait3A_419] : memref<2x10112x128xf32, #tpu.memory_space<hbm>> -> memref<1x128x128xf32, #tpu.memory_space<hbm>>
    %dma_wait3A_421 = tpu.memref_squeeze %dma_wait3A_420 : memref<1x128x128xf32, #tpu.memory_space<hbm>> -> memref<128x128xf32, #tpu.memory_space<hbm>>
    %dma_wait3A_422 = arith.constant 0 : i32
    %dma_wait3A_423 = arith.constant 0 : i32
    %dma_wait3A_424 = tpu.memref_slice %arg9[%dma_wait3A_422, %dma_wait3A_423] : memref<128x128xf32, #tpu.memory_space<vmem>> -> memref<128x128xf32, #tpu.memory_space<vmem>>
    tpu.wait_dma2 semaphore(%arg14 : memref<!tpu.dma_semaphore, #tpu.memory_space<semaphore_mem>>) src(%dma_wait3A_424 : memref<128x128xf32, #tpu.memory_space<vmem>>) dst(%dma_wait3A_421 : memref<128x128xf32, #tpu.memory_space<hbm>>)
    %add3A_425 = arith.constant 384 : i32
    %add3A_426 = arith.addi %mul3A_2, %add3A_425 : i32
    %dma_start3A_427 = arith.constant 0 : i32
    %dma_start3A_428 = arith.constant 0 : i32
    %dma_start3A_429 = tpu.memref_slice %arg9[%dma_start3A_427, %dma_start3A_428] : memref<128x128xf32, #tpu.memory_space<vmem>> -> memref<128x128xf32, #tpu.memory_space<vmem>>
    %dma_start3A_430 = arith.constant 0 : i32
    %dma_start3A_431 = tpu.memref_slice %arg10[%add3A_426, %dma_start3A_430] : memref<10112x128xf32, #tpu.memory_space<vmem_shared>> -> memref<128x128xf32, #tpu.memory_space<vmem_shared>>
    %dma_start3A_432 = arith.constant 0 : i32
    %dma_start3A_433 = arith.constant 0 : i32
    %dma_start3A_434 = tpu.memref_slice %arg9[%dma_start3A_432, %dma_start3A_433] : memref<128x128xf32, #tpu.memory_space<vmem>> -> memref<128x128xf32, #tpu.memory_space<vmem>>
    %dma_start3A_435 = arith.constant 0 : i32
    %dma_start3A_436 = tpu.memref_slice %arg10[%add3A_426, %dma_start3A_435] : memref<10112x128xf32, #tpu.memory_space<vmem_shared>> -> memref<128x128xf32, #tpu.memory_space<vmem_shared>>
    tpu.enqueue_dma source(%dma_start3A_436 : memref<128x128xf32, #tpu.memory_space<vmem_shared>>) target(%dma_start3A_434 : memref<128x128xf32, #tpu.memory_space<vmem>>) target_semaphore(%arg12 : memref<!tpu.dma_semaphore, #tpu.memory_space<semaphore_mem>>)
    %add3A_437 = arith.constant 256 : i32
    %add3A_438 = arith.addi %mul3A_2, %add3A_437 : i32
    %dma_start3A_439 = arith.constant 0 : i32
    %dma_start3A_440 = arith.constant 0 : i32
    %dma_start3A_441 = tpu.memref_slice %arg8[%dma_start3A_439, %dma_start3A_440] : memref<128x128xf32, #tpu.memory_space<vmem>> -> memref<128x128xf32, #tpu.memory_space<vmem>>
    %dma_start3A_442 = arith.constant 0 : i32
    %dma_start3A_443 = tpu.memref_slice %arg5[%arg0, %add3A_438, %dma_start3A_442] : memref<2x10112x128xf32, #tpu.memory_space<hbm>> -> memref<1x128x128xf32, #tpu.memory_space<hbm>>
    %dma_start3A_444 = tpu.memref_squeeze %dma_start3A_443 : memref<1x128x128xf32, #tpu.memory_space<hbm>> -> memref<128x128xf32, #tpu.memory_space<hbm>>
    %dma_start3A_445 = arith.constant 0 : i32
    %dma_start3A_446 = tpu.memref_slice %arg5[%arg0, %add3A_438, %dma_start3A_445] : memref<2x10112x128xf32, #tpu.memory_space<hbm>> -> memref<1x128x128xf32, #tpu.memory_space<hbm>>
    %dma_start3A_447 = tpu.memref_squeeze %dma_start3A_446 : memref<1x128x128xf32, #tpu.memory_space<hbm>> -> memref<128x128xf32, #tpu.memory_space<hbm>>
    %dma_start3A_448 = arith.constant 0 : i32
    %dma_start3A_449 = arith.constant 0 : i32
    %dma_start3A_450 = tpu.memref_slice %arg8[%dma_start3A_448, %dma_start3A_449] : memref<128x128xf32, #tpu.memory_space<vmem>> -> memref<128x128xf32, #tpu.memory_space<vmem>>
    tpu.enqueue_dma source(%dma_start3A_450 : memref<128x128xf32, #tpu.memory_space<vmem>>) target(%dma_start3A_447 : memref<128x128xf32, #tpu.memory_space<hbm>>) target_semaphore(%arg13 : memref<!tpu.dma_semaphore, #tpu.memory_space<semaphore_mem>>)
    %add3A_451 = arith.constant 384 : i32
    %add3A_452 = arith.addi %mul3A_2, %add3A_451 : i32
    %dma_wait3A_453 = arith.constant 0 : i32
    %dma_wait3A_454 = arith.constant 0 : i32
    %dma_wait3A_455 = tpu.memref_slice %arg9[%dma_wait3A_453, %dma_wait3A_454] : memref<128x128xf32, #tpu.memory_space<vmem>> -> memref<128x128xf32, #tpu.memory_space<vmem>>
    %dma_wait3A_456 = arith.constant 0 : i32
    %dma_wait3A_457 = tpu.memref_slice %arg10[%add3A_452, %dma_wait3A_456] : memref<10112x128xf32, #tpu.memory_space<vmem_shared>> -> memref<128x128xf32, #tpu.memory_space<vmem_shared>>
    %dma_wait3A_458 = arith.constant 0 : i32
    %dma_wait3A_459 = arith.constant 0 : i32
    %dma_wait3A_460 = tpu.memref_slice %arg9[%dma_wait3A_458, %dma_wait3A_459] : memref<128x128xf32, #tpu.memory_space<vmem>> -> memref<128x128xf32, #tpu.memory_space<vmem>>
    %dma_wait3A_461 = arith.constant 0 : i32
    %dma_wait3A_462 = tpu.memref_slice %arg10[%add3A_452, %dma_wait3A_461] : memref<10112x128xf32, #tpu.memory_space<vmem_shared>> -> memref<128x128xf32, #tpu.memory_space<vmem_shared>>
    tpu.wait_dma2 semaphore(%arg12 : memref<!tpu.dma_semaphore, #tpu.memory_space<semaphore_mem>>) src(%dma_wait3A_462 : memref<128x128xf32, #tpu.memory_space<vmem_shared>>) dst(%dma_wait3A_460 : memref<128x128xf32, #tpu.memory_space<vmem>>)
    %add3A_463 = arith.constant 256 : i32
    %add3A_464 = arith.addi %mul3A_2, %add3A_463 : i32
    %dma_wait3A_465 = arith.constant 0 : i32
    %dma_wait3A_466 = arith.constant 0 : i32
    %dma_wait3A_467 = tpu.memref_slice %arg8[%dma_wait3A_465, %dma_wait3A_466] : memref<128x128xf32, #tpu.memory_space<vmem>> -> memref<128x128xf32, #tpu.memory_space<vmem>>
    %dma_wait3A_468 = arith.constant 0 : i32
    %dma_wait3A_469 = tpu.memref_slice %arg5[%arg0, %add3A_464, %dma_wait3A_468] : memref<2x10112x128xf32, #tpu.memory_space<hbm>> -> memref<1x128x128xf32, #tpu.memory_space<hbm>>
    %dma_wait3A_470 = tpu.memref_squeeze %dma_wait3A_469 : memref<1x128x128xf32, #tpu.memory_space<hbm>> -> memref<128x128xf32, #tpu.memory_space<hbm>>
    %dma_wait3A_471 = arith.constant 0 : i32
    %dma_wait3A_472 = tpu.memref_slice %arg5[%arg0, %add3A_464, %dma_wait3A_471] : memref<2x10112x128xf32, #tpu.memory_space<hbm>> -> memref<1x128x128xf32, #tpu.memory_space<hbm>>
    %dma_wait3A_473 = tpu.memref_squeeze %dma_wait3A_472 : memref<1x128x128xf32, #tpu.memory_space<hbm>> -> memref<128x128xf32, #tpu.memory_space<hbm>>
    %dma_wait3A_474 = arith.constant 0 : i32
    %dma_wait3A_475 = arith.constant 0 : i32
    %dma_wait3A_476 = tpu.memref_slice %arg8[%dma_wait3A_474, %dma_wait3A_475] : memref<128x128xf32, #tpu.memory_space<vmem>> -> memref<128x128xf32, #tpu.memory_space<vmem>>
    tpu.wait_dma2 semaphore(%arg13 : memref<!tpu.dma_semaphore, #tpu.memory_space<semaphore_mem>>) src(%dma_wait3A_476 : memref<128x128xf32, #tpu.memory_space<vmem>>) dst(%dma_wait3A_473 : memref<128x128xf32, #tpu.memory_space<hbm>>)
    %add3A_477 = arith.constant 512 : i32
    %add3A_478 = arith.addi %mul3A_2, %add3A_477 : i32
    %dma_start3A_479 = arith.constant 0 : i32
    %dma_start3A_480 = arith.constant 0 : i32
    %dma_start3A_481 = tpu.memref_slice %arg8[%dma_start3A_479, %dma_start3A_480] : memref<128x128xf32, #tpu.memory_space<vmem>> -> memref<120x128xf32, #tpu.memory_space<vmem>>
    %dma_start3A_482 = arith.constant 0 : i32
    %dma_start3A_483 = tpu.memref_slice %arg10[%add3A_478, %dma_start3A_482] : memref<10112x128xf32, #tpu.memory_space<vmem_shared>> -> memref<120x128xf32, #tpu.memory_space<vmem_shared>>
    %dma_start3A_484 = arith.constant 0 : i32
    %dma_start3A_485 = arith.constant 0 : i32
    %dma_start3A_486 = tpu.memref_slice %arg8[%dma_start3A_484, %dma_start3A_485] : memref<128x128xf32, #tpu.memory_space<vmem>> -> memref<120x128xf32, #tpu.memory_space<vmem>>
    %dma_start3A_487 = arith.constant 0 : i32
    %dma_start3A_488 = tpu.memref_slice %arg10[%add3A_478, %dma_start3A_487] : memref<10112x128xf32, #tpu.memory_space<vmem_shared>> -> memref<120x128xf32, #tpu.memory_space<vmem_shared>>
    tpu.enqueue_dma source(%dma_start3A_488 : memref<120x128xf32, #tpu.memory_space<vmem_shared>>) target(%dma_start3A_486 : memref<120x128xf32, #tpu.memory_space<vmem>>) target_semaphore(%arg11 : memref<!tpu.dma_semaphore, #tpu.memory_space<semaphore_mem>>)
    %add3A_489 = arith.constant 384 : i32
    %add3A_490 = arith.addi %mul3A_2, %add3A_489 : i32
    %dma_start3A_491 = arith.constant 0 : i32
    %dma_start3A_492 = arith.constant 0 : i32
    %dma_start3A_493 = tpu.memref_slice %arg9[%dma_start3A_491, %dma_start3A_492] : memref<128x128xf32, #tpu.memory_space<vmem>> -> memref<128x128xf32, #tpu.memory_space<vmem>>
    %dma_start3A_494 = arith.constant 0 : i32
    %dma_start3A_495 = tpu.memref_slice %arg5[%arg0, %add3A_490, %dma_start3A_494] : memref<2x10112x128xf32, #tpu.memory_space<hbm>> -> memref<1x128x128xf32, #tpu.memory_space<hbm>>
    %dma_start3A_496 = tpu.memref_squeeze %dma_start3A_495 : memref<1x128x128xf32, #tpu.memory_space<hbm>> -> memref<128x128xf32, #tpu.memory_space<hbm>>
    %dma_start3A_497 = arith.constant 0 : i32
    %dma_start3A_498 = tpu.memref_slice %arg5[%arg0, %add3A_490, %dma_start3A_497] : memref<2x10112x128xf32, #tpu.memory_space<hbm>> -> memref<1x128x128xf32, #tpu.memory_space<hbm>>
    %dma_start3A_499 = tpu.memref_squeeze %dma_start3A_498 : memref<1x128x128xf32, #tpu.memory_space<hbm>> -> memref<128x128xf32, #tpu.memory_space<hbm>>
    %dma_start3A_500 = arith.constant 0 : i32
    %dma_start3A_501 = arith.constant 0 : i32
    %dma_start3A_502 = tpu.memref_slice %arg9[%dma_start3A_500, %dma_start3A_501] : memref<128x128xf32, #tpu.memory_space<vmem>> -> memref<128x128xf32, #tpu.memory_space<vmem>>
    tpu.enqueue_dma source(%dma_start3A_502 : memref<128x128xf32, #tpu.memory_space<vmem>>) target(%dma_start3A_499 : memref<128x128xf32, #tpu.memory_space<hbm>>) target_semaphore(%arg14 : memref<!tpu.dma_semaphore, #tpu.memory_space<semaphore_mem>>)
    %add3A_503 = arith.constant 512 : i32
    %add3A_504 = arith.addi %mul3A_2, %add3A_503 : i32
    %dma_wait3A_505 = arith.constant 0 : i32
    %dma_wait3A_506 = arith.constant 0 : i32
    %dma_wait3A_507 = tpu.memref_slice %arg8[%dma_wait3A_505, %dma_wait3A_506] : memref<128x128xf32, #tpu.memory_space<vmem>> -> memref<120x128xf32, #tpu.memory_space<vmem>>
    %dma_wait3A_508 = arith.constant 0 : i32
    %dma_wait3A_509 = tpu.memref_slice %arg10[%add3A_504, %dma_wait3A_508] : memref<10112x128xf32, #tpu.memory_space<vmem_shared>> -> memref<120x128xf32, #tpu.memory_space<vmem_shared>>
    %dma_wait3A_510 = arith.constant 0 : i32
    %dma_wait3A_511 = arith.constant 0 : i32
    %dma_wait3A_512 = tpu.memref_slice %arg8[%dma_wait3A_510, %dma_wait3A_511] : memref<128x128xf32, #tpu.memory_space<vmem>> -> memref<120x128xf32, #tpu.memory_space<vmem>>
    %dma_wait3A_513 = arith.constant 0 : i32
    %dma_wait3A_514 = tpu.memref_slice %arg10[%add3A_504, %dma_wait3A_513] : memref<10112x128xf32, #tpu.memory_space<vmem_shared>> -> memref<120x128xf32, #tpu.memory_space<vmem_shared>>
    tpu.wait_dma2 semaphore(%arg11 : memref<!tpu.dma_semaphore, #tpu.memory_space<semaphore_mem>>) src(%dma_wait3A_514 : memref<120x128xf32, #tpu.memory_space<vmem_shared>>) dst(%dma_wait3A_512 : memref<120x128xf32, #tpu.memory_space<vmem>>)
    %add3A_515 = arith.constant 512 : i32
    %add3A_516 = arith.addi %mul3A_2, %add3A_515 : i32
    %dma_start3A_517 = arith.constant 0 : i32
    %dma_start3A_518 = arith.constant 0 : i32
    %dma_start3A_519 = tpu.memref_slice %arg8[%dma_start3A_517, %dma_start3A_518] : memref<128x128xf32, #tpu.memory_space<vmem>> -> memref<120x128xf32, #tpu.memory_space<vmem>>
    %dma_start3A_520 = arith.constant 0 : i32
    %dma_start3A_521 = tpu.memref_slice %arg5[%arg0, %add3A_516, %dma_start3A_520] : memref<2x10112x128xf32, #tpu.memory_space<hbm>> -> memref<1x120x128xf32, #tpu.memory_space<hbm>>
    %dma_start3A_522 = tpu.memref_squeeze %dma_start3A_521 : memref<1x120x128xf32, #tpu.memory_space<hbm>> -> memref<120x128xf32, #tpu.memory_space<hbm>>
    %dma_start3A_523 = arith.constant 0 : i32
    %dma_start3A_524 = tpu.memref_slice %arg5[%arg0, %add3A_516, %dma_start3A_523] : memref<2x10112x128xf32, #tpu.memory_space<hbm>> -> memref<1x120x128xf32, #tpu.memory_space<hbm>>
    %dma_start3A_525 = tpu.memref_squeeze %dma_start3A_524 : memref<1x120x128xf32, #tpu.memory_space<hbm>> -> memref<120x128xf32, #tpu.memory_space<hbm>>
    %dma_start3A_526 = arith.constant 0 : i32
    %dma_start3A_527 = arith.constant 0 : i32
    %dma_start3A_528 = tpu.memref_slice %arg8[%dma_start3A_526, %dma_start3A_527] : memref<128x128xf32, #tpu.memory_space<vmem>> -> memref<120x128xf32, #tpu.memory_space<vmem>>
    tpu.enqueue_dma source(%dma_start3A_528 : memref<120x128xf32, #tpu.memory_space<vmem>>) target(%dma_start3A_525 : memref<120x128xf32, #tpu.memory_space<hbm>>) target_semaphore(%arg13 : memref<!tpu.dma_semaphore, #tpu.memory_space<semaphore_mem>>)
    %add3A_529 = arith.constant 384 : i32
    %add3A_530 = arith.addi %mul3A_2, %add3A_529 : i32
    %dma_wait3A_531 = arith.constant 0 : i32
    %dma_wait3A_532 = arith.constant 0 : i32
    %dma_wait3A_533 = tpu.memref_slice %arg9[%dma_wait3A_531, %dma_wait3A_532] : memref<128x128xf32, #tpu.memory_space<vmem>> -> memref<128x128xf32, #tpu.memory_space<vmem>>
    %dma_wait3A_534 = arith.constant 0 : i32
    %dma_wait3A_535 = tpu.memref_slice %arg5[%arg0, %add3A_530, %dma_wait3A_534] : memref<2x10112x128xf32, #tpu.memory_space<hbm>> -> memref<1x128x128xf32, #tpu.memory_space<hbm>>
    %dma_wait3A_536 = tpu.memref_squeeze %dma_wait3A_535 : memref<1x128x128xf32, #tpu.memory_space<hbm>> -> memref<128x128xf32, #tpu.memory_space<hbm>>
    %dma_wait3A_537 = arith.constant 0 : i32
    %dma_wait3A_538 = tpu.memref_slice %arg5[%arg0, %add3A_530, %dma_wait3A_537] : memref<2x10112x128xf32, #tpu.memory_space<hbm>> -> memref<1x128x128xf32, #tpu.memory_space<hbm>>
    %dma_wait3A_539 = tpu.memref_squeeze %dma_wait3A_538 : memref<1x128x128xf32, #tpu.memory_space<hbm>> -> memref<128x128xf32, #tpu.memory_space<hbm>>
    %dma_wait3A_540 = arith.constant 0 : i32
    %dma_wait3A_541 = arith.constant 0 : i32
    %dma_wait3A_542 = tpu.memref_slice %arg9[%dma_wait3A_540, %dma_wait3A_541] : memref<128x128xf32, #tpu.memory_space<vmem>> -> memref<128x128xf32, #tpu.memory_space<vmem>>
    tpu.wait_dma2 semaphore(%arg14 : memref<!tpu.dma_semaphore, #tpu.memory_space<semaphore_mem>>) src(%dma_wait3A_542 : memref<128x128xf32, #tpu.memory_space<vmem>>) dst(%dma_wait3A_539 : memref<128x128xf32, #tpu.memory_space<hbm>>)
    %add3A_543 = arith.constant 512 : i32
    %add3A_544 = arith.addi %mul3A_2, %add3A_543 : i32
    %dma_wait3A_545 = arith.constant 0 : i32
    %dma_wait3A_546 = arith.constant 0 : i32
    %dma_wait3A_547 = tpu.memref_slice %arg8[%dma_wait3A_545, %dma_wait3A_546] : memref<128x128xf32, #tpu.memory_space<vmem>> -> memref<120x128xf32, #tpu.memory_space<vmem>>
    %dma_wait3A_548 = arith.constant 0 : i32
    %dma_wait3A_549 = tpu.memref_slice %arg5[%arg0, %add3A_544, %dma_wait3A_548] : memref<2x10112x128xf32, #tpu.memory_space<hbm>> -> memref<1x120x128xf32, #tpu.memory_space<hbm>>
    %dma_wait3A_550 = tpu.memref_squeeze %dma_wait3A_549 : memref<1x120x128xf32, #tpu.memory_space<hbm>> -> memref<120x128xf32, #tpu.memory_space<hbm>>
    %dma_wait3A_551 = arith.constant 0 : i32
    %dma_wait3A_552 = tpu.memref_slice %arg5[%arg0, %add3A_544, %dma_wait3A_551] : memref<2x10112x128xf32, #tpu.memory_space<hbm>> -> memref<1x120x128xf32, #tpu.memory_space<hbm>>
    %dma_wait3A_553 = tpu.memref_squeeze %dma_wait3A_552 : memref<1x120x128xf32, #tpu.memory_space<hbm>> -> memref<120x128xf32, #tpu.memory_space<hbm>>
    %dma_wait3A_554 = arith.constant 0 : i32
    %dma_wait3A_555 = arith.constant 0 : i32
    %dma_wait3A_556 = tpu.memref_slice %arg8[%dma_wait3A_554, %dma_wait3A_555] : memref<128x128xf32, #tpu.memory_space<vmem>> -> memref<120x128xf32, #tpu.memory_space<vmem>>
    tpu.wait_dma2 semaphore(%arg13 : memref<!tpu.dma_semaphore, #tpu.memory_space<semaphore_mem>>) src(%dma_wait3A_556 : memref<120x128xf32, #tpu.memory_space<vmem>>) dst(%dma_wait3A_553 : memref<120x128xf32, #tpu.memory_space<hbm>>)
    return
  }
}

#map = affine_map<(d0, d1) -> (0, 0)>
#map1 = affine_map<(d0, d1) -> (0, 0, 0)>
module attributes {stable_mosaic.version = 14 : i64} {
  func.func @k(%arg0: i32, %arg1: i32, %arg2: memref<10112x128xf32, #tpu.memory_space<hbm>>, %arg3: memref<32x80x128xi32, #tpu.memory_space<hbm>>, %arg4: memref<2x10112x128xf32, #tpu.memory_space<hbm>>, %arg5: memref<40x128xi32, #tpu.memory_space<vmem>>, %arg6: memref<128x128xf32, #tpu.memory_space<vmem>>, %arg7: memref<10112x128xf32, #tpu.memory_space<vmem_shared>>, %arg8: memref<!tpu.dma_semaphore, #tpu.memory_space<semaphore_mem>>, %arg9: memref<!tpu.dma_semaphore, #tpu.memory_space<semaphore_mem>>) attributes {dimension_semantics = [#tpu.dimension_semantics<core_parallel>, #tpu.dimension_semantics<subcore_parallel>], iteration_bounds = array<i64: 2, 16>, scalar_prefetch = 0 : i64, scratch_operands = 5 : i64, tpu.core_type = #tpu.core_type<sc_vector_subcore>, window_params = [{transform_indices = #map}, {transform_indices = #map1}, {transform_indices = #map1}]} {
    %mul3A = arith.constant 2 : i32
    %mul3A_0 = arith.muli %arg1, %mul3A : i32
    %add3A = arith.addi %mul3A_0, %arg0 : i32
    %mul3A_1 = arith.constant 632 : i32
    %mul3A_2 = arith.muli %arg1, %mul3A_1 : i32
    "tpu.region"() ({
      %run_scoped3A = tpu.sem_alloc : memref<!tpu.dma_semaphore, #tpu.memory_space<semaphore_mem>>
      %dma_start3A_101 = arith.constant 0 : i32
      %dma_start3A_102 = arith.constant 0 : i32
      %dma_start3A_103 = tpu.memref_slice %arg2[%dma_start3A_101, %dma_start3A_102] : memref<10112x128xf32, #tpu.memory_space<hbm>> -> memref<128x128xf32, #tpu.memory_space<hbm>>
      %dma_start3A_104 = arith.constant 0 : i32
      %dma_start3A_105 = arith.constant 0 : i32
      %dma_start3A_106 = tpu.memref_slice %arg2[%dma_start3A_104, %dma_start3A_105] : memref<10112x128xf32, #tpu.memory_space<hbm>> -> memref<128x128xf32, #tpu.memory_space<hbm>>
      tpu.enqueue_dma source(%dma_start3A_106 : memref<128x128xf32, #tpu.memory_space<hbm>>) target(%arg6 : memref<128x128xf32, #tpu.memory_space<vmem>>) target_semaphore(%run_scoped3A : memref<!tpu.dma_semaphore, #tpu.memory_space<semaphore_mem>>)
      %dma_wait3A_107 = arith.constant 0 : i32
      %dma_wait3A_108 = arith.constant 0 : i32
      %dma_wait3A_109 = tpu.memref_slice %arg2[%dma_wait3A_107, %dma_wait3A_108] : memref<10112x128xf32, #tpu.memory_space<hbm>> -> memref<128x128xf32, #tpu.memory_space<hbm>>
      %dma_wait3A_110 = arith.constant 0 : i32
      %dma_wait3A_111 = arith.constant 0 : i32
      %dma_wait3A_112 = tpu.memref_slice %arg2[%dma_wait3A_110, %dma_wait3A_111] : memref<10112x128xf32, #tpu.memory_space<hbm>> -> memref<128x128xf32, #tpu.memory_space<hbm>>
      tpu.wait_dma2 semaphore(%run_scoped3A : memref<!tpu.dma_semaphore, #tpu.memory_space<semaphore_mem>>) src(%dma_wait3A_112 : memref<128x128xf32, #tpu.memory_space<hbm>>) dst(%arg6 : memref<128x128xf32, #tpu.memory_space<vmem>>)
      tpu.yield
    }) : () -> ()
    %add3A_3 = arith.constant 0 : i32
    %add3A_4 = arith.addi %mul3A_2, %add3A_3 : i32
    "tpu.region"() ({
      %run_scoped3A = tpu.sem_alloc : memref<!tpu.dma_semaphore, #tpu.memory_space<semaphore_mem>>
      %dma_start3A_101 = arith.constant 0 : i32
      %dma_start3A_102 = arith.constant 0 : i32
      %dma_start3A_103 = tpu.memref_slice %arg6[%dma_start3A_101, %dma_start3A_102] : memref<128x128xf32, #tpu.memory_space<vmem>> -> memref<128x128xf32, #tpu.memory_space<vmem>>
      %dma_start3A_104 = arith.constant 0 : i32
      %dma_start3A_105 = tpu.memref_slice %arg7[%add3A_4, %dma_start3A_104] : memref<10112x128xf32, #tpu.memory_space<vmem_shared>> -> memref<128x128xf32, #tpu.memory_space<vmem_shared>>
      %dma_start3A_106 = arith.constant 0 : i32
      %dma_start3A_107 = tpu.memref_slice %arg7[%add3A_4, %dma_start3A_106] : memref<10112x128xf32, #tpu.memory_space<vmem_shared>> -> memref<128x128xf32, #tpu.memory_space<vmem_shared>>
      %dma_start3A_108 = arith.constant 0 : i32
      %dma_start3A_109 = arith.constant 0 : i32
      %dma_start3A_110 = tpu.memref_slice %arg6[%dma_start3A_108, %dma_start3A_109] : memref<128x128xf32, #tpu.memory_space<vmem>> -> memref<128x128xf32, #tpu.memory_space<vmem>>
      tpu.enqueue_dma source(%dma_start3A_110 : memref<128x128xf32, #tpu.memory_space<vmem>>) target(%dma_start3A_107 : memref<128x128xf32, #tpu.memory_space<vmem_shared>>) target_semaphore(%run_scoped3A : memref<!tpu.dma_semaphore, #tpu.memory_space<semaphore_mem>>)
      %dma_wait3A_111 = arith.constant 0 : i32
      %dma_wait3A_112 = arith.constant 0 : i32
      %dma_wait3A_113 = tpu.memref_slice %arg6[%dma_wait3A_111, %dma_wait3A_112] : memref<128x128xf32, #tpu.memory_space<vmem>> -> memref<128x128xf32, #tpu.memory_space<vmem>>
      %dma_wait3A_114 = arith.constant 0 : i32
      %dma_wait3A_115 = tpu.memref_slice %arg7[%add3A_4, %dma_wait3A_114] : memref<10112x128xf32, #tpu.memory_space<vmem_shared>> -> memref<128x128xf32, #tpu.memory_space<vmem_shared>>
      %dma_wait3A_116 = arith.constant 0 : i32
      %dma_wait3A_117 = tpu.memref_slice %arg7[%add3A_4, %dma_wait3A_116] : memref<10112x128xf32, #tpu.memory_space<vmem_shared>> -> memref<128x128xf32, #tpu.memory_space<vmem_shared>>
      %dma_wait3A_118 = arith.constant 0 : i32
      %dma_wait3A_119 = arith.constant 0 : i32
      %dma_wait3A_120 = tpu.memref_slice %arg6[%dma_wait3A_118, %dma_wait3A_119] : memref<128x128xf32, #tpu.memory_space<vmem>> -> memref<128x128xf32, #tpu.memory_space<vmem>>
      tpu.wait_dma2 semaphore(%run_scoped3A : memref<!tpu.dma_semaphore, #tpu.memory_space<semaphore_mem>>) src(%dma_wait3A_120 : memref<128x128xf32, #tpu.memory_space<vmem>>) dst(%dma_wait3A_117 : memref<128x128xf32, #tpu.memory_space<vmem_shared>>)
      tpu.yield
    }) : () -> ()
    %add3A_5 = arith.constant 128 : i32
    %add3A_6 = arith.addi %mul3A_2, %add3A_5 : i32
    "tpu.region"() ({
      %run_scoped3A = tpu.sem_alloc : memref<!tpu.dma_semaphore, #tpu.memory_space<semaphore_mem>>
      %dma_start3A_101 = arith.constant 0 : i32
      %dma_start3A_102 = arith.constant 0 : i32
      %dma_start3A_103 = tpu.memref_slice %arg6[%dma_start3A_101, %dma_start3A_102] : memref<128x128xf32, #tpu.memory_space<vmem>> -> memref<128x128xf32, #tpu.memory_space<vmem>>
      %dma_start3A_104 = arith.constant 0 : i32
      %dma_start3A_105 = tpu.memref_slice %arg7[%add3A_6, %dma_start3A_104] : memref<10112x128xf32, #tpu.memory_space<vmem_shared>> -> memref<128x128xf32, #tpu.memory_space<vmem_shared>>
      %dma_start3A_106 = arith.constant 0 : i32
      %dma_start3A_107 = tpu.memref_slice %arg7[%add3A_6, %dma_start3A_106] : memref<10112x128xf32, #tpu.memory_space<vmem_shared>> -> memref<128x128xf32, #tpu.memory_space<vmem_shared>>
      %dma_start3A_108 = arith.constant 0 : i32
      %dma_start3A_109 = arith.constant 0 : i32
      %dma_start3A_110 = tpu.memref_slice %arg6[%dma_start3A_108, %dma_start3A_109] : memref<128x128xf32, #tpu.memory_space<vmem>> -> memref<128x128xf32, #tpu.memory_space<vmem>>
      tpu.enqueue_dma source(%dma_start3A_110 : memref<128x128xf32, #tpu.memory_space<vmem>>) target(%dma_start3A_107 : memref<128x128xf32, #tpu.memory_space<vmem_shared>>) target_semaphore(%run_scoped3A : memref<!tpu.dma_semaphore, #tpu.memory_space<semaphore_mem>>)
      %dma_wait3A_111 = arith.constant 0 : i32
      %dma_wait3A_112 = arith.constant 0 : i32
      %dma_wait3A_113 = tpu.memref_slice %arg6[%dma_wait3A_111, %dma_wait3A_112] : memref<128x128xf32, #tpu.memory_space<vmem>> -> memref<128x128xf32, #tpu.memory_space<vmem>>
      %dma_wait3A_114 = arith.constant 0 : i32
      %dma_wait3A_115 = tpu.memref_slice %arg7[%add3A_6, %dma_wait3A_114] : memref<10112x128xf32, #tpu.memory_space<vmem_shared>> -> memref<128x128xf32, #tpu.memory_space<vmem_shared>>
      %dma_wait3A_116 = arith.constant 0 : i32
      %dma_wait3A_117 = tpu.memref_slice %arg7[%add3A_6, %dma_wait3A_116] : memref<10112x128xf32, #tpu.memory_space<vmem_shared>> -> memref<128x128xf32, #tpu.memory_space<vmem_shared>>
      %dma_wait3A_118 = arith.constant 0 : i32
      %dma_wait3A_119 = arith.constant 0 : i32
      %dma_wait3A_120 = tpu.memref_slice %arg6[%dma_wait3A_118, %dma_wait3A_119] : memref<128x128xf32, #tpu.memory_space<vmem>> -> memref<128x128xf32, #tpu.memory_space<vmem>>
      tpu.wait_dma2 semaphore(%run_scoped3A : memref<!tpu.dma_semaphore, #tpu.memory_space<semaphore_mem>>) src(%dma_wait3A_120 : memref<128x128xf32, #tpu.memory_space<vmem>>) dst(%dma_wait3A_117 : memref<128x128xf32, #tpu.memory_space<vmem_shared>>)
      tpu.yield
    }) : () -> ()
    %add3A_7 = arith.constant 256 : i32
    %add3A_8 = arith.addi %mul3A_2, %add3A_7 : i32
    "tpu.region"() ({
      %run_scoped3A = tpu.sem_alloc : memref<!tpu.dma_semaphore, #tpu.memory_space<semaphore_mem>>
      %dma_start3A_101 = arith.constant 0 : i32
      %dma_start3A_102 = arith.constant 0 : i32
      %dma_start3A_103 = tpu.memref_slice %arg6[%dma_start3A_101, %dma_start3A_102] : memref<128x128xf32, #tpu.memory_space<vmem>> -> memref<128x128xf32, #tpu.memory_space<vmem>>
      %dma_start3A_104 = arith.constant 0 : i32
      %dma_start3A_105 = tpu.memref_slice %arg7[%add3A_8, %dma_start3A_104] : memref<10112x128xf32, #tpu.memory_space<vmem_shared>> -> memref<128x128xf32, #tpu.memory_space<vmem_shared>>
      %dma_start3A_106 = arith.constant 0 : i32
      %dma_start3A_107 = tpu.memref_slice %arg7[%add3A_8, %dma_start3A_106] : memref<10112x128xf32, #tpu.memory_space<vmem_shared>> -> memref<128x128xf32, #tpu.memory_space<vmem_shared>>
      %dma_start3A_108 = arith.constant 0 : i32
      %dma_start3A_109 = arith.constant 0 : i32
      %dma_start3A_110 = tpu.memref_slice %arg6[%dma_start3A_108, %dma_start3A_109] : memref<128x128xf32, #tpu.memory_space<vmem>> -> memref<128x128xf32, #tpu.memory_space<vmem>>
      tpu.enqueue_dma source(%dma_start3A_110 : memref<128x128xf32, #tpu.memory_space<vmem>>) target(%dma_start3A_107 : memref<128x128xf32, #tpu.memory_space<vmem_shared>>) target_semaphore(%run_scoped3A : memref<!tpu.dma_semaphore, #tpu.memory_space<semaphore_mem>>)
      %dma_wait3A_111 = arith.constant 0 : i32
      %dma_wait3A_112 = arith.constant 0 : i32
      %dma_wait3A_113 = tpu.memref_slice %arg6[%dma_wait3A_111, %dma_wait3A_112] : memref<128x128xf32, #tpu.memory_space<vmem>> -> memref<128x128xf32, #tpu.memory_space<vmem>>
      %dma_wait3A_114 = arith.constant 0 : i32
      %dma_wait3A_115 = tpu.memref_slice %arg7[%add3A_8, %dma_wait3A_114] : memref<10112x128xf32, #tpu.memory_space<vmem_shared>> -> memref<128x128xf32, #tpu.memory_space<vmem_shared>>
      %dma_wait3A_116 = arith.constant 0 : i32
      %dma_wait3A_117 = tpu.memref_slice %arg7[%add3A_8, %dma_wait3A_116] : memref<10112x128xf32, #tpu.memory_space<vmem_shared>> -> memref<128x128xf32, #tpu.memory_space<vmem_shared>>
      %dma_wait3A_118 = arith.constant 0 : i32
      %dma_wait3A_119 = arith.constant 0 : i32
      %dma_wait3A_120 = tpu.memref_slice %arg6[%dma_wait3A_118, %dma_wait3A_119] : memref<128x128xf32, #tpu.memory_space<vmem>> -> memref<128x128xf32, #tpu.memory_space<vmem>>
      tpu.wait_dma2 semaphore(%run_scoped3A : memref<!tpu.dma_semaphore, #tpu.memory_space<semaphore_mem>>) src(%dma_wait3A_120 : memref<128x128xf32, #tpu.memory_space<vmem>>) dst(%dma_wait3A_117 : memref<128x128xf32, #tpu.memory_space<vmem_shared>>)
      tpu.yield
    }) : () -> ()
    %add3A_9 = arith.constant 384 : i32
    %add3A_10 = arith.addi %mul3A_2, %add3A_9 : i32
    "tpu.region"() ({
      %run_scoped3A = tpu.sem_alloc : memref<!tpu.dma_semaphore, #tpu.memory_space<semaphore_mem>>
      %dma_start3A_101 = arith.constant 0 : i32
      %dma_start3A_102 = arith.constant 0 : i32
      %dma_start3A_103 = tpu.memref_slice %arg6[%dma_start3A_101, %dma_start3A_102] : memref<128x128xf32, #tpu.memory_space<vmem>> -> memref<128x128xf32, #tpu.memory_space<vmem>>
      %dma_start3A_104 = arith.constant 0 : i32
      %dma_start3A_105 = tpu.memref_slice %arg7[%add3A_10, %dma_start3A_104] : memref<10112x128xf32, #tpu.memory_space<vmem_shared>> -> memref<128x128xf32, #tpu.memory_space<vmem_shared>>
      %dma_start3A_106 = arith.constant 0 : i32
      %dma_start3A_107 = tpu.memref_slice %arg7[%add3A_10, %dma_start3A_106] : memref<10112x128xf32, #tpu.memory_space<vmem_shared>> -> memref<128x128xf32, #tpu.memory_space<vmem_shared>>
      %dma_start3A_108 = arith.constant 0 : i32
      %dma_start3A_109 = arith.constant 0 : i32
      %dma_start3A_110 = tpu.memref_slice %arg6[%dma_start3A_108, %dma_start3A_109] : memref<128x128xf32, #tpu.memory_space<vmem>> -> memref<128x128xf32, #tpu.memory_space<vmem>>
      tpu.enqueue_dma source(%dma_start3A_110 : memref<128x128xf32, #tpu.memory_space<vmem>>) target(%dma_start3A_107 : memref<128x128xf32, #tpu.memory_space<vmem_shared>>) target_semaphore(%run_scoped3A : memref<!tpu.dma_semaphore, #tpu.memory_space<semaphore_mem>>)
      %dma_wait3A_111 = arith.constant 0 : i32
      %dma_wait3A_112 = arith.constant 0 : i32
      %dma_wait3A_113 = tpu.memref_slice %arg6[%dma_wait3A_111, %dma_wait3A_112] : memref<128x128xf32, #tpu.memory_space<vmem>> -> memref<128x128xf32, #tpu.memory_space<vmem>>
      %dma_wait3A_114 = arith.constant 0 : i32
      %dma_wait3A_115 = tpu.memref_slice %arg7[%add3A_10, %dma_wait3A_114] : memref<10112x128xf32, #tpu.memory_space<vmem_shared>> -> memref<128x128xf32, #tpu.memory_space<vmem_shared>>
      %dma_wait3A_116 = arith.constant 0 : i32
      %dma_wait3A_117 = tpu.memref_slice %arg7[%add3A_10, %dma_wait3A_116] : memref<10112x128xf32, #tpu.memory_space<vmem_shared>> -> memref<128x128xf32, #tpu.memory_space<vmem_shared>>
      %dma_wait3A_118 = arith.constant 0 : i32
      %dma_wait3A_119 = arith.constant 0 : i32
      %dma_wait3A_120 = tpu.memref_slice %arg6[%dma_wait3A_118, %dma_wait3A_119] : memref<128x128xf32, #tpu.memory_space<vmem>> -> memref<128x128xf32, #tpu.memory_space<vmem>>
      tpu.wait_dma2 semaphore(%run_scoped3A : memref<!tpu.dma_semaphore, #tpu.memory_space<semaphore_mem>>) src(%dma_wait3A_120 : memref<128x128xf32, #tpu.memory_space<vmem>>) dst(%dma_wait3A_117 : memref<128x128xf32, #tpu.memory_space<vmem_shared>>)
      tpu.yield
    }) : () -> ()
    %add3A_11 = arith.constant 512 : i32
    %add3A_12 = arith.addi %mul3A_2, %add3A_11 : i32
    "tpu.region"() ({
      %run_scoped3A = tpu.sem_alloc : memref<!tpu.dma_semaphore, #tpu.memory_space<semaphore_mem>>
      %dma_start3A_101 = arith.constant 0 : i32
      %dma_start3A_102 = arith.constant 0 : i32
      %dma_start3A_103 = tpu.memref_slice %arg6[%dma_start3A_101, %dma_start3A_102] : memref<128x128xf32, #tpu.memory_space<vmem>> -> memref<120x128xf32, #tpu.memory_space<vmem>>
      %dma_start3A_104 = arith.constant 0 : i32
      %dma_start3A_105 = tpu.memref_slice %arg7[%add3A_12, %dma_start3A_104] : memref<10112x128xf32, #tpu.memory_space<vmem_shared>> -> memref<120x128xf32, #tpu.memory_space<vmem_shared>>
      %dma_start3A_106 = arith.constant 0 : i32
      %dma_start3A_107 = tpu.memref_slice %arg7[%add3A_12, %dma_start3A_106] : memref<10112x128xf32, #tpu.memory_space<vmem_shared>> -> memref<120x128xf32, #tpu.memory_space<vmem_shared>>
      %dma_start3A_108 = arith.constant 0 : i32
      %dma_start3A_109 = arith.constant 0 : i32
      %dma_start3A_110 = tpu.memref_slice %arg6[%dma_start3A_108, %dma_start3A_109] : memref<128x128xf32, #tpu.memory_space<vmem>> -> memref<120x128xf32, #tpu.memory_space<vmem>>
      tpu.enqueue_dma source(%dma_start3A_110 : memref<120x128xf32, #tpu.memory_space<vmem>>) target(%dma_start3A_107 : memref<120x128xf32, #tpu.memory_space<vmem_shared>>) target_semaphore(%run_scoped3A : memref<!tpu.dma_semaphore, #tpu.memory_space<semaphore_mem>>)
      %dma_wait3A_111 = arith.constant 0 : i32
      %dma_wait3A_112 = arith.constant 0 : i32
      %dma_wait3A_113 = tpu.memref_slice %arg6[%dma_wait3A_111, %dma_wait3A_112] : memref<128x128xf32, #tpu.memory_space<vmem>> -> memref<120x128xf32, #tpu.memory_space<vmem>>
      %dma_wait3A_114 = arith.constant 0 : i32
      %dma_wait3A_115 = tpu.memref_slice %arg7[%add3A_12, %dma_wait3A_114] : memref<10112x128xf32, #tpu.memory_space<vmem_shared>> -> memref<120x128xf32, #tpu.memory_space<vmem_shared>>
      %dma_wait3A_116 = arith.constant 0 : i32
      %dma_wait3A_117 = tpu.memref_slice %arg7[%add3A_12, %dma_wait3A_116] : memref<10112x128xf32, #tpu.memory_space<vmem_shared>> -> memref<120x128xf32, #tpu.memory_space<vmem_shared>>
      %dma_wait3A_118 = arith.constant 0 : i32
      %dma_wait3A_119 = arith.constant 0 : i32
      %dma_wait3A_120 = tpu.memref_slice %arg6[%dma_wait3A_118, %dma_wait3A_119] : memref<128x128xf32, #tpu.memory_space<vmem>> -> memref<120x128xf32, #tpu.memory_space<vmem>>
      tpu.wait_dma2 semaphore(%run_scoped3A : memref<!tpu.dma_semaphore, #tpu.memory_space<semaphore_mem>>) src(%dma_wait3A_120 : memref<120x128xf32, #tpu.memory_space<vmem>>) dst(%dma_wait3A_117 : memref<120x128xf32, #tpu.memory_space<vmem_shared>>)
      tpu.yield
    }) : () -> ()
    %barrier3A = arith.constant 0 : index
    tpu.barrier barrier_id(%barrier3A)
    "tpu.region"() ({
      %run_scoped3A = tpu.sem_alloc : memref<!tpu.dma_semaphore, #tpu.memory_space<semaphore_mem>>
      %dma_start3A_101 = arith.constant 0 : i32
      %dma_start3A_102 = arith.constant 0 : i32
      %dma_start3A_103 = tpu.memref_slice %arg3[%add3A, %dma_start3A_101, %dma_start3A_102] : memref<32x80x128xi32, #tpu.memory_space<hbm>> -> memref<1x40x128xi32, #tpu.memory_space<hbm>>
      %dma_start3A_104 = tpu.memref_squeeze %dma_start3A_103 : memref<1x40x128xi32, #tpu.memory_space<hbm>> -> memref<40x128xi32, #tpu.memory_space<hbm>>
      %dma_start3A_105 = arith.constant 0 : i32
      %dma_start3A_106 = arith.constant 0 : i32
      %dma_start3A_107 = tpu.memref_slice %arg3[%add3A, %dma_start3A_105, %dma_start3A_106] : memref<32x80x128xi32, #tpu.memory_space<hbm>> -> memref<1x40x128xi32, #tpu.memory_space<hbm>>
      %dma_start3A_108 = tpu.memref_squeeze %dma_start3A_107 : memref<1x40x128xi32, #tpu.memory_space<hbm>> -> memref<40x128xi32, #tpu.memory_space<hbm>>
      tpu.enqueue_dma source(%dma_start3A_108 : memref<40x128xi32, #tpu.memory_space<hbm>>) target(%arg5 : memref<40x128xi32, #tpu.memory_space<vmem>>) target_semaphore(%run_scoped3A : memref<!tpu.dma_semaphore, #tpu.memory_space<semaphore_mem>>)
      %dma_wait3A_109 = arith.constant 0 : i32
      %dma_wait3A_110 = arith.constant 0 : i32
      %dma_wait3A_111 = tpu.memref_slice %arg3[%add3A, %dma_wait3A_109, %dma_wait3A_110] : memref<32x80x128xi32, #tpu.memory_space<hbm>> -> memref<1x40x128xi32, #tpu.memory_space<hbm>>
      %dma_wait3A_112 = tpu.memref_squeeze %dma_wait3A_111 : memref<1x40x128xi32, #tpu.memory_space<hbm>> -> memref<40x128xi32, #tpu.memory_space<hbm>>
      %dma_wait3A_113 = arith.constant 0 : i32
      %dma_wait3A_114 = arith.constant 0 : i32
      %dma_wait3A_115 = tpu.memref_slice %arg3[%add3A, %dma_wait3A_113, %dma_wait3A_114] : memref<32x80x128xi32, #tpu.memory_space<hbm>> -> memref<1x40x128xi32, #tpu.memory_space<hbm>>
      %dma_wait3A_116 = tpu.memref_squeeze %dma_wait3A_115 : memref<1x40x128xi32, #tpu.memory_space<hbm>> -> memref<40x128xi32, #tpu.memory_space<hbm>>
      tpu.wait_dma2 semaphore(%run_scoped3A : memref<!tpu.dma_semaphore, #tpu.memory_space<semaphore_mem>>) src(%dma_wait3A_116 : memref<40x128xi32, #tpu.memory_space<hbm>>) dst(%arg5 : memref<40x128xi32, #tpu.memory_space<vmem>>)
      tpu.yield
    }) : () -> ()
    %dma_start3A = arith.constant 0 : i32
    %dma_start3A_13 = arith.constant 0 : i32
    %dma_start3A_14 = tpu.memref_slice %arg5[%dma_start3A, %dma_start3A_13] : memref<40x128xi32, #tpu.memory_space<vmem>> -> memref<1x128xi32, #tpu.memory_space<vmem>>
    %dma_start3A_15 = tpu.memref_squeeze %dma_start3A_14 : memref<1x128xi32, #tpu.memory_space<vmem>> -> memref<128xi32, #tpu.memory_space<vmem>>
    %dma_start3A_16 = arith.constant 0 : i32
    %dma_start3A_17 = arith.constant 0 : i32
    %dma_start3A_18 = tpu.memref_slice %arg7[%dma_start3A_16, %dma_start3A_17] : memref<10112x128xf32, #tpu.memory_space<vmem_shared>> -> memref<10112x128xf32, #tpu.memory_space<vmem_shared>>
    tpu.enqueue_indirect_dma source(%arg6 : memref<128x128xf32, #tpu.memory_space<vmem>>) target(%dma_start3A_18 : memref<10112x128xf32, #tpu.memory_space<vmem_shared>>) offsets(%dma_start3A_15 : memref<128xi32, #tpu.memory_space<vmem>>) semaphore(%arg8 : memref<!tpu.dma_semaphore, #tpu.memory_space<semaphore_mem>>) {add = true}
    %dma_start3A_19 = arith.constant 1 : i32
    %dma_start3A_20 = arith.constant 0 : i32
    %dma_start3A_21 = tpu.memref_slice %arg5[%dma_start3A_19, %dma_start3A_20] : memref<40x128xi32, #tpu.memory_space<vmem>> -> memref<1x128xi32, #tpu.memory_space<vmem>>
    %dma_start3A_22 = tpu.memref_squeeze %dma_start3A_21 : memref<1x128xi32, #tpu.memory_space<vmem>> -> memref<128xi32, #tpu.memory_space<vmem>>
    %dma_start3A_23 = arith.constant 0 : i32
    %dma_start3A_24 = arith.constant 0 : i32
    %dma_start3A_25 = tpu.memref_slice %arg7[%dma_start3A_23, %dma_start3A_24] : memref<10112x128xf32, #tpu.memory_space<vmem_shared>> -> memref<10112x128xf32, #tpu.memory_space<vmem_shared>>
    tpu.enqueue_indirect_dma source(%arg6 : memref<128x128xf32, #tpu.memory_space<vmem>>) target(%dma_start3A_25 : memref<10112x128xf32, #tpu.memory_space<vmem_shared>>) offsets(%dma_start3A_22 : memref<128xi32, #tpu.memory_space<vmem>>) semaphore(%arg9 : memref<!tpu.dma_semaphore, #tpu.memory_space<semaphore_mem>>) {add = true}
    %scan3A = arith.constant 0 : i32
    %scan3A_26 = arith.constant 1 : i32
    %scan3A_27 = arith.constant 19 : i32
    %scan3A_28 = arith.addi %scan3A_26, %scan3A_27 : i32
    %scan3A_29 = arith.constant 1 : i32
    %scan3A_30 = scf.for %scan3A_101 = %scan3A_26 to %scan3A_28 step %scan3A_29 iter_args(%scan3A_102 = %scan3A) -> (i32)  : i32 {
      %mul3A_103 = arith.constant 2 : i32
      %mul3A_104 = arith.muli %mul3A_103, %scan3A_101 : i32
      %add3A_105 = arith.constant 0 : i32
      %add3A_106 = arith.addi %mul3A_104, %add3A_105 : i32
      %dma_wait3A_107 = arith.constant 0 : i32
      %dma_wait3A_108 = tpu.memref_slice %arg5[%add3A_106, %dma_wait3A_107] : memref<40x128xi32, #tpu.memory_space<vmem>> -> memref<1x128xi32, #tpu.memory_space<vmem>>
      %dma_wait3A_109 = tpu.memref_squeeze %dma_wait3A_108 : memref<1x128xi32, #tpu.memory_space<vmem>> -> memref<128xi32, #tpu.memory_space<vmem>>
      %dma_wait3A_110 = arith.constant 0 : i32
      %dma_wait3A_111 = arith.constant 0 : i32
      %dma_wait3A_112 = tpu.memref_slice %arg7[%dma_wait3A_110, %dma_wait3A_111] : memref<10112x128xf32, #tpu.memory_space<vmem_shared>> -> memref<10112x128xf32, #tpu.memory_space<vmem_shared>>
      tpu.wait_indirect_dma semaphore(%arg8 : memref<!tpu.dma_semaphore, #tpu.memory_space<semaphore_mem>>) src(%arg6 : memref<128x128xf32, #tpu.memory_space<vmem>>) dst(%dma_wait3A_112 : memref<10112x128xf32, #tpu.memory_space<vmem_shared>>)
      %dma_start3A_113 = arith.constant 0 : i32
      %dma_start3A_114 = tpu.memref_slice %arg5[%add3A_106, %dma_start3A_113] : memref<40x128xi32, #tpu.memory_space<vmem>> -> memref<1x128xi32, #tpu.memory_space<vmem>>
      %dma_start3A_115 = tpu.memref_squeeze %dma_start3A_114 : memref<1x128xi32, #tpu.memory_space<vmem>> -> memref<128xi32, #tpu.memory_space<vmem>>
      %dma_start3A_116 = arith.constant 0 : i32
      %dma_start3A_117 = arith.constant 0 : i32
      %dma_start3A_118 = tpu.memref_slice %arg7[%dma_start3A_116, %dma_start3A_117] : memref<10112x128xf32, #tpu.memory_space<vmem_shared>> -> memref<10112x128xf32, #tpu.memory_space<vmem_shared>>
      tpu.enqueue_indirect_dma source(%arg6 : memref<128x128xf32, #tpu.memory_space<vmem>>) target(%dma_start3A_118 : memref<10112x128xf32, #tpu.memory_space<vmem_shared>>) offsets(%dma_start3A_115 : memref<128xi32, #tpu.memory_space<vmem>>) semaphore(%arg8 : memref<!tpu.dma_semaphore, #tpu.memory_space<semaphore_mem>>) {add = true}
      %mul3A_119 = arith.constant 2 : i32
      %mul3A_120 = arith.muli %mul3A_119, %scan3A_101 : i32
      %add3A_121 = arith.constant 1 : i32
      %add3A_122 = arith.addi %mul3A_120, %add3A_121 : i32
      %dma_wait3A_123 = arith.constant 0 : i32
      %dma_wait3A_124 = tpu.memref_slice %arg5[%add3A_122, %dma_wait3A_123] : memref<40x128xi32, #tpu.memory_space<vmem>> -> memref<1x128xi32, #tpu.memory_space<vmem>>
      %dma_wait3A_125 = tpu.memref_squeeze %dma_wait3A_124 : memref<1x128xi32, #tpu.memory_space<vmem>> -> memref<128xi32, #tpu.memory_space<vmem>>
      %dma_wait3A_126 = arith.constant 0 : i32
      %dma_wait3A_127 = arith.constant 0 : i32
      %dma_wait3A_128 = tpu.memref_slice %arg7[%dma_wait3A_126, %dma_wait3A_127] : memref<10112x128xf32, #tpu.memory_space<vmem_shared>> -> memref<10112x128xf32, #tpu.memory_space<vmem_shared>>
      tpu.wait_indirect_dma semaphore(%arg9 : memref<!tpu.dma_semaphore, #tpu.memory_space<semaphore_mem>>) src(%arg6 : memref<128x128xf32, #tpu.memory_space<vmem>>) dst(%dma_wait3A_128 : memref<10112x128xf32, #tpu.memory_space<vmem_shared>>)
      %dma_start3A_129 = arith.constant 0 : i32
      %dma_start3A_130 = tpu.memref_slice %arg5[%add3A_122, %dma_start3A_129] : memref<40x128xi32, #tpu.memory_space<vmem>> -> memref<1x128xi32, #tpu.memory_space<vmem>>
      %dma_start3A_131 = tpu.memref_squeeze %dma_start3A_130 : memref<1x128xi32, #tpu.memory_space<vmem>> -> memref<128xi32, #tpu.memory_space<vmem>>
      %dma_start3A_132 = arith.constant 0 : i32
      %dma_start3A_133 = arith.constant 0 : i32
      %dma_start3A_134 = tpu.memref_slice %arg7[%dma_start3A_132, %dma_start3A_133] : memref<10112x128xf32, #tpu.memory_space<vmem_shared>> -> memref<10112x128xf32, #tpu.memory_space<vmem_shared>>
      tpu.enqueue_indirect_dma source(%arg6 : memref<128x128xf32, #tpu.memory_space<vmem>>) target(%dma_start3A_134 : memref<10112x128xf32, #tpu.memory_space<vmem_shared>>) offsets(%dma_start3A_131 : memref<128xi32, #tpu.memory_space<vmem>>) semaphore(%arg9 : memref<!tpu.dma_semaphore, #tpu.memory_space<semaphore_mem>>) {add = true}
      %scan3A_135 = arith.constant 0 : i32
      scf.yield %scan3A_135 : i32
    }
    %scan3A_31 = arith.constant 19 : i32
    %dma_wait3A = arith.constant 38 : i32
    %dma_wait3A_32 = arith.constant 0 : i32
    %dma_wait3A_33 = tpu.memref_slice %arg5[%dma_wait3A, %dma_wait3A_32] : memref<40x128xi32, #tpu.memory_space<vmem>> -> memref<1x128xi32, #tpu.memory_space<vmem>>
    %dma_wait3A_34 = tpu.memref_squeeze %dma_wait3A_33 : memref<1x128xi32, #tpu.memory_space<vmem>> -> memref<128xi32, #tpu.memory_space<vmem>>
    %dma_wait3A_35 = arith.constant 0 : i32
    %dma_wait3A_36 = arith.constant 0 : i32
    %dma_wait3A_37 = tpu.memref_slice %arg7[%dma_wait3A_35, %dma_wait3A_36] : memref<10112x128xf32, #tpu.memory_space<vmem_shared>> -> memref<10112x128xf32, #tpu.memory_space<vmem_shared>>
    tpu.wait_indirect_dma semaphore(%arg8 : memref<!tpu.dma_semaphore, #tpu.memory_space<semaphore_mem>>) src(%arg6 : memref<128x128xf32, #tpu.memory_space<vmem>>) dst(%dma_wait3A_37 : memref<10112x128xf32, #tpu.memory_space<vmem_shared>>)
    %dma_wait3A_38 = arith.constant 39 : i32
    %dma_wait3A_39 = arith.constant 0 : i32
    %dma_wait3A_40 = tpu.memref_slice %arg5[%dma_wait3A_38, %dma_wait3A_39] : memref<40x128xi32, #tpu.memory_space<vmem>> -> memref<1x128xi32, #tpu.memory_space<vmem>>
    %dma_wait3A_41 = tpu.memref_squeeze %dma_wait3A_40 : memref<1x128xi32, #tpu.memory_space<vmem>> -> memref<128xi32, #tpu.memory_space<vmem>>
    %dma_wait3A_42 = arith.constant 0 : i32
    %dma_wait3A_43 = arith.constant 0 : i32
    %dma_wait3A_44 = tpu.memref_slice %arg7[%dma_wait3A_42, %dma_wait3A_43] : memref<10112x128xf32, #tpu.memory_space<vmem_shared>> -> memref<10112x128xf32, #tpu.memory_space<vmem_shared>>
    tpu.wait_indirect_dma semaphore(%arg9 : memref<!tpu.dma_semaphore, #tpu.memory_space<semaphore_mem>>) src(%arg6 : memref<128x128xf32, #tpu.memory_space<vmem>>) dst(%dma_wait3A_44 : memref<10112x128xf32, #tpu.memory_space<vmem_shared>>)
    "tpu.region"() ({
      %run_scoped3A = tpu.sem_alloc : memref<!tpu.dma_semaphore, #tpu.memory_space<semaphore_mem>>
      %dma_start3A_101 = arith.constant 40 : i32
      %dma_start3A_102 = arith.constant 0 : i32
      %dma_start3A_103 = tpu.memref_slice %arg3[%add3A, %dma_start3A_101, %dma_start3A_102] : memref<32x80x128xi32, #tpu.memory_space<hbm>> -> memref<1x40x128xi32, #tpu.memory_space<hbm>>
      %dma_start3A_104 = tpu.memref_squeeze %dma_start3A_103 : memref<1x40x128xi32, #tpu.memory_space<hbm>> -> memref<40x128xi32, #tpu.memory_space<hbm>>
      %dma_start3A_105 = arith.constant 40 : i32
      %dma_start3A_106 = arith.constant 0 : i32
      %dma_start3A_107 = tpu.memref_slice %arg3[%add3A, %dma_start3A_105, %dma_start3A_106] : memref<32x80x128xi32, #tpu.memory_space<hbm>> -> memref<1x40x128xi32, #tpu.memory_space<hbm>>
      %dma_start3A_108 = tpu.memref_squeeze %dma_start3A_107 : memref<1x40x128xi32, #tpu.memory_space<hbm>> -> memref<40x128xi32, #tpu.memory_space<hbm>>
      tpu.enqueue_dma source(%dma_start3A_108 : memref<40x128xi32, #tpu.memory_space<hbm>>) target(%arg5 : memref<40x128xi32, #tpu.memory_space<vmem>>) target_semaphore(%run_scoped3A : memref<!tpu.dma_semaphore, #tpu.memory_space<semaphore_mem>>)
      %dma_wait3A_109 = arith.constant 40 : i32
      %dma_wait3A_110 = arith.constant 0 : i32
      %dma_wait3A_111 = tpu.memref_slice %arg3[%add3A, %dma_wait3A_109, %dma_wait3A_110] : memref<32x80x128xi32, #tpu.memory_space<hbm>> -> memref<1x40x128xi32, #tpu.memory_space<hbm>>
      %dma_wait3A_112 = tpu.memref_squeeze %dma_wait3A_111 : memref<1x40x128xi32, #tpu.memory_space<hbm>> -> memref<40x128xi32, #tpu.memory_space<hbm>>
      %dma_wait3A_113 = arith.constant 40 : i32
      %dma_wait3A_114 = arith.constant 0 : i32
      %dma_wait3A_115 = tpu.memref_slice %arg3[%add3A, %dma_wait3A_113, %dma_wait3A_114] : memref<32x80x128xi32, #tpu.memory_space<hbm>> -> memref<1x40x128xi32, #tpu.memory_space<hbm>>
      %dma_wait3A_116 = tpu.memref_squeeze %dma_wait3A_115 : memref<1x40x128xi32, #tpu.memory_space<hbm>> -> memref<40x128xi32, #tpu.memory_space<hbm>>
      tpu.wait_dma2 semaphore(%run_scoped3A : memref<!tpu.dma_semaphore, #tpu.memory_space<semaphore_mem>>) src(%dma_wait3A_116 : memref<40x128xi32, #tpu.memory_space<hbm>>) dst(%arg5 : memref<40x128xi32, #tpu.memory_space<vmem>>)
      tpu.yield
    }) : () -> ()
    %dma_start3A_45 = arith.constant 0 : i32
    %dma_start3A_46 = arith.constant 0 : i32
    %dma_start3A_47 = tpu.memref_slice %arg5[%dma_start3A_45, %dma_start3A_46] : memref<40x128xi32, #tpu.memory_space<vmem>> -> memref<1x128xi32, #tpu.memory_space<vmem>>
    %dma_start3A_48 = tpu.memref_squeeze %dma_start3A_47 : memref<1x128xi32, #tpu.memory_space<vmem>> -> memref<128xi32, #tpu.memory_space<vmem>>
    %dma_start3A_49 = arith.constant 0 : i32
    %dma_start3A_50 = arith.constant 0 : i32
    %dma_start3A_51 = tpu.memref_slice %arg7[%dma_start3A_49, %dma_start3A_50] : memref<10112x128xf32, #tpu.memory_space<vmem_shared>> -> memref<10112x128xf32, #tpu.memory_space<vmem_shared>>
    tpu.enqueue_indirect_dma source(%arg6 : memref<128x128xf32, #tpu.memory_space<vmem>>) target(%dma_start3A_51 : memref<10112x128xf32, #tpu.memory_space<vmem_shared>>) offsets(%dma_start3A_48 : memref<128xi32, #tpu.memory_space<vmem>>) semaphore(%arg8 : memref<!tpu.dma_semaphore, #tpu.memory_space<semaphore_mem>>) {add = true}
    %dma_start3A_52 = arith.constant 1 : i32
    %dma_start3A_53 = arith.constant 0 : i32
    %dma_start3A_54 = tpu.memref_slice %arg5[%dma_start3A_52, %dma_start3A_53] : memref<40x128xi32, #tpu.memory_space<vmem>> -> memref<1x128xi32, #tpu.memory_space<vmem>>
    %dma_start3A_55 = tpu.memref_squeeze %dma_start3A_54 : memref<1x128xi32, #tpu.memory_space<vmem>> -> memref<128xi32, #tpu.memory_space<vmem>>
    %dma_start3A_56 = arith.constant 0 : i32
    %dma_start3A_57 = arith.constant 0 : i32
    %dma_start3A_58 = tpu.memref_slice %arg7[%dma_start3A_56, %dma_start3A_57] : memref<10112x128xf32, #tpu.memory_space<vmem_shared>> -> memref<10112x128xf32, #tpu.memory_space<vmem_shared>>
    tpu.enqueue_indirect_dma source(%arg6 : memref<128x128xf32, #tpu.memory_space<vmem>>) target(%dma_start3A_58 : memref<10112x128xf32, #tpu.memory_space<vmem_shared>>) offsets(%dma_start3A_55 : memref<128xi32, #tpu.memory_space<vmem>>) semaphore(%arg9 : memref<!tpu.dma_semaphore, #tpu.memory_space<semaphore_mem>>) {add = true}
    %scan3A_59 = arith.constant 0 : i32
    %scan3A_60 = arith.constant 1 : i32
    %scan3A_61 = arith.constant 19 : i32
    %scan3A_62 = arith.addi %scan3A_60, %scan3A_61 : i32
    %scan3A_63 = arith.constant 1 : i32
    %scan3A_64 = scf.for %scan3A_101 = %scan3A_60 to %scan3A_62 step %scan3A_63 iter_args(%scan3A_102 = %scan3A_59) -> (i32)  : i32 {
      %mul3A_103 = arith.constant 2 : i32
      %mul3A_104 = arith.muli %mul3A_103, %scan3A_101 : i32
      %add3A_105 = arith.constant 0 : i32
      %add3A_106 = arith.addi %mul3A_104, %add3A_105 : i32
      %dma_wait3A_107 = arith.constant 0 : i32
      %dma_wait3A_108 = tpu.memref_slice %arg5[%add3A_106, %dma_wait3A_107] : memref<40x128xi32, #tpu.memory_space<vmem>> -> memref<1x128xi32, #tpu.memory_space<vmem>>
      %dma_wait3A_109 = tpu.memref_squeeze %dma_wait3A_108 : memref<1x128xi32, #tpu.memory_space<vmem>> -> memref<128xi32, #tpu.memory_space<vmem>>
      %dma_wait3A_110 = arith.constant 0 : i32
      %dma_wait3A_111 = arith.constant 0 : i32
      %dma_wait3A_112 = tpu.memref_slice %arg7[%dma_wait3A_110, %dma_wait3A_111] : memref<10112x128xf32, #tpu.memory_space<vmem_shared>> -> memref<10112x128xf32, #tpu.memory_space<vmem_shared>>
      tpu.wait_indirect_dma semaphore(%arg8 : memref<!tpu.dma_semaphore, #tpu.memory_space<semaphore_mem>>) src(%arg6 : memref<128x128xf32, #tpu.memory_space<vmem>>) dst(%dma_wait3A_112 : memref<10112x128xf32, #tpu.memory_space<vmem_shared>>)
      %dma_start3A_113 = arith.constant 0 : i32
      %dma_start3A_114 = tpu.memref_slice %arg5[%add3A_106, %dma_start3A_113] : memref<40x128xi32, #tpu.memory_space<vmem>> -> memref<1x128xi32, #tpu.memory_space<vmem>>
      %dma_start3A_115 = tpu.memref_squeeze %dma_start3A_114 : memref<1x128xi32, #tpu.memory_space<vmem>> -> memref<128xi32, #tpu.memory_space<vmem>>
      %dma_start3A_116 = arith.constant 0 : i32
      %dma_start3A_117 = arith.constant 0 : i32
      %dma_start3A_118 = tpu.memref_slice %arg7[%dma_start3A_116, %dma_start3A_117] : memref<10112x128xf32, #tpu.memory_space<vmem_shared>> -> memref<10112x128xf32, #tpu.memory_space<vmem_shared>>
      tpu.enqueue_indirect_dma source(%arg6 : memref<128x128xf32, #tpu.memory_space<vmem>>) target(%dma_start3A_118 : memref<10112x128xf32, #tpu.memory_space<vmem_shared>>) offsets(%dma_start3A_115 : memref<128xi32, #tpu.memory_space<vmem>>) semaphore(%arg8 : memref<!tpu.dma_semaphore, #tpu.memory_space<semaphore_mem>>) {add = true}
      %mul3A_119 = arith.constant 2 : i32
      %mul3A_120 = arith.muli %mul3A_119, %scan3A_101 : i32
      %add3A_121 = arith.constant 1 : i32
      %add3A_122 = arith.addi %mul3A_120, %add3A_121 : i32
      %dma_wait3A_123 = arith.constant 0 : i32
      %dma_wait3A_124 = tpu.memref_slice %arg5[%add3A_122, %dma_wait3A_123] : memref<40x128xi32, #tpu.memory_space<vmem>> -> memref<1x128xi32, #tpu.memory_space<vmem>>
      %dma_wait3A_125 = tpu.memref_squeeze %dma_wait3A_124 : memref<1x128xi32, #tpu.memory_space<vmem>> -> memref<128xi32, #tpu.memory_space<vmem>>
      %dma_wait3A_126 = arith.constant 0 : i32
      %dma_wait3A_127 = arith.constant 0 : i32
      %dma_wait3A_128 = tpu.memref_slice %arg7[%dma_wait3A_126, %dma_wait3A_127] : memref<10112x128xf32, #tpu.memory_space<vmem_shared>> -> memref<10112x128xf32, #tpu.memory_space<vmem_shared>>
      tpu.wait_indirect_dma semaphore(%arg9 : memref<!tpu.dma_semaphore, #tpu.memory_space<semaphore_mem>>) src(%arg6 : memref<128x128xf32, #tpu.memory_space<vmem>>) dst(%dma_wait3A_128 : memref<10112x128xf32, #tpu.memory_space<vmem_shared>>)
      %dma_start3A_129 = arith.constant 0 : i32
      %dma_start3A_130 = tpu.memref_slice %arg5[%add3A_122, %dma_start3A_129] : memref<40x128xi32, #tpu.memory_space<vmem>> -> memref<1x128xi32, #tpu.memory_space<vmem>>
      %dma_start3A_131 = tpu.memref_squeeze %dma_start3A_130 : memref<1x128xi32, #tpu.memory_space<vmem>> -> memref<128xi32, #tpu.memory_space<vmem>>
      %dma_start3A_132 = arith.constant 0 : i32
      %dma_start3A_133 = arith.constant 0 : i32
      %dma_start3A_134 = tpu.memref_slice %arg7[%dma_start3A_132, %dma_start3A_133] : memref<10112x128xf32, #tpu.memory_space<vmem_shared>> -> memref<10112x128xf32, #tpu.memory_space<vmem_shared>>
      tpu.enqueue_indirect_dma source(%arg6 : memref<128x128xf32, #tpu.memory_space<vmem>>) target(%dma_start3A_134 : memref<10112x128xf32, #tpu.memory_space<vmem_shared>>) offsets(%dma_start3A_131 : memref<128xi32, #tpu.memory_space<vmem>>) semaphore(%arg9 : memref<!tpu.dma_semaphore, #tpu.memory_space<semaphore_mem>>) {add = true}
      %scan3A_135 = arith.constant 0 : i32
      scf.yield %scan3A_135 : i32
    }
    %scan3A_65 = arith.constant 19 : i32
    %dma_wait3A_66 = arith.constant 38 : i32
    %dma_wait3A_67 = arith.constant 0 : i32
    %dma_wait3A_68 = tpu.memref_slice %arg5[%dma_wait3A_66, %dma_wait3A_67] : memref<40x128xi32, #tpu.memory_space<vmem>> -> memref<1x128xi32, #tpu.memory_space<vmem>>
    %dma_wait3A_69 = tpu.memref_squeeze %dma_wait3A_68 : memref<1x128xi32, #tpu.memory_space<vmem>> -> memref<128xi32, #tpu.memory_space<vmem>>
    %dma_wait3A_70 = arith.constant 0 : i32
    %dma_wait3A_71 = arith.constant 0 : i32
    %dma_wait3A_72 = tpu.memref_slice %arg7[%dma_wait3A_70, %dma_wait3A_71] : memref<10112x128xf32, #tpu.memory_space<vmem_shared>> -> memref<10112x128xf32, #tpu.memory_space<vmem_shared>>
    tpu.wait_indirect_dma semaphore(%arg8 : memref<!tpu.dma_semaphore, #tpu.memory_space<semaphore_mem>>) src(%arg6 : memref<128x128xf32, #tpu.memory_space<vmem>>) dst(%dma_wait3A_72 : memref<10112x128xf32, #tpu.memory_space<vmem_shared>>)
    %dma_wait3A_73 = arith.constant 39 : i32
    %dma_wait3A_74 = arith.constant 0 : i32
    %dma_wait3A_75 = tpu.memref_slice %arg5[%dma_wait3A_73, %dma_wait3A_74] : memref<40x128xi32, #tpu.memory_space<vmem>> -> memref<1x128xi32, #tpu.memory_space<vmem>>
    %dma_wait3A_76 = tpu.memref_squeeze %dma_wait3A_75 : memref<1x128xi32, #tpu.memory_space<vmem>> -> memref<128xi32, #tpu.memory_space<vmem>>
    %dma_wait3A_77 = arith.constant 0 : i32
    %dma_wait3A_78 = arith.constant 0 : i32
    %dma_wait3A_79 = tpu.memref_slice %arg7[%dma_wait3A_77, %dma_wait3A_78] : memref<10112x128xf32, #tpu.memory_space<vmem_shared>> -> memref<10112x128xf32, #tpu.memory_space<vmem_shared>>
    tpu.wait_indirect_dma semaphore(%arg9 : memref<!tpu.dma_semaphore, #tpu.memory_space<semaphore_mem>>) src(%arg6 : memref<128x128xf32, #tpu.memory_space<vmem>>) dst(%dma_wait3A_79 : memref<10112x128xf32, #tpu.memory_space<vmem_shared>>)
    %barrier3A_80 = arith.constant 0 : index
    tpu.barrier barrier_id(%barrier3A_80)
    %add3A_81 = arith.constant 0 : i32
    %add3A_82 = arith.addi %mul3A_2, %add3A_81 : i32
    "tpu.region"() ({
      %run_scoped3A = tpu.sem_alloc : memref<!tpu.dma_semaphore, #tpu.memory_space<semaphore_mem>>
      %dma_start3A_101 = arith.constant 0 : i32
      %dma_start3A_102 = arith.constant 0 : i32
      %dma_start3A_103 = tpu.memref_slice %arg6[%dma_start3A_101, %dma_start3A_102] : memref<128x128xf32, #tpu.memory_space<vmem>> -> memref<128x128xf32, #tpu.memory_space<vmem>>
      %dma_start3A_104 = arith.constant 0 : i32
      %dma_start3A_105 = tpu.memref_slice %arg7[%add3A_82, %dma_start3A_104] : memref<10112x128xf32, #tpu.memory_space<vmem_shared>> -> memref<128x128xf32, #tpu.memory_space<vmem_shared>>
      %dma_start3A_106 = arith.constant 0 : i32
      %dma_start3A_107 = arith.constant 0 : i32
      %dma_start3A_108 = tpu.memref_slice %arg6[%dma_start3A_106, %dma_start3A_107] : memref<128x128xf32, #tpu.memory_space<vmem>> -> memref<128x128xf32, #tpu.memory_space<vmem>>
      %dma_start3A_109 = arith.constant 0 : i32
      %dma_start3A_110 = tpu.memref_slice %arg7[%add3A_82, %dma_start3A_109] : memref<10112x128xf32, #tpu.memory_space<vmem_shared>> -> memref<128x128xf32, #tpu.memory_space<vmem_shared>>
      tpu.enqueue_dma source(%dma_start3A_110 : memref<128x128xf32, #tpu.memory_space<vmem_shared>>) target(%dma_start3A_108 : memref<128x128xf32, #tpu.memory_space<vmem>>) target_semaphore(%run_scoped3A : memref<!tpu.dma_semaphore, #tpu.memory_space<semaphore_mem>>)
      %dma_wait3A_111 = arith.constant 0 : i32
      %dma_wait3A_112 = arith.constant 0 : i32
      %dma_wait3A_113 = tpu.memref_slice %arg6[%dma_wait3A_111, %dma_wait3A_112] : memref<128x128xf32, #tpu.memory_space<vmem>> -> memref<128x128xf32, #tpu.memory_space<vmem>>
      %dma_wait3A_114 = arith.constant 0 : i32
      %dma_wait3A_115 = tpu.memref_slice %arg7[%add3A_82, %dma_wait3A_114] : memref<10112x128xf32, #tpu.memory_space<vmem_shared>> -> memref<128x128xf32, #tpu.memory_space<vmem_shared>>
      %dma_wait3A_116 = arith.constant 0 : i32
      %dma_wait3A_117 = arith.constant 0 : i32
      %dma_wait3A_118 = tpu.memref_slice %arg6[%dma_wait3A_116, %dma_wait3A_117] : memref<128x128xf32, #tpu.memory_space<vmem>> -> memref<128x128xf32, #tpu.memory_space<vmem>>
      %dma_wait3A_119 = arith.constant 0 : i32
      %dma_wait3A_120 = tpu.memref_slice %arg7[%add3A_82, %dma_wait3A_119] : memref<10112x128xf32, #tpu.memory_space<vmem_shared>> -> memref<128x128xf32, #tpu.memory_space<vmem_shared>>
      tpu.wait_dma2 semaphore(%run_scoped3A : memref<!tpu.dma_semaphore, #tpu.memory_space<semaphore_mem>>) src(%dma_wait3A_120 : memref<128x128xf32, #tpu.memory_space<vmem_shared>>) dst(%dma_wait3A_118 : memref<128x128xf32, #tpu.memory_space<vmem>>)
      tpu.yield
    }) : () -> ()
    %add3A_83 = arith.constant 0 : i32
    %add3A_84 = arith.addi %mul3A_2, %add3A_83 : i32
    "tpu.region"() ({
      %run_scoped3A = tpu.sem_alloc : memref<!tpu.dma_semaphore, #tpu.memory_space<semaphore_mem>>
      %dma_start3A_101 = arith.constant 0 : i32
      %dma_start3A_102 = arith.constant 0 : i32
      %dma_start3A_103 = tpu.memref_slice %arg6[%dma_start3A_101, %dma_start3A_102] : memref<128x128xf32, #tpu.memory_space<vmem>> -> memref<128x128xf32, #tpu.memory_space<vmem>>
      %dma_start3A_104 = arith.constant 0 : i32
      %dma_start3A_105 = tpu.memref_slice %arg4[%arg0, %add3A_84, %dma_start3A_104] : memref<2x10112x128xf32, #tpu.memory_space<hbm>> -> memref<1x128x128xf32, #tpu.memory_space<hbm>>
      %dma_start3A_106 = tpu.memref_squeeze %dma_start3A_105 : memref<1x128x128xf32, #tpu.memory_space<hbm>> -> memref<128x128xf32, #tpu.memory_space<hbm>>
      %dma_start3A_107 = arith.constant 0 : i32
      %dma_start3A_108 = tpu.memref_slice %arg4[%arg0, %add3A_84, %dma_start3A_107] : memref<2x10112x128xf32, #tpu.memory_space<hbm>> -> memref<1x128x128xf32, #tpu.memory_space<hbm>>
      %dma_start3A_109 = tpu.memref_squeeze %dma_start3A_108 : memref<1x128x128xf32, #tpu.memory_space<hbm>> -> memref<128x128xf32, #tpu.memory_space<hbm>>
      %dma_start3A_110 = arith.constant 0 : i32
      %dma_start3A_111 = arith.constant 0 : i32
      %dma_start3A_112 = tpu.memref_slice %arg6[%dma_start3A_110, %dma_start3A_111] : memref<128x128xf32, #tpu.memory_space<vmem>> -> memref<128x128xf32, #tpu.memory_space<vmem>>
      tpu.enqueue_dma source(%dma_start3A_112 : memref<128x128xf32, #tpu.memory_space<vmem>>) target(%dma_start3A_109 : memref<128x128xf32, #tpu.memory_space<hbm>>) target_semaphore(%run_scoped3A : memref<!tpu.dma_semaphore, #tpu.memory_space<semaphore_mem>>)
      %dma_wait3A_113 = arith.constant 0 : i32
      %dma_wait3A_114 = arith.constant 0 : i32
      %dma_wait3A_115 = tpu.memref_slice %arg6[%dma_wait3A_113, %dma_wait3A_114] : memref<128x128xf32, #tpu.memory_space<vmem>> -> memref<128x128xf32, #tpu.memory_space<vmem>>
      %dma_wait3A_116 = arith.constant 0 : i32
      %dma_wait3A_117 = tpu.memref_slice %arg4[%arg0, %add3A_84, %dma_wait3A_116] : memref<2x10112x128xf32, #tpu.memory_space<hbm>> -> memref<1x128x128xf32, #tpu.memory_space<hbm>>
      %dma_wait3A_118 = tpu.memref_squeeze %dma_wait3A_117 : memref<1x128x128xf32, #tpu.memory_space<hbm>> -> memref<128x128xf32, #tpu.memory_space<hbm>>
      %dma_wait3A_119 = arith.constant 0 : i32
      %dma_wait3A_120 = tpu.memref_slice %arg4[%arg0, %add3A_84, %dma_wait3A_119] : memref<2x10112x128xf32, #tpu.memory_space<hbm>> -> memref<1x128x128xf32, #tpu.memory_space<hbm>>
      %dma_wait3A_121 = tpu.memref_squeeze %dma_wait3A_120 : memref<1x128x128xf32, #tpu.memory_space<hbm>> -> memref<128x128xf32, #tpu.memory_space<hbm>>
      %dma_wait3A_122 = arith.constant 0 : i32
      %dma_wait3A_123 = arith.constant 0 : i32
      %dma_wait3A_124 = tpu.memref_slice %arg6[%dma_wait3A_122, %dma_wait3A_123] : memref<128x128xf32, #tpu.memory_space<vmem>> -> memref<128x128xf32, #tpu.memory_space<vmem>>
      tpu.wait_dma2 semaphore(%run_scoped3A : memref<!tpu.dma_semaphore, #tpu.memory_space<semaphore_mem>>) src(%dma_wait3A_124 : memref<128x128xf32, #tpu.memory_space<vmem>>) dst(%dma_wait3A_121 : memref<128x128xf32, #tpu.memory_space<hbm>>)
      tpu.yield
    }) : () -> ()
    %add3A_85 = arith.constant 128 : i32
    %add3A_86 = arith.addi %mul3A_2, %add3A_85 : i32
    "tpu.region"() ({
      %run_scoped3A = tpu.sem_alloc : memref<!tpu.dma_semaphore, #tpu.memory_space<semaphore_mem>>
      %dma_start3A_101 = arith.constant 0 : i32
      %dma_start3A_102 = arith.constant 0 : i32
      %dma_start3A_103 = tpu.memref_slice %arg6[%dma_start3A_101, %dma_start3A_102] : memref<128x128xf32, #tpu.memory_space<vmem>> -> memref<128x128xf32, #tpu.memory_space<vmem>>
      %dma_start3A_104 = arith.constant 0 : i32
      %dma_start3A_105 = tpu.memref_slice %arg7[%add3A_86, %dma_start3A_104] : memref<10112x128xf32, #tpu.memory_space<vmem_shared>> -> memref<128x128xf32, #tpu.memory_space<vmem_shared>>
      %dma_start3A_106 = arith.constant 0 : i32
      %dma_start3A_107 = arith.constant 0 : i32
      %dma_start3A_108 = tpu.memref_slice %arg6[%dma_start3A_106, %dma_start3A_107] : memref<128x128xf32, #tpu.memory_space<vmem>> -> memref<128x128xf32, #tpu.memory_space<vmem>>
      %dma_start3A_109 = arith.constant 0 : i32
      %dma_start3A_110 = tpu.memref_slice %arg7[%add3A_86, %dma_start3A_109] : memref<10112x128xf32, #tpu.memory_space<vmem_shared>> -> memref<128x128xf32, #tpu.memory_space<vmem_shared>>
      tpu.enqueue_dma source(%dma_start3A_110 : memref<128x128xf32, #tpu.memory_space<vmem_shared>>) target(%dma_start3A_108 : memref<128x128xf32, #tpu.memory_space<vmem>>) target_semaphore(%run_scoped3A : memref<!tpu.dma_semaphore, #tpu.memory_space<semaphore_mem>>)
      %dma_wait3A_111 = arith.constant 0 : i32
      %dma_wait3A_112 = arith.constant 0 : i32
      %dma_wait3A_113 = tpu.memref_slice %arg6[%dma_wait3A_111, %dma_wait3A_112] : memref<128x128xf32, #tpu.memory_space<vmem>> -> memref<128x128xf32, #tpu.memory_space<vmem>>
      %dma_wait3A_114 = arith.constant 0 : i32
      %dma_wait3A_115 = tpu.memref_slice %arg7[%add3A_86, %dma_wait3A_114] : memref<10112x128xf32, #tpu.memory_space<vmem_shared>> -> memref<128x128xf32, #tpu.memory_space<vmem_shared>>
      %dma_wait3A_116 = arith.constant 0 : i32
      %dma_wait3A_117 = arith.constant 0 : i32
      %dma_wait3A_118 = tpu.memref_slice %arg6[%dma_wait3A_116, %dma_wait3A_117] : memref<128x128xf32, #tpu.memory_space<vmem>> -> memref<128x128xf32, #tpu.memory_space<vmem>>
      %dma_wait3A_119 = arith.constant 0 : i32
      %dma_wait3A_120 = tpu.memref_slice %arg7[%add3A_86, %dma_wait3A_119] : memref<10112x128xf32, #tpu.memory_space<vmem_shared>> -> memref<128x128xf32, #tpu.memory_space<vmem_shared>>
      tpu.wait_dma2 semaphore(%run_scoped3A : memref<!tpu.dma_semaphore, #tpu.memory_space<semaphore_mem>>) src(%dma_wait3A_120 : memref<128x128xf32, #tpu.memory_space<vmem_shared>>) dst(%dma_wait3A_118 : memref<128x128xf32, #tpu.memory_space<vmem>>)
      tpu.yield
    }) : () -> ()
    %add3A_87 = arith.constant 128 : i32
    %add3A_88 = arith.addi %mul3A_2, %add3A_87 : i32
    "tpu.region"() ({
      %run_scoped3A = tpu.sem_alloc : memref<!tpu.dma_semaphore, #tpu.memory_space<semaphore_mem>>
      %dma_start3A_101 = arith.constant 0 : i32
      %dma_start3A_102 = arith.constant 0 : i32
      %dma_start3A_103 = tpu.memref_slice %arg6[%dma_start3A_101, %dma_start3A_102] : memref<128x128xf32, #tpu.memory_space<vmem>> -> memref<128x128xf32, #tpu.memory_space<vmem>>
      %dma_start3A_104 = arith.constant 0 : i32
      %dma_start3A_105 = tpu.memref_slice %arg4[%arg0, %add3A_88, %dma_start3A_104] : memref<2x10112x128xf32, #tpu.memory_space<hbm>> -> memref<1x128x128xf32, #tpu.memory_space<hbm>>
      %dma_start3A_106 = tpu.memref_squeeze %dma_start3A_105 : memref<1x128x128xf32, #tpu.memory_space<hbm>> -> memref<128x128xf32, #tpu.memory_space<hbm>>
      %dma_start3A_107 = arith.constant 0 : i32
      %dma_start3A_108 = tpu.memref_slice %arg4[%arg0, %add3A_88, %dma_start3A_107] : memref<2x10112x128xf32, #tpu.memory_space<hbm>> -> memref<1x128x128xf32, #tpu.memory_space<hbm>>
      %dma_start3A_109 = tpu.memref_squeeze %dma_start3A_108 : memref<1x128x128xf32, #tpu.memory_space<hbm>> -> memref<128x128xf32, #tpu.memory_space<hbm>>
      %dma_start3A_110 = arith.constant 0 : i32
      %dma_start3A_111 = arith.constant 0 : i32
      %dma_start3A_112 = tpu.memref_slice %arg6[%dma_start3A_110, %dma_start3A_111] : memref<128x128xf32, #tpu.memory_space<vmem>> -> memref<128x128xf32, #tpu.memory_space<vmem>>
      tpu.enqueue_dma source(%dma_start3A_112 : memref<128x128xf32, #tpu.memory_space<vmem>>) target(%dma_start3A_109 : memref<128x128xf32, #tpu.memory_space<hbm>>) target_semaphore(%run_scoped3A : memref<!tpu.dma_semaphore, #tpu.memory_space<semaphore_mem>>)
      %dma_wait3A_113 = arith.constant 0 : i32
      %dma_wait3A_114 = arith.constant 0 : i32
      %dma_wait3A_115 = tpu.memref_slice %arg6[%dma_wait3A_113, %dma_wait3A_114] : memref<128x128xf32, #tpu.memory_space<vmem>> -> memref<128x128xf32, #tpu.memory_space<vmem>>
      %dma_wait3A_116 = arith.constant 0 : i32
      %dma_wait3A_117 = tpu.memref_slice %arg4[%arg0, %add3A_88, %dma_wait3A_116] : memref<2x10112x128xf32, #tpu.memory_space<hbm>> -> memref<1x128x128xf32, #tpu.memory_space<hbm>>
      %dma_wait3A_118 = tpu.memref_squeeze %dma_wait3A_117 : memref<1x128x128xf32, #tpu.memory_space<hbm>> -> memref<128x128xf32, #tpu.memory_space<hbm>>
      %dma_wait3A_119 = arith.constant 0 : i32
      %dma_wait3A_120 = tpu.memref_slice %arg4[%arg0, %add3A_88, %dma_wait3A_119] : memref<2x10112x128xf32, #tpu.memory_space<hbm>> -> memref<1x128x128xf32, #tpu.memory_space<hbm>>
      %dma_wait3A_121 = tpu.memref_squeeze %dma_wait3A_120 : memref<1x128x128xf32, #tpu.memory_space<hbm>> -> memref<128x128xf32, #tpu.memory_space<hbm>>
      %dma_wait3A_122 = arith.constant 0 : i32
      %dma_wait3A_123 = arith.constant 0 : i32
      %dma_wait3A_124 = tpu.memref_slice %arg6[%dma_wait3A_122, %dma_wait3A_123] : memref<128x128xf32, #tpu.memory_space<vmem>> -> memref<128x128xf32, #tpu.memory_space<vmem>>
      tpu.wait_dma2 semaphore(%run_scoped3A : memref<!tpu.dma_semaphore, #tpu.memory_space<semaphore_mem>>) src(%dma_wait3A_124 : memref<128x128xf32, #tpu.memory_space<vmem>>) dst(%dma_wait3A_121 : memref<128x128xf32, #tpu.memory_space<hbm>>)
      tpu.yield
    }) : () -> ()
    %add3A_89 = arith.constant 256 : i32
    %add3A_90 = arith.addi %mul3A_2, %add3A_89 : i32
    "tpu.region"() ({
      %run_scoped3A = tpu.sem_alloc : memref<!tpu.dma_semaphore, #tpu.memory_space<semaphore_mem>>
      %dma_start3A_101 = arith.constant 0 : i32
      %dma_start3A_102 = arith.constant 0 : i32
      %dma_start3A_103 = tpu.memref_slice %arg6[%dma_start3A_101, %dma_start3A_102] : memref<128x128xf32, #tpu.memory_space<vmem>> -> memref<128x128xf32, #tpu.memory_space<vmem>>
      %dma_start3A_104 = arith.constant 0 : i32
      %dma_start3A_105 = tpu.memref_slice %arg7[%add3A_90, %dma_start3A_104] : memref<10112x128xf32, #tpu.memory_space<vmem_shared>> -> memref<128x128xf32, #tpu.memory_space<vmem_shared>>
      %dma_start3A_106 = arith.constant 0 : i32
      %dma_start3A_107 = arith.constant 0 : i32
      %dma_start3A_108 = tpu.memref_slice %arg6[%dma_start3A_106, %dma_start3A_107] : memref<128x128xf32, #tpu.memory_space<vmem>> -> memref<128x128xf32, #tpu.memory_space<vmem>>
      %dma_start3A_109 = arith.constant 0 : i32
      %dma_start3A_110 = tpu.memref_slice %arg7[%add3A_90, %dma_start3A_109] : memref<10112x128xf32, #tpu.memory_space<vmem_shared>> -> memref<128x128xf32, #tpu.memory_space<vmem_shared>>
      tpu.enqueue_dma source(%dma_start3A_110 : memref<128x128xf32, #tpu.memory_space<vmem_shared>>) target(%dma_start3A_108 : memref<128x128xf32, #tpu.memory_space<vmem>>) target_semaphore(%run_scoped3A : memref<!tpu.dma_semaphore, #tpu.memory_space<semaphore_mem>>)
      %dma_wait3A_111 = arith.constant 0 : i32
      %dma_wait3A_112 = arith.constant 0 : i32
      %dma_wait3A_113 = tpu.memref_slice %arg6[%dma_wait3A_111, %dma_wait3A_112] : memref<128x128xf32, #tpu.memory_space<vmem>> -> memref<128x128xf32, #tpu.memory_space<vmem>>
      %dma_wait3A_114 = arith.constant 0 : i32
      %dma_wait3A_115 = tpu.memref_slice %arg7[%add3A_90, %dma_wait3A_114] : memref<10112x128xf32, #tpu.memory_space<vmem_shared>> -> memref<128x128xf32, #tpu.memory_space<vmem_shared>>
      %dma_wait3A_116 = arith.constant 0 : i32
      %dma_wait3A_117 = arith.constant 0 : i32
      %dma_wait3A_118 = tpu.memref_slice %arg6[%dma_wait3A_116, %dma_wait3A_117] : memref<128x128xf32, #tpu.memory_space<vmem>> -> memref<128x128xf32, #tpu.memory_space<vmem>>
      %dma_wait3A_119 = arith.constant 0 : i32
      %dma_wait3A_120 = tpu.memref_slice %arg7[%add3A_90, %dma_wait3A_119] : memref<10112x128xf32, #tpu.memory_space<vmem_shared>> -> memref<128x128xf32, #tpu.memory_space<vmem_shared>>
      tpu.wait_dma2 semaphore(%run_scoped3A : memref<!tpu.dma_semaphore, #tpu.memory_space<semaphore_mem>>) src(%dma_wait3A_120 : memref<128x128xf32, #tpu.memory_space<vmem_shared>>) dst(%dma_wait3A_118 : memref<128x128xf32, #tpu.memory_space<vmem>>)
      tpu.yield
    }) : () -> ()
    %add3A_91 = arith.constant 256 : i32
    %add3A_92 = arith.addi %mul3A_2, %add3A_91 : i32
    "tpu.region"() ({
      %run_scoped3A = tpu.sem_alloc : memref<!tpu.dma_semaphore, #tpu.memory_space<semaphore_mem>>
      %dma_start3A_101 = arith.constant 0 : i32
      %dma_start3A_102 = arith.constant 0 : i32
      %dma_start3A_103 = tpu.memref_slice %arg6[%dma_start3A_101, %dma_start3A_102] : memref<128x128xf32, #tpu.memory_space<vmem>> -> memref<128x128xf32, #tpu.memory_space<vmem>>
      %dma_start3A_104 = arith.constant 0 : i32
      %dma_start3A_105 = tpu.memref_slice %arg4[%arg0, %add3A_92, %dma_start3A_104] : memref<2x10112x128xf32, #tpu.memory_space<hbm>> -> memref<1x128x128xf32, #tpu.memory_space<hbm>>
      %dma_start3A_106 = tpu.memref_squeeze %dma_start3A_105 : memref<1x128x128xf32, #tpu.memory_space<hbm>> -> memref<128x128xf32, #tpu.memory_space<hbm>>
      %dma_start3A_107 = arith.constant 0 : i32
      %dma_start3A_108 = tpu.memref_slice %arg4[%arg0, %add3A_92, %dma_start3A_107] : memref<2x10112x128xf32, #tpu.memory_space<hbm>> -> memref<1x128x128xf32, #tpu.memory_space<hbm>>
      %dma_start3A_109 = tpu.memref_squeeze %dma_start3A_108 : memref<1x128x128xf32, #tpu.memory_space<hbm>> -> memref<128x128xf32, #tpu.memory_space<hbm>>
      %dma_start3A_110 = arith.constant 0 : i32
      %dma_start3A_111 = arith.constant 0 : i32
      %dma_start3A_112 = tpu.memref_slice %arg6[%dma_start3A_110, %dma_start3A_111] : memref<128x128xf32, #tpu.memory_space<vmem>> -> memref<128x128xf32, #tpu.memory_space<vmem>>
      tpu.enqueue_dma source(%dma_start3A_112 : memref<128x128xf32, #tpu.memory_space<vmem>>) target(%dma_start3A_109 : memref<128x128xf32, #tpu.memory_space<hbm>>) target_semaphore(%run_scoped3A : memref<!tpu.dma_semaphore, #tpu.memory_space<semaphore_mem>>)
      %dma_wait3A_113 = arith.constant 0 : i32
      %dma_wait3A_114 = arith.constant 0 : i32
      %dma_wait3A_115 = tpu.memref_slice %arg6[%dma_wait3A_113, %dma_wait3A_114] : memref<128x128xf32, #tpu.memory_space<vmem>> -> memref<128x128xf32, #tpu.memory_space<vmem>>
      %dma_wait3A_116 = arith.constant 0 : i32
      %dma_wait3A_117 = tpu.memref_slice %arg4[%arg0, %add3A_92, %dma_wait3A_116] : memref<2x10112x128xf32, #tpu.memory_space<hbm>> -> memref<1x128x128xf32, #tpu.memory_space<hbm>>
      %dma_wait3A_118 = tpu.memref_squeeze %dma_wait3A_117 : memref<1x128x128xf32, #tpu.memory_space<hbm>> -> memref<128x128xf32, #tpu.memory_space<hbm>>
      %dma_wait3A_119 = arith.constant 0 : i32
      %dma_wait3A_120 = tpu.memref_slice %arg4[%arg0, %add3A_92, %dma_wait3A_119] : memref<2x10112x128xf32, #tpu.memory_space<hbm>> -> memref<1x128x128xf32, #tpu.memory_space<hbm>>
      %dma_wait3A_121 = tpu.memref_squeeze %dma_wait3A_120 : memref<1x128x128xf32, #tpu.memory_space<hbm>> -> memref<128x128xf32, #tpu.memory_space<hbm>>
      %dma_wait3A_122 = arith.constant 0 : i32
      %dma_wait3A_123 = arith.constant 0 : i32
      %dma_wait3A_124 = tpu.memref_slice %arg6[%dma_wait3A_122, %dma_wait3A_123] : memref<128x128xf32, #tpu.memory_space<vmem>> -> memref<128x128xf32, #tpu.memory_space<vmem>>
      tpu.wait_dma2 semaphore(%run_scoped3A : memref<!tpu.dma_semaphore, #tpu.memory_space<semaphore_mem>>) src(%dma_wait3A_124 : memref<128x128xf32, #tpu.memory_space<vmem>>) dst(%dma_wait3A_121 : memref<128x128xf32, #tpu.memory_space<hbm>>)
      tpu.yield
    }) : () -> ()
    %add3A_93 = arith.constant 384 : i32
    %add3A_94 = arith.addi %mul3A_2, %add3A_93 : i32
    "tpu.region"() ({
      %run_scoped3A = tpu.sem_alloc : memref<!tpu.dma_semaphore, #tpu.memory_space<semaphore_mem>>
      %dma_start3A_101 = arith.constant 0 : i32
      %dma_start3A_102 = arith.constant 0 : i32
      %dma_start3A_103 = tpu.memref_slice %arg6[%dma_start3A_101, %dma_start3A_102] : memref<128x128xf32, #tpu.memory_space<vmem>> -> memref<128x128xf32, #tpu.memory_space<vmem>>
      %dma_start3A_104 = arith.constant 0 : i32
      %dma_start3A_105 = tpu.memref_slice %arg7[%add3A_94, %dma_start3A_104] : memref<10112x128xf32, #tpu.memory_space<vmem_shared>> -> memref<128x128xf32, #tpu.memory_space<vmem_shared>>
      %dma_start3A_106 = arith.constant 0 : i32
      %dma_start3A_107 = arith.constant 0 : i32
      %dma_start3A_108 = tpu.memref_slice %arg6[%dma_start3A_106, %dma_start3A_107] : memref<128x128xf32, #tpu.memory_space<vmem>> -> memref<128x128xf32, #tpu.memory_space<vmem>>
      %dma_start3A_109 = arith.constant 0 : i32
      %dma_start3A_110 = tpu.memref_slice %arg7[%add3A_94, %dma_start3A_109] : memref<10112x128xf32, #tpu.memory_space<vmem_shared>> -> memref<128x128xf32, #tpu.memory_space<vmem_shared>>
      tpu.enqueue_dma source(%dma_start3A_110 : memref<128x128xf32, #tpu.memory_space<vmem_shared>>) target(%dma_start3A_108 : memref<128x128xf32, #tpu.memory_space<vmem>>) target_semaphore(%run_scoped3A : memref<!tpu.dma_semaphore, #tpu.memory_space<semaphore_mem>>)
      %dma_wait3A_111 = arith.constant 0 : i32
      %dma_wait3A_112 = arith.constant 0 : i32
      %dma_wait3A_113 = tpu.memref_slice %arg6[%dma_wait3A_111, %dma_wait3A_112] : memref<128x128xf32, #tpu.memory_space<vmem>> -> memref<128x128xf32, #tpu.memory_space<vmem>>
      %dma_wait3A_114 = arith.constant 0 : i32
      %dma_wait3A_115 = tpu.memref_slice %arg7[%add3A_94, %dma_wait3A_114] : memref<10112x128xf32, #tpu.memory_space<vmem_shared>> -> memref<128x128xf32, #tpu.memory_space<vmem_shared>>
      %dma_wait3A_116 = arith.constant 0 : i32
      %dma_wait3A_117 = arith.constant 0 : i32
      %dma_wait3A_118 = tpu.memref_slice %arg6[%dma_wait3A_116, %dma_wait3A_117] : memref<128x128xf32, #tpu.memory_space<vmem>> -> memref<128x128xf32, #tpu.memory_space<vmem>>
      %dma_wait3A_119 = arith.constant 0 : i32
      %dma_wait3A_120 = tpu.memref_slice %arg7[%add3A_94, %dma_wait3A_119] : memref<10112x128xf32, #tpu.memory_space<vmem_shared>> -> memref<128x128xf32, #tpu.memory_space<vmem_shared>>
      tpu.wait_dma2 semaphore(%run_scoped3A : memref<!tpu.dma_semaphore, #tpu.memory_space<semaphore_mem>>) src(%dma_wait3A_120 : memref<128x128xf32, #tpu.memory_space<vmem_shared>>) dst(%dma_wait3A_118 : memref<128x128xf32, #tpu.memory_space<vmem>>)
      tpu.yield
    }) : () -> ()
    %add3A_95 = arith.constant 384 : i32
    %add3A_96 = arith.addi %mul3A_2, %add3A_95 : i32
    "tpu.region"() ({
      %run_scoped3A = tpu.sem_alloc : memref<!tpu.dma_semaphore, #tpu.memory_space<semaphore_mem>>
      %dma_start3A_101 = arith.constant 0 : i32
      %dma_start3A_102 = arith.constant 0 : i32
      %dma_start3A_103 = tpu.memref_slice %arg6[%dma_start3A_101, %dma_start3A_102] : memref<128x128xf32, #tpu.memory_space<vmem>> -> memref<128x128xf32, #tpu.memory_space<vmem>>
      %dma_start3A_104 = arith.constant 0 : i32
      %dma_start3A_105 = tpu.memref_slice %arg4[%arg0, %add3A_96, %dma_start3A_104] : memref<2x10112x128xf32, #tpu.memory_space<hbm>> -> memref<1x128x128xf32, #tpu.memory_space<hbm>>
      %dma_start3A_106 = tpu.memref_squeeze %dma_start3A_105 : memref<1x128x128xf32, #tpu.memory_space<hbm>> -> memref<128x128xf32, #tpu.memory_space<hbm>>
      %dma_start3A_107 = arith.constant 0 : i32
      %dma_start3A_108 = tpu.memref_slice %arg4[%arg0, %add3A_96, %dma_start3A_107] : memref<2x10112x128xf32, #tpu.memory_space<hbm>> -> memref<1x128x128xf32, #tpu.memory_space<hbm>>
      %dma_start3A_109 = tpu.memref_squeeze %dma_start3A_108 : memref<1x128x128xf32, #tpu.memory_space<hbm>> -> memref<128x128xf32, #tpu.memory_space<hbm>>
      %dma_start3A_110 = arith.constant 0 : i32
      %dma_start3A_111 = arith.constant 0 : i32
      %dma_start3A_112 = tpu.memref_slice %arg6[%dma_start3A_110, %dma_start3A_111] : memref<128x128xf32, #tpu.memory_space<vmem>> -> memref<128x128xf32, #tpu.memory_space<vmem>>
      tpu.enqueue_dma source(%dma_start3A_112 : memref<128x128xf32, #tpu.memory_space<vmem>>) target(%dma_start3A_109 : memref<128x128xf32, #tpu.memory_space<hbm>>) target_semaphore(%run_scoped3A : memref<!tpu.dma_semaphore, #tpu.memory_space<semaphore_mem>>)
      %dma_wait3A_113 = arith.constant 0 : i32
      %dma_wait3A_114 = arith.constant 0 : i32
      %dma_wait3A_115 = tpu.memref_slice %arg6[%dma_wait3A_113, %dma_wait3A_114] : memref<128x128xf32, #tpu.memory_space<vmem>> -> memref<128x128xf32, #tpu.memory_space<vmem>>
      %dma_wait3A_116 = arith.constant 0 : i32
      %dma_wait3A_117 = tpu.memref_slice %arg4[%arg0, %add3A_96, %dma_wait3A_116] : memref<2x10112x128xf32, #tpu.memory_space<hbm>> -> memref<1x128x128xf32, #tpu.memory_space<hbm>>
      %dma_wait3A_118 = tpu.memref_squeeze %dma_wait3A_117 : memref<1x128x128xf32, #tpu.memory_space<hbm>> -> memref<128x128xf32, #tpu.memory_space<hbm>>
      %dma_wait3A_119 = arith.constant 0 : i32
      %dma_wait3A_120 = tpu.memref_slice %arg4[%arg0, %add3A_96, %dma_wait3A_119] : memref<2x10112x128xf32, #tpu.memory_space<hbm>> -> memref<1x128x128xf32, #tpu.memory_space<hbm>>
      %dma_wait3A_121 = tpu.memref_squeeze %dma_wait3A_120 : memref<1x128x128xf32, #tpu.memory_space<hbm>> -> memref<128x128xf32, #tpu.memory_space<hbm>>
      %dma_wait3A_122 = arith.constant 0 : i32
      %dma_wait3A_123 = arith.constant 0 : i32
      %dma_wait3A_124 = tpu.memref_slice %arg6[%dma_wait3A_122, %dma_wait3A_123] : memref<128x128xf32, #tpu.memory_space<vmem>> -> memref<128x128xf32, #tpu.memory_space<vmem>>
      tpu.wait_dma2 semaphore(%run_scoped3A : memref<!tpu.dma_semaphore, #tpu.memory_space<semaphore_mem>>) src(%dma_wait3A_124 : memref<128x128xf32, #tpu.memory_space<vmem>>) dst(%dma_wait3A_121 : memref<128x128xf32, #tpu.memory_space<hbm>>)
      tpu.yield
    }) : () -> ()
    %add3A_97 = arith.constant 512 : i32
    %add3A_98 = arith.addi %mul3A_2, %add3A_97 : i32
    "tpu.region"() ({
      %run_scoped3A = tpu.sem_alloc : memref<!tpu.dma_semaphore, #tpu.memory_space<semaphore_mem>>
      %dma_start3A_101 = arith.constant 0 : i32
      %dma_start3A_102 = arith.constant 0 : i32
      %dma_start3A_103 = tpu.memref_slice %arg6[%dma_start3A_101, %dma_start3A_102] : memref<128x128xf32, #tpu.memory_space<vmem>> -> memref<120x128xf32, #tpu.memory_space<vmem>>
      %dma_start3A_104 = arith.constant 0 : i32
      %dma_start3A_105 = tpu.memref_slice %arg7[%add3A_98, %dma_start3A_104] : memref<10112x128xf32, #tpu.memory_space<vmem_shared>> -> memref<120x128xf32, #tpu.memory_space<vmem_shared>>
      %dma_start3A_106 = arith.constant 0 : i32
      %dma_start3A_107 = arith.constant 0 : i32
      %dma_start3A_108 = tpu.memref_slice %arg6[%dma_start3A_106, %dma_start3A_107] : memref<128x128xf32, #tpu.memory_space<vmem>> -> memref<120x128xf32, #tpu.memory_space<vmem>>
      %dma_start3A_109 = arith.constant 0 : i32
      %dma_start3A_110 = tpu.memref_slice %arg7[%add3A_98, %dma_start3A_109] : memref<10112x128xf32, #tpu.memory_space<vmem_shared>> -> memref<120x128xf32, #tpu.memory_space<vmem_shared>>
      tpu.enqueue_dma source(%dma_start3A_110 : memref<120x128xf32, #tpu.memory_space<vmem_shared>>) target(%dma_start3A_108 : memref<120x128xf32, #tpu.memory_space<vmem>>) target_semaphore(%run_scoped3A : memref<!tpu.dma_semaphore, #tpu.memory_space<semaphore_mem>>)
      %dma_wait3A_111 = arith.constant 0 : i32
      %dma_wait3A_112 = arith.constant 0 : i32
      %dma_wait3A_113 = tpu.memref_slice %arg6[%dma_wait3A_111, %dma_wait3A_112] : memref<128x128xf32, #tpu.memory_space<vmem>> -> memref<120x128xf32, #tpu.memory_space<vmem>>
      %dma_wait3A_114 = arith.constant 0 : i32
      %dma_wait3A_115 = tpu.memref_slice %arg7[%add3A_98, %dma_wait3A_114] : memref<10112x128xf32, #tpu.memory_space<vmem_shared>> -> memref<120x128xf32, #tpu.memory_space<vmem_shared>>
      %dma_wait3A_116 = arith.constant 0 : i32
      %dma_wait3A_117 = arith.constant 0 : i32
      %dma_wait3A_118 = tpu.memref_slice %arg6[%dma_wait3A_116, %dma_wait3A_117] : memref<128x128xf32, #tpu.memory_space<vmem>> -> memref<120x128xf32, #tpu.memory_space<vmem>>
      %dma_wait3A_119 = arith.constant 0 : i32
      %dma_wait3A_120 = tpu.memref_slice %arg7[%add3A_98, %dma_wait3A_119] : memref<10112x128xf32, #tpu.memory_space<vmem_shared>> -> memref<120x128xf32, #tpu.memory_space<vmem_shared>>
      tpu.wait_dma2 semaphore(%run_scoped3A : memref<!tpu.dma_semaphore, #tpu.memory_space<semaphore_mem>>) src(%dma_wait3A_120 : memref<120x128xf32, #tpu.memory_space<vmem_shared>>) dst(%dma_wait3A_118 : memref<120x128xf32, #tpu.memory_space<vmem>>)
      tpu.yield
    }) : () -> ()
    %add3A_99 = arith.constant 512 : i32
    %add3A_100 = arith.addi %mul3A_2, %add3A_99 : i32
    "tpu.region"() ({
      %run_scoped3A = tpu.sem_alloc : memref<!tpu.dma_semaphore, #tpu.memory_space<semaphore_mem>>
      %dma_start3A_101 = arith.constant 0 : i32
      %dma_start3A_102 = arith.constant 0 : i32
      %dma_start3A_103 = tpu.memref_slice %arg6[%dma_start3A_101, %dma_start3A_102] : memref<128x128xf32, #tpu.memory_space<vmem>> -> memref<120x128xf32, #tpu.memory_space<vmem>>
      %dma_start3A_104 = arith.constant 0 : i32
      %dma_start3A_105 = tpu.memref_slice %arg4[%arg0, %add3A_100, %dma_start3A_104] : memref<2x10112x128xf32, #tpu.memory_space<hbm>> -> memref<1x120x128xf32, #tpu.memory_space<hbm>>
      %dma_start3A_106 = tpu.memref_squeeze %dma_start3A_105 : memref<1x120x128xf32, #tpu.memory_space<hbm>> -> memref<120x128xf32, #tpu.memory_space<hbm>>
      %dma_start3A_107 = arith.constant 0 : i32
      %dma_start3A_108 = tpu.memref_slice %arg4[%arg0, %add3A_100, %dma_start3A_107] : memref<2x10112x128xf32, #tpu.memory_space<hbm>> -> memref<1x120x128xf32, #tpu.memory_space<hbm>>
      %dma_start3A_109 = tpu.memref_squeeze %dma_start3A_108 : memref<1x120x128xf32, #tpu.memory_space<hbm>> -> memref<120x128xf32, #tpu.memory_space<hbm>>
      %dma_start3A_110 = arith.constant 0 : i32
      %dma_start3A_111 = arith.constant 0 : i32
      %dma_start3A_112 = tpu.memref_slice %arg6[%dma_start3A_110, %dma_start3A_111] : memref<128x128xf32, #tpu.memory_space<vmem>> -> memref<120x128xf32, #tpu.memory_space<vmem>>
      tpu.enqueue_dma source(%dma_start3A_112 : memref<120x128xf32, #tpu.memory_space<vmem>>) target(%dma_start3A_109 : memref<120x128xf32, #tpu.memory_space<hbm>>) target_semaphore(%run_scoped3A : memref<!tpu.dma_semaphore, #tpu.memory_space<semaphore_mem>>)
      %dma_wait3A_113 = arith.constant 0 : i32
      %dma_wait3A_114 = arith.constant 0 : i32
      %dma_wait3A_115 = tpu.memref_slice %arg6[%dma_wait3A_113, %dma_wait3A_114] : memref<128x128xf32, #tpu.memory_space<vmem>> -> memref<120x128xf32, #tpu.memory_space<vmem>>
      %dma_wait3A_116 = arith.constant 0 : i32
      %dma_wait3A_117 = tpu.memref_slice %arg4[%arg0, %add3A_100, %dma_wait3A_116] : memref<2x10112x128xf32, #tpu.memory_space<hbm>> -> memref<1x120x128xf32, #tpu.memory_space<hbm>>
      %dma_wait3A_118 = tpu.memref_squeeze %dma_wait3A_117 : memref<1x120x128xf32, #tpu.memory_space<hbm>> -> memref<120x128xf32, #tpu.memory_space<hbm>>
      %dma_wait3A_119 = arith.constant 0 : i32
      %dma_wait3A_120 = tpu.memref_slice %arg4[%arg0, %add3A_100, %dma_wait3A_119] : memref<2x10112x128xf32, #tpu.memory_space<hbm>> -> memref<1x120x128xf32, #tpu.memory_space<hbm>>
      %dma_wait3A_121 = tpu.memref_squeeze %dma_wait3A_120 : memref<1x120x128xf32, #tpu.memory_space<hbm>> -> memref<120x128xf32, #tpu.memory_space<hbm>>
      %dma_wait3A_122 = arith.constant 0 : i32
      %dma_wait3A_123 = arith.constant 0 : i32
      %dma_wait3A_124 = tpu.memref_slice %arg6[%dma_wait3A_122, %dma_wait3A_123] : memref<128x128xf32, #tpu.memory_space<vmem>> -> memref<120x128xf32, #tpu.memory_space<vmem>>
      tpu.wait_dma2 semaphore(%run_scoped3A : memref<!tpu.dma_semaphore, #tpu.memory_space<semaphore_mem>>) src(%dma_wait3A_124 : memref<120x128xf32, #tpu.memory_space<vmem>>) dst(%dma_wait3A_121 : memref<120x128xf32, #tpu.memory_space<hbm>>)
      tpu.yield
    }) : () -> ()
    return
  }
}

#map = affine_map<(d0, d1) -> (0, 0)>
#map1 = affine_map<(d0, d1) -> (0, 0, 0)>
module attributes {stable_mosaic.version = 14 : i64} {
  func.func @k(%arg0: i32, %arg1: i32, %arg2: memref<10112x128xf32, #tpu.memory_space<hbm>>, %arg3: memref<32x80x128xi32, #tpu.memory_space<hbm>>, %arg4: memref<32x80x128xi32, #tpu.memory_space<hbm>>, %arg5: memref<2x10112x128xf32, #tpu.memory_space<hbm>>, %arg6: memref<40x128xi32, #tpu.memory_space<vmem>>, %arg7: memref<40x128xi32, #tpu.memory_space<vmem>>, %arg8: memref<128x128xf32, #tpu.memory_space<vmem>>, %arg9: memref<128x128xf32, #tpu.memory_space<vmem>>, %arg10: memref<10112x128xf32, #tpu.memory_space<vmem_shared>>, %arg11: memref<!tpu.dma_semaphore, #tpu.memory_space<semaphore_mem>>, %arg12: memref<!tpu.dma_semaphore, #tpu.memory_space<semaphore_mem>>, %arg13: memref<!tpu.dma_semaphore, #tpu.memory_space<semaphore_mem>>, %arg14: memref<!tpu.dma_semaphore, #tpu.memory_space<semaphore_mem>>) attributes {dimension_semantics = [#tpu.dimension_semantics<core_parallel>, #tpu.dimension_semantics<subcore_parallel>], iteration_bounds = array<i64: 2, 16>, scalar_prefetch = 0 : i64, scratch_operands = 9 : i64, tpu.core_type = #tpu.core_type<sc_vector_subcore>, window_params = [{transform_indices = #map}, {transform_indices = #map1}, {transform_indices = #map1}, {transform_indices = #map1}]} {
    %mul3A = arith.constant 2 : i32
    %mul3A_0 = arith.muli %arg1, %mul3A : i32
    %add3A = arith.addi %mul3A_0, %arg0 : i32
    %mul3A_1 = arith.constant 632 : i32
    %mul3A_2 = arith.muli %arg1, %mul3A_1 : i32
    %add3A_3 = arith.constant 0 : i32
    %add3A_4 = arith.addi %mul3A_2, %add3A_3 : i32
    %dma_start3A = arith.constant 0 : i32
    %dma_start3A_5 = arith.constant 0 : i32
    %dma_start3A_6 = tpu.memref_slice %arg8[%dma_start3A, %dma_start3A_5] : memref<128x128xf32, #tpu.memory_space<vmem>> -> memref<128x128xf32, #tpu.memory_space<vmem>>
    %dma_start3A_7 = arith.constant 0 : i32
    %dma_start3A_8 = tpu.memref_slice %arg2[%add3A_4, %dma_start3A_7] : memref<10112x128xf32, #tpu.memory_space<hbm>> -> memref<128x128xf32, #tpu.memory_space<hbm>>
    %dma_start3A_9 = arith.constant 0 : i32
    %dma_start3A_10 = arith.constant 0 : i32
    %dma_start3A_11 = tpu.memref_slice %arg8[%dma_start3A_9, %dma_start3A_10] : memref<128x128xf32, #tpu.memory_space<vmem>> -> memref<128x128xf32, #tpu.memory_space<vmem>>
    %dma_start3A_12 = arith.constant 0 : i32
    %dma_start3A_13 = tpu.memref_slice %arg2[%add3A_4, %dma_start3A_12] : memref<10112x128xf32, #tpu.memory_space<hbm>> -> memref<128x128xf32, #tpu.memory_space<hbm>>
    tpu.enqueue_dma source(%dma_start3A_13 : memref<128x128xf32, #tpu.memory_space<hbm>>) target(%dma_start3A_11 : memref<128x128xf32, #tpu.memory_space<vmem>>) target_semaphore(%arg11 : memref<!tpu.dma_semaphore, #tpu.memory_space<semaphore_mem>>)
    %add3A_14 = arith.constant 0 : i32
    %add3A_15 = arith.addi %mul3A_2, %add3A_14 : i32
    %dma_wait3A = arith.constant 0 : i32
    %dma_wait3A_16 = arith.constant 0 : i32
    %dma_wait3A_17 = tpu.memref_slice %arg8[%dma_wait3A, %dma_wait3A_16] : memref<128x128xf32, #tpu.memory_space<vmem>> -> memref<128x128xf32, #tpu.memory_space<vmem>>
    %dma_wait3A_18 = arith.constant 0 : i32
    %dma_wait3A_19 = tpu.memref_slice %arg2[%add3A_15, %dma_wait3A_18] : memref<10112x128xf32, #tpu.memory_space<hbm>> -> memref<128x128xf32, #tpu.memory_space<hbm>>
    %dma_wait3A_20 = arith.constant 0 : i32
    %dma_wait3A_21 = arith.constant 0 : i32
    %dma_wait3A_22 = tpu.memref_slice %arg8[%dma_wait3A_20, %dma_wait3A_21] : memref<128x128xf32, #tpu.memory_space<vmem>> -> memref<128x128xf32, #tpu.memory_space<vmem>>
    %dma_wait3A_23 = arith.constant 0 : i32
    %dma_wait3A_24 = tpu.memref_slice %arg2[%add3A_15, %dma_wait3A_23] : memref<10112x128xf32, #tpu.memory_space<hbm>> -> memref<128x128xf32, #tpu.memory_space<hbm>>
    tpu.wait_dma2 semaphore(%arg11 : memref<!tpu.dma_semaphore, #tpu.memory_space<semaphore_mem>>) src(%dma_wait3A_24 : memref<128x128xf32, #tpu.memory_space<hbm>>) dst(%dma_wait3A_22 : memref<128x128xf32, #tpu.memory_space<vmem>>)
    %add3A_25 = arith.constant 128 : i32
    %add3A_26 = arith.addi %mul3A_2, %add3A_25 : i32
    %dma_start3A_27 = arith.constant 0 : i32
    %dma_start3A_28 = arith.constant 0 : i32
    %dma_start3A_29 = tpu.memref_slice %arg9[%dma_start3A_27, %dma_start3A_28] : memref<128x128xf32, #tpu.memory_space<vmem>> -> memref<128x128xf32, #tpu.memory_space<vmem>>
    %dma_start3A_30 = arith.constant 0 : i32
    %dma_start3A_31 = tpu.memref_slice %arg2[%add3A_26, %dma_start3A_30] : memref<10112x128xf32, #tpu.memory_space<hbm>> -> memref<128x128xf32, #tpu.memory_space<hbm>>
    %dma_start3A_32 = arith.constant 0 : i32
    %dma_start3A_33 = arith.constant 0 : i32
    %dma_start3A_34 = tpu.memref_slice %arg9[%dma_start3A_32, %dma_start3A_33] : memref<128x128xf32, #tpu.memory_space<vmem>> -> memref<128x128xf32, #tpu.memory_space<vmem>>
    %dma_start3A_35 = arith.constant 0 : i32
    %dma_start3A_36 = tpu.memref_slice %arg2[%add3A_26, %dma_start3A_35] : memref<10112x128xf32, #tpu.memory_space<hbm>> -> memref<128x128xf32, #tpu.memory_space<hbm>>
    tpu.enqueue_dma source(%dma_start3A_36 : memref<128x128xf32, #tpu.memory_space<hbm>>) target(%dma_start3A_34 : memref<128x128xf32, #tpu.memory_space<vmem>>) target_semaphore(%arg12 : memref<!tpu.dma_semaphore, #tpu.memory_space<semaphore_mem>>)
    %add3A_37 = arith.constant 0 : i32
    %add3A_38 = arith.addi %mul3A_2, %add3A_37 : i32
    %dma_start3A_39 = arith.constant 0 : i32
    %dma_start3A_40 = arith.constant 0 : i32
    %dma_start3A_41 = tpu.memref_slice %arg8[%dma_start3A_39, %dma_start3A_40] : memref<128x128xf32, #tpu.memory_space<vmem>> -> memref<128x128xf32, #tpu.memory_space<vmem>>
    %dma_start3A_42 = arith.constant 0 : i32
    %dma_start3A_43 = tpu.memref_slice %arg10[%add3A_38, %dma_start3A_42] : memref<10112x128xf32, #tpu.memory_space<vmem_shared>> -> memref<128x128xf32, #tpu.memory_space<vmem_shared>>
    %dma_start3A_44 = arith.constant 0 : i32
    %dma_start3A_45 = tpu.memref_slice %arg10[%add3A_38, %dma_start3A_44] : memref<10112x128xf32, #tpu.memory_space<vmem_shared>> -> memref<128x128xf32, #tpu.memory_space<vmem_shared>>
    %dma_start3A_46 = arith.constant 0 : i32
    %dma_start3A_47 = arith.constant 0 : i32
    %dma_start3A_48 = tpu.memref_slice %arg8[%dma_start3A_46, %dma_start3A_47] : memref<128x128xf32, #tpu.memory_space<vmem>> -> memref<128x128xf32, #tpu.memory_space<vmem>>
    tpu.enqueue_dma source(%dma_start3A_48 : memref<128x128xf32, #tpu.memory_space<vmem>>) target(%dma_start3A_45 : memref<128x128xf32, #tpu.memory_space<vmem_shared>>) target_semaphore(%arg13 : memref<!tpu.dma_semaphore, #tpu.memory_space<semaphore_mem>>)
    %add3A_49 = arith.constant 128 : i32
    %add3A_50 = arith.addi %mul3A_2, %add3A_49 : i32
    %dma_wait3A_51 = arith.constant 0 : i32
    %dma_wait3A_52 = arith.constant 0 : i32
    %dma_wait3A_53 = tpu.memref_slice %arg9[%dma_wait3A_51, %dma_wait3A_52] : memref<128x128xf32, #tpu.memory_space<vmem>> -> memref<128x128xf32, #tpu.memory_space<vmem>>
    %dma_wait3A_54 = arith.constant 0 : i32
    %dma_wait3A_55 = tpu.memref_slice %arg2[%add3A_50, %dma_wait3A_54] : memref<10112x128xf32, #tpu.memory_space<hbm>> -> memref<128x128xf32, #tpu.memory_space<hbm>>
    %dma_wait3A_56 = arith.constant 0 : i32
    %dma_wait3A_57 = arith.constant 0 : i32
    %dma_wait3A_58 = tpu.memref_slice %arg9[%dma_wait3A_56, %dma_wait3A_57] : memref<128x128xf32, #tpu.memory_space<vmem>> -> memref<128x128xf32, #tpu.memory_space<vmem>>
    %dma_wait3A_59 = arith.constant 0 : i32
    %dma_wait3A_60 = tpu.memref_slice %arg2[%add3A_50, %dma_wait3A_59] : memref<10112x128xf32, #tpu.memory_space<hbm>> -> memref<128x128xf32, #tpu.memory_space<hbm>>
    tpu.wait_dma2 semaphore(%arg12 : memref<!tpu.dma_semaphore, #tpu.memory_space<semaphore_mem>>) src(%dma_wait3A_60 : memref<128x128xf32, #tpu.memory_space<hbm>>) dst(%dma_wait3A_58 : memref<128x128xf32, #tpu.memory_space<vmem>>)
    %add3A_61 = arith.constant 0 : i32
    %add3A_62 = arith.addi %mul3A_2, %add3A_61 : i32
    %dma_wait3A_63 = arith.constant 0 : i32
    %dma_wait3A_64 = arith.constant 0 : i32
    %dma_wait3A_65 = tpu.memref_slice %arg8[%dma_wait3A_63, %dma_wait3A_64] : memref<128x128xf32, #tpu.memory_space<vmem>> -> memref<128x128xf32, #tpu.memory_space<vmem>>
    %dma_wait3A_66 = arith.constant 0 : i32
    %dma_wait3A_67 = tpu.memref_slice %arg10[%add3A_62, %dma_wait3A_66] : memref<10112x128xf32, #tpu.memory_space<vmem_shared>> -> memref<128x128xf32, #tpu.memory_space<vmem_shared>>
    %dma_wait3A_68 = arith.constant 0 : i32
    %dma_wait3A_69 = tpu.memref_slice %arg10[%add3A_62, %dma_wait3A_68] : memref<10112x128xf32, #tpu.memory_space<vmem_shared>> -> memref<128x128xf32, #tpu.memory_space<vmem_shared>>
    %dma_wait3A_70 = arith.constant 0 : i32
    %dma_wait3A_71 = arith.constant 0 : i32
    %dma_wait3A_72 = tpu.memref_slice %arg8[%dma_wait3A_70, %dma_wait3A_71] : memref<128x128xf32, #tpu.memory_space<vmem>> -> memref<128x128xf32, #tpu.memory_space<vmem>>
    tpu.wait_dma2 semaphore(%arg13 : memref<!tpu.dma_semaphore, #tpu.memory_space<semaphore_mem>>) src(%dma_wait3A_72 : memref<128x128xf32, #tpu.memory_space<vmem>>) dst(%dma_wait3A_69 : memref<128x128xf32, #tpu.memory_space<vmem_shared>>)
    %add3A_73 = arith.constant 256 : i32
    %add3A_74 = arith.addi %mul3A_2, %add3A_73 : i32
    %dma_start3A_75 = arith.constant 0 : i32
    %dma_start3A_76 = arith.constant 0 : i32
    %dma_start3A_77 = tpu.memref_slice %arg8[%dma_start3A_75, %dma_start3A_76] : memref<128x128xf32, #tpu.memory_space<vmem>> -> memref<128x128xf32, #tpu.memory_space<vmem>>
    %dma_start3A_78 = arith.constant 0 : i32
    %dma_start3A_79 = tpu.memref_slice %arg2[%add3A_74, %dma_start3A_78] : memref<10112x128xf32, #tpu.memory_space<hbm>> -> memref<128x128xf32, #tpu.memory_space<hbm>>
    %dma_start3A_80 = arith.constant 0 : i32
    %dma_start3A_81 = arith.constant 0 : i32
    %dma_start3A_82 = tpu.memref_slice %arg8[%dma_start3A_80, %dma_start3A_81] : memref<128x128xf32, #tpu.memory_space<vmem>> -> memref<128x128xf32, #tpu.memory_space<vmem>>
    %dma_start3A_83 = arith.constant 0 : i32
    %dma_start3A_84 = tpu.memref_slice %arg2[%add3A_74, %dma_start3A_83] : memref<10112x128xf32, #tpu.memory_space<hbm>> -> memref<128x128xf32, #tpu.memory_space<hbm>>
    tpu.enqueue_dma source(%dma_start3A_84 : memref<128x128xf32, #tpu.memory_space<hbm>>) target(%dma_start3A_82 : memref<128x128xf32, #tpu.memory_space<vmem>>) target_semaphore(%arg11 : memref<!tpu.dma_semaphore, #tpu.memory_space<semaphore_mem>>)
    %add3A_85 = arith.constant 128 : i32
    %add3A_86 = arith.addi %mul3A_2, %add3A_85 : i32
    %dma_start3A_87 = arith.constant 0 : i32
    %dma_start3A_88 = arith.constant 0 : i32
    %dma_start3A_89 = tpu.memref_slice %arg9[%dma_start3A_87, %dma_start3A_88] : memref<128x128xf32, #tpu.memory_space<vmem>> -> memref<128x128xf32, #tpu.memory_space<vmem>>
    %dma_start3A_90 = arith.constant 0 : i32
    %dma_start3A_91 = tpu.memref_slice %arg10[%add3A_86, %dma_start3A_90] : memref<10112x128xf32, #tpu.memory_space<vmem_shared>> -> memref<128x128xf32, #tpu.memory_space<vmem_shared>>
    %dma_start3A_92 = arith.constant 0 : i32
    %dma_start3A_93 = tpu.memref_slice %arg10[%add3A_86, %dma_start3A_92] : memref<10112x128xf32, #tpu.memory_space<vmem_shared>> -> memref<128x128xf32, #tpu.memory_space<vmem_shared>>
    %dma_start3A_94 = arith.constant 0 : i32
    %dma_start3A_95 = arith.constant 0 : i32
    %dma_start3A_96 = tpu.memref_slice %arg9[%dma_start3A_94, %dma_start3A_95] : memref<128x128xf32, #tpu.memory_space<vmem>> -> memref<128x128xf32, #tpu.memory_space<vmem>>
    tpu.enqueue_dma source(%dma_start3A_96 : memref<128x128xf32, #tpu.memory_space<vmem>>) target(%dma_start3A_93 : memref<128x128xf32, #tpu.memory_space<vmem_shared>>) target_semaphore(%arg14 : memref<!tpu.dma_semaphore, #tpu.memory_space<semaphore_mem>>)
    %add3A_97 = arith.constant 256 : i32
    %add3A_98 = arith.addi %mul3A_2, %add3A_97 : i32
    %dma_wait3A_99 = arith.constant 0 : i32
    %dma_wait3A_100 = arith.constant 0 : i32
    %dma_wait3A_101 = tpu.memref_slice %arg8[%dma_wait3A_99, %dma_wait3A_100] : memref<128x128xf32, #tpu.memory_space<vmem>> -> memref<128x128xf32, #tpu.memory_space<vmem>>
    %dma_wait3A_102 = arith.constant 0 : i32
    %dma_wait3A_103 = tpu.memref_slice %arg2[%add3A_98, %dma_wait3A_102] : memref<10112x128xf32, #tpu.memory_space<hbm>> -> memref<128x128xf32, #tpu.memory_space<hbm>>
    %dma_wait3A_104 = arith.constant 0 : i32
    %dma_wait3A_105 = arith.constant 0 : i32
    %dma_wait3A_106 = tpu.memref_slice %arg8[%dma_wait3A_104, %dma_wait3A_105] : memref<128x128xf32, #tpu.memory_space<vmem>> -> memref<128x128xf32, #tpu.memory_space<vmem>>
    %dma_wait3A_107 = arith.constant 0 : i32
    %dma_wait3A_108 = tpu.memref_slice %arg2[%add3A_98, %dma_wait3A_107] : memref<10112x128xf32, #tpu.memory_space<hbm>> -> memref<128x128xf32, #tpu.memory_space<hbm>>
    tpu.wait_dma2 semaphore(%arg11 : memref<!tpu.dma_semaphore, #tpu.memory_space<semaphore_mem>>) src(%dma_wait3A_108 : memref<128x128xf32, #tpu.memory_space<hbm>>) dst(%dma_wait3A_106 : memref<128x128xf32, #tpu.memory_space<vmem>>)
    %add3A_109 = arith.constant 128 : i32
    %add3A_110 = arith.addi %mul3A_2, %add3A_109 : i32
    %dma_wait3A_111 = arith.constant 0 : i32
    %dma_wait3A_112 = arith.constant 0 : i32
    %dma_wait3A_113 = tpu.memref_slice %arg9[%dma_wait3A_111, %dma_wait3A_112] : memref<128x128xf32, #tpu.memory_space<vmem>> -> memref<128x128xf32, #tpu.memory_space<vmem>>
    %dma_wait3A_114 = arith.constant 0 : i32
    %dma_wait3A_115 = tpu.memref_slice %arg10[%add3A_110, %dma_wait3A_114] : memref<10112x128xf32, #tpu.memory_space<vmem_shared>> -> memref<128x128xf32, #tpu.memory_space<vmem_shared>>
    %dma_wait3A_116 = arith.constant 0 : i32
    %dma_wait3A_117 = tpu.memref_slice %arg10[%add3A_110, %dma_wait3A_116] : memref<10112x128xf32, #tpu.memory_space<vmem_shared>> -> memref<128x128xf32, #tpu.memory_space<vmem_shared>>
    %dma_wait3A_118 = arith.constant 0 : i32
    %dma_wait3A_119 = arith.constant 0 : i32
    %dma_wait3A_120 = tpu.memref_slice %arg9[%dma_wait3A_118, %dma_wait3A_119] : memref<128x128xf32, #tpu.memory_space<vmem>> -> memref<128x128xf32, #tpu.memory_space<vmem>>
    tpu.wait_dma2 semaphore(%arg14 : memref<!tpu.dma_semaphore, #tpu.memory_space<semaphore_mem>>) src(%dma_wait3A_120 : memref<128x128xf32, #tpu.memory_space<vmem>>) dst(%dma_wait3A_117 : memref<128x128xf32, #tpu.memory_space<vmem_shared>>)
    %add3A_121 = arith.constant 384 : i32
    %add3A_122 = arith.addi %mul3A_2, %add3A_121 : i32
    %dma_start3A_123 = arith.constant 0 : i32
    %dma_start3A_124 = arith.constant 0 : i32
    %dma_start3A_125 = tpu.memref_slice %arg9[%dma_start3A_123, %dma_start3A_124] : memref<128x128xf32, #tpu.memory_space<vmem>> -> memref<128x128xf32, #tpu.memory_space<vmem>>
    %dma_start3A_126 = arith.constant 0 : i32
    %dma_start3A_127 = tpu.memref_slice %arg2[%add3A_122, %dma_start3A_126] : memref<10112x128xf32, #tpu.memory_space<hbm>> -> memref<128x128xf32, #tpu.memory_space<hbm>>
    %dma_start3A_128 = arith.constant 0 : i32
    %dma_start3A_129 = arith.constant 0 : i32
    %dma_start3A_130 = tpu.memref_slice %arg9[%dma_start3A_128, %dma_start3A_129] : memref<128x128xf32, #tpu.memory_space<vmem>> -> memref<128x128xf32, #tpu.memory_space<vmem>>
    %dma_start3A_131 = arith.constant 0 : i32
    %dma_start3A_132 = tpu.memref_slice %arg2[%add3A_122, %dma_start3A_131] : memref<10112x128xf32, #tpu.memory_space<hbm>> -> memref<128x128xf32, #tpu.memory_space<hbm>>
    tpu.enqueue_dma source(%dma_start3A_132 : memref<128x128xf32, #tpu.memory_space<hbm>>) target(%dma_start3A_130 : memref<128x128xf32, #tpu.memory_space<vmem>>) target_semaphore(%arg12 : memref<!tpu.dma_semaphore, #tpu.memory_space<semaphore_mem>>)
    %add3A_133 = arith.constant 256 : i32
    %add3A_134 = arith.addi %mul3A_2, %add3A_133 : i32
    %dma_start3A_135 = arith.constant 0 : i32
    %dma_start3A_136 = arith.constant 0 : i32
    %dma_start3A_137 = tpu.memref_slice %arg8[%dma_start3A_135, %dma_start3A_136] : memref<128x128xf32, #tpu.memory_space<vmem>> -> memref<128x128xf32, #tpu.memory_space<vmem>>
    %dma_start3A_138 = arith.constant 0 : i32
    %dma_start3A_139 = tpu.memref_slice %arg10[%add3A_134, %dma_start3A_138] : memref<10112x128xf32, #tpu.memory_space<vmem_shared>> -> memref<128x128xf32, #tpu.memory_space<vmem_shared>>
    %dma_start3A_140 = arith.constant 0 : i32
    %dma_start3A_141 = tpu.memref_slice %arg10[%add3A_134, %dma_start3A_140] : memref<10112x128xf32, #tpu.memory_space<vmem_shared>> -> memref<128x128xf32, #tpu.memory_space<vmem_shared>>
    %dma_start3A_142 = arith.constant 0 : i32
    %dma_start3A_143 = arith.constant 0 : i32
    %dma_start3A_144 = tpu.memref_slice %arg8[%dma_start3A_142, %dma_start3A_143] : memref<128x128xf32, #tpu.memory_space<vmem>> -> memref<128x128xf32, #tpu.memory_space<vmem>>
    tpu.enqueue_dma source(%dma_start3A_144 : memref<128x128xf32, #tpu.memory_space<vmem>>) target(%dma_start3A_141 : memref<128x128xf32, #tpu.memory_space<vmem_shared>>) target_semaphore(%arg13 : memref<!tpu.dma_semaphore, #tpu.memory_space<semaphore_mem>>)
    %add3A_145 = arith.constant 384 : i32
    %add3A_146 = arith.addi %mul3A_2, %add3A_145 : i32
    %dma_wait3A_147 = arith.constant 0 : i32
    %dma_wait3A_148 = arith.constant 0 : i32
    %dma_wait3A_149 = tpu.memref_slice %arg9[%dma_wait3A_147, %dma_wait3A_148] : memref<128x128xf32, #tpu.memory_space<vmem>> -> memref<128x128xf32, #tpu.memory_space<vmem>>
    %dma_wait3A_150 = arith.constant 0 : i32
    %dma_wait3A_151 = tpu.memref_slice %arg2[%add3A_146, %dma_wait3A_150] : memref<10112x128xf32, #tpu.memory_space<hbm>> -> memref<128x128xf32, #tpu.memory_space<hbm>>
    %dma_wait3A_152 = arith.constant 0 : i32
    %dma_wait3A_153 = arith.constant 0 : i32
    %dma_wait3A_154 = tpu.memref_slice %arg9[%dma_wait3A_152, %dma_wait3A_153] : memref<128x128xf32, #tpu.memory_space<vmem>> -> memref<128x128xf32, #tpu.memory_space<vmem>>
    %dma_wait3A_155 = arith.constant 0 : i32
    %dma_wait3A_156 = tpu.memref_slice %arg2[%add3A_146, %dma_wait3A_155] : memref<10112x128xf32, #tpu.memory_space<hbm>> -> memref<128x128xf32, #tpu.memory_space<hbm>>
    tpu.wait_dma2 semaphore(%arg12 : memref<!tpu.dma_semaphore, #tpu.memory_space<semaphore_mem>>) src(%dma_wait3A_156 : memref<128x128xf32, #tpu.memory_space<hbm>>) dst(%dma_wait3A_154 : memref<128x128xf32, #tpu.memory_space<vmem>>)
    %add3A_157 = arith.constant 256 : i32
    %add3A_158 = arith.addi %mul3A_2, %add3A_157 : i32
    %dma_wait3A_159 = arith.constant 0 : i32
    %dma_wait3A_160 = arith.constant 0 : i32
    %dma_wait3A_161 = tpu.memref_slice %arg8[%dma_wait3A_159, %dma_wait3A_160] : memref<128x128xf32, #tpu.memory_space<vmem>> -> memref<128x128xf32, #tpu.memory_space<vmem>>
    %dma_wait3A_162 = arith.constant 0 : i32
    %dma_wait3A_163 = tpu.memref_slice %arg10[%add3A_158, %dma_wait3A_162] : memref<10112x128xf32, #tpu.memory_space<vmem_shared>> -> memref<128x128xf32, #tpu.memory_space<vmem_shared>>
    %dma_wait3A_164 = arith.constant 0 : i32
    %dma_wait3A_165 = tpu.memref_slice %arg10[%add3A_158, %dma_wait3A_164] : memref<10112x128xf32, #tpu.memory_space<vmem_shared>> -> memref<128x128xf32, #tpu.memory_space<vmem_shared>>
    %dma_wait3A_166 = arith.constant 0 : i32
    %dma_wait3A_167 = arith.constant 0 : i32
    %dma_wait3A_168 = tpu.memref_slice %arg8[%dma_wait3A_166, %dma_wait3A_167] : memref<128x128xf32, #tpu.memory_space<vmem>> -> memref<128x128xf32, #tpu.memory_space<vmem>>
    tpu.wait_dma2 semaphore(%arg13 : memref<!tpu.dma_semaphore, #tpu.memory_space<semaphore_mem>>) src(%dma_wait3A_168 : memref<128x128xf32, #tpu.memory_space<vmem>>) dst(%dma_wait3A_165 : memref<128x128xf32, #tpu.memory_space<vmem_shared>>)
    %add3A_169 = arith.constant 512 : i32
    %add3A_170 = arith.addi %mul3A_2, %add3A_169 : i32
    %dma_start3A_171 = arith.constant 0 : i32
    %dma_start3A_172 = arith.constant 0 : i32
    %dma_start3A_173 = tpu.memref_slice %arg8[%dma_start3A_171, %dma_start3A_172] : memref<128x128xf32, #tpu.memory_space<vmem>> -> memref<120x128xf32, #tpu.memory_space<vmem>>
    %dma_start3A_174 = arith.constant 0 : i32
    %dma_start3A_175 = tpu.memref_slice %arg2[%add3A_170, %dma_start3A_174] : memref<10112x128xf32, #tpu.memory_space<hbm>> -> memref<120x128xf32, #tpu.memory_space<hbm>>
    %dma_start3A_176 = arith.constant 0 : i32
    %dma_start3A_177 = arith.constant 0 : i32
    %dma_start3A_178 = tpu.memref_slice %arg8[%dma_start3A_176, %dma_start3A_177] : memref<128x128xf32, #tpu.memory_space<vmem>> -> memref<120x128xf32, #tpu.memory_space<vmem>>
    %dma_start3A_179 = arith.constant 0 : i32
    %dma_start3A_180 = tpu.memref_slice %arg2[%add3A_170, %dma_start3A_179] : memref<10112x128xf32, #tpu.memory_space<hbm>> -> memref<120x128xf32, #tpu.memory_space<hbm>>
    tpu.enqueue_dma source(%dma_start3A_180 : memref<120x128xf32, #tpu.memory_space<hbm>>) target(%dma_start3A_178 : memref<120x128xf32, #tpu.memory_space<vmem>>) target_semaphore(%arg11 : memref<!tpu.dma_semaphore, #tpu.memory_space<semaphore_mem>>)
    %add3A_181 = arith.constant 384 : i32
    %add3A_182 = arith.addi %mul3A_2, %add3A_181 : i32
    %dma_start3A_183 = arith.constant 0 : i32
    %dma_start3A_184 = arith.constant 0 : i32
    %dma_start3A_185 = tpu.memref_slice %arg9[%dma_start3A_183, %dma_start3A_184] : memref<128x128xf32, #tpu.memory_space<vmem>> -> memref<128x128xf32, #tpu.memory_space<vmem>>
    %dma_start3A_186 = arith.constant 0 : i32
    %dma_start3A_187 = tpu.memref_slice %arg10[%add3A_182, %dma_start3A_186] : memref<10112x128xf32, #tpu.memory_space<vmem_shared>> -> memref<128x128xf32, #tpu.memory_space<vmem_shared>>
    %dma_start3A_188 = arith.constant 0 : i32
    %dma_start3A_189 = tpu.memref_slice %arg10[%add3A_182, %dma_start3A_188] : memref<10112x128xf32, #tpu.memory_space<vmem_shared>> -> memref<128x128xf32, #tpu.memory_space<vmem_shared>>
    %dma_start3A_190 = arith.constant 0 : i32
    %dma_start3A_191 = arith.constant 0 : i32
    %dma_start3A_192 = tpu.memref_slice %arg9[%dma_start3A_190, %dma_start3A_191] : memref<128x128xf32, #tpu.memory_space<vmem>> -> memref<128x128xf32, #tpu.memory_space<vmem>>
    tpu.enqueue_dma source(%dma_start3A_192 : memref<128x128xf32, #tpu.memory_space<vmem>>) target(%dma_start3A_189 : memref<128x128xf32, #tpu.memory_space<vmem_shared>>) target_semaphore(%arg14 : memref<!tpu.dma_semaphore, #tpu.memory_space<semaphore_mem>>)
    %add3A_193 = arith.constant 512 : i32
    %add3A_194 = arith.addi %mul3A_2, %add3A_193 : i32
    %dma_wait3A_195 = arith.constant 0 : i32
    %dma_wait3A_196 = arith.constant 0 : i32
    %dma_wait3A_197 = tpu.memref_slice %arg8[%dma_wait3A_195, %dma_wait3A_196] : memref<128x128xf32, #tpu.memory_space<vmem>> -> memref<120x128xf32, #tpu.memory_space<vmem>>
    %dma_wait3A_198 = arith.constant 0 : i32
    %dma_wait3A_199 = tpu.memref_slice %arg2[%add3A_194, %dma_wait3A_198] : memref<10112x128xf32, #tpu.memory_space<hbm>> -> memref<120x128xf32, #tpu.memory_space<hbm>>
    %dma_wait3A_200 = arith.constant 0 : i32
    %dma_wait3A_201 = arith.constant 0 : i32
    %dma_wait3A_202 = tpu.memref_slice %arg8[%dma_wait3A_200, %dma_wait3A_201] : memref<128x128xf32, #tpu.memory_space<vmem>> -> memref<120x128xf32, #tpu.memory_space<vmem>>
    %dma_wait3A_203 = arith.constant 0 : i32
    %dma_wait3A_204 = tpu.memref_slice %arg2[%add3A_194, %dma_wait3A_203] : memref<10112x128xf32, #tpu.memory_space<hbm>> -> memref<120x128xf32, #tpu.memory_space<hbm>>
    tpu.wait_dma2 semaphore(%arg11 : memref<!tpu.dma_semaphore, #tpu.memory_space<semaphore_mem>>) src(%dma_wait3A_204 : memref<120x128xf32, #tpu.memory_space<hbm>>) dst(%dma_wait3A_202 : memref<120x128xf32, #tpu.memory_space<vmem>>)
    %add3A_205 = arith.constant 512 : i32
    %add3A_206 = arith.addi %mul3A_2, %add3A_205 : i32
    %dma_start3A_207 = arith.constant 0 : i32
    %dma_start3A_208 = arith.constant 0 : i32
    %dma_start3A_209 = tpu.memref_slice %arg8[%dma_start3A_207, %dma_start3A_208] : memref<128x128xf32, #tpu.memory_space<vmem>> -> memref<120x128xf32, #tpu.memory_space<vmem>>
    %dma_start3A_210 = arith.constant 0 : i32
    %dma_start3A_211 = tpu.memref_slice %arg10[%add3A_206, %dma_start3A_210] : memref<10112x128xf32, #tpu.memory_space<vmem_shared>> -> memref<120x128xf32, #tpu.memory_space<vmem_shared>>
    %dma_start3A_212 = arith.constant 0 : i32
    %dma_start3A_213 = tpu.memref_slice %arg10[%add3A_206, %dma_start3A_212] : memref<10112x128xf32, #tpu.memory_space<vmem_shared>> -> memref<120x128xf32, #tpu.memory_space<vmem_shared>>
    %dma_start3A_214 = arith.constant 0 : i32
    %dma_start3A_215 = arith.constant 0 : i32
    %dma_start3A_216 = tpu.memref_slice %arg8[%dma_start3A_214, %dma_start3A_215] : memref<128x128xf32, #tpu.memory_space<vmem>> -> memref<120x128xf32, #tpu.memory_space<vmem>>
    tpu.enqueue_dma source(%dma_start3A_216 : memref<120x128xf32, #tpu.memory_space<vmem>>) target(%dma_start3A_213 : memref<120x128xf32, #tpu.memory_space<vmem_shared>>) target_semaphore(%arg13 : memref<!tpu.dma_semaphore, #tpu.memory_space<semaphore_mem>>)
    %add3A_217 = arith.constant 384 : i32
    %add3A_218 = arith.addi %mul3A_2, %add3A_217 : i32
    %dma_wait3A_219 = arith.constant 0 : i32
    %dma_wait3A_220 = arith.constant 0 : i32
    %dma_wait3A_221 = tpu.memref_slice %arg9[%dma_wait3A_219, %dma_wait3A_220] : memref<128x128xf32, #tpu.memory_space<vmem>> -> memref<128x128xf32, #tpu.memory_space<vmem>>
    %dma_wait3A_222 = arith.constant 0 : i32
    %dma_wait3A_223 = tpu.memref_slice %arg10[%add3A_218, %dma_wait3A_222] : memref<10112x128xf32, #tpu.memory_space<vmem_shared>> -> memref<128x128xf32, #tpu.memory_space<vmem_shared>>
    %dma_wait3A_224 = arith.constant 0 : i32
    %dma_wait3A_225 = tpu.memref_slice %arg10[%add3A_218, %dma_wait3A_224] : memref<10112x128xf32, #tpu.memory_space<vmem_shared>> -> memref<128x128xf32, #tpu.memory_space<vmem_shared>>
    %dma_wait3A_226 = arith.constant 0 : i32
    %dma_wait3A_227 = arith.constant 0 : i32
    %dma_wait3A_228 = tpu.memref_slice %arg9[%dma_wait3A_226, %dma_wait3A_227] : memref<128x128xf32, #tpu.memory_space<vmem>> -> memref<128x128xf32, #tpu.memory_space<vmem>>
    tpu.wait_dma2 semaphore(%arg14 : memref<!tpu.dma_semaphore, #tpu.memory_space<semaphore_mem>>) src(%dma_wait3A_228 : memref<128x128xf32, #tpu.memory_space<vmem>>) dst(%dma_wait3A_225 : memref<128x128xf32, #tpu.memory_space<vmem_shared>>)
    %add3A_229 = arith.constant 512 : i32
    %add3A_230 = arith.addi %mul3A_2, %add3A_229 : i32
    %dma_wait3A_231 = arith.constant 0 : i32
    %dma_wait3A_232 = arith.constant 0 : i32
    %dma_wait3A_233 = tpu.memref_slice %arg8[%dma_wait3A_231, %dma_wait3A_232] : memref<128x128xf32, #tpu.memory_space<vmem>> -> memref<120x128xf32, #tpu.memory_space<vmem>>
    %dma_wait3A_234 = arith.constant 0 : i32
    %dma_wait3A_235 = tpu.memref_slice %arg10[%add3A_230, %dma_wait3A_234] : memref<10112x128xf32, #tpu.memory_space<vmem_shared>> -> memref<120x128xf32, #tpu.memory_space<vmem_shared>>
    %dma_wait3A_236 = arith.constant 0 : i32
    %dma_wait3A_237 = tpu.memref_slice %arg10[%add3A_230, %dma_wait3A_236] : memref<10112x128xf32, #tpu.memory_space<vmem_shared>> -> memref<120x128xf32, #tpu.memory_space<vmem_shared>>
    %dma_wait3A_238 = arith.constant 0 : i32
    %dma_wait3A_239 = arith.constant 0 : i32
    %dma_wait3A_240 = tpu.memref_slice %arg8[%dma_wait3A_238, %dma_wait3A_239] : memref<128x128xf32, #tpu.memory_space<vmem>> -> memref<120x128xf32, #tpu.memory_space<vmem>>
    tpu.wait_dma2 semaphore(%arg13 : memref<!tpu.dma_semaphore, #tpu.memory_space<semaphore_mem>>) src(%dma_wait3A_240 : memref<120x128xf32, #tpu.memory_space<vmem>>) dst(%dma_wait3A_237 : memref<120x128xf32, #tpu.memory_space<vmem_shared>>)
    %barrier3A = arith.constant 0 : index
    tpu.barrier barrier_id(%barrier3A)
    "tpu.region"() ({
      %run_scoped3A = tpu.sem_alloc : memref<!tpu.dma_semaphore, #tpu.memory_space<semaphore_mem>>
      %dma_start3A_557 = arith.constant 0 : i32
      %dma_start3A_558 = arith.constant 0 : i32
      %dma_start3A_559 = tpu.memref_slice %arg3[%add3A, %dma_start3A_557, %dma_start3A_558] : memref<32x80x128xi32, #tpu.memory_space<hbm>> -> memref<1x40x128xi32, #tpu.memory_space<hbm>>
      %dma_start3A_560 = tpu.memref_squeeze %dma_start3A_559 : memref<1x40x128xi32, #tpu.memory_space<hbm>> -> memref<40x128xi32, #tpu.memory_space<hbm>>
      %dma_start3A_561 = arith.constant 0 : i32
      %dma_start3A_562 = arith.constant 0 : i32
      %dma_start3A_563 = tpu.memref_slice %arg3[%add3A, %dma_start3A_561, %dma_start3A_562] : memref<32x80x128xi32, #tpu.memory_space<hbm>> -> memref<1x40x128xi32, #tpu.memory_space<hbm>>
      %dma_start3A_564 = tpu.memref_squeeze %dma_start3A_563 : memref<1x40x128xi32, #tpu.memory_space<hbm>> -> memref<40x128xi32, #tpu.memory_space<hbm>>
      tpu.enqueue_dma source(%dma_start3A_564 : memref<40x128xi32, #tpu.memory_space<hbm>>) target(%arg6 : memref<40x128xi32, #tpu.memory_space<vmem>>) target_semaphore(%run_scoped3A : memref<!tpu.dma_semaphore, #tpu.memory_space<semaphore_mem>>)
      %dma_wait3A_565 = arith.constant 0 : i32
      %dma_wait3A_566 = arith.constant 0 : i32
      %dma_wait3A_567 = tpu.memref_slice %arg3[%add3A, %dma_wait3A_565, %dma_wait3A_566] : memref<32x80x128xi32, #tpu.memory_space<hbm>> -> memref<1x40x128xi32, #tpu.memory_space<hbm>>
      %dma_wait3A_568 = tpu.memref_squeeze %dma_wait3A_567 : memref<1x40x128xi32, #tpu.memory_space<hbm>> -> memref<40x128xi32, #tpu.memory_space<hbm>>
      %dma_wait3A_569 = arith.constant 0 : i32
      %dma_wait3A_570 = arith.constant 0 : i32
      %dma_wait3A_571 = tpu.memref_slice %arg3[%add3A, %dma_wait3A_569, %dma_wait3A_570] : memref<32x80x128xi32, #tpu.memory_space<hbm>> -> memref<1x40x128xi32, #tpu.memory_space<hbm>>
      %dma_wait3A_572 = tpu.memref_squeeze %dma_wait3A_571 : memref<1x40x128xi32, #tpu.memory_space<hbm>> -> memref<40x128xi32, #tpu.memory_space<hbm>>
      tpu.wait_dma2 semaphore(%run_scoped3A : memref<!tpu.dma_semaphore, #tpu.memory_space<semaphore_mem>>) src(%dma_wait3A_572 : memref<40x128xi32, #tpu.memory_space<hbm>>) dst(%arg6 : memref<40x128xi32, #tpu.memory_space<vmem>>)
      tpu.yield
    }) : () -> ()
    "tpu.region"() ({
      %run_scoped3A = tpu.sem_alloc : memref<!tpu.dma_semaphore, #tpu.memory_space<semaphore_mem>>
      %dma_start3A_557 = arith.constant 0 : i32
      %dma_start3A_558 = arith.constant 0 : i32
      %dma_start3A_559 = tpu.memref_slice %arg4[%add3A, %dma_start3A_557, %dma_start3A_558] : memref<32x80x128xi32, #tpu.memory_space<hbm>> -> memref<1x40x128xi32, #tpu.memory_space<hbm>>
      %dma_start3A_560 = tpu.memref_squeeze %dma_start3A_559 : memref<1x40x128xi32, #tpu.memory_space<hbm>> -> memref<40x128xi32, #tpu.memory_space<hbm>>
      %dma_start3A_561 = arith.constant 0 : i32
      %dma_start3A_562 = arith.constant 0 : i32
      %dma_start3A_563 = tpu.memref_slice %arg4[%add3A, %dma_start3A_561, %dma_start3A_562] : memref<32x80x128xi32, #tpu.memory_space<hbm>> -> memref<1x40x128xi32, #tpu.memory_space<hbm>>
      %dma_start3A_564 = tpu.memref_squeeze %dma_start3A_563 : memref<1x40x128xi32, #tpu.memory_space<hbm>> -> memref<40x128xi32, #tpu.memory_space<hbm>>
      tpu.enqueue_dma source(%dma_start3A_564 : memref<40x128xi32, #tpu.memory_space<hbm>>) target(%arg7 : memref<40x128xi32, #tpu.memory_space<vmem>>) target_semaphore(%run_scoped3A : memref<!tpu.dma_semaphore, #tpu.memory_space<semaphore_mem>>)
      %dma_wait3A_565 = arith.constant 0 : i32
      %dma_wait3A_566 = arith.constant 0 : i32
      %dma_wait3A_567 = tpu.memref_slice %arg4[%add3A, %dma_wait3A_565, %dma_wait3A_566] : memref<32x80x128xi32, #tpu.memory_space<hbm>> -> memref<1x40x128xi32, #tpu.memory_space<hbm>>
      %dma_wait3A_568 = tpu.memref_squeeze %dma_wait3A_567 : memref<1x40x128xi32, #tpu.memory_space<hbm>> -> memref<40x128xi32, #tpu.memory_space<hbm>>
      %dma_wait3A_569 = arith.constant 0 : i32
      %dma_wait3A_570 = arith.constant 0 : i32
      %dma_wait3A_571 = tpu.memref_slice %arg4[%add3A, %dma_wait3A_569, %dma_wait3A_570] : memref<32x80x128xi32, #tpu.memory_space<hbm>> -> memref<1x40x128xi32, #tpu.memory_space<hbm>>
      %dma_wait3A_572 = tpu.memref_squeeze %dma_wait3A_571 : memref<1x40x128xi32, #tpu.memory_space<hbm>> -> memref<40x128xi32, #tpu.memory_space<hbm>>
      tpu.wait_dma2 semaphore(%run_scoped3A : memref<!tpu.dma_semaphore, #tpu.memory_space<semaphore_mem>>) src(%dma_wait3A_572 : memref<40x128xi32, #tpu.memory_space<hbm>>) dst(%arg7 : memref<40x128xi32, #tpu.memory_space<vmem>>)
      tpu.yield
    }) : () -> ()
    %dma_start3A_241 = arith.constant 0 : i32
    %dma_start3A_242 = arith.constant 0 : i32
    %dma_start3A_243 = tpu.memref_slice %arg6[%dma_start3A_241, %dma_start3A_242] : memref<40x128xi32, #tpu.memory_space<vmem>> -> memref<1x128xi32, #tpu.memory_space<vmem>>
    %dma_start3A_244 = tpu.memref_squeeze %dma_start3A_243 : memref<1x128xi32, #tpu.memory_space<vmem>> -> memref<128xi32, #tpu.memory_space<vmem>>
    %dma_start3A_245 = arith.constant 0 : i32
    %dma_start3A_246 = arith.constant 0 : i32
    %dma_start3A_247 = tpu.memref_slice %arg2[%dma_start3A_245, %dma_start3A_246] : memref<10112x128xf32, #tpu.memory_space<hbm>> -> memref<10112x128xf32, #tpu.memory_space<hbm>>
    tpu.enqueue_indirect_dma source(%dma_start3A_247 : memref<10112x128xf32, #tpu.memory_space<hbm>>) target(%arg8 : memref<128x128xf32, #tpu.memory_space<vmem>>) offsets(%dma_start3A_244 : memref<128xi32, #tpu.memory_space<vmem>>) semaphore(%arg11 : memref<!tpu.dma_semaphore, #tpu.memory_space<semaphore_mem>>)
    %scan3A = arith.constant 0 : i32
    %scan3A_248 = arith.constant 0 : i32
    %scan3A_249 = arith.constant 20 : i32
    %scan3A_250 = arith.addi %scan3A_248, %scan3A_249 : i32
    %scan3A_251 = arith.constant 1 : i32
    %scan3A_252 = scf.for %scan3A_557 = %scan3A_248 to %scan3A_250 step %scan3A_251 iter_args(%scan3A_558 = %scan3A) -> (i32)  : i32 {
      %mul3A_559 = arith.constant 2 : i32
      %mul3A_560 = arith.muli %mul3A_559, %scan3A_557 : i32
      %add3A_561 = arith.constant 0 : i32
      %add3A_562 = arith.addi %mul3A_560, %add3A_561 : i32
      %dma_wait3A_563 = arith.constant 0 : i32
      %dma_wait3A_564 = tpu.memref_slice %arg6[%add3A_562, %dma_wait3A_563] : memref<40x128xi32, #tpu.memory_space<vmem>> -> memref<1x128xi32, #tpu.memory_space<vmem>>
      %dma_wait3A_565 = tpu.memref_squeeze %dma_wait3A_564 : memref<1x128xi32, #tpu.memory_space<vmem>> -> memref<128xi32, #tpu.memory_space<vmem>>
      %dma_wait3A_566 = arith.constant 0 : i32
      %dma_wait3A_567 = arith.constant 0 : i32
      %dma_wait3A_568 = tpu.memref_slice %arg2[%dma_wait3A_566, %dma_wait3A_567] : memref<10112x128xf32, #tpu.memory_space<hbm>> -> memref<10112x128xf32, #tpu.memory_space<hbm>>
      tpu.wait_indirect_dma semaphore(%arg11 : memref<!tpu.dma_semaphore, #tpu.memory_space<semaphore_mem>>) src(%dma_wait3A_568 : memref<10112x128xf32, #tpu.memory_space<hbm>>) dst(%arg8 : memref<128x128xf32, #tpu.memory_space<vmem>>)
      %dma_start3A_569 = arith.constant 0 : i32
      %dma_start3A_570 = tpu.memref_slice %arg7[%add3A_562, %dma_start3A_569] : memref<40x128xi32, #tpu.memory_space<vmem>> -> memref<1x128xi32, #tpu.memory_space<vmem>>
      %dma_start3A_571 = tpu.memref_squeeze %dma_start3A_570 : memref<1x128xi32, #tpu.memory_space<vmem>> -> memref<128xi32, #tpu.memory_space<vmem>>
      %dma_start3A_572 = arith.constant 0 : i32
      %dma_start3A_573 = arith.constant 0 : i32
      %dma_start3A_574 = tpu.memref_slice %arg10[%dma_start3A_572, %dma_start3A_573] : memref<10112x128xf32, #tpu.memory_space<vmem_shared>> -> memref<10112x128xf32, #tpu.memory_space<vmem_shared>>
      tpu.enqueue_indirect_dma source(%arg8 : memref<128x128xf32, #tpu.memory_space<vmem>>) target(%dma_start3A_574 : memref<10112x128xf32, #tpu.memory_space<vmem_shared>>) offsets(%dma_start3A_571 : memref<128xi32, #tpu.memory_space<vmem>>) semaphore(%arg13 : memref<!tpu.dma_semaphore, #tpu.memory_space<semaphore_mem>>) {add = true}
      %add3A_575 = arith.constant 1 : i32
      %add3A_576 = arith.addi %add3A_562, %add3A_575 : i32
      %lt3A = arith.constant 40 : i32
      %lt3A_577 = arith.cmpi slt, %add3A_576, %lt3A : i32
      %convert_element_type3A = arith.extui %lt3A_577 : i1 to i32
      %cond3A = arith.constant 0 : i32
      %cond3A_578 = arith.cmpi ne, %convert_element_type3A, %cond3A : i32
      scf.if %cond3A_578 {
        %gt3A = arith.constant 0 : i32
        %gt3A_603 = arith.cmpi sgt, %add3A_562, %gt3A : i32
        %convert_element_type3A_604 = arith.extui %gt3A_603 : i1 to i32
        %cond3A_605 = arith.constant 0 : i32
        %cond3A_606 = arith.cmpi ne, %convert_element_type3A_604, %cond3A_605 : i32
        scf.if %cond3A_606 {
          %dma_wait3A_615 = arith.constant 0 : i32
          %dma_wait3A_616 = tpu.memref_slice %arg7[%add3A_562, %dma_wait3A_615] : memref<40x128xi32, #tpu.memory_space<vmem>> -> memref<1x128xi32, #tpu.memory_space<vmem>>
          %dma_wait3A_617 = tpu.memref_squeeze %dma_wait3A_616 : memref<1x128xi32, #tpu.memory_space<vmem>> -> memref<128xi32, #tpu.memory_space<vmem>>
          %dma_wait3A_618 = arith.constant 0 : i32
          %dma_wait3A_619 = arith.constant 0 : i32
          %dma_wait3A_620 = tpu.memref_slice %arg10[%dma_wait3A_618, %dma_wait3A_619] : memref<10112x128xf32, #tpu.memory_space<vmem_shared>> -> memref<10112x128xf32, #tpu.memory_space<vmem_shared>>
          tpu.wait_indirect_dma semaphore(%arg14 : memref<!tpu.dma_semaphore, #tpu.memory_space<semaphore_mem>>) src(%arg9 : memref<128x128xf32, #tpu.memory_space<vmem>>) dst(%dma_wait3A_620 : memref<10112x128xf32, #tpu.memory_space<vmem_shared>>)
        } else {
        }
        %add3A_607 = arith.constant 1 : i32
        %add3A_608 = arith.addi %add3A_562, %add3A_607 : i32
        %dma_start3A_609 = arith.constant 0 : i32
        %dma_start3A_610 = tpu.memref_slice %arg6[%add3A_608, %dma_start3A_609] : memref<40x128xi32, #tpu.memory_space<vmem>> -> memref<1x128xi32, #tpu.memory_space<vmem>>
        %dma_start3A_611 = tpu.memref_squeeze %dma_start3A_610 : memref<1x128xi32, #tpu.memory_space<vmem>> -> memref<128xi32, #tpu.memory_space<vmem>>
        %dma_start3A_612 = arith.constant 0 : i32
        %dma_start3A_613 = arith.constant 0 : i32
        %dma_start3A_614 = tpu.memref_slice %arg2[%dma_start3A_612, %dma_start3A_613] : memref<10112x128xf32, #tpu.memory_space<hbm>> -> memref<10112x128xf32, #tpu.memory_space<hbm>>
        tpu.enqueue_indirect_dma source(%dma_start3A_614 : memref<10112x128xf32, #tpu.memory_space<hbm>>) target(%arg9 : memref<128x128xf32, #tpu.memory_space<vmem>>) offsets(%dma_start3A_611 : memref<128xi32, #tpu.memory_space<vmem>>) semaphore(%arg12 : memref<!tpu.dma_semaphore, #tpu.memory_space<semaphore_mem>>)
      } else {
      }
      %mul3A_579 = arith.constant 2 : i32
      %mul3A_580 = arith.muli %mul3A_579, %scan3A_557 : i32
      %add3A_581 = arith.constant 1 : i32
      %add3A_582 = arith.addi %mul3A_580, %add3A_581 : i32
      %dma_wait3A_583 = arith.constant 0 : i32
      %dma_wait3A_584 = tpu.memref_slice %arg6[%add3A_582, %dma_wait3A_583] : memref<40x128xi32, #tpu.memory_space<vmem>> -> memref<1x128xi32, #tpu.memory_space<vmem>>
      %dma_wait3A_585 = tpu.memref_squeeze %dma_wait3A_584 : memref<1x128xi32, #tpu.memory_space<vmem>> -> memref<128xi32, #tpu.memory_space<vmem>>
      %dma_wait3A_586 = arith.constant 0 : i32
      %dma_wait3A_587 = arith.constant 0 : i32
      %dma_wait3A_588 = tpu.memref_slice %arg2[%dma_wait3A_586, %dma_wait3A_587] : memref<10112x128xf32, #tpu.memory_space<hbm>> -> memref<10112x128xf32, #tpu.memory_space<hbm>>
      tpu.wait_indirect_dma semaphore(%arg12 : memref<!tpu.dma_semaphore, #tpu.memory_space<semaphore_mem>>) src(%dma_wait3A_588 : memref<10112x128xf32, #tpu.memory_space<hbm>>) dst(%arg9 : memref<128x128xf32, #tpu.memory_space<vmem>>)
      %dma_start3A_589 = arith.constant 0 : i32
      %dma_start3A_590 = tpu.memref_slice %arg7[%add3A_582, %dma_start3A_589] : memref<40x128xi32, #tpu.memory_space<vmem>> -> memref<1x128xi32, #tpu.memory_space<vmem>>
      %dma_start3A_591 = tpu.memref_squeeze %dma_start3A_590 : memref<1x128xi32, #tpu.memory_space<vmem>> -> memref<128xi32, #tpu.memory_space<vmem>>
      %dma_start3A_592 = arith.constant 0 : i32
      %dma_start3A_593 = arith.constant 0 : i32
      %dma_start3A_594 = tpu.memref_slice %arg10[%dma_start3A_592, %dma_start3A_593] : memref<10112x128xf32, #tpu.memory_space<vmem_shared>> -> memref<10112x128xf32, #tpu.memory_space<vmem_shared>>
      tpu.enqueue_indirect_dma source(%arg9 : memref<128x128xf32, #tpu.memory_space<vmem>>) target(%dma_start3A_594 : memref<10112x128xf32, #tpu.memory_space<vmem_shared>>) offsets(%dma_start3A_591 : memref<128xi32, #tpu.memory_space<vmem>>) semaphore(%arg14 : memref<!tpu.dma_semaphore, #tpu.memory_space<semaphore_mem>>) {add = true}
      %add3A_595 = arith.constant 1 : i32
      %add3A_596 = arith.addi %add3A_582, %add3A_595 : i32
      %lt3A_597 = arith.constant 40 : i32
      %lt3A_598 = arith.cmpi slt, %add3A_596, %lt3A_597 : i32
      %convert_element_type3A_599 = arith.extui %lt3A_598 : i1 to i32
      %cond3A_600 = arith.constant 0 : i32
      %cond3A_601 = arith.cmpi ne, %convert_element_type3A_599, %cond3A_600 : i32
      scf.if %cond3A_601 {
        %gt3A = arith.constant 0 : i32
        %gt3A_603 = arith.cmpi sgt, %add3A_582, %gt3A : i32
        %convert_element_type3A_604 = arith.extui %gt3A_603 : i1 to i32
        %cond3A_605 = arith.constant 0 : i32
        %cond3A_606 = arith.cmpi ne, %convert_element_type3A_604, %cond3A_605 : i32
        scf.if %cond3A_606 {
          %dma_wait3A_615 = arith.constant 0 : i32
          %dma_wait3A_616 = tpu.memref_slice %arg7[%add3A_582, %dma_wait3A_615] : memref<40x128xi32, #tpu.memory_space<vmem>> -> memref<1x128xi32, #tpu.memory_space<vmem>>
          %dma_wait3A_617 = tpu.memref_squeeze %dma_wait3A_616 : memref<1x128xi32, #tpu.memory_space<vmem>> -> memref<128xi32, #tpu.memory_space<vmem>>
          %dma_wait3A_618 = arith.constant 0 : i32
          %dma_wait3A_619 = arith.constant 0 : i32
          %dma_wait3A_620 = tpu.memref_slice %arg10[%dma_wait3A_618, %dma_wait3A_619] : memref<10112x128xf32, #tpu.memory_space<vmem_shared>> -> memref<10112x128xf32, #tpu.memory_space<vmem_shared>>
          tpu.wait_indirect_dma semaphore(%arg13 : memref<!tpu.dma_semaphore, #tpu.memory_space<semaphore_mem>>) src(%arg8 : memref<128x128xf32, #tpu.memory_space<vmem>>) dst(%dma_wait3A_620 : memref<10112x128xf32, #tpu.memory_space<vmem_shared>>)
        } else {
        }
        %add3A_607 = arith.constant 1 : i32
        %add3A_608 = arith.addi %add3A_582, %add3A_607 : i32
        %dma_start3A_609 = arith.constant 0 : i32
        %dma_start3A_610 = tpu.memref_slice %arg6[%add3A_608, %dma_start3A_609] : memref<40x128xi32, #tpu.memory_space<vmem>> -> memref<1x128xi32, #tpu.memory_space<vmem>>
        %dma_start3A_611 = tpu.memref_squeeze %dma_start3A_610 : memref<1x128xi32, #tpu.memory_space<vmem>> -> memref<128xi32, #tpu.memory_space<vmem>>
        %dma_start3A_612 = arith.constant 0 : i32
        %dma_start3A_613 = arith.constant 0 : i32
        %dma_start3A_614 = tpu.memref_slice %arg2[%dma_start3A_612, %dma_start3A_613] : memref<10112x128xf32, #tpu.memory_space<hbm>> -> memref<10112x128xf32, #tpu.memory_space<hbm>>
        tpu.enqueue_indirect_dma source(%dma_start3A_614 : memref<10112x128xf32, #tpu.memory_space<hbm>>) target(%arg8 : memref<128x128xf32, #tpu.memory_space<vmem>>) offsets(%dma_start3A_611 : memref<128xi32, #tpu.memory_space<vmem>>) semaphore(%arg11 : memref<!tpu.dma_semaphore, #tpu.memory_space<semaphore_mem>>)
      } else {
      }
      %scan3A_602 = arith.constant 0 : i32
      scf.yield %scan3A_602 : i32
    }
    %scan3A_253 = arith.constant 20 : i32
    %dma_wait3A_254 = arith.constant 38 : i32
    %dma_wait3A_255 = arith.constant 0 : i32
    %dma_wait3A_256 = tpu.memref_slice %arg7[%dma_wait3A_254, %dma_wait3A_255] : memref<40x128xi32, #tpu.memory_space<vmem>> -> memref<1x128xi32, #tpu.memory_space<vmem>>
    %dma_wait3A_257 = tpu.memref_squeeze %dma_wait3A_256 : memref<1x128xi32, #tpu.memory_space<vmem>> -> memref<128xi32, #tpu.memory_space<vmem>>
    %dma_wait3A_258 = arith.constant 0 : i32
    %dma_wait3A_259 = arith.constant 0 : i32
    %dma_wait3A_260 = tpu.memref_slice %arg10[%dma_wait3A_258, %dma_wait3A_259] : memref<10112x128xf32, #tpu.memory_space<vmem_shared>> -> memref<10112x128xf32, #tpu.memory_space<vmem_shared>>
    tpu.wait_indirect_dma semaphore(%arg13 : memref<!tpu.dma_semaphore, #tpu.memory_space<semaphore_mem>>) src(%arg8 : memref<128x128xf32, #tpu.memory_space<vmem>>) dst(%dma_wait3A_260 : memref<10112x128xf32, #tpu.memory_space<vmem_shared>>)
    %dma_wait3A_261 = arith.constant 39 : i32
    %dma_wait3A_262 = arith.constant 0 : i32
    %dma_wait3A_263 = tpu.memref_slice %arg7[%dma_wait3A_261, %dma_wait3A_262] : memref<40x128xi32, #tpu.memory_space<vmem>> -> memref<1x128xi32, #tpu.memory_space<vmem>>
    %dma_wait3A_264 = tpu.memref_squeeze %dma_wait3A_263 : memref<1x128xi32, #tpu.memory_space<vmem>> -> memref<128xi32, #tpu.memory_space<vmem>>
    %dma_wait3A_265 = arith.constant 0 : i32
    %dma_wait3A_266 = arith.constant 0 : i32
    %dma_wait3A_267 = tpu.memref_slice %arg10[%dma_wait3A_265, %dma_wait3A_266] : memref<10112x128xf32, #tpu.memory_space<vmem_shared>> -> memref<10112x128xf32, #tpu.memory_space<vmem_shared>>
    tpu.wait_indirect_dma semaphore(%arg14 : memref<!tpu.dma_semaphore, #tpu.memory_space<semaphore_mem>>) src(%arg9 : memref<128x128xf32, #tpu.memory_space<vmem>>) dst(%dma_wait3A_267 : memref<10112x128xf32, #tpu.memory_space<vmem_shared>>)
    "tpu.region"() ({
      %run_scoped3A = tpu.sem_alloc : memref<!tpu.dma_semaphore, #tpu.memory_space<semaphore_mem>>
      %dma_start3A_557 = arith.constant 40 : i32
      %dma_start3A_558 = arith.constant 0 : i32
      %dma_start3A_559 = tpu.memref_slice %arg3[%add3A, %dma_start3A_557, %dma_start3A_558] : memref<32x80x128xi32, #tpu.memory_space<hbm>> -> memref<1x40x128xi32, #tpu.memory_space<hbm>>
      %dma_start3A_560 = tpu.memref_squeeze %dma_start3A_559 : memref<1x40x128xi32, #tpu.memory_space<hbm>> -> memref<40x128xi32, #tpu.memory_space<hbm>>
      %dma_start3A_561 = arith.constant 40 : i32
      %dma_start3A_562 = arith.constant 0 : i32
      %dma_start3A_563 = tpu.memref_slice %arg3[%add3A, %dma_start3A_561, %dma_start3A_562] : memref<32x80x128xi32, #tpu.memory_space<hbm>> -> memref<1x40x128xi32, #tpu.memory_space<hbm>>
      %dma_start3A_564 = tpu.memref_squeeze %dma_start3A_563 : memref<1x40x128xi32, #tpu.memory_space<hbm>> -> memref<40x128xi32, #tpu.memory_space<hbm>>
      tpu.enqueue_dma source(%dma_start3A_564 : memref<40x128xi32, #tpu.memory_space<hbm>>) target(%arg6 : memref<40x128xi32, #tpu.memory_space<vmem>>) target_semaphore(%run_scoped3A : memref<!tpu.dma_semaphore, #tpu.memory_space<semaphore_mem>>)
      %dma_wait3A_565 = arith.constant 40 : i32
      %dma_wait3A_566 = arith.constant 0 : i32
      %dma_wait3A_567 = tpu.memref_slice %arg3[%add3A, %dma_wait3A_565, %dma_wait3A_566] : memref<32x80x128xi32, #tpu.memory_space<hbm>> -> memref<1x40x128xi32, #tpu.memory_space<hbm>>
      %dma_wait3A_568 = tpu.memref_squeeze %dma_wait3A_567 : memref<1x40x128xi32, #tpu.memory_space<hbm>> -> memref<40x128xi32, #tpu.memory_space<hbm>>
      %dma_wait3A_569 = arith.constant 40 : i32
      %dma_wait3A_570 = arith.constant 0 : i32
      %dma_wait3A_571 = tpu.memref_slice %arg3[%add3A, %dma_wait3A_569, %dma_wait3A_570] : memref<32x80x128xi32, #tpu.memory_space<hbm>> -> memref<1x40x128xi32, #tpu.memory_space<hbm>>
      %dma_wait3A_572 = tpu.memref_squeeze %dma_wait3A_571 : memref<1x40x128xi32, #tpu.memory_space<hbm>> -> memref<40x128xi32, #tpu.memory_space<hbm>>
      tpu.wait_dma2 semaphore(%run_scoped3A : memref<!tpu.dma_semaphore, #tpu.memory_space<semaphore_mem>>) src(%dma_wait3A_572 : memref<40x128xi32, #tpu.memory_space<hbm>>) dst(%arg6 : memref<40x128xi32, #tpu.memory_space<vmem>>)
      tpu.yield
    }) : () -> ()
    "tpu.region"() ({
      %run_scoped3A = tpu.sem_alloc : memref<!tpu.dma_semaphore, #tpu.memory_space<semaphore_mem>>
      %dma_start3A_557 = arith.constant 40 : i32
      %dma_start3A_558 = arith.constant 0 : i32
      %dma_start3A_559 = tpu.memref_slice %arg4[%add3A, %dma_start3A_557, %dma_start3A_558] : memref<32x80x128xi32, #tpu.memory_space<hbm>> -> memref<1x40x128xi32, #tpu.memory_space<hbm>>
      %dma_start3A_560 = tpu.memref_squeeze %dma_start3A_559 : memref<1x40x128xi32, #tpu.memory_space<hbm>> -> memref<40x128xi32, #tpu.memory_space<hbm>>
      %dma_start3A_561 = arith.constant 40 : i32
      %dma_start3A_562 = arith.constant 0 : i32
      %dma_start3A_563 = tpu.memref_slice %arg4[%add3A, %dma_start3A_561, %dma_start3A_562] : memref<32x80x128xi32, #tpu.memory_space<hbm>> -> memref<1x40x128xi32, #tpu.memory_space<hbm>>
      %dma_start3A_564 = tpu.memref_squeeze %dma_start3A_563 : memref<1x40x128xi32, #tpu.memory_space<hbm>> -> memref<40x128xi32, #tpu.memory_space<hbm>>
      tpu.enqueue_dma source(%dma_start3A_564 : memref<40x128xi32, #tpu.memory_space<hbm>>) target(%arg7 : memref<40x128xi32, #tpu.memory_space<vmem>>) target_semaphore(%run_scoped3A : memref<!tpu.dma_semaphore, #tpu.memory_space<semaphore_mem>>)
      %dma_wait3A_565 = arith.constant 40 : i32
      %dma_wait3A_566 = arith.constant 0 : i32
      %dma_wait3A_567 = tpu.memref_slice %arg4[%add3A, %dma_wait3A_565, %dma_wait3A_566] : memref<32x80x128xi32, #tpu.memory_space<hbm>> -> memref<1x40x128xi32, #tpu.memory_space<hbm>>
      %dma_wait3A_568 = tpu.memref_squeeze %dma_wait3A_567 : memref<1x40x128xi32, #tpu.memory_space<hbm>> -> memref<40x128xi32, #tpu.memory_space<hbm>>
      %dma_wait3A_569 = arith.constant 40 : i32
      %dma_wait3A_570 = arith.constant 0 : i32
      %dma_wait3A_571 = tpu.memref_slice %arg4[%add3A, %dma_wait3A_569, %dma_wait3A_570] : memref<32x80x128xi32, #tpu.memory_space<hbm>> -> memref<1x40x128xi32, #tpu.memory_space<hbm>>
      %dma_wait3A_572 = tpu.memref_squeeze %dma_wait3A_571 : memref<1x40x128xi32, #tpu.memory_space<hbm>> -> memref<40x128xi32, #tpu.memory_space<hbm>>
      tpu.wait_dma2 semaphore(%run_scoped3A : memref<!tpu.dma_semaphore, #tpu.memory_space<semaphore_mem>>) src(%dma_wait3A_572 : memref<40x128xi32, #tpu.memory_space<hbm>>) dst(%arg7 : memref<40x128xi32, #tpu.memory_space<vmem>>)
      tpu.yield
    }) : () -> ()
    %dma_start3A_268 = arith.constant 0 : i32
    %dma_start3A_269 = arith.constant 0 : i32
    %dma_start3A_270 = tpu.memref_slice %arg6[%dma_start3A_268, %dma_start3A_269] : memref<40x128xi32, #tpu.memory_space<vmem>> -> memref<1x128xi32, #tpu.memory_space<vmem>>
    %dma_start3A_271 = tpu.memref_squeeze %dma_start3A_270 : memref<1x128xi32, #tpu.memory_space<vmem>> -> memref<128xi32, #tpu.memory_space<vmem>>
    %dma_start3A_272 = arith.constant 0 : i32
    %dma_start3A_273 = arith.constant 0 : i32
    %dma_start3A_274 = tpu.memref_slice %arg2[%dma_start3A_272, %dma_start3A_273] : memref<10112x128xf32, #tpu.memory_space<hbm>> -> memref<10112x128xf32, #tpu.memory_space<hbm>>
    tpu.enqueue_indirect_dma source(%dma_start3A_274 : memref<10112x128xf32, #tpu.memory_space<hbm>>) target(%arg8 : memref<128x128xf32, #tpu.memory_space<vmem>>) offsets(%dma_start3A_271 : memref<128xi32, #tpu.memory_space<vmem>>) semaphore(%arg11 : memref<!tpu.dma_semaphore, #tpu.memory_space<semaphore_mem>>)
    %scan3A_275 = arith.constant 0 : i32
    %scan3A_276 = arith.constant 0 : i32
    %scan3A_277 = arith.constant 20 : i32
    %scan3A_278 = arith.addi %scan3A_276, %scan3A_277 : i32
    %scan3A_279 = arith.constant 1 : i32
    %scan3A_280 = scf.for %scan3A_557 = %scan3A_276 to %scan3A_278 step %scan3A_279 iter_args(%scan3A_558 = %scan3A_275) -> (i32)  : i32 {
      %mul3A_559 = arith.constant 2 : i32
      %mul3A_560 = arith.muli %mul3A_559, %scan3A_557 : i32
      %add3A_561 = arith.constant 0 : i32
      %add3A_562 = arith.addi %mul3A_560, %add3A_561 : i32
      %dma_wait3A_563 = arith.constant 0 : i32
      %dma_wait3A_564 = tpu.memref_slice %arg6[%add3A_562, %dma_wait3A_563] : memref<40x128xi32, #tpu.memory_space<vmem>> -> memref<1x128xi32, #tpu.memory_space<vmem>>
      %dma_wait3A_565 = tpu.memref_squeeze %dma_wait3A_564 : memref<1x128xi32, #tpu.memory_space<vmem>> -> memref<128xi32, #tpu.memory_space<vmem>>
      %dma_wait3A_566 = arith.constant 0 : i32
      %dma_wait3A_567 = arith.constant 0 : i32
      %dma_wait3A_568 = tpu.memref_slice %arg2[%dma_wait3A_566, %dma_wait3A_567] : memref<10112x128xf32, #tpu.memory_space<hbm>> -> memref<10112x128xf32, #tpu.memory_space<hbm>>
      tpu.wait_indirect_dma semaphore(%arg11 : memref<!tpu.dma_semaphore, #tpu.memory_space<semaphore_mem>>) src(%dma_wait3A_568 : memref<10112x128xf32, #tpu.memory_space<hbm>>) dst(%arg8 : memref<128x128xf32, #tpu.memory_space<vmem>>)
      %dma_start3A_569 = arith.constant 0 : i32
      %dma_start3A_570 = tpu.memref_slice %arg7[%add3A_562, %dma_start3A_569] : memref<40x128xi32, #tpu.memory_space<vmem>> -> memref<1x128xi32, #tpu.memory_space<vmem>>
      %dma_start3A_571 = tpu.memref_squeeze %dma_start3A_570 : memref<1x128xi32, #tpu.memory_space<vmem>> -> memref<128xi32, #tpu.memory_space<vmem>>
      %dma_start3A_572 = arith.constant 0 : i32
      %dma_start3A_573 = arith.constant 0 : i32
      %dma_start3A_574 = tpu.memref_slice %arg10[%dma_start3A_572, %dma_start3A_573] : memref<10112x128xf32, #tpu.memory_space<vmem_shared>> -> memref<10112x128xf32, #tpu.memory_space<vmem_shared>>
      tpu.enqueue_indirect_dma source(%arg8 : memref<128x128xf32, #tpu.memory_space<vmem>>) target(%dma_start3A_574 : memref<10112x128xf32, #tpu.memory_space<vmem_shared>>) offsets(%dma_start3A_571 : memref<128xi32, #tpu.memory_space<vmem>>) semaphore(%arg13 : memref<!tpu.dma_semaphore, #tpu.memory_space<semaphore_mem>>) {add = true}
      %add3A_575 = arith.constant 1 : i32
      %add3A_576 = arith.addi %add3A_562, %add3A_575 : i32
      %lt3A = arith.constant 40 : i32
      %lt3A_577 = arith.cmpi slt, %add3A_576, %lt3A : i32
      %convert_element_type3A = arith.extui %lt3A_577 : i1 to i32
      %cond3A = arith.constant 0 : i32
      %cond3A_578 = arith.cmpi ne, %convert_element_type3A, %cond3A : i32
      scf.if %cond3A_578 {
        %gt3A = arith.constant 0 : i32
        %gt3A_603 = arith.cmpi sgt, %add3A_562, %gt3A : i32
        %convert_element_type3A_604 = arith.extui %gt3A_603 : i1 to i32
        %cond3A_605 = arith.constant 0 : i32
        %cond3A_606 = arith.cmpi ne, %convert_element_type3A_604, %cond3A_605 : i32
        scf.if %cond3A_606 {
          %dma_wait3A_615 = arith.constant 0 : i32
          %dma_wait3A_616 = tpu.memref_slice %arg7[%add3A_562, %dma_wait3A_615] : memref<40x128xi32, #tpu.memory_space<vmem>> -> memref<1x128xi32, #tpu.memory_space<vmem>>
          %dma_wait3A_617 = tpu.memref_squeeze %dma_wait3A_616 : memref<1x128xi32, #tpu.memory_space<vmem>> -> memref<128xi32, #tpu.memory_space<vmem>>
          %dma_wait3A_618 = arith.constant 0 : i32
          %dma_wait3A_619 = arith.constant 0 : i32
          %dma_wait3A_620 = tpu.memref_slice %arg10[%dma_wait3A_618, %dma_wait3A_619] : memref<10112x128xf32, #tpu.memory_space<vmem_shared>> -> memref<10112x128xf32, #tpu.memory_space<vmem_shared>>
          tpu.wait_indirect_dma semaphore(%arg14 : memref<!tpu.dma_semaphore, #tpu.memory_space<semaphore_mem>>) src(%arg9 : memref<128x128xf32, #tpu.memory_space<vmem>>) dst(%dma_wait3A_620 : memref<10112x128xf32, #tpu.memory_space<vmem_shared>>)
        } else {
        }
        %add3A_607 = arith.constant 1 : i32
        %add3A_608 = arith.addi %add3A_562, %add3A_607 : i32
        %dma_start3A_609 = arith.constant 0 : i32
        %dma_start3A_610 = tpu.memref_slice %arg6[%add3A_608, %dma_start3A_609] : memref<40x128xi32, #tpu.memory_space<vmem>> -> memref<1x128xi32, #tpu.memory_space<vmem>>
        %dma_start3A_611 = tpu.memref_squeeze %dma_start3A_610 : memref<1x128xi32, #tpu.memory_space<vmem>> -> memref<128xi32, #tpu.memory_space<vmem>>
        %dma_start3A_612 = arith.constant 0 : i32
        %dma_start3A_613 = arith.constant 0 : i32
        %dma_start3A_614 = tpu.memref_slice %arg2[%dma_start3A_612, %dma_start3A_613] : memref<10112x128xf32, #tpu.memory_space<hbm>> -> memref<10112x128xf32, #tpu.memory_space<hbm>>
        tpu.enqueue_indirect_dma source(%dma_start3A_614 : memref<10112x128xf32, #tpu.memory_space<hbm>>) target(%arg9 : memref<128x128xf32, #tpu.memory_space<vmem>>) offsets(%dma_start3A_611 : memref<128xi32, #tpu.memory_space<vmem>>) semaphore(%arg12 : memref<!tpu.dma_semaphore, #tpu.memory_space<semaphore_mem>>)
      } else {
      }
      %mul3A_579 = arith.constant 2 : i32
      %mul3A_580 = arith.muli %mul3A_579, %scan3A_557 : i32
      %add3A_581 = arith.constant 1 : i32
      %add3A_582 = arith.addi %mul3A_580, %add3A_581 : i32
      %dma_wait3A_583 = arith.constant 0 : i32
      %dma_wait3A_584 = tpu.memref_slice %arg6[%add3A_582, %dma_wait3A_583] : memref<40x128xi32, #tpu.memory_space<vmem>> -> memref<1x128xi32, #tpu.memory_space<vmem>>
      %dma_wait3A_585 = tpu.memref_squeeze %dma_wait3A_584 : memref<1x128xi32, #tpu.memory_space<vmem>> -> memref<128xi32, #tpu.memory_space<vmem>>
      %dma_wait3A_586 = arith.constant 0 : i32
      %dma_wait3A_587 = arith.constant 0 : i32
      %dma_wait3A_588 = tpu.memref_slice %arg2[%dma_wait3A_586, %dma_wait3A_587] : memref<10112x128xf32, #tpu.memory_space<hbm>> -> memref<10112x128xf32, #tpu.memory_space<hbm>>
      tpu.wait_indirect_dma semaphore(%arg12 : memref<!tpu.dma_semaphore, #tpu.memory_space<semaphore_mem>>) src(%dma_wait3A_588 : memref<10112x128xf32, #tpu.memory_space<hbm>>) dst(%arg9 : memref<128x128xf32, #tpu.memory_space<vmem>>)
      %dma_start3A_589 = arith.constant 0 : i32
      %dma_start3A_590 = tpu.memref_slice %arg7[%add3A_582, %dma_start3A_589] : memref<40x128xi32, #tpu.memory_space<vmem>> -> memref<1x128xi32, #tpu.memory_space<vmem>>
      %dma_start3A_591 = tpu.memref_squeeze %dma_start3A_590 : memref<1x128xi32, #tpu.memory_space<vmem>> -> memref<128xi32, #tpu.memory_space<vmem>>
      %dma_start3A_592 = arith.constant 0 : i32
      %dma_start3A_593 = arith.constant 0 : i32
      %dma_start3A_594 = tpu.memref_slice %arg10[%dma_start3A_592, %dma_start3A_593] : memref<10112x128xf32, #tpu.memory_space<vmem_shared>> -> memref<10112x128xf32, #tpu.memory_space<vmem_shared>>
      tpu.enqueue_indirect_dma source(%arg9 : memref<128x128xf32, #tpu.memory_space<vmem>>) target(%dma_start3A_594 : memref<10112x128xf32, #tpu.memory_space<vmem_shared>>) offsets(%dma_start3A_591 : memref<128xi32, #tpu.memory_space<vmem>>) semaphore(%arg14 : memref<!tpu.dma_semaphore, #tpu.memory_space<semaphore_mem>>) {add = true}
      %add3A_595 = arith.constant 1 : i32
      %add3A_596 = arith.addi %add3A_582, %add3A_595 : i32
      %lt3A_597 = arith.constant 40 : i32
      %lt3A_598 = arith.cmpi slt, %add3A_596, %lt3A_597 : i32
      %convert_element_type3A_599 = arith.extui %lt3A_598 : i1 to i32
      %cond3A_600 = arith.constant 0 : i32
      %cond3A_601 = arith.cmpi ne, %convert_element_type3A_599, %cond3A_600 : i32
      scf.if %cond3A_601 {
        %gt3A = arith.constant 0 : i32
        %gt3A_603 = arith.cmpi sgt, %add3A_582, %gt3A : i32
        %convert_element_type3A_604 = arith.extui %gt3A_603 : i1 to i32
        %cond3A_605 = arith.constant 0 : i32
        %cond3A_606 = arith.cmpi ne, %convert_element_type3A_604, %cond3A_605 : i32
        scf.if %cond3A_606 {
          %dma_wait3A_615 = arith.constant 0 : i32
          %dma_wait3A_616 = tpu.memref_slice %arg7[%add3A_582, %dma_wait3A_615] : memref<40x128xi32, #tpu.memory_space<vmem>> -> memref<1x128xi32, #tpu.memory_space<vmem>>
          %dma_wait3A_617 = tpu.memref_squeeze %dma_wait3A_616 : memref<1x128xi32, #tpu.memory_space<vmem>> -> memref<128xi32, #tpu.memory_space<vmem>>
          %dma_wait3A_618 = arith.constant 0 : i32
          %dma_wait3A_619 = arith.constant 0 : i32
          %dma_wait3A_620 = tpu.memref_slice %arg10[%dma_wait3A_618, %dma_wait3A_619] : memref<10112x128xf32, #tpu.memory_space<vmem_shared>> -> memref<10112x128xf32, #tpu.memory_space<vmem_shared>>
          tpu.wait_indirect_dma semaphore(%arg13 : memref<!tpu.dma_semaphore, #tpu.memory_space<semaphore_mem>>) src(%arg8 : memref<128x128xf32, #tpu.memory_space<vmem>>) dst(%dma_wait3A_620 : memref<10112x128xf32, #tpu.memory_space<vmem_shared>>)
        } else {
        }
        %add3A_607 = arith.constant 1 : i32
        %add3A_608 = arith.addi %add3A_582, %add3A_607 : i32
        %dma_start3A_609 = arith.constant 0 : i32
        %dma_start3A_610 = tpu.memref_slice %arg6[%add3A_608, %dma_start3A_609] : memref<40x128xi32, #tpu.memory_space<vmem>> -> memref<1x128xi32, #tpu.memory_space<vmem>>
        %dma_start3A_611 = tpu.memref_squeeze %dma_start3A_610 : memref<1x128xi32, #tpu.memory_space<vmem>> -> memref<128xi32, #tpu.memory_space<vmem>>
        %dma_start3A_612 = arith.constant 0 : i32
        %dma_start3A_613 = arith.constant 0 : i32
        %dma_start3A_614 = tpu.memref_slice %arg2[%dma_start3A_612, %dma_start3A_613] : memref<10112x128xf32, #tpu.memory_space<hbm>> -> memref<10112x128xf32, #tpu.memory_space<hbm>>
        tpu.enqueue_indirect_dma source(%dma_start3A_614 : memref<10112x128xf32, #tpu.memory_space<hbm>>) target(%arg8 : memref<128x128xf32, #tpu.memory_space<vmem>>) offsets(%dma_start3A_611 : memref<128xi32, #tpu.memory_space<vmem>>) semaphore(%arg11 : memref<!tpu.dma_semaphore, #tpu.memory_space<semaphore_mem>>)
      } else {
      }
      %scan3A_602 = arith.constant 0 : i32
      scf.yield %scan3A_602 : i32
    }
    %scan3A_281 = arith.constant 20 : i32
    %dma_wait3A_282 = arith.constant 38 : i32
    %dma_wait3A_283 = arith.constant 0 : i32
    %dma_wait3A_284 = tpu.memref_slice %arg7[%dma_wait3A_282, %dma_wait3A_283] : memref<40x128xi32, #tpu.memory_space<vmem>> -> memref<1x128xi32, #tpu.memory_space<vmem>>
    %dma_wait3A_285 = tpu.memref_squeeze %dma_wait3A_284 : memref<1x128xi32, #tpu.memory_space<vmem>> -> memref<128xi32, #tpu.memory_space<vmem>>
    %dma_wait3A_286 = arith.constant 0 : i32
    %dma_wait3A_287 = arith.constant 0 : i32
    %dma_wait3A_288 = tpu.memref_slice %arg10[%dma_wait3A_286, %dma_wait3A_287] : memref<10112x128xf32, #tpu.memory_space<vmem_shared>> -> memref<10112x128xf32, #tpu.memory_space<vmem_shared>>
    tpu.wait_indirect_dma semaphore(%arg13 : memref<!tpu.dma_semaphore, #tpu.memory_space<semaphore_mem>>) src(%arg8 : memref<128x128xf32, #tpu.memory_space<vmem>>) dst(%dma_wait3A_288 : memref<10112x128xf32, #tpu.memory_space<vmem_shared>>)
    %dma_wait3A_289 = arith.constant 39 : i32
    %dma_wait3A_290 = arith.constant 0 : i32
    %dma_wait3A_291 = tpu.memref_slice %arg7[%dma_wait3A_289, %dma_wait3A_290] : memref<40x128xi32, #tpu.memory_space<vmem>> -> memref<1x128xi32, #tpu.memory_space<vmem>>
    %dma_wait3A_292 = tpu.memref_squeeze %dma_wait3A_291 : memref<1x128xi32, #tpu.memory_space<vmem>> -> memref<128xi32, #tpu.memory_space<vmem>>
    %dma_wait3A_293 = arith.constant 0 : i32
    %dma_wait3A_294 = arith.constant 0 : i32
    %dma_wait3A_295 = tpu.memref_slice %arg10[%dma_wait3A_293, %dma_wait3A_294] : memref<10112x128xf32, #tpu.memory_space<vmem_shared>> -> memref<10112x128xf32, #tpu.memory_space<vmem_shared>>
    tpu.wait_indirect_dma semaphore(%arg14 : memref<!tpu.dma_semaphore, #tpu.memory_space<semaphore_mem>>) src(%arg9 : memref<128x128xf32, #tpu.memory_space<vmem>>) dst(%dma_wait3A_295 : memref<10112x128xf32, #tpu.memory_space<vmem_shared>>)
    %barrier3A_296 = arith.constant 0 : index
    tpu.barrier barrier_id(%barrier3A_296)
    %add3A_297 = arith.constant 0 : i32
    %add3A_298 = arith.addi %mul3A_2, %add3A_297 : i32
    %dma_start3A_299 = arith.constant 0 : i32
    %dma_start3A_300 = arith.constant 0 : i32
    %dma_start3A_301 = tpu.memref_slice %arg8[%dma_start3A_299, %dma_start3A_300] : memref<128x128xf32, #tpu.memory_space<vmem>> -> memref<128x128xf32, #tpu.memory_space<vmem>>
    %dma_start3A_302 = arith.constant 0 : i32
    %dma_start3A_303 = tpu.memref_slice %arg10[%add3A_298, %dma_start3A_302] : memref<10112x128xf32, #tpu.memory_space<vmem_shared>> -> memref<128x128xf32, #tpu.memory_space<vmem_shared>>
    %dma_start3A_304 = arith.constant 0 : i32
    %dma_start3A_305 = arith.constant 0 : i32
    %dma_start3A_306 = tpu.memref_slice %arg8[%dma_start3A_304, %dma_start3A_305] : memref<128x128xf32, #tpu.memory_space<vmem>> -> memref<128x128xf32, #tpu.memory_space<vmem>>
    %dma_start3A_307 = arith.constant 0 : i32
    %dma_start3A_308 = tpu.memref_slice %arg10[%add3A_298, %dma_start3A_307] : memref<10112x128xf32, #tpu.memory_space<vmem_shared>> -> memref<128x128xf32, #tpu.memory_space<vmem_shared>>
    tpu.enqueue_dma source(%dma_start3A_308 : memref<128x128xf32, #tpu.memory_space<vmem_shared>>) target(%dma_start3A_306 : memref<128x128xf32, #tpu.memory_space<vmem>>) target_semaphore(%arg11 : memref<!tpu.dma_semaphore, #tpu.memory_space<semaphore_mem>>)
    %add3A_309 = arith.constant 0 : i32
    %add3A_310 = arith.addi %mul3A_2, %add3A_309 : i32
    %dma_wait3A_311 = arith.constant 0 : i32
    %dma_wait3A_312 = arith.constant 0 : i32
    %dma_wait3A_313 = tpu.memref_slice %arg8[%dma_wait3A_311, %dma_wait3A_312] : memref<128x128xf32, #tpu.memory_space<vmem>> -> memref<128x128xf32, #tpu.memory_space<vmem>>
    %dma_wait3A_314 = arith.constant 0 : i32
    %dma_wait3A_315 = tpu.memref_slice %arg10[%add3A_310, %dma_wait3A_314] : memref<10112x128xf32, #tpu.memory_space<vmem_shared>> -> memref<128x128xf32, #tpu.memory_space<vmem_shared>>
    %dma_wait3A_316 = arith.constant 0 : i32
    %dma_wait3A_317 = arith.constant 0 : i32
    %dma_wait3A_318 = tpu.memref_slice %arg8[%dma_wait3A_316, %dma_wait3A_317] : memref<128x128xf32, #tpu.memory_space<vmem>> -> memref<128x128xf32, #tpu.memory_space<vmem>>
    %dma_wait3A_319 = arith.constant 0 : i32
    %dma_wait3A_320 = tpu.memref_slice %arg10[%add3A_310, %dma_wait3A_319] : memref<10112x128xf32, #tpu.memory_space<vmem_shared>> -> memref<128x128xf32, #tpu.memory_space<vmem_shared>>
    tpu.wait_dma2 semaphore(%arg11 : memref<!tpu.dma_semaphore, #tpu.memory_space<semaphore_mem>>) src(%dma_wait3A_320 : memref<128x128xf32, #tpu.memory_space<vmem_shared>>) dst(%dma_wait3A_318 : memref<128x128xf32, #tpu.memory_space<vmem>>)
    %add3A_321 = arith.constant 128 : i32
    %add3A_322 = arith.addi %mul3A_2, %add3A_321 : i32
    %dma_start3A_323 = arith.constant 0 : i32
    %dma_start3A_324 = arith.constant 0 : i32
    %dma_start3A_325 = tpu.memref_slice %arg9[%dma_start3A_323, %dma_start3A_324] : memref<128x128xf32, #tpu.memory_space<vmem>> -> memref<128x128xf32, #tpu.memory_space<vmem>>
    %dma_start3A_326 = arith.constant 0 : i32
    %dma_start3A_327 = tpu.memref_slice %arg10[%add3A_322, %dma_start3A_326] : memref<10112x128xf32, #tpu.memory_space<vmem_shared>> -> memref<128x128xf32, #tpu.memory_space<vmem_shared>>
    %dma_start3A_328 = arith.constant 0 : i32
    %dma_start3A_329 = arith.constant 0 : i32
    %dma_start3A_330 = tpu.memref_slice %arg9[%dma_start3A_328, %dma_start3A_329] : memref<128x128xf32, #tpu.memory_space<vmem>> -> memref<128x128xf32, #tpu.memory_space<vmem>>
    %dma_start3A_331 = arith.constant 0 : i32
    %dma_start3A_332 = tpu.memref_slice %arg10[%add3A_322, %dma_start3A_331] : memref<10112x128xf32, #tpu.memory_space<vmem_shared>> -> memref<128x128xf32, #tpu.memory_space<vmem_shared>>
    tpu.enqueue_dma source(%dma_start3A_332 : memref<128x128xf32, #tpu.memory_space<vmem_shared>>) target(%dma_start3A_330 : memref<128x128xf32, #tpu.memory_space<vmem>>) target_semaphore(%arg12 : memref<!tpu.dma_semaphore, #tpu.memory_space<semaphore_mem>>)
    %add3A_333 = arith.constant 0 : i32
    %add3A_334 = arith.addi %mul3A_2, %add3A_333 : i32
    %dma_start3A_335 = arith.constant 0 : i32
    %dma_start3A_336 = arith.constant 0 : i32
    %dma_start3A_337 = tpu.memref_slice %arg8[%dma_start3A_335, %dma_start3A_336] : memref<128x128xf32, #tpu.memory_space<vmem>> -> memref<128x128xf32, #tpu.memory_space<vmem>>
    %dma_start3A_338 = arith.constant 0 : i32
    %dma_start3A_339 = tpu.memref_slice %arg5[%arg0, %add3A_334, %dma_start3A_338] : memref<2x10112x128xf32, #tpu.memory_space<hbm>> -> memref<1x128x128xf32, #tpu.memory_space<hbm>>
    %dma_start3A_340 = tpu.memref_squeeze %dma_start3A_339 : memref<1x128x128xf32, #tpu.memory_space<hbm>> -> memref<128x128xf32, #tpu.memory_space<hbm>>
    %dma_start3A_341 = arith.constant 0 : i32
    %dma_start3A_342 = tpu.memref_slice %arg5[%arg0, %add3A_334, %dma_start3A_341] : memref<2x10112x128xf32, #tpu.memory_space<hbm>> -> memref<1x128x128xf32, #tpu.memory_space<hbm>>
    %dma_start3A_343 = tpu.memref_squeeze %dma_start3A_342 : memref<1x128x128xf32, #tpu.memory_space<hbm>> -> memref<128x128xf32, #tpu.memory_space<hbm>>
    %dma_start3A_344 = arith.constant 0 : i32
    %dma_start3A_345 = arith.constant 0 : i32
    %dma_start3A_346 = tpu.memref_slice %arg8[%dma_start3A_344, %dma_start3A_345] : memref<128x128xf32, #tpu.memory_space<vmem>> -> memref<128x128xf32, #tpu.memory_space<vmem>>
    tpu.enqueue_dma source(%dma_start3A_346 : memref<128x128xf32, #tpu.memory_space<vmem>>) target(%dma_start3A_343 : memref<128x128xf32, #tpu.memory_space<hbm>>) target_semaphore(%arg13 : memref<!tpu.dma_semaphore, #tpu.memory_space<semaphore_mem>>)
    %add3A_347 = arith.constant 128 : i32
    %add3A_348 = arith.addi %mul3A_2, %add3A_347 : i32
    %dma_wait3A_349 = arith.constant 0 : i32
    %dma_wait3A_350 = arith.constant 0 : i32
    %dma_wait3A_351 = tpu.memref_slice %arg9[%dma_wait3A_349, %dma_wait3A_350] : memref<128x128xf32, #tpu.memory_space<vmem>> -> memref<128x128xf32, #tpu.memory_space<vmem>>
    %dma_wait3A_352 = arith.constant 0 : i32
    %dma_wait3A_353 = tpu.memref_slice %arg10[%add3A_348, %dma_wait3A_352] : memref<10112x128xf32, #tpu.memory_space<vmem_shared>> -> memref<128x128xf32, #tpu.memory_space<vmem_shared>>
    %dma_wait3A_354 = arith.constant 0 : i32
    %dma_wait3A_355 = arith.constant 0 : i32
    %dma_wait3A_356 = tpu.memref_slice %arg9[%dma_wait3A_354, %dma_wait3A_355] : memref<128x128xf32, #tpu.memory_space<vmem>> -> memref<128x128xf32, #tpu.memory_space<vmem>>
    %dma_wait3A_357 = arith.constant 0 : i32
    %dma_wait3A_358 = tpu.memref_slice %arg10[%add3A_348, %dma_wait3A_357] : memref<10112x128xf32, #tpu.memory_space<vmem_shared>> -> memref<128x128xf32, #tpu.memory_space<vmem_shared>>
    tpu.wait_dma2 semaphore(%arg12 : memref<!tpu.dma_semaphore, #tpu.memory_space<semaphore_mem>>) src(%dma_wait3A_358 : memref<128x128xf32, #tpu.memory_space<vmem_shared>>) dst(%dma_wait3A_356 : memref<128x128xf32, #tpu.memory_space<vmem>>)
    %add3A_359 = arith.constant 0 : i32
    %add3A_360 = arith.addi %mul3A_2, %add3A_359 : i32
    %dma_wait3A_361 = arith.constant 0 : i32
    %dma_wait3A_362 = arith.constant 0 : i32
    %dma_wait3A_363 = tpu.memref_slice %arg8[%dma_wait3A_361, %dma_wait3A_362] : memref<128x128xf32, #tpu.memory_space<vmem>> -> memref<128x128xf32, #tpu.memory_space<vmem>>
    %dma_wait3A_364 = arith.constant 0 : i32
    %dma_wait3A_365 = tpu.memref_slice %arg5[%arg0, %add3A_360, %dma_wait3A_364] : memref<2x10112x128xf32, #tpu.memory_space<hbm>> -> memref<1x128x128xf32, #tpu.memory_space<hbm>>
    %dma_wait3A_366 = tpu.memref_squeeze %dma_wait3A_365 : memref<1x128x128xf32, #tpu.memory_space<hbm>> -> memref<128x128xf32, #tpu.memory_space<hbm>>
    %dma_wait3A_367 = arith.constant 0 : i32
    %dma_wait3A_368 = tpu.memref_slice %arg5[%arg0, %add3A_360, %dma_wait3A_367] : memref<2x10112x128xf32, #tpu.memory_space<hbm>> -> memref<1x128x128xf32, #tpu.memory_space<hbm>>
    %dma_wait3A_369 = tpu.memref_squeeze %dma_wait3A_368 : memref<1x128x128xf32, #tpu.memory_space<hbm>> -> memref<128x128xf32, #tpu.memory_space<hbm>>
    %dma_wait3A_370 = arith.constant 0 : i32
    %dma_wait3A_371 = arith.constant 0 : i32
    %dma_wait3A_372 = tpu.memref_slice %arg8[%dma_wait3A_370, %dma_wait3A_371] : memref<128x128xf32, #tpu.memory_space<vmem>> -> memref<128x128xf32, #tpu.memory_space<vmem>>
    tpu.wait_dma2 semaphore(%arg13 : memref<!tpu.dma_semaphore, #tpu.memory_space<semaphore_mem>>) src(%dma_wait3A_372 : memref<128x128xf32, #tpu.memory_space<vmem>>) dst(%dma_wait3A_369 : memref<128x128xf32, #tpu.memory_space<hbm>>)
    %add3A_373 = arith.constant 256 : i32
    %add3A_374 = arith.addi %mul3A_2, %add3A_373 : i32
    %dma_start3A_375 = arith.constant 0 : i32
    %dma_start3A_376 = arith.constant 0 : i32
    %dma_start3A_377 = tpu.memref_slice %arg8[%dma_start3A_375, %dma_start3A_376] : memref<128x128xf32, #tpu.memory_space<vmem>> -> memref<128x128xf32, #tpu.memory_space<vmem>>
    %dma_start3A_378 = arith.constant 0 : i32
    %dma_start3A_379 = tpu.memref_slice %arg10[%add3A_374, %dma_start3A_378] : memref<10112x128xf32, #tpu.memory_space<vmem_shared>> -> memref<128x128xf32, #tpu.memory_space<vmem_shared>>
    %dma_start3A_380 = arith.constant 0 : i32
    %dma_start3A_381 = arith.constant 0 : i32
    %dma_start3A_382 = tpu.memref_slice %arg8[%dma_start3A_380, %dma_start3A_381] : memref<128x128xf32, #tpu.memory_space<vmem>> -> memref<128x128xf32, #tpu.memory_space<vmem>>
    %dma_start3A_383 = arith.constant 0 : i32
    %dma_start3A_384 = tpu.memref_slice %arg10[%add3A_374, %dma_start3A_383] : memref<10112x128xf32, #tpu.memory_space<vmem_shared>> -> memref<128x128xf32, #tpu.memory_space<vmem_shared>>
    tpu.enqueue_dma source(%dma_start3A_384 : memref<128x128xf32, #tpu.memory_space<vmem_shared>>) target(%dma_start3A_382 : memref<128x128xf32, #tpu.memory_space<vmem>>) target_semaphore(%arg11 : memref<!tpu.dma_semaphore, #tpu.memory_space<semaphore_mem>>)
    %add3A_385 = arith.constant 128 : i32
    %add3A_386 = arith.addi %mul3A_2, %add3A_385 : i32
    %dma_start3A_387 = arith.constant 0 : i32
    %dma_start3A_388 = arith.constant 0 : i32
    %dma_start3A_389 = tpu.memref_slice %arg9[%dma_start3A_387, %dma_start3A_388] : memref<128x128xf32, #tpu.memory_space<vmem>> -> memref<128x128xf32, #tpu.memory_space<vmem>>
    %dma_start3A_390 = arith.constant 0 : i32
    %dma_start3A_391 = tpu.memref_slice %arg5[%arg0, %add3A_386, %dma_start3A_390] : memref<2x10112x128xf32, #tpu.memory_space<hbm>> -> memref<1x128x128xf32, #tpu.memory_space<hbm>>
    %dma_start3A_392 = tpu.memref_squeeze %dma_start3A_391 : memref<1x128x128xf32, #tpu.memory_space<hbm>> -> memref<128x128xf32, #tpu.memory_space<hbm>>
    %dma_start3A_393 = arith.constant 0 : i32
    %dma_start3A_394 = tpu.memref_slice %arg5[%arg0, %add3A_386, %dma_start3A_393] : memref<2x10112x128xf32, #tpu.memory_space<hbm>> -> memref<1x128x128xf32, #tpu.memory_space<hbm>>
    %dma_start3A_395 = tpu.memref_squeeze %dma_start3A_394 : memref<1x128x128xf32, #tpu.memory_space<hbm>> -> memref<128x128xf32, #tpu.memory_space<hbm>>
    %dma_start3A_396 = arith.constant 0 : i32
    %dma_start3A_397 = arith.constant 0 : i32
    %dma_start3A_398 = tpu.memref_slice %arg9[%dma_start3A_396, %dma_start3A_397] : memref<128x128xf32, #tpu.memory_space<vmem>> -> memref<128x128xf32, #tpu.memory_space<vmem>>
    tpu.enqueue_dma source(%dma_start3A_398 : memref<128x128xf32, #tpu.memory_space<vmem>>) target(%dma_start3A_395 : memref<128x128xf32, #tpu.memory_space<hbm>>) target_semaphore(%arg14 : memref<!tpu.dma_semaphore, #tpu.memory_space<semaphore_mem>>)
    %add3A_399 = arith.constant 256 : i32
    %add3A_400 = arith.addi %mul3A_2, %add3A_399 : i32
    %dma_wait3A_401 = arith.constant 0 : i32
    %dma_wait3A_402 = arith.constant 0 : i32
    %dma_wait3A_403 = tpu.memref_slice %arg8[%dma_wait3A_401, %dma_wait3A_402] : memref<128x128xf32, #tpu.memory_space<vmem>> -> memref<128x128xf32, #tpu.memory_space<vmem>>
    %dma_wait3A_404 = arith.constant 0 : i32
    %dma_wait3A_405 = tpu.memref_slice %arg10[%add3A_400, %dma_wait3A_404] : memref<10112x128xf32, #tpu.memory_space<vmem_shared>> -> memref<128x128xf32, #tpu.memory_space<vmem_shared>>
    %dma_wait3A_406 = arith.constant 0 : i32
    %dma_wait3A_407 = arith.constant 0 : i32
    %dma_wait3A_408 = tpu.memref_slice %arg8[%dma_wait3A_406, %dma_wait3A_407] : memref<128x128xf32, #tpu.memory_space<vmem>> -> memref<128x128xf32, #tpu.memory_space<vmem>>
    %dma_wait3A_409 = arith.constant 0 : i32
    %dma_wait3A_410 = tpu.memref_slice %arg10[%add3A_400, %dma_wait3A_409] : memref<10112x128xf32, #tpu.memory_space<vmem_shared>> -> memref<128x128xf32, #tpu.memory_space<vmem_shared>>
    tpu.wait_dma2 semaphore(%arg11 : memref<!tpu.dma_semaphore, #tpu.memory_space<semaphore_mem>>) src(%dma_wait3A_410 : memref<128x128xf32, #tpu.memory_space<vmem_shared>>) dst(%dma_wait3A_408 : memref<128x128xf32, #tpu.memory_space<vmem>>)
    %add3A_411 = arith.constant 128 : i32
    %add3A_412 = arith.addi %mul3A_2, %add3A_411 : i32
    %dma_wait3A_413 = arith.constant 0 : i32
    %dma_wait3A_414 = arith.constant 0 : i32
    %dma_wait3A_415 = tpu.memref_slice %arg9[%dma_wait3A_413, %dma_wait3A_414] : memref<128x128xf32, #tpu.memory_space<vmem>> -> memref<128x128xf32, #tpu.memory_space<vmem>>
    %dma_wait3A_416 = arith.constant 0 : i32
    %dma_wait3A_417 = tpu.memref_slice %arg5[%arg0, %add3A_412, %dma_wait3A_416] : memref<2x10112x128xf32, #tpu.memory_space<hbm>> -> memref<1x128x128xf32, #tpu.memory_space<hbm>>
    %dma_wait3A_418 = tpu.memref_squeeze %dma_wait3A_417 : memref<1x128x128xf32, #tpu.memory_space<hbm>> -> memref<128x128xf32, #tpu.memory_space<hbm>>
    %dma_wait3A_419 = arith.constant 0 : i32
    %dma_wait3A_420 = tpu.memref_slice %arg5[%arg0, %add3A_412, %dma_wait3A_419] : memref<2x10112x128xf32, #tpu.memory_space<hbm>> -> memref<1x128x128xf32, #tpu.memory_space<hbm>>
    %dma_wait3A_421 = tpu.memref_squeeze %dma_wait3A_420 : memref<1x128x128xf32, #tpu.memory_space<hbm>> -> memref<128x128xf32, #tpu.memory_space<hbm>>
    %dma_wait3A_422 = arith.constant 0 : i32
    %dma_wait3A_423 = arith.constant 0 : i32
    %dma_wait3A_424 = tpu.memref_slice %arg9[%dma_wait3A_422, %dma_wait3A_423] : memref<128x128xf32, #tpu.memory_space<vmem>> -> memref<128x128xf32, #tpu.memory_space<vmem>>
    tpu.wait_dma2 semaphore(%arg14 : memref<!tpu.dma_semaphore, #tpu.memory_space<semaphore_mem>>) src(%dma_wait3A_424 : memref<128x128xf32, #tpu.memory_space<vmem>>) dst(%dma_wait3A_421 : memref<128x128xf32, #tpu.memory_space<hbm>>)
    %add3A_425 = arith.constant 384 : i32
    %add3A_426 = arith.addi %mul3A_2, %add3A_425 : i32
    %dma_start3A_427 = arith.constant 0 : i32
    %dma_start3A_428 = arith.constant 0 : i32
    %dma_start3A_429 = tpu.memref_slice %arg9[%dma_start3A_427, %dma_start3A_428] : memref<128x128xf32, #tpu.memory_space<vmem>> -> memref<128x128xf32, #tpu.memory_space<vmem>>
    %dma_start3A_430 = arith.constant 0 : i32
    %dma_start3A_431 = tpu.memref_slice %arg10[%add3A_426, %dma_start3A_430] : memref<10112x128xf32, #tpu.memory_space<vmem_shared>> -> memref<128x128xf32, #tpu.memory_space<vmem_shared>>
    %dma_start3A_432 = arith.constant 0 : i32
    %dma_start3A_433 = arith.constant 0 : i32
    %dma_start3A_434 = tpu.memref_slice %arg9[%dma_start3A_432, %dma_start3A_433] : memref<128x128xf32, #tpu.memory_space<vmem>> -> memref<128x128xf32, #tpu.memory_space<vmem>>
    %dma_start3A_435 = arith.constant 0 : i32
    %dma_start3A_436 = tpu.memref_slice %arg10[%add3A_426, %dma_start3A_435] : memref<10112x128xf32, #tpu.memory_space<vmem_shared>> -> memref<128x128xf32, #tpu.memory_space<vmem_shared>>
    tpu.enqueue_dma source(%dma_start3A_436 : memref<128x128xf32, #tpu.memory_space<vmem_shared>>) target(%dma_start3A_434 : memref<128x128xf32, #tpu.memory_space<vmem>>) target_semaphore(%arg12 : memref<!tpu.dma_semaphore, #tpu.memory_space<semaphore_mem>>)
    %add3A_437 = arith.constant 256 : i32
    %add3A_438 = arith.addi %mul3A_2, %add3A_437 : i32
    %dma_start3A_439 = arith.constant 0 : i32
    %dma_start3A_440 = arith.constant 0 : i32
    %dma_start3A_441 = tpu.memref_slice %arg8[%dma_start3A_439, %dma_start3A_440] : memref<128x128xf32, #tpu.memory_space<vmem>> -> memref<128x128xf32, #tpu.memory_space<vmem>>
    %dma_start3A_442 = arith.constant 0 : i32
    %dma_start3A_443 = tpu.memref_slice %arg5[%arg0, %add3A_438, %dma_start3A_442] : memref<2x10112x128xf32, #tpu.memory_space<hbm>> -> memref<1x128x128xf32, #tpu.memory_space<hbm>>
    %dma_start3A_444 = tpu.memref_squeeze %dma_start3A_443 : memref<1x128x128xf32, #tpu.memory_space<hbm>> -> memref<128x128xf32, #tpu.memory_space<hbm>>
    %dma_start3A_445 = arith.constant 0 : i32
    %dma_start3A_446 = tpu.memref_slice %arg5[%arg0, %add3A_438, %dma_start3A_445] : memref<2x10112x128xf32, #tpu.memory_space<hbm>> -> memref<1x128x128xf32, #tpu.memory_space<hbm>>
    %dma_start3A_447 = tpu.memref_squeeze %dma_start3A_446 : memref<1x128x128xf32, #tpu.memory_space<hbm>> -> memref<128x128xf32, #tpu.memory_space<hbm>>
    %dma_start3A_448 = arith.constant 0 : i32
    %dma_start3A_449 = arith.constant 0 : i32
    %dma_start3A_450 = tpu.memref_slice %arg8[%dma_start3A_448, %dma_start3A_449] : memref<128x128xf32, #tpu.memory_space<vmem>> -> memref<128x128xf32, #tpu.memory_space<vmem>>
    tpu.enqueue_dma source(%dma_start3A_450 : memref<128x128xf32, #tpu.memory_space<vmem>>) target(%dma_start3A_447 : memref<128x128xf32, #tpu.memory_space<hbm>>) target_semaphore(%arg13 : memref<!tpu.dma_semaphore, #tpu.memory_space<semaphore_mem>>)
    %add3A_451 = arith.constant 384 : i32
    %add3A_452 = arith.addi %mul3A_2, %add3A_451 : i32
    %dma_wait3A_453 = arith.constant 0 : i32
    %dma_wait3A_454 = arith.constant 0 : i32
    %dma_wait3A_455 = tpu.memref_slice %arg9[%dma_wait3A_453, %dma_wait3A_454] : memref<128x128xf32, #tpu.memory_space<vmem>> -> memref<128x128xf32, #tpu.memory_space<vmem>>
    %dma_wait3A_456 = arith.constant 0 : i32
    %dma_wait3A_457 = tpu.memref_slice %arg10[%add3A_452, %dma_wait3A_456] : memref<10112x128xf32, #tpu.memory_space<vmem_shared>> -> memref<128x128xf32, #tpu.memory_space<vmem_shared>>
    %dma_wait3A_458 = arith.constant 0 : i32
    %dma_wait3A_459 = arith.constant 0 : i32
    %dma_wait3A_460 = tpu.memref_slice %arg9[%dma_wait3A_458, %dma_wait3A_459] : memref<128x128xf32, #tpu.memory_space<vmem>> -> memref<128x128xf32, #tpu.memory_space<vmem>>
    %dma_wait3A_461 = arith.constant 0 : i32
    %dma_wait3A_462 = tpu.memref_slice %arg10[%add3A_452, %dma_wait3A_461] : memref<10112x128xf32, #tpu.memory_space<vmem_shared>> -> memref<128x128xf32, #tpu.memory_space<vmem_shared>>
    tpu.wait_dma2 semaphore(%arg12 : memref<!tpu.dma_semaphore, #tpu.memory_space<semaphore_mem>>) src(%dma_wait3A_462 : memref<128x128xf32, #tpu.memory_space<vmem_shared>>) dst(%dma_wait3A_460 : memref<128x128xf32, #tpu.memory_space<vmem>>)
    %add3A_463 = arith.constant 256 : i32
    %add3A_464 = arith.addi %mul3A_2, %add3A_463 : i32
    %dma_wait3A_465 = arith.constant 0 : i32
    %dma_wait3A_466 = arith.constant 0 : i32
    %dma_wait3A_467 = tpu.memref_slice %arg8[%dma_wait3A_465, %dma_wait3A_466] : memref<128x128xf32, #tpu.memory_space<vmem>> -> memref<128x128xf32, #tpu.memory_space<vmem>>
    %dma_wait3A_468 = arith.constant 0 : i32
    %dma_wait3A_469 = tpu.memref_slice %arg5[%arg0, %add3A_464, %dma_wait3A_468] : memref<2x10112x128xf32, #tpu.memory_space<hbm>> -> memref<1x128x128xf32, #tpu.memory_space<hbm>>
    %dma_wait3A_470 = tpu.memref_squeeze %dma_wait3A_469 : memref<1x128x128xf32, #tpu.memory_space<hbm>> -> memref<128x128xf32, #tpu.memory_space<hbm>>
    %dma_wait3A_471 = arith.constant 0 : i32
    %dma_wait3A_472 = tpu.memref_slice %arg5[%arg0, %add3A_464, %dma_wait3A_471] : memref<2x10112x128xf32, #tpu.memory_space<hbm>> -> memref<1x128x128xf32, #tpu.memory_space<hbm>>
    %dma_wait3A_473 = tpu.memref_squeeze %dma_wait3A_472 : memref<1x128x128xf32, #tpu.memory_space<hbm>> -> memref<128x128xf32, #tpu.memory_space<hbm>>
    %dma_wait3A_474 = arith.constant 0 : i32
    %dma_wait3A_475 = arith.constant 0 : i32
    %dma_wait3A_476 = tpu.memref_slice %arg8[%dma_wait3A_474, %dma_wait3A_475] : memref<128x128xf32, #tpu.memory_space<vmem>> -> memref<128x128xf32, #tpu.memory_space<vmem>>
    tpu.wait_dma2 semaphore(%arg13 : memref<!tpu.dma_semaphore, #tpu.memory_space<semaphore_mem>>) src(%dma_wait3A_476 : memref<128x128xf32, #tpu.memory_space<vmem>>) dst(%dma_wait3A_473 : memref<128x128xf32, #tpu.memory_space<hbm>>)
    %add3A_477 = arith.constant 512 : i32
    %add3A_478 = arith.addi %mul3A_2, %add3A_477 : i32
    %dma_start3A_479 = arith.constant 0 : i32
    %dma_start3A_480 = arith.constant 0 : i32
    %dma_start3A_481 = tpu.memref_slice %arg8[%dma_start3A_479, %dma_start3A_480] : memref<128x128xf32, #tpu.memory_space<vmem>> -> memref<120x128xf32, #tpu.memory_space<vmem>>
    %dma_start3A_482 = arith.constant 0 : i32
    %dma_start3A_483 = tpu.memref_slice %arg10[%add3A_478, %dma_start3A_482] : memref<10112x128xf32, #tpu.memory_space<vmem_shared>> -> memref<120x128xf32, #tpu.memory_space<vmem_shared>>
    %dma_start3A_484 = arith.constant 0 : i32
    %dma_start3A_485 = arith.constant 0 : i32
    %dma_start3A_486 = tpu.memref_slice %arg8[%dma_start3A_484, %dma_start3A_485] : memref<128x128xf32, #tpu.memory_space<vmem>> -> memref<120x128xf32, #tpu.memory_space<vmem>>
    %dma_start3A_487 = arith.constant 0 : i32
    %dma_start3A_488 = tpu.memref_slice %arg10[%add3A_478, %dma_start3A_487] : memref<10112x128xf32, #tpu.memory_space<vmem_shared>> -> memref<120x128xf32, #tpu.memory_space<vmem_shared>>
    tpu.enqueue_dma source(%dma_start3A_488 : memref<120x128xf32, #tpu.memory_space<vmem_shared>>) target(%dma_start3A_486 : memref<120x128xf32, #tpu.memory_space<vmem>>) target_semaphore(%arg11 : memref<!tpu.dma_semaphore, #tpu.memory_space<semaphore_mem>>)
    %add3A_489 = arith.constant 384 : i32
    %add3A_490 = arith.addi %mul3A_2, %add3A_489 : i32
    %dma_start3A_491 = arith.constant 0 : i32
    %dma_start3A_492 = arith.constant 0 : i32
    %dma_start3A_493 = tpu.memref_slice %arg9[%dma_start3A_491, %dma_start3A_492] : memref<128x128xf32, #tpu.memory_space<vmem>> -> memref<128x128xf32, #tpu.memory_space<vmem>>
    %dma_start3A_494 = arith.constant 0 : i32
    %dma_start3A_495 = tpu.memref_slice %arg5[%arg0, %add3A_490, %dma_start3A_494] : memref<2x10112x128xf32, #tpu.memory_space<hbm>> -> memref<1x128x128xf32, #tpu.memory_space<hbm>>
    %dma_start3A_496 = tpu.memref_squeeze %dma_start3A_495 : memref<1x128x128xf32, #tpu.memory_space<hbm>> -> memref<128x128xf32, #tpu.memory_space<hbm>>
    %dma_start3A_497 = arith.constant 0 : i32
    %dma_start3A_498 = tpu.memref_slice %arg5[%arg0, %add3A_490, %dma_start3A_497] : memref<2x10112x128xf32, #tpu.memory_space<hbm>> -> memref<1x128x128xf32, #tpu.memory_space<hbm>>
    %dma_start3A_499 = tpu.memref_squeeze %dma_start3A_498 : memref<1x128x128xf32, #tpu.memory_space<hbm>> -> memref<128x128xf32, #tpu.memory_space<hbm>>
    %dma_start3A_500 = arith.constant 0 : i32
    %dma_start3A_501 = arith.constant 0 : i32
    %dma_start3A_502 = tpu.memref_slice %arg9[%dma_start3A_500, %dma_start3A_501] : memref<128x128xf32, #tpu.memory_space<vmem>> -> memref<128x128xf32, #tpu.memory_space<vmem>>
    tpu.enqueue_dma source(%dma_start3A_502 : memref<128x128xf32, #tpu.memory_space<vmem>>) target(%dma_start3A_499 : memref<128x128xf32, #tpu.memory_space<hbm>>) target_semaphore(%arg14 : memref<!tpu.dma_semaphore, #tpu.memory_space<semaphore_mem>>)
    %add3A_503 = arith.constant 512 : i32
    %add3A_504 = arith.addi %mul3A_2, %add3A_503 : i32
    %dma_wait3A_505 = arith.constant 0 : i32
    %dma_wait3A_506 = arith.constant 0 : i32
    %dma_wait3A_507 = tpu.memref_slice %arg8[%dma_wait3A_505, %dma_wait3A_506] : memref<128x128xf32, #tpu.memory_space<vmem>> -> memref<120x128xf32, #tpu.memory_space<vmem>>
    %dma_wait3A_508 = arith.constant 0 : i32
    %dma_wait3A_509 = tpu.memref_slice %arg10[%add3A_504, %dma_wait3A_508] : memref<10112x128xf32, #tpu.memory_space<vmem_shared>> -> memref<120x128xf32, #tpu.memory_space<vmem_shared>>
    %dma_wait3A_510 = arith.constant 0 : i32
    %dma_wait3A_511 = arith.constant 0 : i32
    %dma_wait3A_512 = tpu.memref_slice %arg8[%dma_wait3A_510, %dma_wait3A_511] : memref<128x128xf32, #tpu.memory_space<vmem>> -> memref<120x128xf32, #tpu.memory_space<vmem>>
    %dma_wait3A_513 = arith.constant 0 : i32
    %dma_wait3A_514 = tpu.memref_slice %arg10[%add3A_504, %dma_wait3A_513] : memref<10112x128xf32, #tpu.memory_space<vmem_shared>> -> memref<120x128xf32, #tpu.memory_space<vmem_shared>>
    tpu.wait_dma2 semaphore(%arg11 : memref<!tpu.dma_semaphore, #tpu.memory_space<semaphore_mem>>) src(%dma_wait3A_514 : memref<120x128xf32, #tpu.memory_space<vmem_shared>>) dst(%dma_wait3A_512 : memref<120x128xf32, #tpu.memory_space<vmem>>)
    %add3A_515 = arith.constant 512 : i32
    %add3A_516 = arith.addi %mul3A_2, %add3A_515 : i32
    %dma_start3A_517 = arith.constant 0 : i32
    %dma_start3A_518 = arith.constant 0 : i32
    %dma_start3A_519 = tpu.memref_slice %arg8[%dma_start3A_517, %dma_start3A_518] : memref<128x128xf32, #tpu.memory_space<vmem>> -> memref<120x128xf32, #tpu.memory_space<vmem>>
    %dma_start3A_520 = arith.constant 0 : i32
    %dma_start3A_521 = tpu.memref_slice %arg5[%arg0, %add3A_516, %dma_start3A_520] : memref<2x10112x128xf32, #tpu.memory_space<hbm>> -> memref<1x120x128xf32, #tpu.memory_space<hbm>>
    %dma_start3A_522 = tpu.memref_squeeze %dma_start3A_521 : memref<1x120x128xf32, #tpu.memory_space<hbm>> -> memref<120x128xf32, #tpu.memory_space<hbm>>
    %dma_start3A_523 = arith.constant 0 : i32
    %dma_start3A_524 = tpu.memref_slice %arg5[%arg0, %add3A_516, %dma_start3A_523] : memref<2x10112x128xf32, #tpu.memory_space<hbm>> -> memref<1x120x128xf32, #tpu.memory_space<hbm>>
    %dma_start3A_525 = tpu.memref_squeeze %dma_start3A_524 : memref<1x120x128xf32, #tpu.memory_space<hbm>> -> memref<120x128xf32, #tpu.memory_space<hbm>>
    %dma_start3A_526 = arith.constant 0 : i32
    %dma_start3A_527 = arith.constant 0 : i32
    %dma_start3A_528 = tpu.memref_slice %arg8[%dma_start3A_526, %dma_start3A_527] : memref<128x128xf32, #tpu.memory_space<vmem>> -> memref<120x128xf32, #tpu.memory_space<vmem>>
    tpu.enqueue_dma source(%dma_start3A_528 : memref<120x128xf32, #tpu.memory_space<vmem>>) target(%dma_start3A_525 : memref<120x128xf32, #tpu.memory_space<hbm>>) target_semaphore(%arg13 : memref<!tpu.dma_semaphore, #tpu.memory_space<semaphore_mem>>)
    %add3A_529 = arith.constant 384 : i32
    %add3A_530 = arith.addi %mul3A_2, %add3A_529 : i32
    %dma_wait3A_531 = arith.constant 0 : i32
    %dma_wait3A_532 = arith.constant 0 : i32
    %dma_wait3A_533 = tpu.memref_slice %arg9[%dma_wait3A_531, %dma_wait3A_532] : memref<128x128xf32, #tpu.memory_space<vmem>> -> memref<128x128xf32, #tpu.memory_space<vmem>>
    %dma_wait3A_534 = arith.constant 0 : i32
    %dma_wait3A_535 = tpu.memref_slice %arg5[%arg0, %add3A_530, %dma_wait3A_534] : memref<2x10112x128xf32, #tpu.memory_space<hbm>> -> memref<1x128x128xf32, #tpu.memory_space<hbm>>
    %dma_wait3A_536 = tpu.memref_squeeze %dma_wait3A_535 : memref<1x128x128xf32, #tpu.memory_space<hbm>> -> memref<128x128xf32, #tpu.memory_space<hbm>>
    %dma_wait3A_537 = arith.constant 0 : i32
    %dma_wait3A_538 = tpu.memref_slice %arg5[%arg0, %add3A_530, %dma_wait3A_537] : memref<2x10112x128xf32, #tpu.memory_space<hbm>> -> memref<1x128x128xf32, #tpu.memory_space<hbm>>
    %dma_wait3A_539 = tpu.memref_squeeze %dma_wait3A_538 : memref<1x128x128xf32, #tpu.memory_space<hbm>> -> memref<128x128xf32, #tpu.memory_space<hbm>>
    %dma_wait3A_540 = arith.constant 0 : i32
    %dma_wait3A_541 = arith.constant 0 : i32
    %dma_wait3A_542 = tpu.memref_slice %arg9[%dma_wait3A_540, %dma_wait3A_541] : memref<128x128xf32, #tpu.memory_space<vmem>> -> memref<128x128xf32, #tpu.memory_space<vmem>>
    tpu.wait_dma2 semaphore(%arg14 : memref<!tpu.dma_semaphore, #tpu.memory_space<semaphore_mem>>) src(%dma_wait3A_542 : memref<128x128xf32, #tpu.memory_space<vmem>>) dst(%dma_wait3A_539 : memref<128x128xf32, #tpu.memory_space<hbm>>)
    %add3A_543 = arith.constant 512 : i32
    %add3A_544 = arith.addi %mul3A_2, %add3A_543 : i32
    %dma_wait3A_545 = arith.constant 0 : i32
    %dma_wait3A_546 = arith.constant 0 : i32
    %dma_wait3A_547 = tpu.memref_slice %arg8[%dma_wait3A_545, %dma_wait3A_546] : memref<128x128xf32, #tpu.memory_space<vmem>> -> memref<120x128xf32, #tpu.memory_space<vmem>>
    %dma_wait3A_548 = arith.constant 0 : i32
    %dma_wait3A_549 = tpu.memref_slice %arg5[%arg0, %add3A_544, %dma_wait3A_548] : memref<2x10112x128xf32, #tpu.memory_space<hbm>> -> memref<1x120x128xf32, #tpu.memory_space<hbm>>
    %dma_wait3A_550 = tpu.memref_squeeze %dma_wait3A_549 : memref<1x120x128xf32, #tpu.memory_space<hbm>> -> memref<120x128xf32, #tpu.memory_space<hbm>>
    %dma_wait3A_551 = arith.constant 0 : i32
    %dma_wait3A_552 = tpu.memref_slice %arg5[%arg0, %add3A_544, %dma_wait3A_551] : memref<2x10112x128xf32, #tpu.memory_space<hbm>> -> memref<1x120x128xf32, #tpu.memory_space<hbm>>
    %dma_wait3A_553 = tpu.memref_squeeze %dma_wait3A_552 : memref<1x120x128xf32, #tpu.memory_space<hbm>> -> memref<120x128xf32, #tpu.memory_space<hbm>>
    %dma_wait3A_554 = arith.constant 0 : i32
    %dma_wait3A_555 = arith.constant 0 : i32
    %dma_wait3A_556 = tpu.memref_slice %arg8[%dma_wait3A_554, %dma_wait3A_555] : memref<128x128xf32, #tpu.memory_space<vmem>> -> memref<120x128xf32, #tpu.memory_space<vmem>>
    tpu.wait_dma2 semaphore(%arg13 : memref<!tpu.dma_semaphore, #tpu.memory_space<semaphore_mem>>) src(%dma_wait3A_556 : memref<120x128xf32, #tpu.memory_space<vmem>>) dst(%dma_wait3A_553 : memref<120x128xf32, #tpu.memory_space<hbm>>)
    return
  }
}

#map = affine_map<(d0, d1) -> (0, 0)>
#map1 = affine_map<(d0, d1) -> (0, 0, 0)>
module attributes {stable_mosaic.version = 14 : i64} {
  func.func @k(%arg0: i32, %arg1: i32, %arg2: memref<10112x128xf32, #tpu.memory_space<hbm>>, %arg3: memref<32x80x128xi32, #tpu.memory_space<hbm>>, %arg4: memref<32x80x128xi32, #tpu.memory_space<hbm>>, %arg5: memref<2x10112x128xf32, #tpu.memory_space<hbm>>, %arg6: memref<40x128xi32, #tpu.memory_space<vmem>>, %arg7: memref<40x128xi32, #tpu.memory_space<vmem>>, %arg8: memref<128x128xf32, #tpu.memory_space<vmem>>, %arg9: memref<128x128xf32, #tpu.memory_space<vmem>>, %arg10: memref<10112x128xf32, #tpu.memory_space<vmem_shared>>, %arg11: memref<!tpu.dma_semaphore, #tpu.memory_space<semaphore_mem>>, %arg12: memref<!tpu.dma_semaphore, #tpu.memory_space<semaphore_mem>>, %arg13: memref<!tpu.dma_semaphore, #tpu.memory_space<semaphore_mem>>, %arg14: memref<!tpu.dma_semaphore, #tpu.memory_space<semaphore_mem>>) attributes {dimension_semantics = [#tpu.dimension_semantics<core_parallel>, #tpu.dimension_semantics<subcore_parallel>], iteration_bounds = array<i64: 2, 16>, scalar_prefetch = 0 : i64, scratch_operands = 9 : i64, tpu.core_type = #tpu.core_type<sc_vector_subcore>, window_params = [{transform_indices = #map}, {transform_indices = #map1}, {transform_indices = #map1}, {transform_indices = #map1}]} {
    %mul3A = arith.constant 2 : i32
    %mul3A_0 = arith.muli %arg1, %mul3A : i32
    %add3A = arith.addi %mul3A_0, %arg0 : i32
    %mul3A_1 = arith.constant 632 : i32
    %mul3A_2 = arith.muli %arg1, %mul3A_1 : i32
    %add3A_3 = arith.constant 0 : i32
    %add3A_4 = arith.addi %mul3A_2, %add3A_3 : i32
    %dma_start3A = arith.constant 0 : i32
    %dma_start3A_5 = arith.constant 0 : i32
    %dma_start3A_6 = tpu.memref_slice %arg8[%dma_start3A, %dma_start3A_5] : memref<128x128xf32, #tpu.memory_space<vmem>> -> memref<128x128xf32, #tpu.memory_space<vmem>>
    %dma_start3A_7 = arith.constant 0 : i32
    %dma_start3A_8 = tpu.memref_slice %arg2[%add3A_4, %dma_start3A_7] : memref<10112x128xf32, #tpu.memory_space<hbm>> -> memref<128x128xf32, #tpu.memory_space<hbm>>
    %dma_start3A_9 = arith.constant 0 : i32
    %dma_start3A_10 = arith.constant 0 : i32
    %dma_start3A_11 = tpu.memref_slice %arg8[%dma_start3A_9, %dma_start3A_10] : memref<128x128xf32, #tpu.memory_space<vmem>> -> memref<128x128xf32, #tpu.memory_space<vmem>>
    %dma_start3A_12 = arith.constant 0 : i32
    %dma_start3A_13 = tpu.memref_slice %arg2[%add3A_4, %dma_start3A_12] : memref<10112x128xf32, #tpu.memory_space<hbm>> -> memref<128x128xf32, #tpu.memory_space<hbm>>
    tpu.enqueue_dma source(%dma_start3A_13 : memref<128x128xf32, #tpu.memory_space<hbm>>) target(%dma_start3A_11 : memref<128x128xf32, #tpu.memory_space<vmem>>) target_semaphore(%arg11 : memref<!tpu.dma_semaphore, #tpu.memory_space<semaphore_mem>>)
    %add3A_14 = arith.constant 0 : i32
    %add3A_15 = arith.addi %mul3A_2, %add3A_14 : i32
    %dma_wait3A = arith.constant 0 : i32
    %dma_wait3A_16 = arith.constant 0 : i32
    %dma_wait3A_17 = tpu.memref_slice %arg8[%dma_wait3A, %dma_wait3A_16] : memref<128x128xf32, #tpu.memory_space<vmem>> -> memref<128x128xf32, #tpu.memory_space<vmem>>
    %dma_wait3A_18 = arith.constant 0 : i32
    %dma_wait3A_19 = tpu.memref_slice %arg2[%add3A_15, %dma_wait3A_18] : memref<10112x128xf32, #tpu.memory_space<hbm>> -> memref<128x128xf32, #tpu.memory_space<hbm>>
    %dma_wait3A_20 = arith.constant 0 : i32
    %dma_wait3A_21 = arith.constant 0 : i32
    %dma_wait3A_22 = tpu.memref_slice %arg8[%dma_wait3A_20, %dma_wait3A_21] : memref<128x128xf32, #tpu.memory_space<vmem>> -> memref<128x128xf32, #tpu.memory_space<vmem>>
    %dma_wait3A_23 = arith.constant 0 : i32
    %dma_wait3A_24 = tpu.memref_slice %arg2[%add3A_15, %dma_wait3A_23] : memref<10112x128xf32, #tpu.memory_space<hbm>> -> memref<128x128xf32, #tpu.memory_space<hbm>>
    tpu.wait_dma2 semaphore(%arg11 : memref<!tpu.dma_semaphore, #tpu.memory_space<semaphore_mem>>) src(%dma_wait3A_24 : memref<128x128xf32, #tpu.memory_space<hbm>>) dst(%dma_wait3A_22 : memref<128x128xf32, #tpu.memory_space<vmem>>)
    %add3A_25 = arith.constant 128 : i32
    %add3A_26 = arith.addi %mul3A_2, %add3A_25 : i32
    %dma_start3A_27 = arith.constant 0 : i32
    %dma_start3A_28 = arith.constant 0 : i32
    %dma_start3A_29 = tpu.memref_slice %arg9[%dma_start3A_27, %dma_start3A_28] : memref<128x128xf32, #tpu.memory_space<vmem>> -> memref<128x128xf32, #tpu.memory_space<vmem>>
    %dma_start3A_30 = arith.constant 0 : i32
    %dma_start3A_31 = tpu.memref_slice %arg2[%add3A_26, %dma_start3A_30] : memref<10112x128xf32, #tpu.memory_space<hbm>> -> memref<128x128xf32, #tpu.memory_space<hbm>>
    %dma_start3A_32 = arith.constant 0 : i32
    %dma_start3A_33 = arith.constant 0 : i32
    %dma_start3A_34 = tpu.memref_slice %arg9[%dma_start3A_32, %dma_start3A_33] : memref<128x128xf32, #tpu.memory_space<vmem>> -> memref<128x128xf32, #tpu.memory_space<vmem>>
    %dma_start3A_35 = arith.constant 0 : i32
    %dma_start3A_36 = tpu.memref_slice %arg2[%add3A_26, %dma_start3A_35] : memref<10112x128xf32, #tpu.memory_space<hbm>> -> memref<128x128xf32, #tpu.memory_space<hbm>>
    tpu.enqueue_dma source(%dma_start3A_36 : memref<128x128xf32, #tpu.memory_space<hbm>>) target(%dma_start3A_34 : memref<128x128xf32, #tpu.memory_space<vmem>>) target_semaphore(%arg12 : memref<!tpu.dma_semaphore, #tpu.memory_space<semaphore_mem>>)
    %add3A_37 = arith.constant 0 : i32
    %add3A_38 = arith.addi %mul3A_2, %add3A_37 : i32
    %dma_start3A_39 = arith.constant 0 : i32
    %dma_start3A_40 = arith.constant 0 : i32
    %dma_start3A_41 = tpu.memref_slice %arg8[%dma_start3A_39, %dma_start3A_40] : memref<128x128xf32, #tpu.memory_space<vmem>> -> memref<128x128xf32, #tpu.memory_space<vmem>>
    %dma_start3A_42 = arith.constant 0 : i32
    %dma_start3A_43 = tpu.memref_slice %arg10[%add3A_38, %dma_start3A_42] : memref<10112x128xf32, #tpu.memory_space<vmem_shared>> -> memref<128x128xf32, #tpu.memory_space<vmem_shared>>
    %dma_start3A_44 = arith.constant 0 : i32
    %dma_start3A_45 = tpu.memref_slice %arg10[%add3A_38, %dma_start3A_44] : memref<10112x128xf32, #tpu.memory_space<vmem_shared>> -> memref<128x128xf32, #tpu.memory_space<vmem_shared>>
    %dma_start3A_46 = arith.constant 0 : i32
    %dma_start3A_47 = arith.constant 0 : i32
    %dma_start3A_48 = tpu.memref_slice %arg8[%dma_start3A_46, %dma_start3A_47] : memref<128x128xf32, #tpu.memory_space<vmem>> -> memref<128x128xf32, #tpu.memory_space<vmem>>
    tpu.enqueue_dma source(%dma_start3A_48 : memref<128x128xf32, #tpu.memory_space<vmem>>) target(%dma_start3A_45 : memref<128x128xf32, #tpu.memory_space<vmem_shared>>) target_semaphore(%arg13 : memref<!tpu.dma_semaphore, #tpu.memory_space<semaphore_mem>>)
    %add3A_49 = arith.constant 128 : i32
    %add3A_50 = arith.addi %mul3A_2, %add3A_49 : i32
    %dma_wait3A_51 = arith.constant 0 : i32
    %dma_wait3A_52 = arith.constant 0 : i32
    %dma_wait3A_53 = tpu.memref_slice %arg9[%dma_wait3A_51, %dma_wait3A_52] : memref<128x128xf32, #tpu.memory_space<vmem>> -> memref<128x128xf32, #tpu.memory_space<vmem>>
    %dma_wait3A_54 = arith.constant 0 : i32
    %dma_wait3A_55 = tpu.memref_slice %arg2[%add3A_50, %dma_wait3A_54] : memref<10112x128xf32, #tpu.memory_space<hbm>> -> memref<128x128xf32, #tpu.memory_space<hbm>>
    %dma_wait3A_56 = arith.constant 0 : i32
    %dma_wait3A_57 = arith.constant 0 : i32
    %dma_wait3A_58 = tpu.memref_slice %arg9[%dma_wait3A_56, %dma_wait3A_57] : memref<128x128xf32, #tpu.memory_space<vmem>> -> memref<128x128xf32, #tpu.memory_space<vmem>>
    %dma_wait3A_59 = arith.constant 0 : i32
    %dma_wait3A_60 = tpu.memref_slice %arg2[%add3A_50, %dma_wait3A_59] : memref<10112x128xf32, #tpu.memory_space<hbm>> -> memref<128x128xf32, #tpu.memory_space<hbm>>
    tpu.wait_dma2 semaphore(%arg12 : memref<!tpu.dma_semaphore, #tpu.memory_space<semaphore_mem>>) src(%dma_wait3A_60 : memref<128x128xf32, #tpu.memory_space<hbm>>) dst(%dma_wait3A_58 : memref<128x128xf32, #tpu.memory_space<vmem>>)
    %add3A_61 = arith.constant 0 : i32
    %add3A_62 = arith.addi %mul3A_2, %add3A_61 : i32
    %dma_wait3A_63 = arith.constant 0 : i32
    %dma_wait3A_64 = arith.constant 0 : i32
    %dma_wait3A_65 = tpu.memref_slice %arg8[%dma_wait3A_63, %dma_wait3A_64] : memref<128x128xf32, #tpu.memory_space<vmem>> -> memref<128x128xf32, #tpu.memory_space<vmem>>
    %dma_wait3A_66 = arith.constant 0 : i32
    %dma_wait3A_67 = tpu.memref_slice %arg10[%add3A_62, %dma_wait3A_66] : memref<10112x128xf32, #tpu.memory_space<vmem_shared>> -> memref<128x128xf32, #tpu.memory_space<vmem_shared>>
    %dma_wait3A_68 = arith.constant 0 : i32
    %dma_wait3A_69 = tpu.memref_slice %arg10[%add3A_62, %dma_wait3A_68] : memref<10112x128xf32, #tpu.memory_space<vmem_shared>> -> memref<128x128xf32, #tpu.memory_space<vmem_shared>>
    %dma_wait3A_70 = arith.constant 0 : i32
    %dma_wait3A_71 = arith.constant 0 : i32
    %dma_wait3A_72 = tpu.memref_slice %arg8[%dma_wait3A_70, %dma_wait3A_71] : memref<128x128xf32, #tpu.memory_space<vmem>> -> memref<128x128xf32, #tpu.memory_space<vmem>>
    tpu.wait_dma2 semaphore(%arg13 : memref<!tpu.dma_semaphore, #tpu.memory_space<semaphore_mem>>) src(%dma_wait3A_72 : memref<128x128xf32, #tpu.memory_space<vmem>>) dst(%dma_wait3A_69 : memref<128x128xf32, #tpu.memory_space<vmem_shared>>)
    %add3A_73 = arith.constant 256 : i32
    %add3A_74 = arith.addi %mul3A_2, %add3A_73 : i32
    %dma_start3A_75 = arith.constant 0 : i32
    %dma_start3A_76 = arith.constant 0 : i32
    %dma_start3A_77 = tpu.memref_slice %arg8[%dma_start3A_75, %dma_start3A_76] : memref<128x128xf32, #tpu.memory_space<vmem>> -> memref<128x128xf32, #tpu.memory_space<vmem>>
    %dma_start3A_78 = arith.constant 0 : i32
    %dma_start3A_79 = tpu.memref_slice %arg2[%add3A_74, %dma_start3A_78] : memref<10112x128xf32, #tpu.memory_space<hbm>> -> memref<128x128xf32, #tpu.memory_space<hbm>>
    %dma_start3A_80 = arith.constant 0 : i32
    %dma_start3A_81 = arith.constant 0 : i32
    %dma_start3A_82 = tpu.memref_slice %arg8[%dma_start3A_80, %dma_start3A_81] : memref<128x128xf32, #tpu.memory_space<vmem>> -> memref<128x128xf32, #tpu.memory_space<vmem>>
    %dma_start3A_83 = arith.constant 0 : i32
    %dma_start3A_84 = tpu.memref_slice %arg2[%add3A_74, %dma_start3A_83] : memref<10112x128xf32, #tpu.memory_space<hbm>> -> memref<128x128xf32, #tpu.memory_space<hbm>>
    tpu.enqueue_dma source(%dma_start3A_84 : memref<128x128xf32, #tpu.memory_space<hbm>>) target(%dma_start3A_82 : memref<128x128xf32, #tpu.memory_space<vmem>>) target_semaphore(%arg11 : memref<!tpu.dma_semaphore, #tpu.memory_space<semaphore_mem>>)
    %add3A_85 = arith.constant 128 : i32
    %add3A_86 = arith.addi %mul3A_2, %add3A_85 : i32
    %dma_start3A_87 = arith.constant 0 : i32
    %dma_start3A_88 = arith.constant 0 : i32
    %dma_start3A_89 = tpu.memref_slice %arg9[%dma_start3A_87, %dma_start3A_88] : memref<128x128xf32, #tpu.memory_space<vmem>> -> memref<128x128xf32, #tpu.memory_space<vmem>>
    %dma_start3A_90 = arith.constant 0 : i32
    %dma_start3A_91 = tpu.memref_slice %arg10[%add3A_86, %dma_start3A_90] : memref<10112x128xf32, #tpu.memory_space<vmem_shared>> -> memref<128x128xf32, #tpu.memory_space<vmem_shared>>
    %dma_start3A_92 = arith.constant 0 : i32
    %dma_start3A_93 = tpu.memref_slice %arg10[%add3A_86, %dma_start3A_92] : memref<10112x128xf32, #tpu.memory_space<vmem_shared>> -> memref<128x128xf32, #tpu.memory_space<vmem_shared>>
    %dma_start3A_94 = arith.constant 0 : i32
    %dma_start3A_95 = arith.constant 0 : i32
    %dma_start3A_96 = tpu.memref_slice %arg9[%dma_start3A_94, %dma_start3A_95] : memref<128x128xf32, #tpu.memory_space<vmem>> -> memref<128x128xf32, #tpu.memory_space<vmem>>
    tpu.enqueue_dma source(%dma_start3A_96 : memref<128x128xf32, #tpu.memory_space<vmem>>) target(%dma_start3A_93 : memref<128x128xf32, #tpu.memory_space<vmem_shared>>) target_semaphore(%arg14 : memref<!tpu.dma_semaphore, #tpu.memory_space<semaphore_mem>>)
    %add3A_97 = arith.constant 256 : i32
    %add3A_98 = arith.addi %mul3A_2, %add3A_97 : i32
    %dma_wait3A_99 = arith.constant 0 : i32
    %dma_wait3A_100 = arith.constant 0 : i32
    %dma_wait3A_101 = tpu.memref_slice %arg8[%dma_wait3A_99, %dma_wait3A_100] : memref<128x128xf32, #tpu.memory_space<vmem>> -> memref<128x128xf32, #tpu.memory_space<vmem>>
    %dma_wait3A_102 = arith.constant 0 : i32
    %dma_wait3A_103 = tpu.memref_slice %arg2[%add3A_98, %dma_wait3A_102] : memref<10112x128xf32, #tpu.memory_space<hbm>> -> memref<128x128xf32, #tpu.memory_space<hbm>>
    %dma_wait3A_104 = arith.constant 0 : i32
    %dma_wait3A_105 = arith.constant 0 : i32
    %dma_wait3A_106 = tpu.memref_slice %arg8[%dma_wait3A_104, %dma_wait3A_105] : memref<128x128xf32, #tpu.memory_space<vmem>> -> memref<128x128xf32, #tpu.memory_space<vmem>>
    %dma_wait3A_107 = arith.constant 0 : i32
    %dma_wait3A_108 = tpu.memref_slice %arg2[%add3A_98, %dma_wait3A_107] : memref<10112x128xf32, #tpu.memory_space<hbm>> -> memref<128x128xf32, #tpu.memory_space<hbm>>
    tpu.wait_dma2 semaphore(%arg11 : memref<!tpu.dma_semaphore, #tpu.memory_space<semaphore_mem>>) src(%dma_wait3A_108 : memref<128x128xf32, #tpu.memory_space<hbm>>) dst(%dma_wait3A_106 : memref<128x128xf32, #tpu.memory_space<vmem>>)
    %add3A_109 = arith.constant 128 : i32
    %add3A_110 = arith.addi %mul3A_2, %add3A_109 : i32
    %dma_wait3A_111 = arith.constant 0 : i32
    %dma_wait3A_112 = arith.constant 0 : i32
    %dma_wait3A_113 = tpu.memref_slice %arg9[%dma_wait3A_111, %dma_wait3A_112] : memref<128x128xf32, #tpu.memory_space<vmem>> -> memref<128x128xf32, #tpu.memory_space<vmem>>
    %dma_wait3A_114 = arith.constant 0 : i32
    %dma_wait3A_115 = tpu.memref_slice %arg10[%add3A_110, %dma_wait3A_114] : memref<10112x128xf32, #tpu.memory_space<vmem_shared>> -> memref<128x128xf32, #tpu.memory_space<vmem_shared>>
    %dma_wait3A_116 = arith.constant 0 : i32
    %dma_wait3A_117 = tpu.memref_slice %arg10[%add3A_110, %dma_wait3A_116] : memref<10112x128xf32, #tpu.memory_space<vmem_shared>> -> memref<128x128xf32, #tpu.memory_space<vmem_shared>>
    %dma_wait3A_118 = arith.constant 0 : i32
    %dma_wait3A_119 = arith.constant 0 : i32
    %dma_wait3A_120 = tpu.memref_slice %arg9[%dma_wait3A_118, %dma_wait3A_119] : memref<128x128xf32, #tpu.memory_space<vmem>> -> memref<128x128xf32, #tpu.memory_space<vmem>>
    tpu.wait_dma2 semaphore(%arg14 : memref<!tpu.dma_semaphore, #tpu.memory_space<semaphore_mem>>) src(%dma_wait3A_120 : memref<128x128xf32, #tpu.memory_space<vmem>>) dst(%dma_wait3A_117 : memref<128x128xf32, #tpu.memory_space<vmem_shared>>)
    %add3A_121 = arith.constant 384 : i32
    %add3A_122 = arith.addi %mul3A_2, %add3A_121 : i32
    %dma_start3A_123 = arith.constant 0 : i32
    %dma_start3A_124 = arith.constant 0 : i32
    %dma_start3A_125 = tpu.memref_slice %arg9[%dma_start3A_123, %dma_start3A_124] : memref<128x128xf32, #tpu.memory_space<vmem>> -> memref<128x128xf32, #tpu.memory_space<vmem>>
    %dma_start3A_126 = arith.constant 0 : i32
    %dma_start3A_127 = tpu.memref_slice %arg2[%add3A_122, %dma_start3A_126] : memref<10112x128xf32, #tpu.memory_space<hbm>> -> memref<128x128xf32, #tpu.memory_space<hbm>>
    %dma_start3A_128 = arith.constant 0 : i32
    %dma_start3A_129 = arith.constant 0 : i32
    %dma_start3A_130 = tpu.memref_slice %arg9[%dma_start3A_128, %dma_start3A_129] : memref<128x128xf32, #tpu.memory_space<vmem>> -> memref<128x128xf32, #tpu.memory_space<vmem>>
    %dma_start3A_131 = arith.constant 0 : i32
    %dma_start3A_132 = tpu.memref_slice %arg2[%add3A_122, %dma_start3A_131] : memref<10112x128xf32, #tpu.memory_space<hbm>> -> memref<128x128xf32, #tpu.memory_space<hbm>>
    tpu.enqueue_dma source(%dma_start3A_132 : memref<128x128xf32, #tpu.memory_space<hbm>>) target(%dma_start3A_130 : memref<128x128xf32, #tpu.memory_space<vmem>>) target_semaphore(%arg12 : memref<!tpu.dma_semaphore, #tpu.memory_space<semaphore_mem>>)
    %add3A_133 = arith.constant 256 : i32
    %add3A_134 = arith.addi %mul3A_2, %add3A_133 : i32
    %dma_start3A_135 = arith.constant 0 : i32
    %dma_start3A_136 = arith.constant 0 : i32
    %dma_start3A_137 = tpu.memref_slice %arg8[%dma_start3A_135, %dma_start3A_136] : memref<128x128xf32, #tpu.memory_space<vmem>> -> memref<128x128xf32, #tpu.memory_space<vmem>>
    %dma_start3A_138 = arith.constant 0 : i32
    %dma_start3A_139 = tpu.memref_slice %arg10[%add3A_134, %dma_start3A_138] : memref<10112x128xf32, #tpu.memory_space<vmem_shared>> -> memref<128x128xf32, #tpu.memory_space<vmem_shared>>
    %dma_start3A_140 = arith.constant 0 : i32
    %dma_start3A_141 = tpu.memref_slice %arg10[%add3A_134, %dma_start3A_140] : memref<10112x128xf32, #tpu.memory_space<vmem_shared>> -> memref<128x128xf32, #tpu.memory_space<vmem_shared>>
    %dma_start3A_142 = arith.constant 0 : i32
    %dma_start3A_143 = arith.constant 0 : i32
    %dma_start3A_144 = tpu.memref_slice %arg8[%dma_start3A_142, %dma_start3A_143] : memref<128x128xf32, #tpu.memory_space<vmem>> -> memref<128x128xf32, #tpu.memory_space<vmem>>
    tpu.enqueue_dma source(%dma_start3A_144 : memref<128x128xf32, #tpu.memory_space<vmem>>) target(%dma_start3A_141 : memref<128x128xf32, #tpu.memory_space<vmem_shared>>) target_semaphore(%arg13 : memref<!tpu.dma_semaphore, #tpu.memory_space<semaphore_mem>>)
    %add3A_145 = arith.constant 384 : i32
    %add3A_146 = arith.addi %mul3A_2, %add3A_145 : i32
    %dma_wait3A_147 = arith.constant 0 : i32
    %dma_wait3A_148 = arith.constant 0 : i32
    %dma_wait3A_149 = tpu.memref_slice %arg9[%dma_wait3A_147, %dma_wait3A_148] : memref<128x128xf32, #tpu.memory_space<vmem>> -> memref<128x128xf32, #tpu.memory_space<vmem>>
    %dma_wait3A_150 = arith.constant 0 : i32
    %dma_wait3A_151 = tpu.memref_slice %arg2[%add3A_146, %dma_wait3A_150] : memref<10112x128xf32, #tpu.memory_space<hbm>> -> memref<128x128xf32, #tpu.memory_space<hbm>>
    %dma_wait3A_152 = arith.constant 0 : i32
    %dma_wait3A_153 = arith.constant 0 : i32
    %dma_wait3A_154 = tpu.memref_slice %arg9[%dma_wait3A_152, %dma_wait3A_153] : memref<128x128xf32, #tpu.memory_space<vmem>> -> memref<128x128xf32, #tpu.memory_space<vmem>>
    %dma_wait3A_155 = arith.constant 0 : i32
    %dma_wait3A_156 = tpu.memref_slice %arg2[%add3A_146, %dma_wait3A_155] : memref<10112x128xf32, #tpu.memory_space<hbm>> -> memref<128x128xf32, #tpu.memory_space<hbm>>
    tpu.wait_dma2 semaphore(%arg12 : memref<!tpu.dma_semaphore, #tpu.memory_space<semaphore_mem>>) src(%dma_wait3A_156 : memref<128x128xf32, #tpu.memory_space<hbm>>) dst(%dma_wait3A_154 : memref<128x128xf32, #tpu.memory_space<vmem>>)
    %add3A_157 = arith.constant 256 : i32
    %add3A_158 = arith.addi %mul3A_2, %add3A_157 : i32
    %dma_wait3A_159 = arith.constant 0 : i32
    %dma_wait3A_160 = arith.constant 0 : i32
    %dma_wait3A_161 = tpu.memref_slice %arg8[%dma_wait3A_159, %dma_wait3A_160] : memref<128x128xf32, #tpu.memory_space<vmem>> -> memref<128x128xf32, #tpu.memory_space<vmem>>
    %dma_wait3A_162 = arith.constant 0 : i32
    %dma_wait3A_163 = tpu.memref_slice %arg10[%add3A_158, %dma_wait3A_162] : memref<10112x128xf32, #tpu.memory_space<vmem_shared>> -> memref<128x128xf32, #tpu.memory_space<vmem_shared>>
    %dma_wait3A_164 = arith.constant 0 : i32
    %dma_wait3A_165 = tpu.memref_slice %arg10[%add3A_158, %dma_wait3A_164] : memref<10112x128xf32, #tpu.memory_space<vmem_shared>> -> memref<128x128xf32, #tpu.memory_space<vmem_shared>>
    %dma_wait3A_166 = arith.constant 0 : i32
    %dma_wait3A_167 = arith.constant 0 : i32
    %dma_wait3A_168 = tpu.memref_slice %arg8[%dma_wait3A_166, %dma_wait3A_167] : memref<128x128xf32, #tpu.memory_space<vmem>> -> memref<128x128xf32, #tpu.memory_space<vmem>>
    tpu.wait_dma2 semaphore(%arg13 : memref<!tpu.dma_semaphore, #tpu.memory_space<semaphore_mem>>) src(%dma_wait3A_168 : memref<128x128xf32, #tpu.memory_space<vmem>>) dst(%dma_wait3A_165 : memref<128x128xf32, #tpu.memory_space<vmem_shared>>)
    %add3A_169 = arith.constant 512 : i32
    %add3A_170 = arith.addi %mul3A_2, %add3A_169 : i32
    %dma_start3A_171 = arith.constant 0 : i32
    %dma_start3A_172 = arith.constant 0 : i32
    %dma_start3A_173 = tpu.memref_slice %arg8[%dma_start3A_171, %dma_start3A_172] : memref<128x128xf32, #tpu.memory_space<vmem>> -> memref<120x128xf32, #tpu.memory_space<vmem>>
    %dma_start3A_174 = arith.constant 0 : i32
    %dma_start3A_175 = tpu.memref_slice %arg2[%add3A_170, %dma_start3A_174] : memref<10112x128xf32, #tpu.memory_space<hbm>> -> memref<120x128xf32, #tpu.memory_space<hbm>>
    %dma_start3A_176 = arith.constant 0 : i32
    %dma_start3A_177 = arith.constant 0 : i32
    %dma_start3A_178 = tpu.memref_slice %arg8[%dma_start3A_176, %dma_start3A_177] : memref<128x128xf32, #tpu.memory_space<vmem>> -> memref<120x128xf32, #tpu.memory_space<vmem>>
    %dma_start3A_179 = arith.constant 0 : i32
    %dma_start3A_180 = tpu.memref_slice %arg2[%add3A_170, %dma_start3A_179] : memref<10112x128xf32, #tpu.memory_space<hbm>> -> memref<120x128xf32, #tpu.memory_space<hbm>>
    tpu.enqueue_dma source(%dma_start3A_180 : memref<120x128xf32, #tpu.memory_space<hbm>>) target(%dma_start3A_178 : memref<120x128xf32, #tpu.memory_space<vmem>>) target_semaphore(%arg11 : memref<!tpu.dma_semaphore, #tpu.memory_space<semaphore_mem>>)
    %add3A_181 = arith.constant 384 : i32
    %add3A_182 = arith.addi %mul3A_2, %add3A_181 : i32
    %dma_start3A_183 = arith.constant 0 : i32
    %dma_start3A_184 = arith.constant 0 : i32
    %dma_start3A_185 = tpu.memref_slice %arg9[%dma_start3A_183, %dma_start3A_184] : memref<128x128xf32, #tpu.memory_space<vmem>> -> memref<128x128xf32, #tpu.memory_space<vmem>>
    %dma_start3A_186 = arith.constant 0 : i32
    %dma_start3A_187 = tpu.memref_slice %arg10[%add3A_182, %dma_start3A_186] : memref<10112x128xf32, #tpu.memory_space<vmem_shared>> -> memref<128x128xf32, #tpu.memory_space<vmem_shared>>
    %dma_start3A_188 = arith.constant 0 : i32
    %dma_start3A_189 = tpu.memref_slice %arg10[%add3A_182, %dma_start3A_188] : memref<10112x128xf32, #tpu.memory_space<vmem_shared>> -> memref<128x128xf32, #tpu.memory_space<vmem_shared>>
    %dma_start3A_190 = arith.constant 0 : i32
    %dma_start3A_191 = arith.constant 0 : i32
    %dma_start3A_192 = tpu.memref_slice %arg9[%dma_start3A_190, %dma_start3A_191] : memref<128x128xf32, #tpu.memory_space<vmem>> -> memref<128x128xf32, #tpu.memory_space<vmem>>
    tpu.enqueue_dma source(%dma_start3A_192 : memref<128x128xf32, #tpu.memory_space<vmem>>) target(%dma_start3A_189 : memref<128x128xf32, #tpu.memory_space<vmem_shared>>) target_semaphore(%arg14 : memref<!tpu.dma_semaphore, #tpu.memory_space<semaphore_mem>>)
    %add3A_193 = arith.constant 512 : i32
    %add3A_194 = arith.addi %mul3A_2, %add3A_193 : i32
    %dma_wait3A_195 = arith.constant 0 : i32
    %dma_wait3A_196 = arith.constant 0 : i32
    %dma_wait3A_197 = tpu.memref_slice %arg8[%dma_wait3A_195, %dma_wait3A_196] : memref<128x128xf32, #tpu.memory_space<vmem>> -> memref<120x128xf32, #tpu.memory_space<vmem>>
    %dma_wait3A_198 = arith.constant 0 : i32
    %dma_wait3A_199 = tpu.memref_slice %arg2[%add3A_194, %dma_wait3A_198] : memref<10112x128xf32, #tpu.memory_space<hbm>> -> memref<120x128xf32, #tpu.memory_space<hbm>>
    %dma_wait3A_200 = arith.constant 0 : i32
    %dma_wait3A_201 = arith.constant 0 : i32
    %dma_wait3A_202 = tpu.memref_slice %arg8[%dma_wait3A_200, %dma_wait3A_201] : memref<128x128xf32, #tpu.memory_space<vmem>> -> memref<120x128xf32, #tpu.memory_space<vmem>>
    %dma_wait3A_203 = arith.constant 0 : i32
    %dma_wait3A_204 = tpu.memref_slice %arg2[%add3A_194, %dma_wait3A_203] : memref<10112x128xf32, #tpu.memory_space<hbm>> -> memref<120x128xf32, #tpu.memory_space<hbm>>
    tpu.wait_dma2 semaphore(%arg11 : memref<!tpu.dma_semaphore, #tpu.memory_space<semaphore_mem>>) src(%dma_wait3A_204 : memref<120x128xf32, #tpu.memory_space<hbm>>) dst(%dma_wait3A_202 : memref<120x128xf32, #tpu.memory_space<vmem>>)
    %add3A_205 = arith.constant 512 : i32
    %add3A_206 = arith.addi %mul3A_2, %add3A_205 : i32
    %dma_start3A_207 = arith.constant 0 : i32
    %dma_start3A_208 = arith.constant 0 : i32
    %dma_start3A_209 = tpu.memref_slice %arg8[%dma_start3A_207, %dma_start3A_208] : memref<128x128xf32, #tpu.memory_space<vmem>> -> memref<120x128xf32, #tpu.memory_space<vmem>>
    %dma_start3A_210 = arith.constant 0 : i32
    %dma_start3A_211 = tpu.memref_slice %arg10[%add3A_206, %dma_start3A_210] : memref<10112x128xf32, #tpu.memory_space<vmem_shared>> -> memref<120x128xf32, #tpu.memory_space<vmem_shared>>
    %dma_start3A_212 = arith.constant 0 : i32
    %dma_start3A_213 = tpu.memref_slice %arg10[%add3A_206, %dma_start3A_212] : memref<10112x128xf32, #tpu.memory_space<vmem_shared>> -> memref<120x128xf32, #tpu.memory_space<vmem_shared>>
    %dma_start3A_214 = arith.constant 0 : i32
    %dma_start3A_215 = arith.constant 0 : i32
    %dma_start3A_216 = tpu.memref_slice %arg8[%dma_start3A_214, %dma_start3A_215] : memref<128x128xf32, #tpu.memory_space<vmem>> -> memref<120x128xf32, #tpu.memory_space<vmem>>
    tpu.enqueue_dma source(%dma_start3A_216 : memref<120x128xf32, #tpu.memory_space<vmem>>) target(%dma_start3A_213 : memref<120x128xf32, #tpu.memory_space<vmem_shared>>) target_semaphore(%arg13 : memref<!tpu.dma_semaphore, #tpu.memory_space<semaphore_mem>>)
    %add3A_217 = arith.constant 384 : i32
    %add3A_218 = arith.addi %mul3A_2, %add3A_217 : i32
    %dma_wait3A_219 = arith.constant 0 : i32
    %dma_wait3A_220 = arith.constant 0 : i32
    %dma_wait3A_221 = tpu.memref_slice %arg9[%dma_wait3A_219, %dma_wait3A_220] : memref<128x128xf32, #tpu.memory_space<vmem>> -> memref<128x128xf32, #tpu.memory_space<vmem>>
    %dma_wait3A_222 = arith.constant 0 : i32
    %dma_wait3A_223 = tpu.memref_slice %arg10[%add3A_218, %dma_wait3A_222] : memref<10112x128xf32, #tpu.memory_space<vmem_shared>> -> memref<128x128xf32, #tpu.memory_space<vmem_shared>>
    %dma_wait3A_224 = arith.constant 0 : i32
    %dma_wait3A_225 = tpu.memref_slice %arg10[%add3A_218, %dma_wait3A_224] : memref<10112x128xf32, #tpu.memory_space<vmem_shared>> -> memref<128x128xf32, #tpu.memory_space<vmem_shared>>
    %dma_wait3A_226 = arith.constant 0 : i32
    %dma_wait3A_227 = arith.constant 0 : i32
    %dma_wait3A_228 = tpu.memref_slice %arg9[%dma_wait3A_226, %dma_wait3A_227] : memref<128x128xf32, #tpu.memory_space<vmem>> -> memref<128x128xf32, #tpu.memory_space<vmem>>
    tpu.wait_dma2 semaphore(%arg14 : memref<!tpu.dma_semaphore, #tpu.memory_space<semaphore_mem>>) src(%dma_wait3A_228 : memref<128x128xf32, #tpu.memory_space<vmem>>) dst(%dma_wait3A_225 : memref<128x128xf32, #tpu.memory_space<vmem_shared>>)
    %add3A_229 = arith.constant 512 : i32
    %add3A_230 = arith.addi %mul3A_2, %add3A_229 : i32
    %dma_wait3A_231 = arith.constant 0 : i32
    %dma_wait3A_232 = arith.constant 0 : i32
    %dma_wait3A_233 = tpu.memref_slice %arg8[%dma_wait3A_231, %dma_wait3A_232] : memref<128x128xf32, #tpu.memory_space<vmem>> -> memref<120x128xf32, #tpu.memory_space<vmem>>
    %dma_wait3A_234 = arith.constant 0 : i32
    %dma_wait3A_235 = tpu.memref_slice %arg10[%add3A_230, %dma_wait3A_234] : memref<10112x128xf32, #tpu.memory_space<vmem_shared>> -> memref<120x128xf32, #tpu.memory_space<vmem_shared>>
    %dma_wait3A_236 = arith.constant 0 : i32
    %dma_wait3A_237 = tpu.memref_slice %arg10[%add3A_230, %dma_wait3A_236] : memref<10112x128xf32, #tpu.memory_space<vmem_shared>> -> memref<120x128xf32, #tpu.memory_space<vmem_shared>>
    %dma_wait3A_238 = arith.constant 0 : i32
    %dma_wait3A_239 = arith.constant 0 : i32
    %dma_wait3A_240 = tpu.memref_slice %arg8[%dma_wait3A_238, %dma_wait3A_239] : memref<128x128xf32, #tpu.memory_space<vmem>> -> memref<120x128xf32, #tpu.memory_space<vmem>>
    tpu.wait_dma2 semaphore(%arg13 : memref<!tpu.dma_semaphore, #tpu.memory_space<semaphore_mem>>) src(%dma_wait3A_240 : memref<120x128xf32, #tpu.memory_space<vmem>>) dst(%dma_wait3A_237 : memref<120x128xf32, #tpu.memory_space<vmem_shared>>)
    %barrier3A = arith.constant 0 : index
    tpu.barrier barrier_id(%barrier3A)
    "tpu.region"() ({
      %run_scoped3A = tpu.sem_alloc : memref<!tpu.dma_semaphore, #tpu.memory_space<semaphore_mem>>
      %dma_start3A_557 = arith.constant 0 : i32
      %dma_start3A_558 = arith.constant 0 : i32
      %dma_start3A_559 = tpu.memref_slice %arg3[%add3A, %dma_start3A_557, %dma_start3A_558] : memref<32x80x128xi32, #tpu.memory_space<hbm>> -> memref<1x40x128xi32, #tpu.memory_space<hbm>>
      %dma_start3A_560 = tpu.memref_squeeze %dma_start3A_559 : memref<1x40x128xi32, #tpu.memory_space<hbm>> -> memref<40x128xi32, #tpu.memory_space<hbm>>
      %dma_start3A_561 = arith.constant 0 : i32
      %dma_start3A_562 = arith.constant 0 : i32
      %dma_start3A_563 = tpu.memref_slice %arg3[%add3A, %dma_start3A_561, %dma_start3A_562] : memref<32x80x128xi32, #tpu.memory_space<hbm>> -> memref<1x40x128xi32, #tpu.memory_space<hbm>>
      %dma_start3A_564 = tpu.memref_squeeze %dma_start3A_563 : memref<1x40x128xi32, #tpu.memory_space<hbm>> -> memref<40x128xi32, #tpu.memory_space<hbm>>
      tpu.enqueue_dma source(%dma_start3A_564 : memref<40x128xi32, #tpu.memory_space<hbm>>) target(%arg6 : memref<40x128xi32, #tpu.memory_space<vmem>>) target_semaphore(%run_scoped3A : memref<!tpu.dma_semaphore, #tpu.memory_space<semaphore_mem>>)
      %dma_wait3A_565 = arith.constant 0 : i32
      %dma_wait3A_566 = arith.constant 0 : i32
      %dma_wait3A_567 = tpu.memref_slice %arg3[%add3A, %dma_wait3A_565, %dma_wait3A_566] : memref<32x80x128xi32, #tpu.memory_space<hbm>> -> memref<1x40x128xi32, #tpu.memory_space<hbm>>
      %dma_wait3A_568 = tpu.memref_squeeze %dma_wait3A_567 : memref<1x40x128xi32, #tpu.memory_space<hbm>> -> memref<40x128xi32, #tpu.memory_space<hbm>>
      %dma_wait3A_569 = arith.constant 0 : i32
      %dma_wait3A_570 = arith.constant 0 : i32
      %dma_wait3A_571 = tpu.memref_slice %arg3[%add3A, %dma_wait3A_569, %dma_wait3A_570] : memref<32x80x128xi32, #tpu.memory_space<hbm>> -> memref<1x40x128xi32, #tpu.memory_space<hbm>>
      %dma_wait3A_572 = tpu.memref_squeeze %dma_wait3A_571 : memref<1x40x128xi32, #tpu.memory_space<hbm>> -> memref<40x128xi32, #tpu.memory_space<hbm>>
      tpu.wait_dma2 semaphore(%run_scoped3A : memref<!tpu.dma_semaphore, #tpu.memory_space<semaphore_mem>>) src(%dma_wait3A_572 : memref<40x128xi32, #tpu.memory_space<hbm>>) dst(%arg6 : memref<40x128xi32, #tpu.memory_space<vmem>>)
      tpu.yield
    }) : () -> ()
    "tpu.region"() ({
      %run_scoped3A = tpu.sem_alloc : memref<!tpu.dma_semaphore, #tpu.memory_space<semaphore_mem>>
      %dma_start3A_557 = arith.constant 0 : i32
      %dma_start3A_558 = arith.constant 0 : i32
      %dma_start3A_559 = tpu.memref_slice %arg4[%add3A, %dma_start3A_557, %dma_start3A_558] : memref<32x80x128xi32, #tpu.memory_space<hbm>> -> memref<1x40x128xi32, #tpu.memory_space<hbm>>
      %dma_start3A_560 = tpu.memref_squeeze %dma_start3A_559 : memref<1x40x128xi32, #tpu.memory_space<hbm>> -> memref<40x128xi32, #tpu.memory_space<hbm>>
      %dma_start3A_561 = arith.constant 0 : i32
      %dma_start3A_562 = arith.constant 0 : i32
      %dma_start3A_563 = tpu.memref_slice %arg4[%add3A, %dma_start3A_561, %dma_start3A_562] : memref<32x80x128xi32, #tpu.memory_space<hbm>> -> memref<1x40x128xi32, #tpu.memory_space<hbm>>
      %dma_start3A_564 = tpu.memref_squeeze %dma_start3A_563 : memref<1x40x128xi32, #tpu.memory_space<hbm>> -> memref<40x128xi32, #tpu.memory_space<hbm>>
      tpu.enqueue_dma source(%dma_start3A_564 : memref<40x128xi32, #tpu.memory_space<hbm>>) target(%arg7 : memref<40x128xi32, #tpu.memory_space<vmem>>) target_semaphore(%run_scoped3A : memref<!tpu.dma_semaphore, #tpu.memory_space<semaphore_mem>>)
      %dma_wait3A_565 = arith.constant 0 : i32
      %dma_wait3A_566 = arith.constant 0 : i32
      %dma_wait3A_567 = tpu.memref_slice %arg4[%add3A, %dma_wait3A_565, %dma_wait3A_566] : memref<32x80x128xi32, #tpu.memory_space<hbm>> -> memref<1x40x128xi32, #tpu.memory_space<hbm>>
      %dma_wait3A_568 = tpu.memref_squeeze %dma_wait3A_567 : memref<1x40x128xi32, #tpu.memory_space<hbm>> -> memref<40x128xi32, #tpu.memory_space<hbm>>
      %dma_wait3A_569 = arith.constant 0 : i32
      %dma_wait3A_570 = arith.constant 0 : i32
      %dma_wait3A_571 = tpu.memref_slice %arg4[%add3A, %dma_wait3A_569, %dma_wait3A_570] : memref<32x80x128xi32, #tpu.memory_space<hbm>> -> memref<1x40x128xi32, #tpu.memory_space<hbm>>
      %dma_wait3A_572 = tpu.memref_squeeze %dma_wait3A_571 : memref<1x40x128xi32, #tpu.memory_space<hbm>> -> memref<40x128xi32, #tpu.memory_space<hbm>>
      tpu.wait_dma2 semaphore(%run_scoped3A : memref<!tpu.dma_semaphore, #tpu.memory_space<semaphore_mem>>) src(%dma_wait3A_572 : memref<40x128xi32, #tpu.memory_space<hbm>>) dst(%arg7 : memref<40x128xi32, #tpu.memory_space<vmem>>)
      tpu.yield
    }) : () -> ()
    %dma_start3A_241 = arith.constant 0 : i32
    %dma_start3A_242 = arith.constant 0 : i32
    %dma_start3A_243 = tpu.memref_slice %arg6[%dma_start3A_241, %dma_start3A_242] : memref<40x128xi32, #tpu.memory_space<vmem>> -> memref<1x128xi32, #tpu.memory_space<vmem>>
    %dma_start3A_244 = tpu.memref_squeeze %dma_start3A_243 : memref<1x128xi32, #tpu.memory_space<vmem>> -> memref<128xi32, #tpu.memory_space<vmem>>
    %dma_start3A_245 = arith.constant 0 : i32
    %dma_start3A_246 = arith.constant 0 : i32
    %dma_start3A_247 = tpu.memref_slice %arg2[%dma_start3A_245, %dma_start3A_246] : memref<10112x128xf32, #tpu.memory_space<hbm>> -> memref<10112x128xf32, #tpu.memory_space<hbm>>
    tpu.enqueue_indirect_dma source(%dma_start3A_247 : memref<10112x128xf32, #tpu.memory_space<hbm>>) target(%arg8 : memref<128x128xf32, #tpu.memory_space<vmem>>) offsets(%dma_start3A_244 : memref<128xi32, #tpu.memory_space<vmem>>) semaphore(%arg11 : memref<!tpu.dma_semaphore, #tpu.memory_space<semaphore_mem>>)
    %scan3A = arith.constant 0 : i32
    %scan3A_248 = arith.constant 0 : i32
    %scan3A_249 = arith.constant 20 : i32
    %scan3A_250 = arith.addi %scan3A_248, %scan3A_249 : i32
    %scan3A_251 = arith.constant 1 : i32
    %scan3A_252 = scf.for %scan3A_557 = %scan3A_248 to %scan3A_250 step %scan3A_251 iter_args(%scan3A_558 = %scan3A) -> (i32)  : i32 {
      %mul3A_559 = arith.constant 2 : i32
      %mul3A_560 = arith.muli %mul3A_559, %scan3A_557 : i32
      %add3A_561 = arith.constant 0 : i32
      %add3A_562 = arith.addi %mul3A_560, %add3A_561 : i32
      %dma_wait3A_563 = arith.constant 0 : i32
      %dma_wait3A_564 = tpu.memref_slice %arg6[%add3A_562, %dma_wait3A_563] : memref<40x128xi32, #tpu.memory_space<vmem>> -> memref<1x128xi32, #tpu.memory_space<vmem>>
      %dma_wait3A_565 = tpu.memref_squeeze %dma_wait3A_564 : memref<1x128xi32, #tpu.memory_space<vmem>> -> memref<128xi32, #tpu.memory_space<vmem>>
      %dma_wait3A_566 = arith.constant 0 : i32
      %dma_wait3A_567 = arith.constant 0 : i32
      %dma_wait3A_568 = tpu.memref_slice %arg2[%dma_wait3A_566, %dma_wait3A_567] : memref<10112x128xf32, #tpu.memory_space<hbm>> -> memref<10112x128xf32, #tpu.memory_space<hbm>>
      tpu.wait_indirect_dma semaphore(%arg11 : memref<!tpu.dma_semaphore, #tpu.memory_space<semaphore_mem>>) src(%dma_wait3A_568 : memref<10112x128xf32, #tpu.memory_space<hbm>>) dst(%arg8 : memref<128x128xf32, #tpu.memory_space<vmem>>)
      %dma_start3A_569 = arith.constant 0 : i32
      %dma_start3A_570 = tpu.memref_slice %arg7[%add3A_562, %dma_start3A_569] : memref<40x128xi32, #tpu.memory_space<vmem>> -> memref<1x128xi32, #tpu.memory_space<vmem>>
      %dma_start3A_571 = tpu.memref_squeeze %dma_start3A_570 : memref<1x128xi32, #tpu.memory_space<vmem>> -> memref<128xi32, #tpu.memory_space<vmem>>
      %dma_start3A_572 = arith.constant 0 : i32
      %dma_start3A_573 = arith.constant 0 : i32
      %dma_start3A_574 = tpu.memref_slice %arg10[%dma_start3A_572, %dma_start3A_573] : memref<10112x128xf32, #tpu.memory_space<vmem_shared>> -> memref<10112x128xf32, #tpu.memory_space<vmem_shared>>
      tpu.enqueue_indirect_dma source(%arg8 : memref<128x128xf32, #tpu.memory_space<vmem>>) target(%dma_start3A_574 : memref<10112x128xf32, #tpu.memory_space<vmem_shared>>) offsets(%dma_start3A_571 : memref<128xi32, #tpu.memory_space<vmem>>) semaphore(%arg13 : memref<!tpu.dma_semaphore, #tpu.memory_space<semaphore_mem>>) {add = true}
      %add3A_575 = arith.constant 1 : i32
      %add3A_576 = arith.addi %add3A_562, %add3A_575 : i32
      %lt3A = arith.constant 40 : i32
      %lt3A_577 = arith.cmpi slt, %add3A_576, %lt3A : i32
      %convert_element_type3A = arith.extui %lt3A_577 : i1 to i32
      %cond3A = arith.constant 0 : i32
      %cond3A_578 = arith.cmpi ne, %convert_element_type3A, %cond3A : i32
      scf.if %cond3A_578 {
        %gt3A = arith.constant 0 : i32
        %gt3A_603 = arith.cmpi sgt, %add3A_562, %gt3A : i32
        %convert_element_type3A_604 = arith.extui %gt3A_603 : i1 to i32
        %cond3A_605 = arith.constant 0 : i32
        %cond3A_606 = arith.cmpi ne, %convert_element_type3A_604, %cond3A_605 : i32
        scf.if %cond3A_606 {
          %dma_wait3A_615 = arith.constant 0 : i32
          %dma_wait3A_616 = tpu.memref_slice %arg7[%add3A_562, %dma_wait3A_615] : memref<40x128xi32, #tpu.memory_space<vmem>> -> memref<1x128xi32, #tpu.memory_space<vmem>>
          %dma_wait3A_617 = tpu.memref_squeeze %dma_wait3A_616 : memref<1x128xi32, #tpu.memory_space<vmem>> -> memref<128xi32, #tpu.memory_space<vmem>>
          %dma_wait3A_618 = arith.constant 0 : i32
          %dma_wait3A_619 = arith.constant 0 : i32
          %dma_wait3A_620 = tpu.memref_slice %arg10[%dma_wait3A_618, %dma_wait3A_619] : memref<10112x128xf32, #tpu.memory_space<vmem_shared>> -> memref<10112x128xf32, #tpu.memory_space<vmem_shared>>
          tpu.wait_indirect_dma semaphore(%arg14 : memref<!tpu.dma_semaphore, #tpu.memory_space<semaphore_mem>>) src(%arg9 : memref<128x128xf32, #tpu.memory_space<vmem>>) dst(%dma_wait3A_620 : memref<10112x128xf32, #tpu.memory_space<vmem_shared>>)
        } else {
        }
        %add3A_607 = arith.constant 1 : i32
        %add3A_608 = arith.addi %add3A_562, %add3A_607 : i32
        %dma_start3A_609 = arith.constant 0 : i32
        %dma_start3A_610 = tpu.memref_slice %arg6[%add3A_608, %dma_start3A_609] : memref<40x128xi32, #tpu.memory_space<vmem>> -> memref<1x128xi32, #tpu.memory_space<vmem>>
        %dma_start3A_611 = tpu.memref_squeeze %dma_start3A_610 : memref<1x128xi32, #tpu.memory_space<vmem>> -> memref<128xi32, #tpu.memory_space<vmem>>
        %dma_start3A_612 = arith.constant 0 : i32
        %dma_start3A_613 = arith.constant 0 : i32
        %dma_start3A_614 = tpu.memref_slice %arg2[%dma_start3A_612, %dma_start3A_613] : memref<10112x128xf32, #tpu.memory_space<hbm>> -> memref<10112x128xf32, #tpu.memory_space<hbm>>
        tpu.enqueue_indirect_dma source(%dma_start3A_614 : memref<10112x128xf32, #tpu.memory_space<hbm>>) target(%arg9 : memref<128x128xf32, #tpu.memory_space<vmem>>) offsets(%dma_start3A_611 : memref<128xi32, #tpu.memory_space<vmem>>) semaphore(%arg12 : memref<!tpu.dma_semaphore, #tpu.memory_space<semaphore_mem>>)
      } else {
      }
      %mul3A_579 = arith.constant 2 : i32
      %mul3A_580 = arith.muli %mul3A_579, %scan3A_557 : i32
      %add3A_581 = arith.constant 1 : i32
      %add3A_582 = arith.addi %mul3A_580, %add3A_581 : i32
      %dma_wait3A_583 = arith.constant 0 : i32
      %dma_wait3A_584 = tpu.memref_slice %arg6[%add3A_582, %dma_wait3A_583] : memref<40x128xi32, #tpu.memory_space<vmem>> -> memref<1x128xi32, #tpu.memory_space<vmem>>
      %dma_wait3A_585 = tpu.memref_squeeze %dma_wait3A_584 : memref<1x128xi32, #tpu.memory_space<vmem>> -> memref<128xi32, #tpu.memory_space<vmem>>
      %dma_wait3A_586 = arith.constant 0 : i32
      %dma_wait3A_587 = arith.constant 0 : i32
      %dma_wait3A_588 = tpu.memref_slice %arg2[%dma_wait3A_586, %dma_wait3A_587] : memref<10112x128xf32, #tpu.memory_space<hbm>> -> memref<10112x128xf32, #tpu.memory_space<hbm>>
      tpu.wait_indirect_dma semaphore(%arg12 : memref<!tpu.dma_semaphore, #tpu.memory_space<semaphore_mem>>) src(%dma_wait3A_588 : memref<10112x128xf32, #tpu.memory_space<hbm>>) dst(%arg9 : memref<128x128xf32, #tpu.memory_space<vmem>>)
      %dma_start3A_589 = arith.constant 0 : i32
      %dma_start3A_590 = tpu.memref_slice %arg7[%add3A_582, %dma_start3A_589] : memref<40x128xi32, #tpu.memory_space<vmem>> -> memref<1x128xi32, #tpu.memory_space<vmem>>
      %dma_start3A_591 = tpu.memref_squeeze %dma_start3A_590 : memref<1x128xi32, #tpu.memory_space<vmem>> -> memref<128xi32, #tpu.memory_space<vmem>>
      %dma_start3A_592 = arith.constant 0 : i32
      %dma_start3A_593 = arith.constant 0 : i32
      %dma_start3A_594 = tpu.memref_slice %arg10[%dma_start3A_592, %dma_start3A_593] : memref<10112x128xf32, #tpu.memory_space<vmem_shared>> -> memref<10112x128xf32, #tpu.memory_space<vmem_shared>>
      tpu.enqueue_indirect_dma source(%arg9 : memref<128x128xf32, #tpu.memory_space<vmem>>) target(%dma_start3A_594 : memref<10112x128xf32, #tpu.memory_space<vmem_shared>>) offsets(%dma_start3A_591 : memref<128xi32, #tpu.memory_space<vmem>>) semaphore(%arg14 : memref<!tpu.dma_semaphore, #tpu.memory_space<semaphore_mem>>) {add = true}
      %add3A_595 = arith.constant 1 : i32
      %add3A_596 = arith.addi %add3A_582, %add3A_595 : i32
      %lt3A_597 = arith.constant 40 : i32
      %lt3A_598 = arith.cmpi slt, %add3A_596, %lt3A_597 : i32
      %convert_element_type3A_599 = arith.extui %lt3A_598 : i1 to i32
      %cond3A_600 = arith.constant 0 : i32
      %cond3A_601 = arith.cmpi ne, %convert_element_type3A_599, %cond3A_600 : i32
      scf.if %cond3A_601 {
        %gt3A = arith.constant 0 : i32
        %gt3A_603 = arith.cmpi sgt, %add3A_582, %gt3A : i32
        %convert_element_type3A_604 = arith.extui %gt3A_603 : i1 to i32
        %cond3A_605 = arith.constant 0 : i32
        %cond3A_606 = arith.cmpi ne, %convert_element_type3A_604, %cond3A_605 : i32
        scf.if %cond3A_606 {
          %dma_wait3A_615 = arith.constant 0 : i32
          %dma_wait3A_616 = tpu.memref_slice %arg7[%add3A_582, %dma_wait3A_615] : memref<40x128xi32, #tpu.memory_space<vmem>> -> memref<1x128xi32, #tpu.memory_space<vmem>>
          %dma_wait3A_617 = tpu.memref_squeeze %dma_wait3A_616 : memref<1x128xi32, #tpu.memory_space<vmem>> -> memref<128xi32, #tpu.memory_space<vmem>>
          %dma_wait3A_618 = arith.constant 0 : i32
          %dma_wait3A_619 = arith.constant 0 : i32
          %dma_wait3A_620 = tpu.memref_slice %arg10[%dma_wait3A_618, %dma_wait3A_619] : memref<10112x128xf32, #tpu.memory_space<vmem_shared>> -> memref<10112x128xf32, #tpu.memory_space<vmem_shared>>
          tpu.wait_indirect_dma semaphore(%arg13 : memref<!tpu.dma_semaphore, #tpu.memory_space<semaphore_mem>>) src(%arg8 : memref<128x128xf32, #tpu.memory_space<vmem>>) dst(%dma_wait3A_620 : memref<10112x128xf32, #tpu.memory_space<vmem_shared>>)
        } else {
        }
        %add3A_607 = arith.constant 1 : i32
        %add3A_608 = arith.addi %add3A_582, %add3A_607 : i32
        %dma_start3A_609 = arith.constant 0 : i32
        %dma_start3A_610 = tpu.memref_slice %arg6[%add3A_608, %dma_start3A_609] : memref<40x128xi32, #tpu.memory_space<vmem>> -> memref<1x128xi32, #tpu.memory_space<vmem>>
        %dma_start3A_611 = tpu.memref_squeeze %dma_start3A_610 : memref<1x128xi32, #tpu.memory_space<vmem>> -> memref<128xi32, #tpu.memory_space<vmem>>
        %dma_start3A_612 = arith.constant 0 : i32
        %dma_start3A_613 = arith.constant 0 : i32
        %dma_start3A_614 = tpu.memref_slice %arg2[%dma_start3A_612, %dma_start3A_613] : memref<10112x128xf32, #tpu.memory_space<hbm>> -> memref<10112x128xf32, #tpu.memory_space<hbm>>
        tpu.enqueue_indirect_dma source(%dma_start3A_614 : memref<10112x128xf32, #tpu.memory_space<hbm>>) target(%arg8 : memref<128x128xf32, #tpu.memory_space<vmem>>) offsets(%dma_start3A_611 : memref<128xi32, #tpu.memory_space<vmem>>) semaphore(%arg11 : memref<!tpu.dma_semaphore, #tpu.memory_space<semaphore_mem>>)
      } else {
      }
      %scan3A_602 = arith.constant 0 : i32
      scf.yield %scan3A_602 : i32
    }
    %scan3A_253 = arith.constant 20 : i32
    %dma_wait3A_254 = arith.constant 38 : i32
    %dma_wait3A_255 = arith.constant 0 : i32
    %dma_wait3A_256 = tpu.memref_slice %arg7[%dma_wait3A_254, %dma_wait3A_255] : memref<40x128xi32, #tpu.memory_space<vmem>> -> memref<1x128xi32, #tpu.memory_space<vmem>>
    %dma_wait3A_257 = tpu.memref_squeeze %dma_wait3A_256 : memref<1x128xi32, #tpu.memory_space<vmem>> -> memref<128xi32, #tpu.memory_space<vmem>>
    %dma_wait3A_258 = arith.constant 0 : i32
    %dma_wait3A_259 = arith.constant 0 : i32
    %dma_wait3A_260 = tpu.memref_slice %arg10[%dma_wait3A_258, %dma_wait3A_259] : memref<10112x128xf32, #tpu.memory_space<vmem_shared>> -> memref<10112x128xf32, #tpu.memory_space<vmem_shared>>
    tpu.wait_indirect_dma semaphore(%arg13 : memref<!tpu.dma_semaphore, #tpu.memory_space<semaphore_mem>>) src(%arg8 : memref<128x128xf32, #tpu.memory_space<vmem>>) dst(%dma_wait3A_260 : memref<10112x128xf32, #tpu.memory_space<vmem_shared>>)
    %dma_wait3A_261 = arith.constant 39 : i32
    %dma_wait3A_262 = arith.constant 0 : i32
    %dma_wait3A_263 = tpu.memref_slice %arg7[%dma_wait3A_261, %dma_wait3A_262] : memref<40x128xi32, #tpu.memory_space<vmem>> -> memref<1x128xi32, #tpu.memory_space<vmem>>
    %dma_wait3A_264 = tpu.memref_squeeze %dma_wait3A_263 : memref<1x128xi32, #tpu.memory_space<vmem>> -> memref<128xi32, #tpu.memory_space<vmem>>
    %dma_wait3A_265 = arith.constant 0 : i32
    %dma_wait3A_266 = arith.constant 0 : i32
    %dma_wait3A_267 = tpu.memref_slice %arg10[%dma_wait3A_265, %dma_wait3A_266] : memref<10112x128xf32, #tpu.memory_space<vmem_shared>> -> memref<10112x128xf32, #tpu.memory_space<vmem_shared>>
    tpu.wait_indirect_dma semaphore(%arg14 : memref<!tpu.dma_semaphore, #tpu.memory_space<semaphore_mem>>) src(%arg9 : memref<128x128xf32, #tpu.memory_space<vmem>>) dst(%dma_wait3A_267 : memref<10112x128xf32, #tpu.memory_space<vmem_shared>>)
    "tpu.region"() ({
      %run_scoped3A = tpu.sem_alloc : memref<!tpu.dma_semaphore, #tpu.memory_space<semaphore_mem>>
      %dma_start3A_557 = arith.constant 40 : i32
      %dma_start3A_558 = arith.constant 0 : i32
      %dma_start3A_559 = tpu.memref_slice %arg3[%add3A, %dma_start3A_557, %dma_start3A_558] : memref<32x80x128xi32, #tpu.memory_space<hbm>> -> memref<1x40x128xi32, #tpu.memory_space<hbm>>
      %dma_start3A_560 = tpu.memref_squeeze %dma_start3A_559 : memref<1x40x128xi32, #tpu.memory_space<hbm>> -> memref<40x128xi32, #tpu.memory_space<hbm>>
      %dma_start3A_561 = arith.constant 40 : i32
      %dma_start3A_562 = arith.constant 0 : i32
      %dma_start3A_563 = tpu.memref_slice %arg3[%add3A, %dma_start3A_561, %dma_start3A_562] : memref<32x80x128xi32, #tpu.memory_space<hbm>> -> memref<1x40x128xi32, #tpu.memory_space<hbm>>
      %dma_start3A_564 = tpu.memref_squeeze %dma_start3A_563 : memref<1x40x128xi32, #tpu.memory_space<hbm>> -> memref<40x128xi32, #tpu.memory_space<hbm>>
      tpu.enqueue_dma source(%dma_start3A_564 : memref<40x128xi32, #tpu.memory_space<hbm>>) target(%arg6 : memref<40x128xi32, #tpu.memory_space<vmem>>) target_semaphore(%run_scoped3A : memref<!tpu.dma_semaphore, #tpu.memory_space<semaphore_mem>>)
      %dma_wait3A_565 = arith.constant 40 : i32
      %dma_wait3A_566 = arith.constant 0 : i32
      %dma_wait3A_567 = tpu.memref_slice %arg3[%add3A, %dma_wait3A_565, %dma_wait3A_566] : memref<32x80x128xi32, #tpu.memory_space<hbm>> -> memref<1x40x128xi32, #tpu.memory_space<hbm>>
      %dma_wait3A_568 = tpu.memref_squeeze %dma_wait3A_567 : memref<1x40x128xi32, #tpu.memory_space<hbm>> -> memref<40x128xi32, #tpu.memory_space<hbm>>
      %dma_wait3A_569 = arith.constant 40 : i32
      %dma_wait3A_570 = arith.constant 0 : i32
      %dma_wait3A_571 = tpu.memref_slice %arg3[%add3A, %dma_wait3A_569, %dma_wait3A_570] : memref<32x80x128xi32, #tpu.memory_space<hbm>> -> memref<1x40x128xi32, #tpu.memory_space<hbm>>
      %dma_wait3A_572 = tpu.memref_squeeze %dma_wait3A_571 : memref<1x40x128xi32, #tpu.memory_space<hbm>> -> memref<40x128xi32, #tpu.memory_space<hbm>>
      tpu.wait_dma2 semaphore(%run_scoped3A : memref<!tpu.dma_semaphore, #tpu.memory_space<semaphore_mem>>) src(%dma_wait3A_572 : memref<40x128xi32, #tpu.memory_space<hbm>>) dst(%arg6 : memref<40x128xi32, #tpu.memory_space<vmem>>)
      tpu.yield
    }) : () -> ()
    "tpu.region"() ({
      %run_scoped3A = tpu.sem_alloc : memref<!tpu.dma_semaphore, #tpu.memory_space<semaphore_mem>>
      %dma_start3A_557 = arith.constant 40 : i32
      %dma_start3A_558 = arith.constant 0 : i32
      %dma_start3A_559 = tpu.memref_slice %arg4[%add3A, %dma_start3A_557, %dma_start3A_558] : memref<32x80x128xi32, #tpu.memory_space<hbm>> -> memref<1x40x128xi32, #tpu.memory_space<hbm>>
      %dma_start3A_560 = tpu.memref_squeeze %dma_start3A_559 : memref<1x40x128xi32, #tpu.memory_space<hbm>> -> memref<40x128xi32, #tpu.memory_space<hbm>>
      %dma_start3A_561 = arith.constant 40 : i32
      %dma_start3A_562 = arith.constant 0 : i32
      %dma_start3A_563 = tpu.memref_slice %arg4[%add3A, %dma_start3A_561, %dma_start3A_562] : memref<32x80x128xi32, #tpu.memory_space<hbm>> -> memref<1x40x128xi32, #tpu.memory_space<hbm>>
      %dma_start3A_564 = tpu.memref_squeeze %dma_start3A_563 : memref<1x40x128xi32, #tpu.memory_space<hbm>> -> memref<40x128xi32, #tpu.memory_space<hbm>>
      tpu.enqueue_dma source(%dma_start3A_564 : memref<40x128xi32, #tpu.memory_space<hbm>>) target(%arg7 : memref<40x128xi32, #tpu.memory_space<vmem>>) target_semaphore(%run_scoped3A : memref<!tpu.dma_semaphore, #tpu.memory_space<semaphore_mem>>)
      %dma_wait3A_565 = arith.constant 40 : i32
      %dma_wait3A_566 = arith.constant 0 : i32
      %dma_wait3A_567 = tpu.memref_slice %arg4[%add3A, %dma_wait3A_565, %dma_wait3A_566] : memref<32x80x128xi32, #tpu.memory_space<hbm>> -> memref<1x40x128xi32, #tpu.memory_space<hbm>>
      %dma_wait3A_568 = tpu.memref_squeeze %dma_wait3A_567 : memref<1x40x128xi32, #tpu.memory_space<hbm>> -> memref<40x128xi32, #tpu.memory_space<hbm>>
      %dma_wait3A_569 = arith.constant 40 : i32
      %dma_wait3A_570 = arith.constant 0 : i32
      %dma_wait3A_571 = tpu.memref_slice %arg4[%add3A, %dma_wait3A_569, %dma_wait3A_570] : memref<32x80x128xi32, #tpu.memory_space<hbm>> -> memref<1x40x128xi32, #tpu.memory_space<hbm>>
      %dma_wait3A_572 = tpu.memref_squeeze %dma_wait3A_571 : memref<1x40x128xi32, #tpu.memory_space<hbm>> -> memref<40x128xi32, #tpu.memory_space<hbm>>
      tpu.wait_dma2 semaphore(%run_scoped3A : memref<!tpu.dma_semaphore, #tpu.memory_space<semaphore_mem>>) src(%dma_wait3A_572 : memref<40x128xi32, #tpu.memory_space<hbm>>) dst(%arg7 : memref<40x128xi32, #tpu.memory_space<vmem>>)
      tpu.yield
    }) : () -> ()
    %dma_start3A_268 = arith.constant 0 : i32
    %dma_start3A_269 = arith.constant 0 : i32
    %dma_start3A_270 = tpu.memref_slice %arg6[%dma_start3A_268, %dma_start3A_269] : memref<40x128xi32, #tpu.memory_space<vmem>> -> memref<1x128xi32, #tpu.memory_space<vmem>>
    %dma_start3A_271 = tpu.memref_squeeze %dma_start3A_270 : memref<1x128xi32, #tpu.memory_space<vmem>> -> memref<128xi32, #tpu.memory_space<vmem>>
    %dma_start3A_272 = arith.constant 0 : i32
    %dma_start3A_273 = arith.constant 0 : i32
    %dma_start3A_274 = tpu.memref_slice %arg2[%dma_start3A_272, %dma_start3A_273] : memref<10112x128xf32, #tpu.memory_space<hbm>> -> memref<10112x128xf32, #tpu.memory_space<hbm>>
    tpu.enqueue_indirect_dma source(%dma_start3A_274 : memref<10112x128xf32, #tpu.memory_space<hbm>>) target(%arg8 : memref<128x128xf32, #tpu.memory_space<vmem>>) offsets(%dma_start3A_271 : memref<128xi32, #tpu.memory_space<vmem>>) semaphore(%arg11 : memref<!tpu.dma_semaphore, #tpu.memory_space<semaphore_mem>>)
    %scan3A_275 = arith.constant 0 : i32
    %scan3A_276 = arith.constant 0 : i32
    %scan3A_277 = arith.constant 20 : i32
    %scan3A_278 = arith.addi %scan3A_276, %scan3A_277 : i32
    %scan3A_279 = arith.constant 1 : i32
    %scan3A_280 = scf.for %scan3A_557 = %scan3A_276 to %scan3A_278 step %scan3A_279 iter_args(%scan3A_558 = %scan3A_275) -> (i32)  : i32 {
      %mul3A_559 = arith.constant 2 : i32
      %mul3A_560 = arith.muli %mul3A_559, %scan3A_557 : i32
      %add3A_561 = arith.constant 0 : i32
      %add3A_562 = arith.addi %mul3A_560, %add3A_561 : i32
      %dma_wait3A_563 = arith.constant 0 : i32
      %dma_wait3A_564 = tpu.memref_slice %arg6[%add3A_562, %dma_wait3A_563] : memref<40x128xi32, #tpu.memory_space<vmem>> -> memref<1x128xi32, #tpu.memory_space<vmem>>
      %dma_wait3A_565 = tpu.memref_squeeze %dma_wait3A_564 : memref<1x128xi32, #tpu.memory_space<vmem>> -> memref<128xi32, #tpu.memory_space<vmem>>
      %dma_wait3A_566 = arith.constant 0 : i32
      %dma_wait3A_567 = arith.constant 0 : i32
      %dma_wait3A_568 = tpu.memref_slice %arg2[%dma_wait3A_566, %dma_wait3A_567] : memref<10112x128xf32, #tpu.memory_space<hbm>> -> memref<10112x128xf32, #tpu.memory_space<hbm>>
      tpu.wait_indirect_dma semaphore(%arg11 : memref<!tpu.dma_semaphore, #tpu.memory_space<semaphore_mem>>) src(%dma_wait3A_568 : memref<10112x128xf32, #tpu.memory_space<hbm>>) dst(%arg8 : memref<128x128xf32, #tpu.memory_space<vmem>>)
      %dma_start3A_569 = arith.constant 0 : i32
      %dma_start3A_570 = tpu.memref_slice %arg7[%add3A_562, %dma_start3A_569] : memref<40x128xi32, #tpu.memory_space<vmem>> -> memref<1x128xi32, #tpu.memory_space<vmem>>
      %dma_start3A_571 = tpu.memref_squeeze %dma_start3A_570 : memref<1x128xi32, #tpu.memory_space<vmem>> -> memref<128xi32, #tpu.memory_space<vmem>>
      %dma_start3A_572 = arith.constant 0 : i32
      %dma_start3A_573 = arith.constant 0 : i32
      %dma_start3A_574 = tpu.memref_slice %arg10[%dma_start3A_572, %dma_start3A_573] : memref<10112x128xf32, #tpu.memory_space<vmem_shared>> -> memref<10112x128xf32, #tpu.memory_space<vmem_shared>>
      tpu.enqueue_indirect_dma source(%arg8 : memref<128x128xf32, #tpu.memory_space<vmem>>) target(%dma_start3A_574 : memref<10112x128xf32, #tpu.memory_space<vmem_shared>>) offsets(%dma_start3A_571 : memref<128xi32, #tpu.memory_space<vmem>>) semaphore(%arg13 : memref<!tpu.dma_semaphore, #tpu.memory_space<semaphore_mem>>) {add = true}
      %add3A_575 = arith.constant 1 : i32
      %add3A_576 = arith.addi %add3A_562, %add3A_575 : i32
      %lt3A = arith.constant 40 : i32
      %lt3A_577 = arith.cmpi slt, %add3A_576, %lt3A : i32
      %convert_element_type3A = arith.extui %lt3A_577 : i1 to i32
      %cond3A = arith.constant 0 : i32
      %cond3A_578 = arith.cmpi ne, %convert_element_type3A, %cond3A : i32
      scf.if %cond3A_578 {
        %gt3A = arith.constant 0 : i32
        %gt3A_603 = arith.cmpi sgt, %add3A_562, %gt3A : i32
        %convert_element_type3A_604 = arith.extui %gt3A_603 : i1 to i32
        %cond3A_605 = arith.constant 0 : i32
        %cond3A_606 = arith.cmpi ne, %convert_element_type3A_604, %cond3A_605 : i32
        scf.if %cond3A_606 {
          %dma_wait3A_615 = arith.constant 0 : i32
          %dma_wait3A_616 = tpu.memref_slice %arg7[%add3A_562, %dma_wait3A_615] : memref<40x128xi32, #tpu.memory_space<vmem>> -> memref<1x128xi32, #tpu.memory_space<vmem>>
          %dma_wait3A_617 = tpu.memref_squeeze %dma_wait3A_616 : memref<1x128xi32, #tpu.memory_space<vmem>> -> memref<128xi32, #tpu.memory_space<vmem>>
          %dma_wait3A_618 = arith.constant 0 : i32
          %dma_wait3A_619 = arith.constant 0 : i32
          %dma_wait3A_620 = tpu.memref_slice %arg10[%dma_wait3A_618, %dma_wait3A_619] : memref<10112x128xf32, #tpu.memory_space<vmem_shared>> -> memref<10112x128xf32, #tpu.memory_space<vmem_shared>>
          tpu.wait_indirect_dma semaphore(%arg14 : memref<!tpu.dma_semaphore, #tpu.memory_space<semaphore_mem>>) src(%arg9 : memref<128x128xf32, #tpu.memory_space<vmem>>) dst(%dma_wait3A_620 : memref<10112x128xf32, #tpu.memory_space<vmem_shared>>)
        } else {
        }
        %add3A_607 = arith.constant 1 : i32
        %add3A_608 = arith.addi %add3A_562, %add3A_607 : i32
        %dma_start3A_609 = arith.constant 0 : i32
        %dma_start3A_610 = tpu.memref_slice %arg6[%add3A_608, %dma_start3A_609] : memref<40x128xi32, #tpu.memory_space<vmem>> -> memref<1x128xi32, #tpu.memory_space<vmem>>
        %dma_start3A_611 = tpu.memref_squeeze %dma_start3A_610 : memref<1x128xi32, #tpu.memory_space<vmem>> -> memref<128xi32, #tpu.memory_space<vmem>>
        %dma_start3A_612 = arith.constant 0 : i32
        %dma_start3A_613 = arith.constant 0 : i32
        %dma_start3A_614 = tpu.memref_slice %arg2[%dma_start3A_612, %dma_start3A_613] : memref<10112x128xf32, #tpu.memory_space<hbm>> -> memref<10112x128xf32, #tpu.memory_space<hbm>>
        tpu.enqueue_indirect_dma source(%dma_start3A_614 : memref<10112x128xf32, #tpu.memory_space<hbm>>) target(%arg9 : memref<128x128xf32, #tpu.memory_space<vmem>>) offsets(%dma_start3A_611 : memref<128xi32, #tpu.memory_space<vmem>>) semaphore(%arg12 : memref<!tpu.dma_semaphore, #tpu.memory_space<semaphore_mem>>)
      } else {
      }
      %mul3A_579 = arith.constant 2 : i32
      %mul3A_580 = arith.muli %mul3A_579, %scan3A_557 : i32
      %add3A_581 = arith.constant 1 : i32
      %add3A_582 = arith.addi %mul3A_580, %add3A_581 : i32
      %dma_wait3A_583 = arith.constant 0 : i32
      %dma_wait3A_584 = tpu.memref_slice %arg6[%add3A_582, %dma_wait3A_583] : memref<40x128xi32, #tpu.memory_space<vmem>> -> memref<1x128xi32, #tpu.memory_space<vmem>>
      %dma_wait3A_585 = tpu.memref_squeeze %dma_wait3A_584 : memref<1x128xi32, #tpu.memory_space<vmem>> -> memref<128xi32, #tpu.memory_space<vmem>>
      %dma_wait3A_586 = arith.constant 0 : i32
      %dma_wait3A_587 = arith.constant 0 : i32
      %dma_wait3A_588 = tpu.memref_slice %arg2[%dma_wait3A_586, %dma_wait3A_587] : memref<10112x128xf32, #tpu.memory_space<hbm>> -> memref<10112x128xf32, #tpu.memory_space<hbm>>
      tpu.wait_indirect_dma semaphore(%arg12 : memref<!tpu.dma_semaphore, #tpu.memory_space<semaphore_mem>>) src(%dma_wait3A_588 : memref<10112x128xf32, #tpu.memory_space<hbm>>) dst(%arg9 : memref<128x128xf32, #tpu.memory_space<vmem>>)
      %dma_start3A_589 = arith.constant 0 : i32
      %dma_start3A_590 = tpu.memref_slice %arg7[%add3A_582, %dma_start3A_589] : memref<40x128xi32, #tpu.memory_space<vmem>> -> memref<1x128xi32, #tpu.memory_space<vmem>>
      %dma_start3A_591 = tpu.memref_squeeze %dma_start3A_590 : memref<1x128xi32, #tpu.memory_space<vmem>> -> memref<128xi32, #tpu.memory_space<vmem>>
      %dma_start3A_592 = arith.constant 0 : i32
      %dma_start3A_593 = arith.constant 0 : i32
      %dma_start3A_594 = tpu.memref_slice %arg10[%dma_start3A_592, %dma_start3A_593] : memref<10112x128xf32, #tpu.memory_space<vmem_shared>> -> memref<10112x128xf32, #tpu.memory_space<vmem_shared>>
      tpu.enqueue_indirect_dma source(%arg9 : memref<128x128xf32, #tpu.memory_space<vmem>>) target(%dma_start3A_594 : memref<10112x128xf32, #tpu.memory_space<vmem_shared>>) offsets(%dma_start3A_591 : memref<128xi32, #tpu.memory_space<vmem>>) semaphore(%arg14 : memref<!tpu.dma_semaphore, #tpu.memory_space<semaphore_mem>>) {add = true}
      %add3A_595 = arith.constant 1 : i32
      %add3A_596 = arith.addi %add3A_582, %add3A_595 : i32
      %lt3A_597 = arith.constant 40 : i32
      %lt3A_598 = arith.cmpi slt, %add3A_596, %lt3A_597 : i32
      %convert_element_type3A_599 = arith.extui %lt3A_598 : i1 to i32
      %cond3A_600 = arith.constant 0 : i32
      %cond3A_601 = arith.cmpi ne, %convert_element_type3A_599, %cond3A_600 : i32
      scf.if %cond3A_601 {
        %gt3A = arith.constant 0 : i32
        %gt3A_603 = arith.cmpi sgt, %add3A_582, %gt3A : i32
        %convert_element_type3A_604 = arith.extui %gt3A_603 : i1 to i32
        %cond3A_605 = arith.constant 0 : i32
        %cond3A_606 = arith.cmpi ne, %convert_element_type3A_604, %cond3A_605 : i32
        scf.if %cond3A_606 {
          %dma_wait3A_615 = arith.constant 0 : i32
          %dma_wait3A_616 = tpu.memref_slice %arg7[%add3A_582, %dma_wait3A_615] : memref<40x128xi32, #tpu.memory_space<vmem>> -> memref<1x128xi32, #tpu.memory_space<vmem>>
          %dma_wait3A_617 = tpu.memref_squeeze %dma_wait3A_616 : memref<1x128xi32, #tpu.memory_space<vmem>> -> memref<128xi32, #tpu.memory_space<vmem>>
          %dma_wait3A_618 = arith.constant 0 : i32
          %dma_wait3A_619 = arith.constant 0 : i32
          %dma_wait3A_620 = tpu.memref_slice %arg10[%dma_wait3A_618, %dma_wait3A_619] : memref<10112x128xf32, #tpu.memory_space<vmem_shared>> -> memref<10112x128xf32, #tpu.memory_space<vmem_shared>>
          tpu.wait_indirect_dma semaphore(%arg13 : memref<!tpu.dma_semaphore, #tpu.memory_space<semaphore_mem>>) src(%arg8 : memref<128x128xf32, #tpu.memory_space<vmem>>) dst(%dma_wait3A_620 : memref<10112x128xf32, #tpu.memory_space<vmem_shared>>)
        } else {
        }
        %add3A_607 = arith.constant 1 : i32
        %add3A_608 = arith.addi %add3A_582, %add3A_607 : i32
        %dma_start3A_609 = arith.constant 0 : i32
        %dma_start3A_610 = tpu.memref_slice %arg6[%add3A_608, %dma_start3A_609] : memref<40x128xi32, #tpu.memory_space<vmem>> -> memref<1x128xi32, #tpu.memory_space<vmem>>
        %dma_start3A_611 = tpu.memref_squeeze %dma_start3A_610 : memref<1x128xi32, #tpu.memory_space<vmem>> -> memref<128xi32, #tpu.memory_space<vmem>>
        %dma_start3A_612 = arith.constant 0 : i32
        %dma_start3A_613 = arith.constant 0 : i32
        %dma_start3A_614 = tpu.memref_slice %arg2[%dma_start3A_612, %dma_start3A_613] : memref<10112x128xf32, #tpu.memory_space<hbm>> -> memref<10112x128xf32, #tpu.memory_space<hbm>>
        tpu.enqueue_indirect_dma source(%dma_start3A_614 : memref<10112x128xf32, #tpu.memory_space<hbm>>) target(%arg8 : memref<128x128xf32, #tpu.memory_space<vmem>>) offsets(%dma_start3A_611 : memref<128xi32, #tpu.memory_space<vmem>>) semaphore(%arg11 : memref<!tpu.dma_semaphore, #tpu.memory_space<semaphore_mem>>)
      } else {
      }
      %scan3A_602 = arith.constant 0 : i32
      scf.yield %scan3A_602 : i32
    }
    %scan3A_281 = arith.constant 20 : i32
    %dma_wait3A_282 = arith.constant 38 : i32
    %dma_wait3A_283 = arith.constant 0 : i32
    %dma_wait3A_284 = tpu.memref_slice %arg7[%dma_wait3A_282, %dma_wait3A_283] : memref<40x128xi32, #tpu.memory_space<vmem>> -> memref<1x128xi32, #tpu.memory_space<vmem>>
    %dma_wait3A_285 = tpu.memref_squeeze %dma_wait3A_284 : memref<1x128xi32, #tpu.memory_space<vmem>> -> memref<128xi32, #tpu.memory_space<vmem>>
    %dma_wait3A_286 = arith.constant 0 : i32
    %dma_wait3A_287 = arith.constant 0 : i32
    %dma_wait3A_288 = tpu.memref_slice %arg10[%dma_wait3A_286, %dma_wait3A_287] : memref<10112x128xf32, #tpu.memory_space<vmem_shared>> -> memref<10112x128xf32, #tpu.memory_space<vmem_shared>>
    tpu.wait_indirect_dma semaphore(%arg13 : memref<!tpu.dma_semaphore, #tpu.memory_space<semaphore_mem>>) src(%arg8 : memref<128x128xf32, #tpu.memory_space<vmem>>) dst(%dma_wait3A_288 : memref<10112x128xf32, #tpu.memory_space<vmem_shared>>)
    %dma_wait3A_289 = arith.constant 39 : i32
    %dma_wait3A_290 = arith.constant 0 : i32
    %dma_wait3A_291 = tpu.memref_slice %arg7[%dma_wait3A_289, %dma_wait3A_290] : memref<40x128xi32, #tpu.memory_space<vmem>> -> memref<1x128xi32, #tpu.memory_space<vmem>>
    %dma_wait3A_292 = tpu.memref_squeeze %dma_wait3A_291 : memref<1x128xi32, #tpu.memory_space<vmem>> -> memref<128xi32, #tpu.memory_space<vmem>>
    %dma_wait3A_293 = arith.constant 0 : i32
    %dma_wait3A_294 = arith.constant 0 : i32
    %dma_wait3A_295 = tpu.memref_slice %arg10[%dma_wait3A_293, %dma_wait3A_294] : memref<10112x128xf32, #tpu.memory_space<vmem_shared>> -> memref<10112x128xf32, #tpu.memory_space<vmem_shared>>
    tpu.wait_indirect_dma semaphore(%arg14 : memref<!tpu.dma_semaphore, #tpu.memory_space<semaphore_mem>>) src(%arg9 : memref<128x128xf32, #tpu.memory_space<vmem>>) dst(%dma_wait3A_295 : memref<10112x128xf32, #tpu.memory_space<vmem_shared>>)
    %barrier3A_296 = arith.constant 0 : index
    tpu.barrier barrier_id(%barrier3A_296)
    %add3A_297 = arith.constant 0 : i32
    %add3A_298 = arith.addi %mul3A_2, %add3A_297 : i32
    %dma_start3A_299 = arith.constant 0 : i32
    %dma_start3A_300 = arith.constant 0 : i32
    %dma_start3A_301 = tpu.memref_slice %arg8[%dma_start3A_299, %dma_start3A_300] : memref<128x128xf32, #tpu.memory_space<vmem>> -> memref<128x128xf32, #tpu.memory_space<vmem>>
    %dma_start3A_302 = arith.constant 0 : i32
    %dma_start3A_303 = tpu.memref_slice %arg10[%add3A_298, %dma_start3A_302] : memref<10112x128xf32, #tpu.memory_space<vmem_shared>> -> memref<128x128xf32, #tpu.memory_space<vmem_shared>>
    %dma_start3A_304 = arith.constant 0 : i32
    %dma_start3A_305 = arith.constant 0 : i32
    %dma_start3A_306 = tpu.memref_slice %arg8[%dma_start3A_304, %dma_start3A_305] : memref<128x128xf32, #tpu.memory_space<vmem>> -> memref<128x128xf32, #tpu.memory_space<vmem>>
    %dma_start3A_307 = arith.constant 0 : i32
    %dma_start3A_308 = tpu.memref_slice %arg10[%add3A_298, %dma_start3A_307] : memref<10112x128xf32, #tpu.memory_space<vmem_shared>> -> memref<128x128xf32, #tpu.memory_space<vmem_shared>>
    tpu.enqueue_dma source(%dma_start3A_308 : memref<128x128xf32, #tpu.memory_space<vmem_shared>>) target(%dma_start3A_306 : memref<128x128xf32, #tpu.memory_space<vmem>>) target_semaphore(%arg11 : memref<!tpu.dma_semaphore, #tpu.memory_space<semaphore_mem>>)
    %add3A_309 = arith.constant 0 : i32
    %add3A_310 = arith.addi %mul3A_2, %add3A_309 : i32
    %dma_wait3A_311 = arith.constant 0 : i32
    %dma_wait3A_312 = arith.constant 0 : i32
    %dma_wait3A_313 = tpu.memref_slice %arg8[%dma_wait3A_311, %dma_wait3A_312] : memref<128x128xf32, #tpu.memory_space<vmem>> -> memref<128x128xf32, #tpu.memory_space<vmem>>
    %dma_wait3A_314 = arith.constant 0 : i32
    %dma_wait3A_315 = tpu.memref_slice %arg10[%add3A_310, %dma_wait3A_314] : memref<10112x128xf32, #tpu.memory_space<vmem_shared>> -> memref<128x128xf32, #tpu.memory_space<vmem_shared>>
    %dma_wait3A_316 = arith.constant 0 : i32
    %dma_wait3A_317 = arith.constant 0 : i32
    %dma_wait3A_318 = tpu.memref_slice %arg8[%dma_wait3A_316, %dma_wait3A_317] : memref<128x128xf32, #tpu.memory_space<vmem>> -> memref<128x128xf32, #tpu.memory_space<vmem>>
    %dma_wait3A_319 = arith.constant 0 : i32
    %dma_wait3A_320 = tpu.memref_slice %arg10[%add3A_310, %dma_wait3A_319] : memref<10112x128xf32, #tpu.memory_space<vmem_shared>> -> memref<128x128xf32, #tpu.memory_space<vmem_shared>>
    tpu.wait_dma2 semaphore(%arg11 : memref<!tpu.dma_semaphore, #tpu.memory_space<semaphore_mem>>) src(%dma_wait3A_320 : memref<128x128xf32, #tpu.memory_space<vmem_shared>>) dst(%dma_wait3A_318 : memref<128x128xf32, #tpu.memory_space<vmem>>)
    %add3A_321 = arith.constant 128 : i32
    %add3A_322 = arith.addi %mul3A_2, %add3A_321 : i32
    %dma_start3A_323 = arith.constant 0 : i32
    %dma_start3A_324 = arith.constant 0 : i32
    %dma_start3A_325 = tpu.memref_slice %arg9[%dma_start3A_323, %dma_start3A_324] : memref<128x128xf32, #tpu.memory_space<vmem>> -> memref<128x128xf32, #tpu.memory_space<vmem>>
    %dma_start3A_326 = arith.constant 0 : i32
    %dma_start3A_327 = tpu.memref_slice %arg10[%add3A_322, %dma_start3A_326] : memref<10112x128xf32, #tpu.memory_space<vmem_shared>> -> memref<128x128xf32, #tpu.memory_space<vmem_shared>>
    %dma_start3A_328 = arith.constant 0 : i32
    %dma_start3A_329 = arith.constant 0 : i32
    %dma_start3A_330 = tpu.memref_slice %arg9[%dma_start3A_328, %dma_start3A_329] : memref<128x128xf32, #tpu.memory_space<vmem>> -> memref<128x128xf32, #tpu.memory_space<vmem>>
    %dma_start3A_331 = arith.constant 0 : i32
    %dma_start3A_332 = tpu.memref_slice %arg10[%add3A_322, %dma_start3A_331] : memref<10112x128xf32, #tpu.memory_space<vmem_shared>> -> memref<128x128xf32, #tpu.memory_space<vmem_shared>>
    tpu.enqueue_dma source(%dma_start3A_332 : memref<128x128xf32, #tpu.memory_space<vmem_shared>>) target(%dma_start3A_330 : memref<128x128xf32, #tpu.memory_space<vmem>>) target_semaphore(%arg12 : memref<!tpu.dma_semaphore, #tpu.memory_space<semaphore_mem>>)
    %add3A_333 = arith.constant 0 : i32
    %add3A_334 = arith.addi %mul3A_2, %add3A_333 : i32
    %dma_start3A_335 = arith.constant 0 : i32
    %dma_start3A_336 = arith.constant 0 : i32
    %dma_start3A_337 = tpu.memref_slice %arg8[%dma_start3A_335, %dma_start3A_336] : memref<128x128xf32, #tpu.memory_space<vmem>> -> memref<128x128xf32, #tpu.memory_space<vmem>>
    %dma_start3A_338 = arith.constant 0 : i32
    %dma_start3A_339 = tpu.memref_slice %arg5[%arg0, %add3A_334, %dma_start3A_338] : memref<2x10112x128xf32, #tpu.memory_space<hbm>> -> memref<1x128x128xf32, #tpu.memory_space<hbm>>
    %dma_start3A_340 = tpu.memref_squeeze %dma_start3A_339 : memref<1x128x128xf32, #tpu.memory_space<hbm>> -> memref<128x128xf32, #tpu.memory_space<hbm>>
    %dma_start3A_341 = arith.constant 0 : i32
    %dma_start3A_342 = tpu.memref_slice %arg5[%arg0, %add3A_334, %dma_start3A_341] : memref<2x10112x128xf32, #tpu.memory_space<hbm>> -> memref<1x128x128xf32, #tpu.memory_space<hbm>>
    %dma_start3A_343 = tpu.memref_squeeze %dma_start3A_342 : memref<1x128x128xf32, #tpu.memory_space<hbm>> -> memref<128x128xf32, #tpu.memory_space<hbm>>
    %dma_start3A_344 = arith.constant 0 : i32
    %dma_start3A_345 = arith.constant 0 : i32
    %dma_start3A_346 = tpu.memref_slice %arg8[%dma_start3A_344, %dma_start3A_345] : memref<128x128xf32, #tpu.memory_space<vmem>> -> memref<128x128xf32, #tpu.memory_space<vmem>>
    tpu.enqueue_dma source(%dma_start3A_346 : memref<128x128xf32, #tpu.memory_space<vmem>>) target(%dma_start3A_343 : memref<128x128xf32, #tpu.memory_space<hbm>>) target_semaphore(%arg13 : memref<!tpu.dma_semaphore, #tpu.memory_space<semaphore_mem>>)
    %add3A_347 = arith.constant 128 : i32
    %add3A_348 = arith.addi %mul3A_2, %add3A_347 : i32
    %dma_wait3A_349 = arith.constant 0 : i32
    %dma_wait3A_350 = arith.constant 0 : i32
    %dma_wait3A_351 = tpu.memref_slice %arg9[%dma_wait3A_349, %dma_wait3A_350] : memref<128x128xf32, #tpu.memory_space<vmem>> -> memref<128x128xf32, #tpu.memory_space<vmem>>
    %dma_wait3A_352 = arith.constant 0 : i32
    %dma_wait3A_353 = tpu.memref_slice %arg10[%add3A_348, %dma_wait3A_352] : memref<10112x128xf32, #tpu.memory_space<vmem_shared>> -> memref<128x128xf32, #tpu.memory_space<vmem_shared>>
    %dma_wait3A_354 = arith.constant 0 : i32
    %dma_wait3A_355 = arith.constant 0 : i32
    %dma_wait3A_356 = tpu.memref_slice %arg9[%dma_wait3A_354, %dma_wait3A_355] : memref<128x128xf32, #tpu.memory_space<vmem>> -> memref<128x128xf32, #tpu.memory_space<vmem>>
    %dma_wait3A_357 = arith.constant 0 : i32
    %dma_wait3A_358 = tpu.memref_slice %arg10[%add3A_348, %dma_wait3A_357] : memref<10112x128xf32, #tpu.memory_space<vmem_shared>> -> memref<128x128xf32, #tpu.memory_space<vmem_shared>>
    tpu.wait_dma2 semaphore(%arg12 : memref<!tpu.dma_semaphore, #tpu.memory_space<semaphore_mem>>) src(%dma_wait3A_358 : memref<128x128xf32, #tpu.memory_space<vmem_shared>>) dst(%dma_wait3A_356 : memref<128x128xf32, #tpu.memory_space<vmem>>)
    %add3A_359 = arith.constant 0 : i32
    %add3A_360 = arith.addi %mul3A_2, %add3A_359 : i32
    %dma_wait3A_361 = arith.constant 0 : i32
    %dma_wait3A_362 = arith.constant 0 : i32
    %dma_wait3A_363 = tpu.memref_slice %arg8[%dma_wait3A_361, %dma_wait3A_362] : memref<128x128xf32, #tpu.memory_space<vmem>> -> memref<128x128xf32, #tpu.memory_space<vmem>>
    %dma_wait3A_364 = arith.constant 0 : i32
    %dma_wait3A_365 = tpu.memref_slice %arg5[%arg0, %add3A_360, %dma_wait3A_364] : memref<2x10112x128xf32, #tpu.memory_space<hbm>> -> memref<1x128x128xf32, #tpu.memory_space<hbm>>
    %dma_wait3A_366 = tpu.memref_squeeze %dma_wait3A_365 : memref<1x128x128xf32, #tpu.memory_space<hbm>> -> memref<128x128xf32, #tpu.memory_space<hbm>>
    %dma_wait3A_367 = arith.constant 0 : i32
    %dma_wait3A_368 = tpu.memref_slice %arg5[%arg0, %add3A_360, %dma_wait3A_367] : memref<2x10112x128xf32, #tpu.memory_space<hbm>> -> memref<1x128x128xf32, #tpu.memory_space<hbm>>
    %dma_wait3A_369 = tpu.memref_squeeze %dma_wait3A_368 : memref<1x128x128xf32, #tpu.memory_space<hbm>> -> memref<128x128xf32, #tpu.memory_space<hbm>>
    %dma_wait3A_370 = arith.constant 0 : i32
    %dma_wait3A_371 = arith.constant 0 : i32
    %dma_wait3A_372 = tpu.memref_slice %arg8[%dma_wait3A_370, %dma_wait3A_371] : memref<128x128xf32, #tpu.memory_space<vmem>> -> memref<128x128xf32, #tpu.memory_space<vmem>>
    tpu.wait_dma2 semaphore(%arg13 : memref<!tpu.dma_semaphore, #tpu.memory_space<semaphore_mem>>) src(%dma_wait3A_372 : memref<128x128xf32, #tpu.memory_space<vmem>>) dst(%dma_wait3A_369 : memref<128x128xf32, #tpu.memory_space<hbm>>)
    %add3A_373 = arith.constant 256 : i32
    %add3A_374 = arith.addi %mul3A_2, %add3A_373 : i32
    %dma_start3A_375 = arith.constant 0 : i32
    %dma_start3A_376 = arith.constant 0 : i32
    %dma_start3A_377 = tpu.memref_slice %arg8[%dma_start3A_375, %dma_start3A_376] : memref<128x128xf32, #tpu.memory_space<vmem>> -> memref<128x128xf32, #tpu.memory_space<vmem>>
    %dma_start3A_378 = arith.constant 0 : i32
    %dma_start3A_379 = tpu.memref_slice %arg10[%add3A_374, %dma_start3A_378] : memref<10112x128xf32, #tpu.memory_space<vmem_shared>> -> memref<128x128xf32, #tpu.memory_space<vmem_shared>>
    %dma_start3A_380 = arith.constant 0 : i32
    %dma_start3A_381 = arith.constant 0 : i32
    %dma_start3A_382 = tpu.memref_slice %arg8[%dma_start3A_380, %dma_start3A_381] : memref<128x128xf32, #tpu.memory_space<vmem>> -> memref<128x128xf32, #tpu.memory_space<vmem>>
    %dma_start3A_383 = arith.constant 0 : i32
    %dma_start3A_384 = tpu.memref_slice %arg10[%add3A_374, %dma_start3A_383] : memref<10112x128xf32, #tpu.memory_space<vmem_shared>> -> memref<128x128xf32, #tpu.memory_space<vmem_shared>>
    tpu.enqueue_dma source(%dma_start3A_384 : memref<128x128xf32, #tpu.memory_space<vmem_shared>>) target(%dma_start3A_382 : memref<128x128xf32, #tpu.memory_space<vmem>>) target_semaphore(%arg11 : memref<!tpu.dma_semaphore, #tpu.memory_space<semaphore_mem>>)
    %add3A_385 = arith.constant 128 : i32
    %add3A_386 = arith.addi %mul3A_2, %add3A_385 : i32
    %dma_start3A_387 = arith.constant 0 : i32
    %dma_start3A_388 = arith.constant 0 : i32
    %dma_start3A_389 = tpu.memref_slice %arg9[%dma_start3A_387, %dma_start3A_388] : memref<128x128xf32, #tpu.memory_space<vmem>> -> memref<128x128xf32, #tpu.memory_space<vmem>>
    %dma_start3A_390 = arith.constant 0 : i32
    %dma_start3A_391 = tpu.memref_slice %arg5[%arg0, %add3A_386, %dma_start3A_390] : memref<2x10112x128xf32, #tpu.memory_space<hbm>> -> memref<1x128x128xf32, #tpu.memory_space<hbm>>
    %dma_start3A_392 = tpu.memref_squeeze %dma_start3A_391 : memref<1x128x128xf32, #tpu.memory_space<hbm>> -> memref<128x128xf32, #tpu.memory_space<hbm>>
    %dma_start3A_393 = arith.constant 0 : i32
    %dma_start3A_394 = tpu.memref_slice %arg5[%arg0, %add3A_386, %dma_start3A_393] : memref<2x10112x128xf32, #tpu.memory_space<hbm>> -> memref<1x128x128xf32, #tpu.memory_space<hbm>>
    %dma_start3A_395 = tpu.memref_squeeze %dma_start3A_394 : memref<1x128x128xf32, #tpu.memory_space<hbm>> -> memref<128x128xf32, #tpu.memory_space<hbm>>
    %dma_start3A_396 = arith.constant 0 : i32
    %dma_start3A_397 = arith.constant 0 : i32
    %dma_start3A_398 = tpu.memref_slice %arg9[%dma_start3A_396, %dma_start3A_397] : memref<128x128xf32, #tpu.memory_space<vmem>> -> memref<128x128xf32, #tpu.memory_space<vmem>>
    tpu.enqueue_dma source(%dma_start3A_398 : memref<128x128xf32, #tpu.memory_space<vmem>>) target(%dma_start3A_395 : memref<128x128xf32, #tpu.memory_space<hbm>>) target_semaphore(%arg14 : memref<!tpu.dma_semaphore, #tpu.memory_space<semaphore_mem>>)
    %add3A_399 = arith.constant 256 : i32
    %add3A_400 = arith.addi %mul3A_2, %add3A_399 : i32
    %dma_wait3A_401 = arith.constant 0 : i32
    %dma_wait3A_402 = arith.constant 0 : i32
    %dma_wait3A_403 = tpu.memref_slice %arg8[%dma_wait3A_401, %dma_wait3A_402] : memref<128x128xf32, #tpu.memory_space<vmem>> -> memref<128x128xf32, #tpu.memory_space<vmem>>
    %dma_wait3A_404 = arith.constant 0 : i32
    %dma_wait3A_405 = tpu.memref_slice %arg10[%add3A_400, %dma_wait3A_404] : memref<10112x128xf32, #tpu.memory_space<vmem_shared>> -> memref<128x128xf32, #tpu.memory_space<vmem_shared>>
    %dma_wait3A_406 = arith.constant 0 : i32
    %dma_wait3A_407 = arith.constant 0 : i32
    %dma_wait3A_408 = tpu.memref_slice %arg8[%dma_wait3A_406, %dma_wait3A_407] : memref<128x128xf32, #tpu.memory_space<vmem>> -> memref<128x128xf32, #tpu.memory_space<vmem>>
    %dma_wait3A_409 = arith.constant 0 : i32
    %dma_wait3A_410 = tpu.memref_slice %arg10[%add3A_400, %dma_wait3A_409] : memref<10112x128xf32, #tpu.memory_space<vmem_shared>> -> memref<128x128xf32, #tpu.memory_space<vmem_shared>>
    tpu.wait_dma2 semaphore(%arg11 : memref<!tpu.dma_semaphore, #tpu.memory_space<semaphore_mem>>) src(%dma_wait3A_410 : memref<128x128xf32, #tpu.memory_space<vmem_shared>>) dst(%dma_wait3A_408 : memref<128x128xf32, #tpu.memory_space<vmem>>)
    %add3A_411 = arith.constant 128 : i32
    %add3A_412 = arith.addi %mul3A_2, %add3A_411 : i32
    %dma_wait3A_413 = arith.constant 0 : i32
    %dma_wait3A_414 = arith.constant 0 : i32
    %dma_wait3A_415 = tpu.memref_slice %arg9[%dma_wait3A_413, %dma_wait3A_414] : memref<128x128xf32, #tpu.memory_space<vmem>> -> memref<128x128xf32, #tpu.memory_space<vmem>>
    %dma_wait3A_416 = arith.constant 0 : i32
    %dma_wait3A_417 = tpu.memref_slice %arg5[%arg0, %add3A_412, %dma_wait3A_416] : memref<2x10112x128xf32, #tpu.memory_space<hbm>> -> memref<1x128x128xf32, #tpu.memory_space<hbm>>
    %dma_wait3A_418 = tpu.memref_squeeze %dma_wait3A_417 : memref<1x128x128xf32, #tpu.memory_space<hbm>> -> memref<128x128xf32, #tpu.memory_space<hbm>>
    %dma_wait3A_419 = arith.constant 0 : i32
    %dma_wait3A_420 = tpu.memref_slice %arg5[%arg0, %add3A_412, %dma_wait3A_419] : memref<2x10112x128xf32, #tpu.memory_space<hbm>> -> memref<1x128x128xf32, #tpu.memory_space<hbm>>
    %dma_wait3A_421 = tpu.memref_squeeze %dma_wait3A_420 : memref<1x128x128xf32, #tpu.memory_space<hbm>> -> memref<128x128xf32, #tpu.memory_space<hbm>>
    %dma_wait3A_422 = arith.constant 0 : i32
    %dma_wait3A_423 = arith.constant 0 : i32
    %dma_wait3A_424 = tpu.memref_slice %arg9[%dma_wait3A_422, %dma_wait3A_423] : memref<128x128xf32, #tpu.memory_space<vmem>> -> memref<128x128xf32, #tpu.memory_space<vmem>>
    tpu.wait_dma2 semaphore(%arg14 : memref<!tpu.dma_semaphore, #tpu.memory_space<semaphore_mem>>) src(%dma_wait3A_424 : memref<128x128xf32, #tpu.memory_space<vmem>>) dst(%dma_wait3A_421 : memref<128x128xf32, #tpu.memory_space<hbm>>)
    %add3A_425 = arith.constant 384 : i32
    %add3A_426 = arith.addi %mul3A_2, %add3A_425 : i32
    %dma_start3A_427 = arith.constant 0 : i32
    %dma_start3A_428 = arith.constant 0 : i32
    %dma_start3A_429 = tpu.memref_slice %arg9[%dma_start3A_427, %dma_start3A_428] : memref<128x128xf32, #tpu.memory_space<vmem>> -> memref<128x128xf32, #tpu.memory_space<vmem>>
    %dma_start3A_430 = arith.constant 0 : i32
    %dma_start3A_431 = tpu.memref_slice %arg10[%add3A_426, %dma_start3A_430] : memref<10112x128xf32, #tpu.memory_space<vmem_shared>> -> memref<128x128xf32, #tpu.memory_space<vmem_shared>>
    %dma_start3A_432 = arith.constant 0 : i32
    %dma_start3A_433 = arith.constant 0 : i32
    %dma_start3A_434 = tpu.memref_slice %arg9[%dma_start3A_432, %dma_start3A_433] : memref<128x128xf32, #tpu.memory_space<vmem>> -> memref<128x128xf32, #tpu.memory_space<vmem>>
    %dma_start3A_435 = arith.constant 0 : i32
    %dma_start3A_436 = tpu.memref_slice %arg10[%add3A_426, %dma_start3A_435] : memref<10112x128xf32, #tpu.memory_space<vmem_shared>> -> memref<128x128xf32, #tpu.memory_space<vmem_shared>>
    tpu.enqueue_dma source(%dma_start3A_436 : memref<128x128xf32, #tpu.memory_space<vmem_shared>>) target(%dma_start3A_434 : memref<128x128xf32, #tpu.memory_space<vmem>>) target_semaphore(%arg12 : memref<!tpu.dma_semaphore, #tpu.memory_space<semaphore_mem>>)
    %add3A_437 = arith.constant 256 : i32
    %add3A_438 = arith.addi %mul3A_2, %add3A_437 : i32
    %dma_start3A_439 = arith.constant 0 : i32
    %dma_start3A_440 = arith.constant 0 : i32
    %dma_start3A_441 = tpu.memref_slice %arg8[%dma_start3A_439, %dma_start3A_440] : memref<128x128xf32, #tpu.memory_space<vmem>> -> memref<128x128xf32, #tpu.memory_space<vmem>>
    %dma_start3A_442 = arith.constant 0 : i32
    %dma_start3A_443 = tpu.memref_slice %arg5[%arg0, %add3A_438, %dma_start3A_442] : memref<2x10112x128xf32, #tpu.memory_space<hbm>> -> memref<1x128x128xf32, #tpu.memory_space<hbm>>
    %dma_start3A_444 = tpu.memref_squeeze %dma_start3A_443 : memref<1x128x128xf32, #tpu.memory_space<hbm>> -> memref<128x128xf32, #tpu.memory_space<hbm>>
    %dma_start3A_445 = arith.constant 0 : i32
    %dma_start3A_446 = tpu.memref_slice %arg5[%arg0, %add3A_438, %dma_start3A_445] : memref<2x10112x128xf32, #tpu.memory_space<hbm>> -> memref<1x128x128xf32, #tpu.memory_space<hbm>>
    %dma_start3A_447 = tpu.memref_squeeze %dma_start3A_446 : memref<1x128x128xf32, #tpu.memory_space<hbm>> -> memref<128x128xf32, #tpu.memory_space<hbm>>
    %dma_start3A_448 = arith.constant 0 : i32
    %dma_start3A_449 = arith.constant 0 : i32
    %dma_start3A_450 = tpu.memref_slice %arg8[%dma_start3A_448, %dma_start3A_449] : memref<128x128xf32, #tpu.memory_space<vmem>> -> memref<128x128xf32, #tpu.memory_space<vmem>>
    tpu.enqueue_dma source(%dma_start3A_450 : memref<128x128xf32, #tpu.memory_space<vmem>>) target(%dma_start3A_447 : memref<128x128xf32, #tpu.memory_space<hbm>>) target_semaphore(%arg13 : memref<!tpu.dma_semaphore, #tpu.memory_space<semaphore_mem>>)
    %add3A_451 = arith.constant 384 : i32
    %add3A_452 = arith.addi %mul3A_2, %add3A_451 : i32
    %dma_wait3A_453 = arith.constant 0 : i32
    %dma_wait3A_454 = arith.constant 0 : i32
    %dma_wait3A_455 = tpu.memref_slice %arg9[%dma_wait3A_453, %dma_wait3A_454] : memref<128x128xf32, #tpu.memory_space<vmem>> -> memref<128x128xf32, #tpu.memory_space<vmem>>
    %dma_wait3A_456 = arith.constant 0 : i32
    %dma_wait3A_457 = tpu.memref_slice %arg10[%add3A_452, %dma_wait3A_456] : memref<10112x128xf32, #tpu.memory_space<vmem_shared>> -> memref<128x128xf32, #tpu.memory_space<vmem_shared>>
    %dma_wait3A_458 = arith.constant 0 : i32
    %dma_wait3A_459 = arith.constant 0 : i32
    %dma_wait3A_460 = tpu.memref_slice %arg9[%dma_wait3A_458, %dma_wait3A_459] : memref<128x128xf32, #tpu.memory_space<vmem>> -> memref<128x128xf32, #tpu.memory_space<vmem>>
    %dma_wait3A_461 = arith.constant 0 : i32
    %dma_wait3A_462 = tpu.memref_slice %arg10[%add3A_452, %dma_wait3A_461] : memref<10112x128xf32, #tpu.memory_space<vmem_shared>> -> memref<128x128xf32, #tpu.memory_space<vmem_shared>>
    tpu.wait_dma2 semaphore(%arg12 : memref<!tpu.dma_semaphore, #tpu.memory_space<semaphore_mem>>) src(%dma_wait3A_462 : memref<128x128xf32, #tpu.memory_space<vmem_shared>>) dst(%dma_wait3A_460 : memref<128x128xf32, #tpu.memory_space<vmem>>)
    %add3A_463 = arith.constant 256 : i32
    %add3A_464 = arith.addi %mul3A_2, %add3A_463 : i32
    %dma_wait3A_465 = arith.constant 0 : i32
    %dma_wait3A_466 = arith.constant 0 : i32
    %dma_wait3A_467 = tpu.memref_slice %arg8[%dma_wait3A_465, %dma_wait3A_466] : memref<128x128xf32, #tpu.memory_space<vmem>> -> memref<128x128xf32, #tpu.memory_space<vmem>>
    %dma_wait3A_468 = arith.constant 0 : i32
    %dma_wait3A_469 = tpu.memref_slice %arg5[%arg0, %add3A_464, %dma_wait3A_468] : memref<2x10112x128xf32, #tpu.memory_space<hbm>> -> memref<1x128x128xf32, #tpu.memory_space<hbm>>
    %dma_wait3A_470 = tpu.memref_squeeze %dma_wait3A_469 : memref<1x128x128xf32, #tpu.memory_space<hbm>> -> memref<128x128xf32, #tpu.memory_space<hbm>>
    %dma_wait3A_471 = arith.constant 0 : i32
    %dma_wait3A_472 = tpu.memref_slice %arg5[%arg0, %add3A_464, %dma_wait3A_471] : memref<2x10112x128xf32, #tpu.memory_space<hbm>> -> memref<1x128x128xf32, #tpu.memory_space<hbm>>
    %dma_wait3A_473 = tpu.memref_squeeze %dma_wait3A_472 : memref<1x128x128xf32, #tpu.memory_space<hbm>> -> memref<128x128xf32, #tpu.memory_space<hbm>>
    %dma_wait3A_474 = arith.constant 0 : i32
    %dma_wait3A_475 = arith.constant 0 : i32
    %dma_wait3A_476 = tpu.memref_slice %arg8[%dma_wait3A_474, %dma_wait3A_475] : memref<128x128xf32, #tpu.memory_space<vmem>> -> memref<128x128xf32, #tpu.memory_space<vmem>>
    tpu.wait_dma2 semaphore(%arg13 : memref<!tpu.dma_semaphore, #tpu.memory_space<semaphore_mem>>) src(%dma_wait3A_476 : memref<128x128xf32, #tpu.memory_space<vmem>>) dst(%dma_wait3A_473 : memref<128x128xf32, #tpu.memory_space<hbm>>)
    %add3A_477 = arith.constant 512 : i32
    %add3A_478 = arith.addi %mul3A_2, %add3A_477 : i32
    %dma_start3A_479 = arith.constant 0 : i32
    %dma_start3A_480 = arith.constant 0 : i32
    %dma_start3A_481 = tpu.memref_slice %arg8[%dma_start3A_479, %dma_start3A_480] : memref<128x128xf32, #tpu.memory_space<vmem>> -> memref<120x128xf32, #tpu.memory_space<vmem>>
    %dma_start3A_482 = arith.constant 0 : i32
    %dma_start3A_483 = tpu.memref_slice %arg10[%add3A_478, %dma_start3A_482] : memref<10112x128xf32, #tpu.memory_space<vmem_shared>> -> memref<120x128xf32, #tpu.memory_space<vmem_shared>>
    %dma_start3A_484 = arith.constant 0 : i32
    %dma_start3A_485 = arith.constant 0 : i32
    %dma_start3A_486 = tpu.memref_slice %arg8[%dma_start3A_484, %dma_start3A_485] : memref<128x128xf32, #tpu.memory_space<vmem>> -> memref<120x128xf32, #tpu.memory_space<vmem>>
    %dma_start3A_487 = arith.constant 0 : i32
    %dma_start3A_488 = tpu.memref_slice %arg10[%add3A_478, %dma_start3A_487] : memref<10112x128xf32, #tpu.memory_space<vmem_shared>> -> memref<120x128xf32, #tpu.memory_space<vmem_shared>>
    tpu.enqueue_dma source(%dma_start3A_488 : memref<120x128xf32, #tpu.memory_space<vmem_shared>>) target(%dma_start3A_486 : memref<120x128xf32, #tpu.memory_space<vmem>>) target_semaphore(%arg11 : memref<!tpu.dma_semaphore, #tpu.memory_space<semaphore_mem>>)
    %add3A_489 = arith.constant 384 : i32
    %add3A_490 = arith.addi %mul3A_2, %add3A_489 : i32
    %dma_start3A_491 = arith.constant 0 : i32
    %dma_start3A_492 = arith.constant 0 : i32
    %dma_start3A_493 = tpu.memref_slice %arg9[%dma_start3A_491, %dma_start3A_492] : memref<128x128xf32, #tpu.memory_space<vmem>> -> memref<128x128xf32, #tpu.memory_space<vmem>>
    %dma_start3A_494 = arith.constant 0 : i32
    %dma_start3A_495 = tpu.memref_slice %arg5[%arg0, %add3A_490, %dma_start3A_494] : memref<2x10112x128xf32, #tpu.memory_space<hbm>> -> memref<1x128x128xf32, #tpu.memory_space<hbm>>
    %dma_start3A_496 = tpu.memref_squeeze %dma_start3A_495 : memref<1x128x128xf32, #tpu.memory_space<hbm>> -> memref<128x128xf32, #tpu.memory_space<hbm>>
    %dma_start3A_497 = arith.constant 0 : i32
    %dma_start3A_498 = tpu.memref_slice %arg5[%arg0, %add3A_490, %dma_start3A_497] : memref<2x10112x128xf32, #tpu.memory_space<hbm>> -> memref<1x128x128xf32, #tpu.memory_space<hbm>>
    %dma_start3A_499 = tpu.memref_squeeze %dma_start3A_498 : memref<1x128x128xf32, #tpu.memory_space<hbm>> -> memref<128x128xf32, #tpu.memory_space<hbm>>
    %dma_start3A_500 = arith.constant 0 : i32
    %dma_start3A_501 = arith.constant 0 : i32
    %dma_start3A_502 = tpu.memref_slice %arg9[%dma_start3A_500, %dma_start3A_501] : memref<128x128xf32, #tpu.memory_space<vmem>> -> memref<128x128xf32, #tpu.memory_space<vmem>>
    tpu.enqueue_dma source(%dma_start3A_502 : memref<128x128xf32, #tpu.memory_space<vmem>>) target(%dma_start3A_499 : memref<128x128xf32, #tpu.memory_space<hbm>>) target_semaphore(%arg14 : memref<!tpu.dma_semaphore, #tpu.memory_space<semaphore_mem>>)
    %add3A_503 = arith.constant 512 : i32
    %add3A_504 = arith.addi %mul3A_2, %add3A_503 : i32
    %dma_wait3A_505 = arith.constant 0 : i32
    %dma_wait3A_506 = arith.constant 0 : i32
    %dma_wait3A_507 = tpu.memref_slice %arg8[%dma_wait3A_505, %dma_wait3A_506] : memref<128x128xf32, #tpu.memory_space<vmem>> -> memref<120x128xf32, #tpu.memory_space<vmem>>
    %dma_wait3A_508 = arith.constant 0 : i32
    %dma_wait3A_509 = tpu.memref_slice %arg10[%add3A_504, %dma_wait3A_508] : memref<10112x128xf32, #tpu.memory_space<vmem_shared>> -> memref<120x128xf32, #tpu.memory_space<vmem_shared>>
    %dma_wait3A_510 = arith.constant 0 : i32
    %dma_wait3A_511 = arith.constant 0 : i32
    %dma_wait3A_512 = tpu.memref_slice %arg8[%dma_wait3A_510, %dma_wait3A_511] : memref<128x128xf32, #tpu.memory_space<vmem>> -> memref<120x128xf32, #tpu.memory_space<vmem>>
    %dma_wait3A_513 = arith.constant 0 : i32
    %dma_wait3A_514 = tpu.memref_slice %arg10[%add3A_504, %dma_wait3A_513] : memref<10112x128xf32, #tpu.memory_space<vmem_shared>> -> memref<120x128xf32, #tpu.memory_space<vmem_shared>>
    tpu.wait_dma2 semaphore(%arg11 : memref<!tpu.dma_semaphore, #tpu.memory_space<semaphore_mem>>) src(%dma_wait3A_514 : memref<120x128xf32, #tpu.memory_space<vmem_shared>>) dst(%dma_wait3A_512 : memref<120x128xf32, #tpu.memory_space<vmem>>)
    %add3A_515 = arith.constant 512 : i32
    %add3A_516 = arith.addi %mul3A_2, %add3A_515 : i32
    %dma_start3A_517 = arith.constant 0 : i32
    %dma_start3A_518 = arith.constant 0 : i32
    %dma_start3A_519 = tpu.memref_slice %arg8[%dma_start3A_517, %dma_start3A_518] : memref<128x128xf32, #tpu.memory_space<vmem>> -> memref<120x128xf32, #tpu.memory_space<vmem>>
    %dma_start3A_520 = arith.constant 0 : i32
    %dma_start3A_521 = tpu.memref_slice %arg5[%arg0, %add3A_516, %dma_start3A_520] : memref<2x10112x128xf32, #tpu.memory_space<hbm>> -> memref<1x120x128xf32, #tpu.memory_space<hbm>>
    %dma_start3A_522 = tpu.memref_squeeze %dma_start3A_521 : memref<1x120x128xf32, #tpu.memory_space<hbm>> -> memref<120x128xf32, #tpu.memory_space<hbm>>
    %dma_start3A_523 = arith.constant 0 : i32
    %dma_start3A_524 = tpu.memref_slice %arg5[%arg0, %add3A_516, %dma_start3A_523] : memref<2x10112x128xf32, #tpu.memory_space<hbm>> -> memref<1x120x128xf32, #tpu.memory_space<hbm>>
    %dma_start3A_525 = tpu.memref_squeeze %dma_start3A_524 : memref<1x120x128xf32, #tpu.memory_space<hbm>> -> memref<120x128xf32, #tpu.memory_space<hbm>>
    %dma_start3A_526 = arith.constant 0 : i32
    %dma_start3A_527 = arith.constant 0 : i32
    %dma_start3A_528 = tpu.memref_slice %arg8[%dma_start3A_526, %dma_start3A_527] : memref<128x128xf32, #tpu.memory_space<vmem>> -> memref<120x128xf32, #tpu.memory_space<vmem>>
    tpu.enqueue_dma source(%dma_start3A_528 : memref<120x128xf32, #tpu.memory_space<vmem>>) target(%dma_start3A_525 : memref<120x128xf32, #tpu.memory_space<hbm>>) target_semaphore(%arg13 : memref<!tpu.dma_semaphore, #tpu.memory_space<semaphore_mem>>)
    %add3A_529 = arith.constant 384 : i32
    %add3A_530 = arith.addi %mul3A_2, %add3A_529 : i32
    %dma_wait3A_531 = arith.constant 0 : i32
    %dma_wait3A_532 = arith.constant 0 : i32
    %dma_wait3A_533 = tpu.memref_slice %arg9[%dma_wait3A_531, %dma_wait3A_532] : memref<128x128xf32, #tpu.memory_space<vmem>> -> memref<128x128xf32, #tpu.memory_space<vmem>>
    %dma_wait3A_534 = arith.constant 0 : i32
    %dma_wait3A_535 = tpu.memref_slice %arg5[%arg0, %add3A_530, %dma_wait3A_534] : memref<2x10112x128xf32, #tpu.memory_space<hbm>> -> memref<1x128x128xf32, #tpu.memory_space<hbm>>
    %dma_wait3A_536 = tpu.memref_squeeze %dma_wait3A_535 : memref<1x128x128xf32, #tpu.memory_space<hbm>> -> memref<128x128xf32, #tpu.memory_space<hbm>>
    %dma_wait3A_537 = arith.constant 0 : i32
    %dma_wait3A_538 = tpu.memref_slice %arg5[%arg0, %add3A_530, %dma_wait3A_537] : memref<2x10112x128xf32, #tpu.memory_space<hbm>> -> memref<1x128x128xf32, #tpu.memory_space<hbm>>
    %dma_wait3A_539 = tpu.memref_squeeze %dma_wait3A_538 : memref<1x128x128xf32, #tpu.memory_space<hbm>> -> memref<128x128xf32, #tpu.memory_space<hbm>>
    %dma_wait3A_540 = arith.constant 0 : i32
    %dma_wait3A_541 = arith.constant 0 : i32
    %dma_wait3A_542 = tpu.memref_slice %arg9[%dma_wait3A_540, %dma_wait3A_541] : memref<128x128xf32, #tpu.memory_space<vmem>> -> memref<128x128xf32, #tpu.memory_space<vmem>>
    tpu.wait_dma2 semaphore(%arg14 : memref<!tpu.dma_semaphore, #tpu.memory_space<semaphore_mem>>) src(%dma_wait3A_542 : memref<128x128xf32, #tpu.memory_space<vmem>>) dst(%dma_wait3A_539 : memref<128x128xf32, #tpu.memory_space<hbm>>)
    %add3A_543 = arith.constant 512 : i32
    %add3A_544 = arith.addi %mul3A_2, %add3A_543 : i32
    %dma_wait3A_545 = arith.constant 0 : i32
    %dma_wait3A_546 = arith.constant 0 : i32
    %dma_wait3A_547 = tpu.memref_slice %arg8[%dma_wait3A_545, %dma_wait3A_546] : memref<128x128xf32, #tpu.memory_space<vmem>> -> memref<120x128xf32, #tpu.memory_space<vmem>>
    %dma_wait3A_548 = arith.constant 0 : i32
    %dma_wait3A_549 = tpu.memref_slice %arg5[%arg0, %add3A_544, %dma_wait3A_548] : memref<2x10112x128xf32, #tpu.memory_space<hbm>> -> memref<1x120x128xf32, #tpu.memory_space<hbm>>
    %dma_wait3A_550 = tpu.memref_squeeze %dma_wait3A_549 : memref<1x120x128xf32, #tpu.memory_space<hbm>> -> memref<120x128xf32, #tpu.memory_space<hbm>>
    %dma_wait3A_551 = arith.constant 0 : i32
    %dma_wait3A_552 = tpu.memref_slice %arg5[%arg0, %add3A_544, %dma_wait3A_551] : memref<2x10112x128xf32, #tpu.memory_space<hbm>> -> memref<1x120x128xf32, #tpu.memory_space<hbm>>
    %dma_wait3A_553 = tpu.memref_squeeze %dma_wait3A_552 : memref<1x120x128xf32, #tpu.memory_space<hbm>> -> memref<120x128xf32, #tpu.memory_space<hbm>>
    %dma_wait3A_554 = arith.constant 0 : i32
    %dma_wait3A_555 = arith.constant 0 : i32
    %dma_wait3A_556 = tpu.memref_slice %arg8[%dma_wait3A_554, %dma_wait3A_555] : memref<128x128xf32, #tpu.memory_space<vmem>> -> memref<120x128xf32, #tpu.memory_space<vmem>>
    tpu.wait_dma2 semaphore(%arg13 : memref<!tpu.dma_semaphore, #tpu.memory_space<semaphore_mem>>) src(%dma_wait3A_556 : memref<120x128xf32, #tpu.memory_space<vmem>>) dst(%dma_wait3A_553 : memref<120x128xf32, #tpu.memory_space<hbm>>)
    return
  }
}

module attributes {stable_mosaic.version = 14 : i64} {
  func.func @body(%arg0: i32, %arg1: memref<2528x128xf32, #tpu.memory_space<vmem>>, %arg2: memref<2528x128xf32, #tpu.memory_space<vmem>>, %arg3: memref<2528x128xf32, #tpu.memory_space<vmem>>, %arg4: memref<128x128xf32, #tpu.memory_space<vmem>>, %arg5: memref<2528x128xf32, #tpu.memory_space<vmem>>, %arg6: memref<2528x1xf32, #tpu.memory_space<vmem>>) attributes {dimension_semantics = [#tpu.dimension_semantics<arbitrary>], iteration_bounds = array<i64: 4>, scalar_prefetch = 0 : i64, scratch_operands = 0 : i64, tpu.core_type = #tpu.core_type<tc>, window_params = [{transform_indices = @transform_0, window_bounds = array<i64: 2528, 128>}, {transform_indices = @transform_1, window_bounds = array<i64: 2528, 128>}, {transform_indices = @transform_2, window_bounds = array<i64: 2528, 128>}, {pipeline_mode = #tpu.pipeline_mode<synchronous>, transform_indices = @transform_3, window_bounds = array<i64: 128, 128>}, {transform_indices = @transform_4, window_bounds = array<i64: 2528, 128>}, {transform_indices = @transform_5, window_bounds = array<i64: 2528, 1>}]} {
    %get3A = arith.constant 0 : index
    %get3A_0 = arith.constant 0 : index
    %get3A_1 = vector.load %arg1[%get3A, %get3A_0] : memref<2528x128xf32, #tpu.memory_space<vmem>>, vector<2528x128xf32>
    %slice3A = vector.extract_strided_slice %get3A_1 {offsets = [0, 0], sizes = [2528, 1], strides = [1, 1]} : vector<2528x128xf32> to vector<2528x1xf32>
    %get3A_2 = arith.constant 0 : index
    %get3A_3 = arith.constant 0 : index
    %get3A_4 = vector.load %arg2[%get3A_2, %get3A_3] : memref<2528x128xf32, #tpu.memory_space<vmem>>, vector<2528x128xf32>
    %slice3A_5 = vector.extract_strided_slice %get3A_4 {offsets = [0, 0], sizes = [2528, 1], strides = [1, 1]} : vector<2528x128xf32> to vector<2528x1xf32>
    %add3A = arith.addf %slice3A, %slice3A_5 : vector<2528x1xf32>
    %sub3A = arith.constant 1.000000e+00 : f32
    %sub3A_6 = vector.broadcast %sub3A : f32 to vector<2528x1xf32>
    %sub3A_7 = arith.subf %add3A, %sub3A_6 : vector<2528x1xf32>
    %rsqrt3A = math.rsqrt %sub3A_7 : vector<2528x1xf32>
    %swap3A = arith.constant 0 : index
    %swap3A_8 = arith.constant 0 : index
    %swap3A_9 = vector.load %arg6[%swap3A, %swap3A_8] : memref<2528x1xf32, #tpu.memory_space<vmem>>, vector<2528x1xf32>
    tpu.vector_store %arg6[%swap3A, %swap3A_8], %rsqrt3A {strides = array<i32>} : memref<2528x1xf32, #tpu.memory_space<vmem>>, vector<2528x1xf32>,
    %get3A_10 = arith.constant 0 : index
    %get3A_11 = arith.constant 0 : index
    %get3A_12 = vector.load %arg3[%get3A_10, %get3A_11] : memref<2528x128xf32, #tpu.memory_space<vmem>>, vector<2528x128xf32>
    %get3A_13 = arith.constant 0 : index
    %get3A_14 = arith.constant 0 : index
    %get3A_15 = vector.load %arg4[%get3A_13, %get3A_14] : memref<128x128xf32, #tpu.memory_space<vmem>>, vector<128x128xf32>
    %dot_general3A = arith.constant dense<0.000000e+00> : vector<2528x128xf32>
    %dot_general3A_16 = tpu.matmul %get3A_12, %get3A_15, %dot_general3A {dimension_numbers = #tpu.dot_dimension_numbers<[1], [0], [0], [1], [0, 0, 1, 1], [], []>, precision = #tpu.contract_precision<fp32>, transpose_lhs_hint = false} : vector<2528x128xf32>, vector<128x128xf32>, vector<2528x128xf32> -> vector<2528x128xf32>
    %mul3A = vector.broadcast %rsqrt3A : vector<2528x1xf32> to vector<2528x128xf32>
    %mul3A_17 = arith.mulf %mul3A, %dot_general3A_16 : vector<2528x128xf32>
    %swap3A_18 = arith.constant 0 : index
    %swap3A_19 = arith.constant 0 : index
    %swap3A_20 = vector.load %arg5[%swap3A_18, %swap3A_19] : memref<2528x128xf32, #tpu.memory_space<vmem>>, vector<2528x128xf32>
    tpu.vector_store %arg5[%swap3A_18, %swap3A_19], %mul3A_17 {strides = array<i32>} : memref<2528x128xf32, #tpu.memory_space<vmem>>, vector<2528x128xf32>,
    return
  }
  func.func @transform_0(%arg0: i32) -> (i32, i32) {
    %c0_i32 = arith.constant 0 : i32
    %c0_i32_0 = arith.constant 0 : i32
    return %arg0, %c0_i32 : i32, i32
  }
  func.func @transform_1(%arg0: i32) -> (i32, i32) {
    %c0_i32 = arith.constant 0 : i32
    %c0_i32_0 = arith.constant 0 : i32
    return %arg0, %c0_i32 : i32, i32
  }
  func.func @transform_2(%arg0: i32) -> (i32, i32) {
    %c0_i32 = arith.constant 0 : i32
    %c0_i32_0 = arith.constant 0 : i32
    return %arg0, %c0_i32 : i32, i32
  }
  func.func @transform_3(%arg0: i32) -> (i32, i32) {
    %c0_i32 = arith.constant 0 : i32
    %c0_i32_0 = arith.constant 0 : i32
    %c0_i32_1 = arith.constant 0 : i32
    return %c0_i32, %c0_i32_0 : i32, i32
  }
  func.func @transform_4(%arg0: i32) -> (i32, i32) {
    %c0_i32 = arith.constant 0 : i32
    %c0_i32_0 = arith.constant 0 : i32
    return %arg0, %c0_i32 : i32, i32
  }
  func.func @transform_5(%arg0: i32) -> (i32, i32) {
    %c0_i32 = arith.constant 0 : i32
    %c0_i32_0 = arith.constant 0 : i32
    return %arg0, %c0_i32 : i32, i32
  }
}

module attributes {stable_mosaic.version = 14 : i64} {
  func.func @body(%arg0: i32, %arg1: memref<2528x128xf32, #tpu.memory_space<vmem>>, %arg2: memref<2528x128xf32, #tpu.memory_space<vmem>>, %arg3: memref<2528x128xf32, #tpu.memory_space<vmem>>, %arg4: memref<2528x1xf32, #tpu.memory_space<vmem>>, %arg5: memref<1x128xf32, #tpu.memory_space<vmem>>, %arg6: memref<128x128xf32, #tpu.memory_space<vmem>>, %arg7: memref<2528x128xf32, #tpu.memory_space<vmem>>) attributes {dimension_semantics = [#tpu.dimension_semantics<arbitrary>], iteration_bounds = array<i64: 4>, scalar_prefetch = 0 : i64, scratch_operands = 0 : i64, tpu.core_type = #tpu.core_type<tc>, window_params = [{transform_indices = @transform_0, window_bounds = array<i64: 2528, 128>}, {transform_indices = @transform_1, window_bounds = array<i64: 2528, 128>}, {transform_indices = @transform_2, window_bounds = array<i64: 2528, 128>}, {transform_indices = @transform_3, window_bounds = array<i64: 2528, 1>}, {pipeline_mode = #tpu.pipeline_mode<synchronous>, transform_indices = @transform_4, window_bounds = array<i64: 1, 128>}, {pipeline_mode = #tpu.pipeline_mode<synchronous>, transform_indices = @transform_5, window_bounds = array<i64: 128, 128>}, {transform_indices = @transform_6, window_bounds = array<i64: 2528, 128>}]} {
    %get3A = arith.constant 0 : index
    %get3A_0 = arith.constant 0 : index
    %get3A_1 = vector.load %arg4[%get3A, %get3A_0] : memref<2528x1xf32, #tpu.memory_space<vmem>>, vector<2528x1xf32>
    %get3A_2 = arith.constant 0 : index
    %get3A_3 = arith.constant 0 : index
    %get3A_4 = vector.load %arg1[%get3A_2, %get3A_3] : memref<2528x128xf32, #tpu.memory_space<vmem>>, vector<2528x128xf32>
    %get3A_5 = arith.constant 0 : index
    %get3A_6 = arith.constant 0 : index
    %get3A_7 = vector.load %arg2[%get3A_5, %get3A_6] : memref<2528x128xf32, #tpu.memory_space<vmem>>, vector<2528x128xf32>
    %add3A = arith.addf %get3A_4, %get3A_7 : vector<2528x128xf32>
    %get3A_8 = arith.constant 0 : index
    %get3A_9 = arith.constant 0 : index
    %get3A_10 = vector.load %arg3[%get3A_8, %get3A_9] : memref<2528x128xf32, #tpu.memory_space<vmem>>, vector<2528x128xf32>
    %sub3A = arith.subf %add3A, %get3A_10 : vector<2528x128xf32>
    %mul3A = vector.broadcast %get3A_1 : vector<2528x1xf32> to vector<2528x128xf32>
    %mul3A_11 = arith.mulf %mul3A, %sub3A : vector<2528x128xf32>
    %get3A_12 = arith.constant 0 : index
    %get3A_13 = arith.constant 0 : index
    %get3A_14 = vector.load %arg5[%get3A_12, %get3A_13] : memref<1x128xf32, #tpu.memory_space<vmem>>, vector<1x128xf32>
    %add3A_15 = vector.broadcast %get3A_14 : vector<1x128xf32> to vector<2528x128xf32>
    %add3A_16 = arith.addf %mul3A_11, %add3A_15 : vector<2528x128xf32>
    %max3A = arith.constant 0.000000e+00 : f32
    %max3A_17 = vector.broadcast %max3A : f32 to vector<2528x128xf32>
    %max3A_18 = arith.maximumf %add3A_16, %max3A_17 : vector<2528x128xf32>
    %get3A_19 = arith.constant 0 : index
    %get3A_20 = arith.constant 0 : index
    %get3A_21 = vector.load %arg6[%get3A_19, %get3A_20] : memref<128x128xf32, #tpu.memory_space<vmem>>, vector<128x128xf32>
    %dot_general3A = arith.constant dense<0.000000e+00> : vector<2528x128xf32>
    %dot_general3A_22 = tpu.matmul %max3A_18, %get3A_21, %dot_general3A {dimension_numbers = #tpu.dot_dimension_numbers<[1], [0], [0], [1], [0, 0, 1, 1], [], []>, precision = #tpu.contract_precision<fp32>, transpose_lhs_hint = false} : vector<2528x128xf32>, vector<128x128xf32>, vector<2528x128xf32> -> vector<2528x128xf32>
    %mul3A_23 = vector.broadcast %get3A_1 : vector<2528x1xf32> to vector<2528x128xf32>
    %mul3A_24 = arith.mulf %mul3A_23, %dot_general3A_22 : vector<2528x128xf32>
    %swap3A = arith.constant 0 : index
    %swap3A_25 = arith.constant 0 : index
    %swap3A_26 = vector.load %arg7[%swap3A, %swap3A_25] : memref<2528x128xf32, #tpu.memory_space<vmem>>, vector<2528x128xf32>
    tpu.vector_store %arg7[%swap3A, %swap3A_25], %mul3A_24 {strides = array<i32>} : memref<2528x128xf32, #tpu.memory_space<vmem>>, vector<2528x128xf32>,
    return
  }
  func.func @transform_0(%arg0: i32) -> (i32, i32) {
    %c0_i32 = arith.constant 0 : i32
    %c0_i32_0 = arith.constant 0 : i32
    return %arg0, %c0_i32 : i32, i32
  }
  func.func @transform_1(%arg0: i32) -> (i32, i32) {
    %c0_i32 = arith.constant 0 : i32
    %c0_i32_0 = arith.constant 0 : i32
    return %arg0, %c0_i32 : i32, i32
  }
  func.func @transform_2(%arg0: i32) -> (i32, i32) {
    %c0_i32 = arith.constant 0 : i32
    %c0_i32_0 = arith.constant 0 : i32
    return %arg0, %c0_i32 : i32, i32
  }
  func.func @transform_3(%arg0: i32) -> (i32, i32) {
    %c0_i32 = arith.constant 0 : i32
    %c0_i32_0 = arith.constant 0 : i32
    return %arg0, %c0_i32 : i32, i32
  }
  func.func @transform_4(%arg0: i32) -> (i32, i32) {
    %c0_i32 = arith.constant 0 : i32
    %c0_i32_0 = arith.constant 0 : i32
    %c0_i32_1 = arith.constant 0 : i32
    return %c0_i32, %c0_i32_0 : i32, i32
  }
  func.func @transform_5(%arg0: i32) -> (i32, i32) {
    %c0_i32 = arith.constant 0 : i32
    %c0_i32_0 = arith.constant 0 : i32
    %c0_i32_1 = arith.constant 0 : i32
    return %c0_i32, %c0_i32_0 : i32, i32
  }
  func.func @transform_6(%arg0: i32) -> (i32, i32) {
    %c0_i32 = arith.constant 0 : i32
    %c0_i32_0 = arith.constant 0 : i32
    return %arg0, %c0_i32 : i32, i32
  }
}

module attributes {stable_mosaic.version = 14 : i64} {
  func.func @body(%arg0: i32, %arg1: memref<2528x128xf32, #tpu.memory_space<vmem>>, %arg2: memref<2528x128xf32, #tpu.memory_space<vmem>>, %arg3: memref<2528x128xf32, #tpu.memory_space<vmem>>, %arg4: memref<2528x1xf32, #tpu.memory_space<vmem>>, %arg5: memref<1x128xf32, #tpu.memory_space<vmem>>, %arg6: memref<2528x128xf32, #tpu.memory_space<vmem>>) attributes {dimension_semantics = [#tpu.dimension_semantics<arbitrary>], iteration_bounds = array<i64: 4>, scalar_prefetch = 0 : i64, scratch_operands = 0 : i64, tpu.core_type = #tpu.core_type<tc>, window_params = [{transform_indices = @transform_0, window_bounds = array<i64: 2528, 128>}, {transform_indices = @transform_1, window_bounds = array<i64: 2528, 128>}, {transform_indices = @transform_2, window_bounds = array<i64: 2528, 128>}, {transform_indices = @transform_3, window_bounds = array<i64: 2528, 1>}, {pipeline_mode = #tpu.pipeline_mode<synchronous>, transform_indices = @transform_4, window_bounds = array<i64: 1, 128>}, {transform_indices = @transform_5, window_bounds = array<i64: 2528, 128>}]} {
    %get3A = arith.constant 0 : index
    %get3A_0 = arith.constant 0 : index
    %get3A_1 = vector.load %arg4[%get3A, %get3A_0] : memref<2528x1xf32, #tpu.memory_space<vmem>>, vector<2528x1xf32>
    %get3A_2 = arith.constant 0 : index
    %get3A_3 = arith.constant 0 : index
    %get3A_4 = vector.load %arg1[%get3A_2, %get3A_3] : memref<2528x128xf32, #tpu.memory_space<vmem>>, vector<2528x128xf32>
    %get3A_5 = arith.constant 0 : index
    %get3A_6 = arith.constant 0 : index
    %get3A_7 = vector.load %arg2[%get3A_5, %get3A_6] : memref<2528x128xf32, #tpu.memory_space<vmem>>, vector<2528x128xf32>
    %add3A = arith.addf %get3A_4, %get3A_7 : vector<2528x128xf32>
    %get3A_8 = arith.constant 0 : index
    %get3A_9 = arith.constant 0 : index
    %get3A_10 = vector.load %arg3[%get3A_8, %get3A_9] : memref<2528x128xf32, #tpu.memory_space<vmem>>, vector<2528x128xf32>
    %sub3A = arith.subf %add3A, %get3A_10 : vector<2528x128xf32>
    %mul3A = vector.broadcast %get3A_1 : vector<2528x1xf32> to vector<2528x128xf32>
    %mul3A_11 = arith.mulf %mul3A, %sub3A : vector<2528x128xf32>
    %get3A_12 = arith.constant 0 : index
    %get3A_13 = arith.constant 0 : index
    %get3A_14 = vector.load %arg5[%get3A_12, %get3A_13] : memref<1x128xf32, #tpu.memory_space<vmem>>, vector<1x128xf32>
    %add3A_15 = vector.broadcast %get3A_14 : vector<1x128xf32> to vector<2528x128xf32>
    %add3A_16 = arith.addf %mul3A_11, %add3A_15 : vector<2528x128xf32>
    %max3A = arith.constant 0.000000e+00 : f32
    %max3A_17 = vector.broadcast %max3A : f32 to vector<2528x128xf32>
    %max3A_18 = arith.maximumf %add3A_16, %max3A_17 : vector<2528x128xf32>
    %mul3A_19 = vector.broadcast %get3A_1 : vector<2528x1xf32> to vector<2528x128xf32>
    %mul3A_20 = arith.mulf %mul3A_19, %max3A_18 : vector<2528x128xf32>
    %swap3A = arith.constant 0 : index
    %swap3A_21 = arith.constant 0 : index
    %swap3A_22 = vector.load %arg6[%swap3A, %swap3A_21] : memref<2528x128xf32, #tpu.memory_space<vmem>>, vector<2528x128xf32>
    tpu.vector_store %arg6[%swap3A, %swap3A_21], %mul3A_20 {strides = array<i32>} : memref<2528x128xf32, #tpu.memory_space<vmem>>, vector<2528x128xf32>,
    return
  }
  func.func @transform_0(%arg0: i32) -> (i32, i32) {
    %c0_i32 = arith.constant 0 : i32
    %c0_i32_0 = arith.constant 0 : i32
    return %arg0, %c0_i32 : i32, i32
  }
  func.func @transform_1(%arg0: i32) -> (i32, i32) {
    %c0_i32 = arith.constant 0 : i32
    %c0_i32_0 = arith.constant 0 : i32
    return %arg0, %c0_i32 : i32, i32
  }
  func.func @transform_2(%arg0: i32) -> (i32, i32) {
    %c0_i32 = arith.constant 0 : i32
    %c0_i32_0 = arith.constant 0 : i32
    return %arg0, %c0_i32 : i32, i32
  }
  func.func @transform_3(%arg0: i32) -> (i32, i32) {
    %c0_i32 = arith.constant 0 : i32
    %c0_i32_0 = arith.constant 0 : i32
    return %arg0, %c0_i32 : i32, i32
  }
  func.func @transform_4(%arg0: i32) -> (i32, i32) {
    %c0_i32 = arith.constant 0 : i32
    %c0_i32_0 = arith.constant 0 : i32
    %c0_i32_1 = arith.constant 0 : i32
    return %c0_i32, %c0_i32_0 : i32, i32
  }
  func.func @transform_5(%arg0: i32) -> (i32, i32) {
    %c0_i32 = arith.constant 0 : i32
    %c0_i32_0 = arith.constant 0 : i32
    return %arg0, %c0_i32 : i32, i32
  }
}

module attributes {stable_mosaic.version = 14 : i64} {
  func.func @body(%arg0: i32, %arg1: memref<2528x128xf32, #tpu.memory_space<vmem>>, %arg2: memref<2528x128xf32, #tpu.memory_space<vmem>>, %arg3: memref<2528x128xf32, #tpu.memory_space<vmem>>, %arg4: memref<2528x1xf32, #tpu.memory_space<vmem>>, %arg5: memref<128x16xf32, #tpu.memory_space<vmem>>, %arg6: memref<1x16xf32, #tpu.memory_space<vmem>>, %arg7: memref<2528x16xf32, #tpu.memory_space<vmem>>) attributes {dimension_semantics = [#tpu.dimension_semantics<arbitrary>], iteration_bounds = array<i64: 4>, scalar_prefetch = 0 : i64, scratch_operands = 0 : i64, tpu.core_type = #tpu.core_type<tc>, window_params = [{transform_indices = @transform_0, window_bounds = array<i64: 2528, 128>}, {transform_indices = @transform_1, window_bounds = array<i64: 2528, 128>}, {transform_indices = @transform_2, window_bounds = array<i64: 2528, 128>}, {transform_indices = @transform_3, window_bounds = array<i64: 2528, 1>}, {pipeline_mode = #tpu.pipeline_mode<synchronous>, transform_indices = @transform_4, window_bounds = array<i64: 128, 16>}, {pipeline_mode = #tpu.pipeline_mode<synchronous>, transform_indices = @transform_5, window_bounds = array<i64: 1, 16>}, {transform_indices = @transform_6, window_bounds = array<i64: 2528, 16>}]} {
    %get3A = arith.constant 0 : index
    %get3A_0 = arith.constant 0 : index
    %get3A_1 = vector.load %arg4[%get3A, %get3A_0] : memref<2528x1xf32, #tpu.memory_space<vmem>>, vector<2528x1xf32>
    %get3A_2 = arith.constant 0 : index
    %get3A_3 = arith.constant 0 : index
    %get3A_4 = vector.load %arg1[%get3A_2, %get3A_3] : memref<2528x128xf32, #tpu.memory_space<vmem>>, vector<2528x128xf32>
    %get3A_5 = arith.constant 0 : index
    %get3A_6 = arith.constant 0 : index
    %get3A_7 = vector.load %arg2[%get3A_5, %get3A_6] : memref<2528x128xf32, #tpu.memory_space<vmem>>, vector<2528x128xf32>
    %add3A = arith.addf %get3A_4, %get3A_7 : vector<2528x128xf32>
    %get3A_8 = arith.constant 0 : index
    %get3A_9 = arith.constant 0 : index
    %get3A_10 = vector.load %arg3[%get3A_8, %get3A_9] : memref<2528x128xf32, #tpu.memory_space<vmem>>, vector<2528x128xf32>
    %sub3A = arith.subf %add3A, %get3A_10 : vector<2528x128xf32>
    %mul3A = vector.broadcast %get3A_1 : vector<2528x1xf32> to vector<2528x128xf32>
    %mul3A_11 = arith.mulf %mul3A, %sub3A : vector<2528x128xf32>
    %get3A_12 = arith.constant 0 : index
    %get3A_13 = arith.constant 0 : index
    %get3A_14 = vector.load %arg5[%get3A_12, %get3A_13] : memref<128x16xf32, #tpu.memory_space<vmem>>, vector<128x16xf32>
    %dot_general3A = arith.constant dense<0.000000e+00> : vector<2528x16xf32>
    %dot_general3A_15 = tpu.matmul %mul3A_11, %get3A_14, %dot_general3A {dimension_numbers = #tpu.dot_dimension_numbers<[1], [0], [0], [1], [0, 0, 1, 1], [], []>, precision = #tpu.contract_precision<fp32>, transpose_lhs_hint = false} : vector<2528x128xf32>, vector<128x16xf32>, vector<2528x16xf32> -> vector<2528x16xf32>
    %get3A_16 = arith.constant 0 : index
    %get3A_17 = arith.constant 0 : index
    %get3A_18 = vector.load %arg6[%get3A_16, %get3A_17] : memref<1x16xf32, #tpu.memory_space<vmem>>, vector<1x16xf32>
    %add3A_19 = vector.broadcast %get3A_18 : vector<1x16xf32> to vector<2528x16xf32>
    %add3A_20 = arith.addf %dot_general3A_15, %add3A_19 : vector<2528x16xf32>
    %reduce_max3A = arith.constant dense<0xFF800000> : vector<2528xf32>
    %reduce_max3A_21 = vector.multi_reduction <maximumf>, %add3A_20, %reduce_max3A [1] : vector<2528x16xf32> to vector<2528xf32>
    %broadcast_in_dim3A = vector.shape_cast %reduce_max3A_21 : vector<2528xf32> to vector<2528x1xf32>
    %sub3A_22 = vector.broadcast %broadcast_in_dim3A : vector<2528x1xf32> to vector<2528x16xf32>
    %sub3A_23 = arith.subf %add3A_20, %sub3A_22 : vector<2528x16xf32>
    %exp3A = math.exp %sub3A_23 : vector<2528x16xf32>
    %reduce_sum3A = arith.constant dense<0.000000e+00> : vector<2528xf32>
    %reduce_sum3A_24 = vector.multi_reduction <add>, %exp3A, %reduce_sum3A [1] : vector<2528x16xf32> to vector<2528xf32>
    %broadcast_in_dim3A_25 = vector.shape_cast %reduce_sum3A_24 : vector<2528xf32> to vector<2528x1xf32>
    %log3A = math.log %broadcast_in_dim3A_25 : vector<2528x1xf32>
    %add3A_26 = arith.addf %log3A, %broadcast_in_dim3A : vector<2528x1xf32>
    %sub3A_27 = vector.broadcast %add3A_26 : vector<2528x1xf32> to vector<2528x16xf32>
    %sub3A_28 = arith.subf %add3A_20, %sub3A_27 : vector<2528x16xf32>
    %swap3A = arith.constant 0 : index
    %swap3A_29 = arith.constant 0 : index
    %swap3A_30 = vector.load %arg7[%swap3A, %swap3A_29] : memref<2528x16xf32, #tpu.memory_space<vmem>>, vector<2528x16xf32>
    tpu.vector_store %arg7[%swap3A, %swap3A_29], %sub3A_28 {strides = array<i32>} : memref<2528x16xf32, #tpu.memory_space<vmem>>, vector<2528x16xf32>,
    return
  }
  func.func @transform_0(%arg0: i32) -> (i32, i32) {
    %c0_i32 = arith.constant 0 : i32
    %c0_i32_0 = arith.constant 0 : i32
    return %arg0, %c0_i32 : i32, i32
  }
  func.func @transform_1(%arg0: i32) -> (i32, i32) {
    %c0_i32 = arith.constant 0 : i32
    %c0_i32_0 = arith.constant 0 : i32
    return %arg0, %c0_i32 : i32, i32
  }
  func.func @transform_2(%arg0: i32) -> (i32, i32) {
    %c0_i32 = arith.constant 0 : i32
    %c0_i32_0 = arith.constant 0 : i32
    return %arg0, %c0_i32 : i32, i32
  }
  func.func @transform_3(%arg0: i32) -> (i32, i32) {
    %c0_i32 = arith.constant 0 : i32
    %c0_i32_0 = arith.constant 0 : i32
    return %arg0, %c0_i32 : i32, i32
  }
  func.func @transform_4(%arg0: i32) -> (i32, i32) {
    %c0_i32 = arith.constant 0 : i32
    %c0_i32_0 = arith.constant 0 : i32
    %c0_i32_1 = arith.constant 0 : i32
    return %c0_i32, %c0_i32_0 : i32, i32
  }
  func.func @transform_5(%arg0: i32) -> (i32, i32) {
    %c0_i32 = arith.constant 0 : i32
    %c0_i32_0 = arith.constant 0 : i32
    %c0_i32_1 = arith.constant 0 : i32
    return %c0_i32, %c0_i32_0 : i32, i32
  }
  func.func @transform_6(%arg0: i32) -> (i32, i32) {
    %c0_i32 = arith.constant 0 : i32
    %c0_i32_0 = arith.constant 0 : i32
    return %arg0, %c0_i32 : i32, i32
  }
}

</mosaic_0001>

<sc_bundles>
// kernel: kernel.10.cloned.1.call-start
scs
__scs_entry_jumppad:
0x0: {  	(pc) =	sbr.rel $0x88, $3  }
0x1: {  	(tag) =	ssettag $0x0;
	lr =	simm.s32 $0x1  }
0x2: {  	[smem:$0x3F99] =	sst lr;
	_ =	strace $0xD0000000  }
0x3: {  	_ = 	snop  }
0x4: {  	_ = 	snop  }
0x5: {  	_ = 	snop  }
0x6: {  	_ = 	snop  }
0x7: {  	_ = 	snop  }
__scs_overlays_trampoline_lowered:
0x8: {  	[smem:$0x3FA8] =	sst s0  }
0x9: {  	[smem:$0x3FA9] =	sst s1  }
0xa: {  	[smem:$0x3FAA] =	sst s2  }
0xb: {  	[smem:$0x3FAB] =	sst s3  }
0xc: {  	[smem:$0x3FAC] =	sst s4  }
0xd: {  	[smem:$0x3FAD] =	sst s5  }
0xe: {  	[smem:$0x3FAE] =	sst s6  }
0xf: {  	[smem:$0x3FAF] =	sst s7  }
0x10: {  	[smem:$0x3FB0] =	sst s8  }
0x11: {  	[smem:$0x3FB1] =	sst s9;
	s0 =	simm.s32 @!p0 $0x0  }
0x12: {  	s1 =	sld [smem:$0x3F97];
	s0 =	simm.s32 @p0 $0x1  }
0x13: {  	[smem:$0x3FB2] =	sst s0;
	s0 =	simm.s32 @!p1 $0x0  }
0x14: {  	s2 =	sld [smem:$0x3F96];
	s0 =	simm.s32 @p1 $0x1  }
0x15: {  	[smem:$0x3FB3] =	sst s0;
	s0 =	simm.s32 @!p2 $0x0  }
0x16: {  	s3 =	sld [smem:$0x3FDB];
	s0 =	simm.s32 @p2 $0x1  }
0x17: {  	s4 =	simm.s32 $0x1BF5;
	[smem:$0x3FB5] =	sst s0  }
0x18: {  	s0 =	sld [smem:$0x3F98];
	_ =	swait.ge [sflag:s4], $0x0  }
0x19: {  	s7 =	sld [smem:$0x3F99]  }
0x1a: {  	s8 =	sadd.s32 $0xFFFFE003, lr  }
0x1b: {  	s9 =	sadd.s32 $0xFFFFFEF7, lr;
	s5 =	simm.s32 $0xFFFFFFFF;
	p2 =	slt.u32 s8, $0xFFFFF086  }
0x1c: {  	p1 =	slt.u32 s9, $0xF7A;
	s5 =	simm.s32 @!p2 $0x0  }
0x1d: {  	s5 =	simm.s32 @p1 $0x1;
	p0 =	seq.s32 s7, s2  }
0x1e: {  	s7 =	smul.u32 @!p0 $0xF7A, s2;
	p2 =	seq.s32 @!p0 s5, $0x0  }
0x1f: {  	s9 =	smul.u32 $0xF7A, s1;
	s8 =	simm.s32 @!p0 $0x1BF5;
	p2 =	por !p2, p0  }
0x20: {  	[sflag:s8] =	ssyncset.s32 @!p0 $0xFFFFF086;
	s6 =	sadd.s32 @!p0 s3, s7;
	s7 =	simm.s32 @!p0 $0x108  }
0x21: {  	s3 =	sadd.s32 s3, s9;
	s6 =	sadd.s32 @!p0 $0x88, s6;
	s7 =	simm.s32 @p2 $0x1082  }
0x22: {  	[simem:s7], [sflag:s8] =	dma.local @!p0 [hbm:s6], $0xF7A  }
0x23: {  	s9 =	sor.u32 $0xD0000000, s2;
	s6 =	simm.s32 $0x108;
	_ =	swait.ge @!p0 [sflag:s8], $0x0  }
0x24: {  	s3 =	sadd.s32 $0x88, s3;
	s6 =	simm.s32 @!p1 $0x1082;
	[sflag:s4] =	ssyncset.s32 $0xFFFFF086  }
0x25: {  	[simem:s6], [sflag:s4] =	dma.local [hbm:s3], $0xF7A  }
0x26: {  	[smem:$0x3F99] =	sst s1;
	(tag) =	ssettag s2;
	_ =	strace s9  }
0x27: {  	s1 =	sld [smem:$0x3FA9]  }
0x28: {  	s2 =	sld [smem:$0x3FAA]  }
0x29: {  	s4 =	sld [smem:$0x3FAC]  }
0x2a: {  	p0 =	seq.s32 s5, $0x0;
	s5 =	sld [smem:$0x3FAD]  }
0x2b: {  	s6 =	sld [smem:$0x3FAE]  }
0x2c: {  	s7 =	sld [smem:$0x3FAF]  }
0x2d: {  	s3 =	simm.s32 $0x108;
	s8 =	sld [smem:$0x3FB0]  }
0x2e: {  	s3 =	simm.s32 @!p0 $0x1082;
	s9 =	sld [smem:$0x3FB1]  }
0x2f: {  	lr =	sadd.s32 s0, s3;
	s0 =	sld [smem:$0x3FA8]  }
0x30: {  	s3 =	sld [smem:$0x3FAB]  }
0x31: {  	[smem:$0x3FB4] =	sst s10  }
0x32: {  	s10 =	sld [smem:$0x3FB2];
	_ =	sdelay $0x3  }
0x33: {  	p0 =	seq.s32 s10, $0x1;
	s10 =	sld [smem:$0x3FB4];
	_ =	sdelay $0x3  }
0x34: {  	[smem:$0x3FB4] =	sst s10  }
0x35: {  	s10 =	sld [smem:$0x3FB3];
	_ =	sdelay $0x3  }
0x36: {  	p1 =	seq.s32 s10, $0x1;
	s10 =	sld [smem:$0x3FB4];
	_ =	sdelay $0x3  }
0x37: {  	[smem:$0x3FB4] =	sst s10  }
0x38: {  	s10 =	sld [smem:$0x3FB5]  }
0x39: {  	_ = 	snop;
	(pc) =	sbr.ind lr, $3  }
0x3a: {  	_ = 	snop  }
0x3b: {  	_ = 	snop  }
0x3c: {  	p2 =	seq.s32 s10, $0x1;
	s10 =	sld [smem:$0x3FB4]  }
0x3d: {  	_ =	shalt  }
0x3e: {  	_ =	shalt  }
0x3f: {  	_ =	shalt  }
0x40: {  	_ =	shalt  }
0x41: {  	_ =	shalt  }
0x42: {  	_ =	shalt  }
0x43: {  	_ =	shalt  }
0x44: {  	_ =	shalt  }
0x45: {  	_ =	shalt  }
0x46: {  	_ =	shalt  }
0x47: {  	_ =	shalt  }
0x48: {  	_ =	shalt  }
0x49: {  	_ =	shalt  }
0x4a: {  	_ =	shalt  }
0x4b: {  	_ =	shalt  }
0x4c: {  	_ =	shalt  }
0x4d: {  	_ =	shalt  }
0x4e: {  	_ =	shalt  }
0x4f: {  	_ =	shalt  }
0x50: {  	_ =	shalt  }
0x51: {  	_ =	shalt  }
0x52: {  	_ =	shalt  }
0x53: {  	_ =	shalt  }
0x54: {  	_ =	shalt  }
0x55: {  	_ =	shalt  }
0x56: {  	_ =	shalt  }
0x57: {  	_ =	shalt  }
0x58: {  	_ =	shalt  }
0x59: {  	_ =	shalt  }
0x5a: {  	_ =	shalt  }
0x5b: {  	_ =	shalt  }
0x5c: {  	_ =	shalt  }
0x5d: {  	_ =	shalt  }
0x5e: {  	_ =	shalt  }
0x5f: {  	_ =	shalt  }
0x60: {  	_ =	shalt  }
0x61: {  	_ =	shalt  }
0x62: {  	_ =	shalt  }
0x63: {  	_ =	shalt  }
0x64: {  	_ =	shalt  }
0x65: {  	_ =	shalt  }
0x66: {  	_ =	shalt  }
0x67: {  	_ =	shalt  }
0x68: {  	_ =	shalt  }
0x69: {  	_ =	shalt  }
0x6a: {  	_ =	shalt  }
0x6b: {  	_ =	shalt  }
0x6c: {  	_ =	shalt  }
0x6d: {  	_ =	shalt  }
0x6e: {  	_ =	shalt  }
0x6f: {  	_ =	shalt  }
0x70: {  	_ =	shalt  }
0x71: {  	_ =	shalt  }
0x72: {  	_ =	shalt  }
0x73: {  	_ =	shalt  }
0x74: {  	_ =	shalt  }
0x75: {  	_ =	shalt  }
0x76: {  	_ =	shalt  }
0x77: {  	_ =	shalt  }
0x78: {  	_ =	shalt  }
0x79: {  	_ =	shalt  }
0x7a: {  	_ =	shalt  }
0x7b: {  	_ =	shalt  }
0x7c: {  	_ =	shalt  }
0x7d: {  	_ =	shalt  }
0x7e: {  	_ =	shalt  }
0x7f: {  	_ =	shalt  }
0x80: {  	_ =	shalt  }
0x81: {  	_ =	shalt  }
0x82: {  	_ =	shalt  }
0x83: {  	_ =	shalt  }
0x84: {  	_ =	shalt  }
0x85: {  	_ =	shalt  }
0x86: {  	_ =	shalt  }
0x87: {  	_ =	shalt  }
.Lfunc_end0:
.L_simem_size_0:
called_computation_lowered:
.L_overlay_start_0:
0x88: {  	s2 =	sld [smem:$0x3FD9]  }
0x89: {  	s3 =	sld [smem:$0x3FFE];
	_ =	sdelay $0x1  }
0x8a: {  	s1 =	srdreg.scid  }
0x8b: {  	s0 =	sand.u32 $0x1, s1  }
0x8c: {  	s16 =	sshll.u32 s0, $0xA;
	s2 =	sadd.s32 s3, s2  }
0x8d: {  	s2 =	sadd.s32 s2, s16  }
0x8e: {  	[smem:$0x3FC0] =	sst s2  }
0x8f: {  	_ = 	snop  }
0x90: {  	(tm) =	ssettm $0x1  }
0x91: {  	s17 =	sld [smem:$0x3FFB];
	_ =	sdelay $0x3  }
0x92: {  	_ =	strace s17  }
0x93: {  	s2 =	sld [smem:$0x3FFC];
	_ =	sdelay $0x3  }
0x94: {  	_ =	strace s2  }
0x95: {  	s2 =	sld [smem:$0x3FFD];
	_ =	sdelay $0x3  }
0x96: {  	_ =	strace s2  }
0x97: {  	_ =	strace $0x8FFFFFFF  }
0x98: {  	s18 =	sld [smem:$0x3FDB];
	_ =	sdelay $0x1  }
0x99: {  	s19 =	simm.s32 $_scs_section_size  }
0x9a: {  	s4 =	simm.s32 $_size__tile_overlayer_lowered;
	s5 =	simm.s32 $_tile_overlayer_lowered  }
0x9b: {  	s22 =	simm.s32 $0x1BFF;
	s21 =	sshll.u32 s5, $0x1;
	s2 =	sadd.s32 s19, s18  }
0x9c: {  	s6 =	simm.s32 $0x0;
	s20 =	sshll.u32 s4, $0x1;
	s4 =	sadd.s32 s21, s2  }
0x9d: {  	[timem:s6], [sflag:s22] =	dma.local [hbm:s4], s20  }
0x9e: {  	_ =	swait.ge [sflag:s22], s20  }
0x9f: {  	s3 =	ssub.s32 $0x0, s20;
	[sflag:s22] =	ssyncset.done $0x0  }
0xa0: {  	[sflag:s22] =	ssyncadd.s32 s3;
	_ =	sdelay $0x1  }
0xa1: {  	s23 =	simm.s32 $0x1B8B  }
0xa2: {  	_ =	swait.ge [sflag:s23], $0x1  }
0xa3: {  	[sflag:s23] =	ssyncset.done $0x0  }
0xa4: {  	s25 =	simm.s32 $0x1B8E;
	s24 =	sld [smem:$0x3FFE];
	[sflag:s23] =	ssyncadd.s32 $0xFFFFFFFF  }
0xa5: {  	s26 =	simm.s32 $execute0_lowered;
	[smem:$0x3FD2] =	sst s25  }
0xa6: {  	s4 =	sshll.u32 s26, $0x1;
	_ =	strace $0x80000046;
	[dreg:$0x1] =	wrdreg $0xFFFFFFFF  }
0xa7: {  	s28 =	simm.s32 $_size_execute0_lowered;
	s2 =	sadd.s32 s2, s4;
	[dreg:$0x0] =	wrdreg $0x0  }
0xa8: {  	s4 =	sshll.u32 s28, $0x1;
	[dreg:$0x2] =	wrdreg s2  }
0xa9: {  	[dreg:$0x3] =	wrdreg s4  }
0xaa: {  	[dreg:$0x4] =	wrdreg $0xC0  }
0xab: {  	_ =	task [dreg:s6], $0x5FFFF  }
0xac: {  	[dreg:$0x1] =	wrdreg $0xFFFFFFFF  }
0xad: {  	[dreg:$0x0] =	wrdreg $0x60  }
0xae: {  	[dreg:$0x2] =	wrdreg s24  }
0xaf: {  	[dreg:$0x3] =	wrdreg $0x54000  }
0xb0: {  	[dreg:$0x4] =	wrdreg $0x9  }
0xb1: {  	_ =	task.clear_ibuf [dreg:s6], $0x5FFFF;
	_ =	strace $0x90000046  }
0xb2: {  	s29 =	simm.s32 $0x9;
	_ =	strace $0x80000048  }
0xb3: {  	_ =	swait.ge [sflag:s29], $0x1  }
0xb4: {  	[sflag:s29] =	ssyncadd.s32 $0xFFFFFFFF  }
0xb5: {  	_ =	strace $0x90000048  }
0xb6: {  	_ =	sfence  }
0xb7: {  	s30 =	sld [smem:$0x0];
	_ =	sdelay $0x2  }
0xb8: {  	s31 =	sshll.u32 s1, $0xD;
	s1 =	sshrl.u32 s1, $0x2  }
0xb9: {  	s3 =	sand.u32 $0x4000, s31;
	s1 =	sadd.s32 s1, s30  }
0xba: {  	s0 =	sor.u32 s3, s0;
	s1 =	sshll.u32 s1, $0x11  }
0xbb: {  	s0 =	sor.u32 s1, s0  }
0xbc: {  	s0 =	sadd.s32 $0x8F2B, s0  }
0xbd: {  	[sflag:s0] =	ssyncadd.remote.s32 $0x1  }
0xbe: {  	_ =	sfence.sel $0xFFFF  }
0xbf: {  	[dreg:$0x0] =	wrdreg $0xFFFFFFFF;
	(pc) =	sbr.abs _section_cstart, $3  }
0xc0: {  	[dreg:$0x1] =	wrdreg $0xFFFFFFFF  }
0xc1: {  	_ =	task.clear_ibuf [dreg:s6], $0x2FFFF;
	_ =	strace $0x9FFFFFFF  }
0xc2: {  	(tm) =	ssettm $0x7FFFFFFF  }
0xc3: {  	_ =	shalt  }
tec
execute0_lowered:
.L_overlay_start_1:
0x0: {  	(tag) =	ssettag $0x1  }
0x1: {  	s5 =	rddreg [dreg:$0x0];
	s1 =	srdreg.scid  }
0x2: {  	s0 =	stileid.u32;
	s2 =	rddreg [dreg:$0x1];
	s3 =	simm.s32 $0x0  }
0x3: {  	s21 =	simm.s32 $0x1;
	s22 =	simm.s32 $0x2;
	s23 =	simm.s32 $0x0  }
0x4: {  	s7 =	sand.u32 $0x1, s1;
	s1 =	rddreg [dreg:$0x2];
	s8 =	smul.u32 $0x4F000, s0  }
0x5: {  	s4 =	sshll.u32 s0, $0x1;
	[smem:$0x7FF] =	sst s3;
	s11 =	smul.u32 $0x13C00, s0  }
0x6: {  	s16 =	sadd.s32 $0x40000, s5;
	s4 =	sor.u32 s7, s4;
	s19 =	smul.u32 $0x13C000, s7  }
0x7: {  	_ =	strace $0x80000047;
	s9 =	ssub.s32 $0x2, s7;
	s6 =	smul.u32 $0x2800, s4  }
0x8: {  	s4 =	sadd.s32 $0x18800, s5;
	s29 =	sshrl.u32 s9, $0x1;
	s30 =	sshrl.u32 s8, $0x2  }
0x9: {  	s13 =	sadd.s32 $0x4000, s11;
	s14 =	sadd.s32 $0x8000, s11;
	s15 =	sadd.s32 $0xC000, s11  }
0xa: {  	s18 =	sadd.s32 $0x10000, s11;
	s17 =	ssub.s32 s9, s29;
	s7 =	sadd.s32 s14, s2  }
0xb: {  	s8 =	sadd.s32 s15, s2;
	s9 =	sadd.s32 s18, s2;
	s20 =	sadd.s32 s11, s19  }
0xc: {  	s14 =	sadd.s32 s19, s14;
	s15 =	sadd.s32 s19, s15;
	s18 =	sadd.s32 s19, s18  }
0xd: {  	s6 =	sshrl.u32 s6, $0x3;
	s31 =	sshrl.u32 s20, $0x3;
	s14 =	sshrl.u32 s14, $0x3  }
0xe: {  	s15 =	sshrl.u32 s15, $0x3;
	s18 =	sshrl.u32 s18, $0x3;
	s17 =	smax.u32 s17, $0x1  }
0xf: {  	s20 =	simm.s32 $0x80;
	s12 =	sadd.s32 s6, s5;
	s5 =	sadd.s32 s30, s2  }
0x10: {  	s6 =	sadd.s32 s13, s2;
	s13 =	sadd.s32 s19, s13;
	s14 =	sadd.s32 s16, s14  }
0x11: {  	s15 =	sadd.s32 s16, s15;
	s19 =	simm.s32 $0x3;
	s10 =	sadd.s32 $0xE800, s12  }
0x12: {  	s11 =	sadd.s32 $0xEA80, s12;
	s13 =	sshrl.u32 s13, $0x3;
	s12 =	sadd.s32 s16, s31  }
0x13: {  	s13 =	sadd.s32 s16, s13;
	s16 =	sadd.s32 s16, s18;
	s18 =	simm.s32 $0x1400  }
.LBB2_1:
0x14: {  	[tilespmem:s18], [sflag:$0x3] =	stream.linear.gather [hbm4b:s4+s3], $0x4000, $0x38;
	[tilespmem:$0x19000] =	vst v63  }
0x15: {  	_ =	swait.ge [sflag:s19], $0x4000  }
0x16: {  	[sflag:s19] =	ssyncset.done $0x0  }
0x17: {  	[sflag:s19] =	ssyncadd.s32 $0xFFFFC000  }
0x18: {  	[spmem:s5] =	stream.linear.scatter [tilespmem:s18], [sflag:$0x3], $0x4000, $0x38;
	[tilespmem:$0x19000] =	vst v63  }
0x19: {  	_ =	swait.ge [sflag:s19], $0x4000  }
0x1a: {  	[sflag:s19] =	ssyncset.done $0x0  }
0x1b: {  	[sflag:s19] =	ssyncadd.s32 $0xFFFFC000  }
0x1c: {  	[spmem:s6] =	stream.linear.scatter [tilespmem:s18], [sflag:$0x3], $0x4000, $0x38;
	[tilespmem:$0x19000] =	vst v63  }
0x1d: {  	_ =	swait.ge [sflag:s19], $0x4000  }
0x1e: {  	[sflag:s19] =	ssyncset.done $0x0  }
0x1f: {  	[sflag:s19] =	ssyncadd.s32 $0xFFFFC000  }
0x20: {  	[spmem:s7] =	stream.linear.scatter [tilespmem:s18], [sflag:$0x3], $0x4000, $0x38;
	[tilespmem:$0x19000] =	vst v63  }
0x21: {  	_ =	swait.ge [sflag:s19], $0x4000  }
0x22: {  	[sflag:s19] =	ssyncset.done $0x0  }
0x23: {  	[sflag:s19] =	ssyncadd.s32 $0xFFFFC000  }
0x24: {  	[spmem:s8] =	stream.linear.scatter [tilespmem:s18], [sflag:$0x3], $0x4000, $0x38;
	[tilespmem:$0x19000] =	vst v63  }
0x25: {  	_ =	swait.ge [sflag:s19], $0x4000  }
0x26: {  	[sflag:s19] =	ssyncset.done $0x0  }
0x27: {  	[sflag:s19] =	ssyncadd.s32 $0xFFFFC000  }
0x28: {  	[spmem:s9] =	stream.linear.scatter [tilespmem:s18], [sflag:$0x3], $0x3C00, $0x38;
	[tilespmem:$0x19000] =	vst v63  }
0x29: {  	_ =	swait.ge [sflag:s19], $0x3C00  }
0x2a: {  	[sflag:s19] =	ssyncset.done $0x0  }
0x2b: {  	[sflag:s19] =	ssyncadd.s32 $0xFFFFC400  }
0x2c: {  	[bflag:$0x0] =	sbarrier.arrive $0xFFFF  }
0x2d: {  	[tilespmem:s3], [sflag:$0x3] =	stream.linear.gather [hbm4b:s10+s3], $0x1400, $0x38;
	[tilespmem:$0x19000] =	vst v63  }
0x2e: {  	_ =	swait.ge [sflag:s19], $0x1400  }
0x2f: {  	[sflag:s19] =	ssyncset.done $0x0  }
0x30: {  	[sflag:s19] =	ssyncadd.s32 $0xFFFFEC00  }
0x31: {  	[spmem:s2] =	stream.indirect.scatter.add.f32 [tilespmem:s18], [sflag:$0x1], $0x80, s3, s20, $0xb8;
	[tilespmem:$0x19000] =	vst v63  }
0x32: {  	_ = 	snop  }
0x33: {  	[spmem:s2] =	stream.indirect.scatter.add.f32 [tilespmem:s18], [sflag:$0x2], $0x80, s20, s20, $0xb8;
	[tilespmem:$0x19000] =	vst v63  }
0x34: {  	_ =	swait.ge [sflag:s21], $0x4000  }
0x35: {  	[sflag:s21] =	ssyncset.done $0x0  }
0x36: {  	s24 =	simm.s32 $0x100;
	[sflag:s21] =	ssyncadd.s32 $0xFFFFC000  }
0x37: {  	[spmem:s2] =	stream.indirect.scatter.add.f32 [tilespmem:s18], [sflag:$0x1], $0x80, s24, s20, $0xb8;
	[tilespmem:$0x19000] =	vst v63  }
0x38: {  	_ =	swait.ge [sflag:s22], $0x4000  }
0x39: {  	[sflag:s22] =	ssyncset.done $0x0  }
0x3a: {  	s25 =	simm.s32 $0x180;
	s24 =	simm.s32 $0xFFFFB800;
	[sflag:s22] =	ssyncadd.s32 $0xFFFFC000  }
.LBB2_2:
0x3b: {  	[spmem:s2] =	stream.indirect.scatter.add.f32 [tilespmem:s18], [sflag:$0x2], $0x80, s25, s20, $0xb8;
	[tilespmem:$0x19000] =	vst v63  }
0x3c: {  	s25 =	smov.u32 s24  }
0x3d: {  	p0 =	sne.s32 s24, $0xFFFFFC00;
	s24 =	sadd.s32 $0x400, s24;
	_ =	swait.ge [sflag:s21], $0x4000  }
0x3e: {  	s25 =	sshra.s32 s25, $0x2;
	[sflag:s21] =	ssyncset.done $0x0  }
.Ltmp0:
0x3f: {  	s26 =	sadd.s32 $0x1400, s25;
	[sflag:s21] =	ssyncadd.s32 $0xFFFFC000;
	(pc) =	sbr.rel @p0 .LBB2_2-.Ltmp0, $4  }
0x40: {  	[spmem:s2] =	stream.indirect.scatter.add.f32 [tilespmem:s18], [sflag:$0x1], $0x80, s26, s20, $0xb8;
	[tilespmem:$0x19000] =	vst v63  }
0x41: {  	_ =	swait.ge [sflag:s22], $0x4000  }
0x42: {  	[sflag:s22] =	ssyncset.done $0x0  }
0x43: {  	s25 =	sadd.s32 $0x1480, s25;
	[sflag:s22] =	ssyncadd.s32 $0xFFFFC000  }
0x44: {  	[spmem:s2] =	stream.indirect.scatter.add.f32 [tilespmem:s18], [sflag:$0x2], $0x80, s25, s20, $0xb8;
	[tilespmem:$0x19000] =	vst v63  }
0x45: {  	_ =	swait.ge [sflag:s21], $0x4000  }
0x46: {  	[sflag:s21] =	ssyncset.done $0x0  }
0x47: {  	[sflag:s21] =	ssyncadd.s32 $0xFFFFC000  }
0x48: {  	_ =	swait.ge [sflag:s22], $0x4000  }
0x49: {  	[sflag:s22] =	ssyncset.done $0x0  }
0x4a: {  	[sflag:s22] =	ssyncadd.s32 $0xFFFFC000  }
0x4b: {  	[tilespmem:s3], [sflag:$0x3] =	stream.linear.gather [hbm4b:s11+s3], $0x1400, $0x38;
	[tilespmem:$0x19000] =	vst v63  }
0x4c: {  	_ =	swait.ge [sflag:s19], $0x1400  }
0x4d: {  	[sflag:s19] =	ssyncset.done $0x0  }
0x4e: {  	[sflag:s19] =	ssyncadd.s32 $0xFFFFEC00  }
0x4f: {  	[spmem:s2] =	stream.indirect.scatter.add.f32 [tilespmem:s18], [sflag:$0x1], $0x80, s3, s20, $0xb8;
	[tilespmem:$0x19000] =	vst v63  }
0x50: {  	_ = 	snop  }
0x51: {  	[spmem:s2] =	stream.indirect.scatter.add.f32 [tilespmem:s18], [sflag:$0x2], $0x80, s20, s20, $0xb8;
	[tilespmem:$0x19000] =	vst v63  }
0x52: {  	_ =	swait.ge [sflag:s21], $0x4000  }
0x53: {  	[sflag:s21] =	ssyncset.done $0x0  }
0x54: {  	s24 =	simm.s32 $0x100;
	[sflag:s21] =	ssyncadd.s32 $0xFFFFC000  }
0x55: {  	[spmem:s2] =	stream.indirect.scatter.add.f32 [tilespmem:s18], [sflag:$0x1], $0x80, s24, s20, $0xb8;
	[tilespmem:$0x19000] =	vst v63  }
0x56: {  	_ =	swait.ge [sflag:s22], $0x4000  }
0x57: {  	[sflag:s22] =	ssyncset.done $0x0  }
0x58: {  	s25 =	simm.s32 $0x180;
	s24 =	simm.s32 $0xFFFFB800;
	[sflag:s22] =	ssyncadd.s32 $0xFFFFC000  }
.LBB2_4:
0x59: {  	[spmem:s2] =	stream.indirect.scatter.add.f32 [tilespmem:s18], [sflag:$0x2], $0x80, s25, s20, $0xb8;
	[tilespmem:$0x19000] =	vst v63  }
0x5a: {  	s25 =	smov.u32 s24  }
0x5b: {  	p0 =	sne.s32 s24, $0xFFFFFC00;
	s24 =	sadd.s32 $0x400, s24;
	_ =	swait.ge [sflag:s21], $0x4000  }
0x5c: {  	s25 =	sshra.s32 s25, $0x2;
	[sflag:s21] =	ssyncset.done $0x0  }
.Ltmp1:
0x5d: {  	s26 =	sadd.s32 $0x1400, s25;
	[sflag:s21] =	ssyncadd.s32 $0xFFFFC000;
	(pc) =	sbr.rel @p0 .LBB2_4-.Ltmp1, $4  }
0x5e: {  	[spmem:s2] =	stream.indirect.scatter.add.f32 [tilespmem:s18], [sflag:$0x1], $0x80, s26, s20, $0xb8;
	[tilespmem:$0x19000] =	vst v63  }
0x5f: {  	_ =	swait.ge [sflag:s22], $0x4000  }
0x60: {  	[sflag:s22] =	ssyncset.done $0x0  }
0x61: {  	s25 =	sadd.s32 $0x1480, s25;
	[sflag:s22] =	ssyncadd.s32 $0xFFFFC000  }
0x62: {  	[spmem:s2] =	stream.indirect.scatter.add.f32 [tilespmem:s18], [sflag:$0x2], $0x80, s25, s20, $0xb8;
	[tilespmem:$0x19000] =	vst v63  }
0x63: {  	_ =	swait.ge [sflag:s21], $0x4000  }
0x64: {  	[sflag:s21] =	ssyncset.done $0x0  }
0x65: {  	[sflag:s21] =	ssyncadd.s32 $0xFFFFC000  }
0x66: {  	_ =	swait.ge [sflag:s22], $0x4000  }
0x67: {  	[sflag:s22] =	ssyncset.done $0x0  }
0x68: {  	[sflag:s22] =	ssyncadd.s32 $0xFFFFC000  }
0x69: {  	[bflag:$0x0] =	sbarrier.arrive $0xFFFF  }
0x6a: {  	[tilespmem:s18], [sflag:$0x3] =	stream.linear.gather [spmem:s5], $0x4000, $0x38;
	[tilespmem:$0x19000] =	vst v63  }
0x6b: {  	_ =	swait.ge [sflag:s19], $0x4000  }
0x6c: {  	[sflag:s19] =	ssyncset.done $0x0  }
0x6d: {  	[sflag:s19] =	ssyncadd.s32 $0xFFFFC000  }
0x6e: {  	[hbm4b:s12+s3] =	stream.linear.scatter [tilespmem:s18], [sflag:$0x3], $0x4000, $0x38;
	[tilespmem:$0x19000] =	vst v63  }
0x6f: {  	_ =	swait.ge [sflag:s19], $0x4000  }
0x70: {  	[sflag:s19] =	ssyncset.done $0x0  }
0x71: {  	[sflag:s19] =	ssyncadd.s32 $0xFFFFC000  }
0x72: {  	[tilespmem:s18], [sflag:$0x3] =	stream.linear.gather [spmem:s6], $0x4000, $0x38;
	[tilespmem:$0x19000] =	vst v63  }
0x73: {  	_ =	swait.ge [sflag:s19], $0x4000  }
0x74: {  	[sflag:s19] =	ssyncset.done $0x0  }
0x75: {  	[sflag:s19] =	ssyncadd.s32 $0xFFFFC000  }
0x76: {  	[hbm4b:s13+s3] =	stream.linear.scatter [tilespmem:s18], [sflag:$0x3], $0x4000, $0x38;
	[tilespmem:$0x19000] =	vst v63  }
0x77: {  	_ =	swait.ge [sflag:s19], $0x4000  }
0x78: {  	[sflag:s19] =	ssyncset.done $0x0  }
0x79: {  	[sflag:s19] =	ssyncadd.s32 $0xFFFFC000  }
0x7a: {  	[tilespmem:s18], [sflag:$0x3] =	stream.linear.gather [spmem:s7], $0x4000, $0x38;
	[tilespmem:$0x19000] =	vst v63  }
0x7b: {  	_ =	swait.ge [sflag:s19], $0x4000  }
0x7c: {  	[sflag:s19] =	ssyncset.done $0x0  }
0x7d: {  	[sflag:s19] =	ssyncadd.s32 $0xFFFFC000  }
0x7e: {  	[hbm4b:s14+s3] =	stream.linear.scatter [tilespmem:s18], [sflag:$0x3], $0x4000, $0x38;
	[tilespmem:$0x19000] =	vst v63  }
0x7f: {  	_ =	swait.ge [sflag:s19], $0x4000  }
0x80: {  	[sflag:s19] =	ssyncset.done $0x0  }
0x81: {  	[sflag:s19] =	ssyncadd.s32 $0xFFFFC000  }
0x82: {  	[tilespmem:s18], [sflag:$0x3] =	stream.linear.gather [spmem:s8], $0x4000, $0x38;
	[tilespmem:$0x19000] =	vst v63  }
0x83: {  	_ =	swait.ge [sflag:s19], $0x4000  }
0x84: {  	[sflag:s19] =	ssyncset.done $0x0  }
0x85: {  	[sflag:s19] =	ssyncadd.s32 $0xFFFFC000  }
0x86: {  	[hbm4b:s15+s3] =	stream.linear.scatter [tilespmem:s18], [sflag:$0x3], $0x4000, $0x38;
	[tilespmem:$0x19000] =	vst v63  }
0x87: {  	_ =	swait.ge [sflag:s19], $0x4000  }
0x88: {  	[sflag:s19] =	ssyncset.done $0x0  }
0x89: {  	[sflag:s19] =	ssyncadd.s32 $0xFFFFC000  }
0x8a: {  	[tilespmem:s18], [sflag:$0x3] =	stream.linear.gather [spmem:s9], $0x3C00, $0x38;
	[tilespmem:$0x19000] =	vst v63  }
0x8b: {  	s23 =	sadd.s32 $0x1, s23;
	_ =	swait.ge [sflag:s19], $0x3C00  }
0x8c: {  	p0 =	sne.s32 s23, s17;
	[sflag:s19] =	ssyncset.done $0x0  }
.Ltmp2:
0x8d: {  	[sflag:s19] =	ssyncadd.s32 $0xFFFFC400;
	(pc) =	sbr.rel @p0 .LBB2_1-.Ltmp2, $4  }
0x8e: {  	[hbm4b:s16+s3] =	stream.linear.scatter [tilespmem:s18], [sflag:$0x3], $0x3C00, $0x38;
	[tilespmem:$0x19000] =	vst v63  }
0x8f: {  	_ =	swait.ge [sflag:s19], $0x3C00  }
0x90: {  	[sflag:s19] =	ssyncset.done $0x0  }
0x91: {  	[sflag:s19] =	ssyncadd.s32 $0xFFFFC400  }
0x92: {  	_ =	sfence.sel $0x180000  }
0x93: {  	[bflag:$0x0] =	sbarrier.arrive $0xFFFF  }
0x94: {  	p0 =	sne.s32 s0, $0x0;
	_ =	strace $0x90000047  }
0x95: {  	s0 =	sadd.s32 @!p0 $0x100000, s1;
	[bflag:$0x2] =	sbarrier.arrive $0xFFFF  }
0x96: {  	[sflag:s0] =	ssyncadd.tile.s32 @!p0 $0x1;
	_ =	shalt  }
.Lfunc_end2:
_tile_overlayer_lowered:
.L_overlay_start_2:
0x97: {  	(tag) =	ssettag $0x2  }
0x98: {  	s0 =	rddreg [dreg:$0x0];
	s2 =	stileid.u32  }
0x99: {  	s1 =	rddreg [dreg:$0x1];
	p0 =	sne.s32 s2, $0x0  }
0x9a: {  	s3 =	rddreg [dreg:$0x2];
	[bflag:$0x3] =	sbarrier.arrive $0xFFFF;
	s2 =	simm.s32 @!p0 $0x1C03  }
0x9b: {  	[timem:s3], [sflag:s2] =	dma.local @!p0 [hbm:s0], s1  }
0x9c: {  	s0 =	simm.s32 @!p0 $0x3  }
0x9d: {  	_ =	swait.ge @!p0 [sflag:s0], s1  }
0x9e: {  	s1 =	ssub.s32 @!p0 $0x0, s1;
	[sflag:s0] =	ssyncset.done @!p0 $0x0  }
0x9f: {  	[sflag:s0] =	ssyncadd.s32 @!p0 s1  }
0xa0: {  	[bflag:$0x3] =	sbarrier.arrive $0xFFFF  }
0xa1: {  	_ =	shalt  }

// kernel: kernel.13.cloned.1.call-start
scs
__scs_entry_jumppad:
0x0: {  	(pc) =	sbr.rel $0x88, $3  }
0x1: {  	(tag) =	ssettag $0x0;
	lr =	simm.s32 $0x1  }
0x2: {  	[smem:$0x3F99] =	sst lr;
	_ =	strace $0xD0000000  }
0x3: {  	_ = 	snop  }
0x4: {  	_ = 	snop  }
0x5: {  	_ = 	snop  }
0x6: {  	_ = 	snop  }
0x7: {  	_ = 	snop  }
__scs_overlays_trampoline_lowered:
0x8: {  	[smem:$0x3FA8] =	sst s0  }
0x9: {  	[smem:$0x3FA9] =	sst s1  }
0xa: {  	[smem:$0x3FAA] =	sst s2  }
0xb: {  	[smem:$0x3FAB] =	sst s3  }
0xc: {  	[smem:$0x3FAC] =	sst s4  }
0xd: {  	[smem:$0x3FAD] =	sst s5  }
0xe: {  	[smem:$0x3FAE] =	sst s6  }
0xf: {  	[smem:$0x3FAF] =	sst s7  }
0x10: {  	[smem:$0x3FB0] =	sst s8  }
0x11: {  	[smem:$0x3FB1] =	sst s9;
	s0 =	simm.s32 @!p0 $0x0  }
0x12: {  	s1 =	sld [smem:$0x3F97];
	s0 =	simm.s32 @p0 $0x1  }
0x13: {  	[smem:$0x3FB2] =	sst s0;
	s0 =	simm.s32 @!p1 $0x0  }
0x14: {  	s2 =	sld [smem:$0x3F96];
	s0 =	simm.s32 @p1 $0x1  }
0x15: {  	[smem:$0x3FB3] =	sst s0;
	s0 =	simm.s32 @!p2 $0x0  }
0x16: {  	s3 =	sld [smem:$0x3FDB];
	s0 =	simm.s32 @p2 $0x1  }
0x17: {  	s4 =	simm.s32 $0x1BF5;
	[smem:$0x3FB5] =	sst s0  }
0x18: {  	s0 =	sld [smem:$0x3F98];
	_ =	swait.ge [sflag:s4], $0x0  }
0x19: {  	s7 =	sld [smem:$0x3F99]  }
0x1a: {  	s8 =	sadd.s32 $0xFFFFE003, lr  }
0x1b: {  	s9 =	sadd.s32 $0xFFFFFEF7, lr;
	s5 =	simm.s32 $0xFFFFFFFF;
	p2 =	slt.u32 s8, $0xFFFFF086  }
0x1c: {  	p1 =	slt.u32 s9, $0xF7A;
	s5 =	simm.s32 @!p2 $0x0  }
0x1d: {  	s5 =	simm.s32 @p1 $0x1;
	p0 =	seq.s32 s7, s2  }
0x1e: {  	s7 =	smul.u32 @!p0 $0xF7A, s2;
	p2 =	seq.s32 @!p0 s5, $0x0  }
0x1f: {  	s9 =	smul.u32 $0xF7A, s1;
	s8 =	simm.s32 @!p0 $0x1BF5;
	p2 =	por !p2, p0  }
0x20: {  	[sflag:s8] =	ssyncset.s32 @!p0 $0xFFFFF086;
	s6 =	sadd.s32 @!p0 s3, s7;
	s7 =	simm.s32 @!p0 $0x108  }
0x21: {  	s3 =	sadd.s32 s3, s9;
	s6 =	sadd.s32 @!p0 $0x88, s6;
	s7 =	simm.s32 @p2 $0x1082  }
0x22: {  	[simem:s7], [sflag:s8] =	dma.local @!p0 [hbm:s6], $0xF7A  }
0x23: {  	s9 =	sor.u32 $0xD0000000, s2;
	s6 =	simm.s32 $0x108;
	_ =	swait.ge @!p0 [sflag:s8], $0x0  }
0x24: {  	s3 =	sadd.s32 $0x88, s3;
	s6 =	simm.s32 @!p1 $0x1082;
	[sflag:s4] =	ssyncset.s32 $0xFFFFF086  }
0x25: {  	[simem:s6], [sflag:s4] =	dma.local [hbm:s3], $0xF7A  }
0x26: {  	[smem:$0x3F99] =	sst s1;
	(tag) =	ssettag s2;
	_ =	strace s9  }
0x27: {  	s1 =	sld [smem:$0x3FA9]  }
0x28: {  	s2 =	sld [smem:$0x3FAA]  }
0x29: {  	s4 =	sld [smem:$0x3FAC]  }
0x2a: {  	p0 =	seq.s32 s5, $0x0;
	s5 =	sld [smem:$0x3FAD]  }
0x2b: {  	s6 =	sld [smem:$0x3FAE]  }
0x2c: {  	s7 =	sld [smem:$0x3FAF]  }
0x2d: {  	s3 =	simm.s32 $0x108;
	s8 =	sld [smem:$0x3FB0]  }
0x2e: {  	s3 =	simm.s32 @!p0 $0x1082;
	s9 =	sld [smem:$0x3FB1]  }
0x2f: {  	lr =	sadd.s32 s0, s3;
	s0 =	sld [smem:$0x3FA8]  }
0x30: {  	s3 =	sld [smem:$0x3FAB]  }
0x31: {  	[smem:$0x3FB4] =	sst s10  }
0x32: {  	s10 =	sld [smem:$0x3FB2];
	_ =	sdelay $0x3  }
0x33: {  	p0 =	seq.s32 s10, $0x1;
	s10 =	sld [smem:$0x3FB4];
	_ =	sdelay $0x3  }
0x34: {  	[smem:$0x3FB4] =	sst s10  }
0x35: {  	s10 =	sld [smem:$0x3FB3];
	_ =	sdelay $0x3  }
0x36: {  	p1 =	seq.s32 s10, $0x1;
	s10 =	sld [smem:$0x3FB4];
	_ =	sdelay $0x3  }
0x37: {  	[smem:$0x3FB4] =	sst s10  }
0x38: {  	s10 =	sld [smem:$0x3FB5]  }
0x39: {  	_ = 	snop;
	(pc) =	sbr.ind lr, $3  }
0x3a: {  	_ = 	snop  }
0x3b: {  	_ = 	snop  }
0x3c: {  	p2 =	seq.s32 s10, $0x1;
	s10 =	sld [smem:$0x3FB4]  }
0x3d: {  	_ =	shalt  }
0x3e: {  	_ =	shalt  }
0x3f: {  	_ =	shalt  }
0x40: {  	_ =	shalt  }
0x41: {  	_ =	shalt  }
0x42: {  	_ =	shalt  }
0x43: {  	_ =	shalt  }
0x44: {  	_ =	shalt  }
0x45: {  	_ =	shalt  }
0x46: {  	_ =	shalt  }
0x47: {  	_ =	shalt  }
0x48: {  	_ =	shalt  }
0x49: {  	_ =	shalt  }
0x4a: {  	_ =	shalt  }
0x4b: {  	_ =	shalt  }
0x4c: {  	_ =	shalt  }
0x4d: {  	_ =	shalt  }
0x4e: {  	_ =	shalt  }
0x4f: {  	_ =	shalt  }
0x50: {  	_ =	shalt  }
0x51: {  	_ =	shalt  }
0x52: {  	_ =	shalt  }
0x53: {  	_ =	shalt  }
0x54: {  	_ =	shalt  }
0x55: {  	_ =	shalt  }
0x56: {  	_ =	shalt  }
0x57: {  	_ =	shalt  }
0x58: {  	_ =	shalt  }
0x59: {  	_ =	shalt  }
0x5a: {  	_ =	shalt  }
0x5b: {  	_ =	shalt  }
0x5c: {  	_ =	shalt  }
0x5d: {  	_ =	shalt  }
0x5e: {  	_ =	shalt  }
0x5f: {  	_ =	shalt  }
0x60: {  	_ =	shalt  }
0x61: {  	_ =	shalt  }
0x62: {  	_ =	shalt  }
0x63: {  	_ =	shalt  }
0x64: {  	_ =	shalt  }
0x65: {  	_ =	shalt  }
0x66: {  	_ =	shalt  }
0x67: {  	_ =	shalt  }
0x68: {  	_ =	shalt  }
0x69: {  	_ =	shalt  }
0x6a: {  	_ =	shalt  }
0x6b: {  	_ =	shalt  }
0x6c: {  	_ =	shalt  }
0x6d: {  	_ =	shalt  }
0x6e: {  	_ =	shalt  }
0x6f: {  	_ =	shalt  }
0x70: {  	_ =	shalt  }
0x71: {  	_ =	shalt  }
0x72: {  	_ =	shalt  }
0x73: {  	_ =	shalt  }
0x74: {  	_ =	shalt  }
0x75: {  	_ =	shalt  }
0x76: {  	_ =	shalt  }
0x77: {  	_ =	shalt  }
0x78: {  	_ =	shalt  }
0x79: {  	_ =	shalt  }
0x7a: {  	_ =	shalt  }
0x7b: {  	_ =	shalt  }
0x7c: {  	_ =	shalt  }
0x7d: {  	_ =	shalt  }
0x7e: {  	_ =	shalt  }
0x7f: {  	_ =	shalt  }
0x80: {  	_ =	shalt  }
0x81: {  	_ =	shalt  }
0x82: {  	_ =	shalt  }
0x83: {  	_ =	shalt  }
0x84: {  	_ =	shalt  }
0x85: {  	_ =	shalt  }
0x86: {  	_ =	shalt  }
0x87: {  	_ =	shalt  }
.Lfunc_end0:
.L_simem_size_0:
called_computation.1_lowered:
.L_overlay_start_0:
0x88: {  	s2 =	sld [smem:$0x3FD9]  }
0x89: {  	s3 =	sld [smem:$0x3FFE];
	_ =	sdelay $0x1  }
0x8a: {  	s1 =	srdreg.scid  }
0x8b: {  	s0 =	sand.u32 $0x1, s1  }
0x8c: {  	s16 =	sshll.u32 s0, $0xA;
	s2 =	sadd.s32 s3, s2  }
0x8d: {  	s2 =	sadd.s32 s2, s16  }
0x8e: {  	[smem:$0x3FC0] =	sst s2  }
0x8f: {  	_ = 	snop  }
0x90: {  	(tm) =	ssettm $0x1  }
0x91: {  	s17 =	sld [smem:$0x3FFB];
	_ =	sdelay $0x3  }
0x92: {  	_ =	strace s17  }
0x93: {  	s2 =	sld [smem:$0x3FFC];
	_ =	sdelay $0x3  }
0x94: {  	_ =	strace s2  }
0x95: {  	s2 =	sld [smem:$0x3FFD];
	_ =	sdelay $0x3  }
0x96: {  	_ =	strace s2  }
0x97: {  	_ =	strace $0x8FFFFFFF  }
0x98: {  	s18 =	sld [smem:$0x3FDB];
	_ =	sdelay $0x1  }
0x99: {  	s19 =	simm.s32 $_scs_section_size  }
0x9a: {  	s4 =	simm.s32 $_size__tile_overlayer_lowered;
	s5 =	simm.s32 $_tile_overlayer_lowered  }
0x9b: {  	s22 =	simm.s32 $0x1BFF;
	s21 =	sshll.u32 s5, $0x1;
	s2 =	sadd.s32 s19, s18  }
0x9c: {  	s6 =	simm.s32 $0x0;
	s20 =	sshll.u32 s4, $0x1;
	s4 =	sadd.s32 s21, s2  }
0x9d: {  	[timem:s6], [sflag:s22] =	dma.local [hbm:s4], s20  }
0x9e: {  	_ =	swait.ge [sflag:s22], s20  }
0x9f: {  	s3 =	ssub.s32 $0x0, s20;
	[sflag:s22] =	ssyncset.done $0x0  }
0xa0: {  	[sflag:s22] =	ssyncadd.s32 s3;
	_ =	sdelay $0x1  }
0xa1: {  	s23 =	simm.s32 $0x1B8B  }
0xa2: {  	_ =	swait.ge [sflag:s23], $0x1  }
0xa3: {  	[sflag:s23] =	ssyncset.done $0x0  }
0xa4: {  	s25 =	simm.s32 $0x1B8E;
	s24 =	sld [smem:$0x3FFE];
	[sflag:s23] =	ssyncadd.s32 $0xFFFFFFFF  }
0xa5: {  	s26 =	simm.s32 $execute0_lowered;
	[smem:$0x3FD2] =	sst s25  }
0xa6: {  	s4 =	sshll.u32 s26, $0x1;
	_ =	strace $0x80000049;
	[dreg:$0x1] =	wrdreg $0xFFFFFFFF  }
0xa7: {  	s28 =	simm.s32 $_size_execute0_lowered;
	s2 =	sadd.s32 s2, s4;
	[dreg:$0x0] =	wrdreg $0x0  }
0xa8: {  	s4 =	sshll.u32 s28, $0x1;
	[dreg:$0x2] =	wrdreg s2  }
0xa9: {  	[dreg:$0x3] =	wrdreg s4  }
0xaa: {  	[dreg:$0x4] =	wrdreg $0xC0  }
0xab: {  	_ =	task [dreg:s6], $0x5FFFF  }
0xac: {  	[dreg:$0x1] =	wrdreg $0xFFFFFFFF  }
0xad: {  	[dreg:$0x0] =	wrdreg $0x60  }
0xae: {  	[dreg:$0x2] =	wrdreg s24  }
0xaf: {  	[dreg:$0x3] =	wrdreg $0xA8000  }
0xb0: {  	[dreg:$0x4] =	wrdreg $0x9  }
0xb1: {  	_ =	task.clear_ibuf [dreg:s6], $0x5FFFF;
	_ =	strace $0x90000049  }
0xb2: {  	s29 =	simm.s32 $0x9;
	_ =	strace $0x8000004B  }
0xb3: {  	_ =	swait.ge [sflag:s29], $0x1  }
0xb4: {  	[sflag:s29] =	ssyncadd.s32 $0xFFFFFFFF  }
0xb5: {  	_ =	strace $0x9000004B  }
0xb6: {  	_ =	sfence  }
0xb7: {  	s30 =	sld [smem:$0x0];
	_ =	sdelay $0x2  }
0xb8: {  	s31 =	sshll.u32 s1, $0xD;
	s1 =	sshrl.u32 s1, $0x2  }
0xb9: {  	s3 =	sand.u32 $0x4000, s31;
	s1 =	sadd.s32 s1, s30  }
0xba: {  	s0 =	sor.u32 s3, s0;
	s1 =	sshll.u32 s1, $0x11  }
0xbb: {  	s0 =	sor.u32 s1, s0  }
0xbc: {  	s0 =	sadd.s32 $0x8F2B, s0  }
0xbd: {  	[sflag:s0] =	ssyncadd.remote.s32 $0x1  }
0xbe: {  	_ =	sfence.sel $0xFFFF  }
0xbf: {  	[dreg:$0x0] =	wrdreg $0xFFFFFFFF;
	(pc) =	sbr.abs _section_cstart, $3  }
0xc0: {  	[dreg:$0x1] =	wrdreg $0xFFFFFFFF  }
0xc1: {  	_ =	task.clear_ibuf [dreg:s6], $0x2FFFF;
	_ =	strace $0x9FFFFFFF  }
0xc2: {  	(tm) =	ssettm $0x7FFFFFFF  }
0xc3: {  	_ =	shalt  }
tec
execute0_lowered:
.L_overlay_start_1:
0x0: {  	(tag) =	ssettag $0x1  }
0x1: {  	s0 =	rddreg [dreg:$0x0]  }
0x2: {  	s1 =	rddreg [dreg:$0x1];
	s2 =	simm.s32 $0x0;
	s3 =	srdreg.scid  }
0x3: {  	s12 =	stileid.u32;
	s28 =	simm.s32 $0x6800;
	s29 =	simm.s32 $0x2  }
0x4: {  	s30 =	simm.s32 $0x3;
	s31 =	simm.s32 $0x4;
	[smem:$0x7FF] =	sst s2  }
0x5: {  	s4 =	sadd.s32 $0x18800, s0;
	s3 =	sand.u32 $0x1, s3;
	s10 =	smul.u32 $0x13C00, s12  }
0x6: {  	s5 =	sadd.s32 $0x4800, s0;
	s8 =	sadd.s32 $0xE800, s0;
	s11 =	smul.u32 $0x278, s12  }
0x7: {  	s0 =	sadd.s32 $0x67800, s0;
	s21 =	sshll.u32 s12, $0x1;
	s12 =	smul.u32 $0x4F000, s12  }
0x8: {  	_ =	strace $0x8000004A;
	s6 =	ssub.s32 $0x2, s3;
	s13 =	sor.u32 s3, s21  }
0x9: {  	s3 =	smul.u32 $0x13C000, s3;
	s7 =	sshrl.u32 s6, $0x1;
	s9 =	sshrl.u32 s10, $0x3  }
0xa: {  	s23 =	sadd.s32 $0x80, s11;
	s24 =	sshrl.u32 s12, $0x2;
	s25 =	sadd.s32 $0x100, s11  }
0xb: {  	s14 =	sadd.s32 $0x180, s11;
	s15 =	sadd.s32 $0x200, s11;
	s13 =	smul.u32 $0x2800, s13  }
0xc: {  	s6 =	ssub.s32 s6, s7;
	s22 =	sadd.s32 s4, s9;
	s18 =	sshll.u32 s23, $0x7  }
0xd: {  	s7 =	sshll.u32 s23, $0x4;
	s26 =	sshll.u32 s25, $0x7;
	s9 =	sshll.u32 s25, $0x4  }
0xe: {  	s19 =	sshll.u32 s14, $0x7;
	s14 =	sshll.u32 s14, $0x4;
	s16 =	sshll.u32 s15, $0x4  }
0xf: {  	s20 =	sshll.u32 s15, $0x7;
	s21 =	sadd.s32 s10, s3;
	s10 =	simm.s32 $0x0  }
0x10: {  	[dreg:$0x3] =	wrdreg s22;
	s7 =	sadd.s32 s4, s7;
	s9 =	sadd.s32 s4, s9  }
0x11: {  	s14 =	sadd.s32 s4, s14;
	s11 =	sadd.s32 s26, s1;
	s13 =	sshrl.u32 s13, $0x3  }
0x12: {  	s22 =	sadd.s32 s3, s18;
	s23 =	sadd.s32 s3, s26;
	[dreg:$0x4] =	wrdreg s7  }
0x13: {  	s7 =	sadd.s32 s24, s1;
	[dreg:$0x5] =	wrdreg s9;
	s9 =	sadd.s32 s18, s1  }
0x14: {  	[dreg:$0x6] =	wrdreg s14;
	s14 =	sadd.s32 s4, s16;
	s17 =	sadd.s32 s5, s13  }
0x15: {  	s16 =	sadd.s32 $0x280, s13;
	s13 =	sadd.s32 s8, s13;
	[dreg:$0x7] =	wrdreg s14  }
0x16: {  	s24 =	sadd.s32 s3, s19;
	s3 =	sadd.s32 s3, s20;
	[dreg:$0x8] =	wrdreg s17  }
0x17: {  	s18 =	sadd.s32 s20, s1;
	s25 =	sshrl.u32 s23, $0x3;
	[dreg:$0x9] =	wrdreg s13  }
0x18: {  	s15 =	sadd.s32 s5, s16;
	s16 =	sadd.s32 s8, s16;
	s17 =	sadd.s32 s19, s1  }
0x19: {  	s5 =	sshrl.u32 s21, $0x3;
	s8 =	sshrl.u32 s22, $0x3;
	s21 =	sadd.s32 s0, s25  }
.Ltmp0:
0x1a: {  	s26 =	sshrl.u32 s24, $0x3;
	s3 =	sshrl.u32 s3, $0x3;
	(pc) =	sbr.rel .LBB2_1-.Ltmp0, $4  }
0x1b: {  	s24 =	smax.u32 s6, $0x1;
	s25 =	simm.s32 $0x2800;
	s6 =	simm.s32 $0x1480  }
0x1c: {  	s19 =	sadd.s32 s0, s5;
	s20 =	sadd.s32 s0, s8;
	s22 =	sadd.s32 s0, s26  }
0x1d: {  	s23 =	sadd.s32 s0, s3;
	s26 =	simm.s32 $0x1;
	s0 =	simm.s32 $0x5  }
0x1e: {  	s3 =	simm.s32 $0x1400;
	s5 =	simm.s32 $0x80;
	s8 =	simm.s32 $0x100  }
.LBB2_7:
0x1f: {  	_ =	swait.ge [sflag:s31], $0x4000  }
0x20: {  	[sflag:s31] =	ssyncset.done $0x0  }
0x21: {  	[sflag:s31] =	ssyncadd.s32 $0xFFFFC000  }
0x22: {  	[bflag:$0x0] =	sbarrier.arrive $0xFFFF  }
0x23: {  	[tilespmem:s25], [sflag:$0x1] =	stream.linear.gather [spmem:s7], $0x4000, $0x38;
	[tilespmem:$0x1E400] =	vst v63  }
0x24: {  	_ =	swait.ge [sflag:s26], $0x4000  }
0x25: {  	[sflag:s26] =	ssyncset.done $0x0  }
0x26: {  	[sflag:s26] =	ssyncadd.s32 $0xFFFFC000  }
0x27: {  	[tilespmem:s28], [sflag:$0x2] =	stream.linear.gather [spmem:s9], $0x4000, $0x38;
	[tilespmem:$0x1E400] =	vst v63  }
0x28: {  	_ = 	snop  }
0x29: {  	[hbm4b:s19+s2] =	stream.linear.scatter [tilespmem:s25], [sflag:$0x3], $0x4000, $0x38;
	[tilespmem:$0x1E400] =	vst v63  }
0x2a: {  	_ =	swait.ge [sflag:s29], $0x4000  }
0x2b: {  	[sflag:s29] =	ssyncset.done $0x0  }
0x2c: {  	[sflag:s29] =	ssyncadd.s32 $0xFFFFC000  }
0x2d: {  	_ =	swait.ge [sflag:s30], $0x4000  }
0x2e: {  	[sflag:s30] =	ssyncset.done $0x0  }
0x2f: {  	[sflag:s30] =	ssyncadd.s32 $0xFFFFC000  }
0x30: {  	[tilespmem:s25], [sflag:$0x1] =	stream.linear.gather [spmem:s11], $0x4000, $0x38;
	[tilespmem:$0x1E400] =	vst v63  }
0x31: {  	_ = 	snop  }
0x32: {  	[hbm4b:s20+s2] =	stream.linear.scatter [tilespmem:s28], [sflag:$0x4], $0x4000, $0x38;
	[tilespmem:$0x1E400] =	vst v63  }
0x33: {  	_ =	swait.ge [sflag:s26], $0x4000  }
0x34: {  	[sflag:s26] =	ssyncset.done $0x0  }
0x35: {  	[sflag:s26] =	ssyncadd.s32 $0xFFFFC000  }
0x36: {  	_ =	swait.ge [sflag:s31], $0x4000  }
0x37: {  	[sflag:s31] =	ssyncset.done $0x0  }
0x38: {  	[sflag:s31] =	ssyncadd.s32 $0xFFFFC000  }
0x39: {  	[tilespmem:s28], [sflag:$0x2] =	stream.linear.gather [spmem:s17], $0x4000, $0x38;
	[tilespmem:$0x1E400] =	vst v63  }
0x3a: {  	_ = 	snop  }
0x3b: {  	[hbm4b:s21+s2] =	stream.linear.scatter [tilespmem:s25], [sflag:$0x3], $0x4000, $0x38;
	[tilespmem:$0x1E400] =	vst v63  }
0x3c: {  	_ =	swait.ge [sflag:s29], $0x4000  }
0x3d: {  	[sflag:s29] =	ssyncset.done $0x0  }
0x3e: {  	[sflag:s29] =	ssyncadd.s32 $0xFFFFC000  }
0x3f: {  	_ =	swait.ge [sflag:s30], $0x4000  }
0x40: {  	[sflag:s30] =	ssyncset.done $0x0  }
0x41: {  	[sflag:s30] =	ssyncadd.s32 $0xFFFFC000  }
0x42: {  	[tilespmem:s25], [sflag:$0x1] =	stream.linear.gather [spmem:s18], $0x3C00, $0x38;
	[tilespmem:$0x1E400] =	vst v63  }
0x43: {  	_ = 	snop  }
0x44: {  	[hbm4b:s22+s2] =	stream.linear.scatter [tilespmem:s28], [sflag:$0x4], $0x4000, $0x38;
	[tilespmem:$0x1E400] =	vst v63  }
0x45: {  	_ =	swait.ge [sflag:s26], $0x3C00  }
0x46: {  	[sflag:s26] =	ssyncset.done $0x0  }
0x47: {  	s10 =	sadd.s32 $0x1, s10;
	[sflag:s26] =	ssyncadd.s32 $0xFFFFC400  }
0x48: {  	[hbm4b:s23+s2] =	stream.linear.scatter [tilespmem:s25], [sflag:$0x3], $0x3C00, $0x38;
	[tilespmem:$0x1E400] =	vst v63  }
0x49: {  	p0 =	sne.s32 s10, s24;
	_ =	swait.ge [sflag:s31], $0x4000  }
.Ltmp1:
0x4a: {  	[sflag:s31] =	ssyncset.done $0x0;
	(pc) =	sbr.rel @!p0 .LBB2_8-.Ltmp1, $4  }
0x4b: {  	[sflag:s31] =	ssyncadd.s32 $0xFFFFC000  }
0x4c: {  	_ =	swait.ge [sflag:s30], $0x3C00  }
0x4d: {  	[sflag:s30] =	ssyncset.done $0x0  }
0x4e: {  	[sflag:s30] =	ssyncadd.s32 $0xFFFFC400  }
.LBB2_1:
0x4f: {  	s12 =	rddreg [dreg:$0x3]  }
0x50: {  	[tilespmem:s25], [sflag:$0x1] =	stream.linear.gather [hbm4b:s12+s2], $0x4000, $0x38;
	[tilespmem:$0x1E400] =	vst v63  }
0x51: {  	_ =	swait.ge [sflag:s26], $0x4000  }
0x52: {  	[sflag:s26] =	ssyncset.done $0x0  }
0x53: {  	s13 =	rddreg [dreg:$0x4];
	[sflag:s26] =	ssyncadd.s32 $0xFFFFC000  }
0x54: {  	[tilespmem:s28], [sflag:$0x2] =	stream.linear.gather [hbm4b:s13+s2], $0x4000, $0x38;
	[tilespmem:$0x1E400] =	vst v63  }
0x55: {  	_ = 	snop  }
0x56: {  	[spmem:s7] =	stream.linear.scatter [tilespmem:s25], [sflag:$0x3], $0x4000, $0x38;
	[tilespmem:$0x1E400] =	vst v63  }
0x57: {  	_ =	swait.ge [sflag:s29], $0x4000  }
0x58: {  	[sflag:s29] =	ssyncset.done $0x0  }
0x59: {  	[sflag:s29] =	ssyncadd.s32 $0xFFFFC000  }
0x5a: {  	_ =	swait.ge [sflag:s30], $0x4000  }
0x5b: {  	[sflag:s30] =	ssyncset.done $0x0  }
0x5c: {  	s14 =	rddreg [dreg:$0x5];
	[sflag:s30] =	ssyncadd.s32 $0xFFFFC000  }
0x5d: {  	[tilespmem:s25], [sflag:$0x1] =	stream.linear.gather [hbm4b:s14+s2], $0x4000, $0x38;
	[tilespmem:$0x1E400] =	vst v63  }
0x5e: {  	_ = 	snop  }
0x5f: {  	[spmem:s9] =	stream.linear.scatter [tilespmem:s28], [sflag:$0x4], $0x4000, $0x38;
	[tilespmem:$0x1E400] =	vst v63  }
0x60: {  	_ =	swait.ge [sflag:s26], $0x4000  }
0x61: {  	[sflag:s26] =	ssyncset.done $0x0  }
0x62: {  	[sflag:s26] =	ssyncadd.s32 $0xFFFFC000  }
0x63: {  	_ =	swait.ge [sflag:s31], $0x4000  }
0x64: {  	[sflag:s31] =	ssyncset.done $0x0  }
0x65: {  	s13 =	rddreg [dreg:$0x6];
	[sflag:s31] =	ssyncadd.s32 $0xFFFFC000  }
0x66: {  	[tilespmem:s28], [sflag:$0x2] =	stream.linear.gather [hbm4b:s13+s2], $0x4000, $0x38;
	[tilespmem:$0x1E400] =	vst v63  }
0x67: {  	_ = 	snop  }
0x68: {  	[spmem:s11] =	stream.linear.scatter [tilespmem:s25], [sflag:$0x3], $0x4000, $0x38;
	[tilespmem:$0x1E400] =	vst v63  }
0x69: {  	_ =	swait.ge [sflag:s29], $0x4000  }
0x6a: {  	[sflag:s29] =	ssyncset.done $0x0  }
0x6b: {  	[sflag:s29] =	ssyncadd.s32 $0xFFFFC000  }
0x6c: {  	_ =	swait.ge [sflag:s30], $0x4000  }
0x6d: {  	[sflag:s30] =	ssyncset.done $0x0  }
0x6e: {  	s14 =	rddreg [dreg:$0x7];
	[sflag:s30] =	ssyncadd.s32 $0xFFFFC000  }
0x6f: {  	[tilespmem:s25], [sflag:$0x1] =	stream.linear.gather [hbm4b:s14+s2], $0x3C00, $0x38;
	[tilespmem:$0x1E400] =	vst v63  }
0x70: {  	_ = 	snop  }
0x71: {  	[spmem:s17] =	stream.linear.scatter [tilespmem:s28], [sflag:$0x4], $0x4000, $0x38;
	[tilespmem:$0x1E400] =	vst v63  }
0x72: {  	_ =	swait.ge [sflag:s26], $0x3C00  }
0x73: {  	[sflag:s26] =	ssyncset.done $0x0  }
0x74: {  	[sflag:s26] =	ssyncadd.s32 $0xFFFFC400  }
0x75: {  	[spmem:s18] =	stream.linear.scatter [tilespmem:s25], [sflag:$0x3], $0x3C00, $0x38;
	[tilespmem:$0x1E400] =	vst v63  }
0x76: {  	_ =	swait.ge [sflag:s31], $0x4000  }
0x77: {  	[sflag:s31] =	ssyncset.done $0x0  }
0x78: {  	[sflag:s31] =	ssyncadd.s32 $0xFFFFC000  }
0x79: {  	_ =	swait.ge [sflag:s30], $0x3C00  }
0x7a: {  	[sflag:s30] =	ssyncset.done $0x0  }
0x7b: {  	[sflag:s30] =	ssyncadd.s32 $0xFFFFC400  }
0x7c: {  	[bflag:$0x0] =	sbarrier.arrive $0xFFFF  }
0x7d: {  	s13 =	rddreg [dreg:$0x8]  }
0x7e: {  	[tilespmem:s2], [sflag:$0x5] =	stream.linear.gather [hbm4b:s13+s2], $0x1400, $0x38;
	[tilespmem:$0x1E400] =	vst v63  }
0x7f: {  	_ =	swait.ge [sflag:s0], $0x1400  }
0x80: {  	[sflag:s0] =	ssyncset.done $0x0  }
0x81: {  	s14 =	rddreg [dreg:$0x9];
	[sflag:s0] =	ssyncadd.s32 $0xFFFFEC00  }
0x82: {  	[tilespmem:s3], [sflag:$0x5] =	stream.linear.gather [hbm4b:s14+s2], $0x1400, $0x38;
	[tilespmem:$0x1E400] =	vst v63  }
0x83: {  	_ =	swait.ge [sflag:s0], $0x1400  }
0x84: {  	[sflag:s0] =	ssyncset.done $0x0  }
0x85: {  	[sflag:s0] =	ssyncadd.s32 $0xFFFFEC00  }
0x86: {  	[tilespmem:s25], [sflag:$0x1] =	stream.indirect.gather [hbm4b:s4+s5], $0x80, s2, s5, $0xb8;
	[tilespmem:$0x1E400] =	vst v63  }
0x87: {  	_ =	swait.ge [sflag:s26], $0x4000  }
0x88: {  	[sflag:s26] =	ssyncset.done $0x0  }
0x89: {  	[sflag:s26] =	ssyncadd.s32 $0xFFFFC000  }
0x8a: {  	[spmem:s1] =	stream.indirect.scatter.add.f32 [tilespmem:s25], [sflag:$0x3], $0x80, s3, s5, $0xb8;
	[tilespmem:$0x1E400] =	vst v63  }
0x8b: {  	_ = 	snop  }
0x8c: {  	[tilespmem:s28], [sflag:$0x2] =	stream.indirect.gather [hbm4b:s4+s5], $0x80, s5, s5, $0xb8;
	[tilespmem:$0x1E400] =	vst v63  }
0x8d: {  	_ =	swait.ge [sflag:s29], $0x4000  }
0x8e: {  	[sflag:s29] =	ssyncset.done $0x0  }
0x8f: {  	[sflag:s29] =	ssyncadd.s32 $0xFFFFC000  }
0x90: {  	[spmem:s1] =	stream.indirect.scatter.add.f32 [tilespmem:s28], [sflag:$0x4], $0x80, s6, s5, $0xb8;
	[tilespmem:$0x1E400] =	vst v63  }
0x91: {  	_ =	swait.ge [sflag:s30], $0x4000  }
0x92: {  	[sflag:s30] =	ssyncset.done $0x0  }
0x93: {  	s12 =	simm.s32 $0xFFFFB800;
	[sflag:s30] =	ssyncadd.s32 $0xFFFFC000  }
0x94: {  	[tilespmem:s25], [sflag:$0x1] =	stream.indirect.gather [hbm4b:s4+s5], $0x80, s8, s5, $0xb8;
	[tilespmem:$0x1E400] =	vst v63  }
.LBB2_2:
0x95: {  	_ =	swait.ge [sflag:s26], $0x4000  }
0x96: {  	s13 =	sshra.s32 s12, $0x2;
	[sflag:s26] =	ssyncset.done $0x0  }
0x97: {  	s14 =	sadd.s32 $0x2700, s13;
	[sflag:s26] =	ssyncadd.s32 $0xFFFFC000  }
0x98: {  	[spmem:s1] =	stream.indirect.scatter.add.f32 [tilespmem:s25], [sflag:$0x3], $0x80, s14, s5, $0xb8;
	[tilespmem:$0x1E400] =	vst v63  }
0x99: {  	_ =	swait.ge [sflag:s31], $0x4000  }
0x9a: {  	[sflag:s31] =	ssyncset.done $0x0  }
0x9b: {  	s14 =	sadd.s32 $0x1380, s13;
	[sflag:s31] =	ssyncadd.s32 $0xFFFFC000  }
0x9c: {  	[tilespmem:s28], [sflag:$0x2] =	stream.indirect.gather [hbm4b:s4+s5], $0x80, s14, s5, $0xb8;
	[tilespmem:$0x1E400] =	vst v63  }
0x9d: {  	_ =	swait.ge [sflag:s29], $0x4000  }
0x9e: {  	p0 =	seq.s32 s12, $0x0;
	[sflag:s29] =	ssyncset.done $0x0  }
.Ltmp2:
0x9f: {  	s14 =	sadd.s32 $0x2780, s13;
	[sflag:s29] =	ssyncadd.s32 $0xFFFFC000;
	(pc) =	sbr.rel @p0 .LBB2_4-.Ltmp2, $4  }
0xa0: {  	[spmem:s1] =	stream.indirect.scatter.add.f32 [tilespmem:s28], [sflag:$0x4], $0x80, s14, s5, $0xb8;
	[tilespmem:$0x1E400] =	vst v63  }
0xa1: {  	_ =	swait.ge [sflag:s30], $0x4000  }
0xa2: {  	[sflag:s30] =	ssyncset.done $0x0  }
0xa3: {  	[sflag:s30] =	ssyncadd.s32 $0xFFFFC000  }
.Ltmp3:
0xa4: {  	(pc) =	sbr.rel .LBB2_2-.Ltmp3, $3  }
0xa5: {  	_ =	sdelay $0x1  }
0xa6: {  	s13 =	sadd.s32 $0x1400, s13;
	s12 =	sadd.s32 $0x400, s12  }
0xa7: {  	[tilespmem:s25], [sflag:$0x1] =	stream.indirect.gather [hbm4b:s4+s5], $0x80, s13, s5, $0xb8;
	[tilespmem:$0x1E400] =	vst v63  }
.LBB2_4:
0xa8: {  	_ =	swait.ge [sflag:s31], $0x4000  }
0xa9: {  	[sflag:s31] =	ssyncset.done $0x0  }
0xaa: {  	[sflag:s31] =	ssyncadd.s32 $0xFFFFC000  }
0xab: {  	[tilespmem:s2], [sflag:$0x5] =	stream.linear.gather [hbm4b:s15+s2], $0x1400, $0x38;
	[tilespmem:$0x1E400] =	vst v63  }
0xac: {  	_ =	swait.ge [sflag:s0], $0x1400  }
0xad: {  	[sflag:s0] =	ssyncset.done $0x0  }
0xae: {  	[sflag:s0] =	ssyncadd.s32 $0xFFFFEC00  }
0xaf: {  	[tilespmem:s3], [sflag:$0x5] =	stream.linear.gather [hbm4b:s16+s2], $0x1400, $0x38;
	[tilespmem:$0x1E400] =	vst v63  }
0xb0: {  	_ =	swait.ge [sflag:s0], $0x1400  }
0xb1: {  	[sflag:s0] =	ssyncset.done $0x0  }
0xb2: {  	[sflag:s0] =	ssyncadd.s32 $0xFFFFEC00  }
0xb3: {  	[tilespmem:s25], [sflag:$0x1] =	stream.indirect.gather [hbm4b:s4+s5], $0x80, s2, s5, $0xb8;
	[tilespmem:$0x1E400] =	vst v63  }
0xb4: {  	_ =	swait.ge [sflag:s26], $0x4000  }
0xb5: {  	[sflag:s26] =	ssyncset.done $0x0  }
0xb6: {  	[sflag:s26] =	ssyncadd.s32 $0xFFFFC000  }
0xb7: {  	[spmem:s1] =	stream.indirect.scatter.add.f32 [tilespmem:s25], [sflag:$0x3], $0x80, s3, s5, $0xb8;
	[tilespmem:$0x1E400] =	vst v63  }
0xb8: {  	_ = 	snop  }
0xb9: {  	[tilespmem:s28], [sflag:$0x2] =	stream.indirect.gather [hbm4b:s4+s5], $0x80, s5, s5, $0xb8;
	[tilespmem:$0x1E400] =	vst v63  }
0xba: {  	_ =	swait.ge [sflag:s29], $0x4000  }
0xbb: {  	[sflag:s29] =	ssyncset.done $0x0  }
0xbc: {  	[sflag:s29] =	ssyncadd.s32 $0xFFFFC000  }
0xbd: {  	[spmem:s1] =	stream.indirect.scatter.add.f32 [tilespmem:s28], [sflag:$0x4], $0x80, s6, s5, $0xb8;
	[tilespmem:$0x1E400] =	vst v63  }
0xbe: {  	_ =	swait.ge [sflag:s30], $0x4000  }
0xbf: {  	[sflag:s30] =	ssyncset.done $0x0  }
0xc0: {  	s12 =	simm.s32 $0xFFFFB800;
	[sflag:s30] =	ssyncadd.s32 $0xFFFFC000  }
0xc1: {  	[tilespmem:s25], [sflag:$0x1] =	stream.indirect.gather [hbm4b:s4+s5], $0x80, s8, s5, $0xb8;
	[tilespmem:$0x1E400] =	vst v63  }
.LBB2_5:
0xc2: {  	_ =	swait.ge [sflag:s26], $0x4000  }
0xc3: {  	s13 =	sshra.s32 s12, $0x2;
	[sflag:s26] =	ssyncset.done $0x0  }
0xc4: {  	s14 =	sadd.s32 $0x2700, s13;
	[sflag:s26] =	ssyncadd.s32 $0xFFFFC000  }
0xc5: {  	[spmem:s1] =	stream.indirect.scatter.add.f32 [tilespmem:s25], [sflag:$0x3], $0x80, s14, s5, $0xb8;
	[tilespmem:$0x1E400] =	vst v63  }
0xc6: {  	_ =	swait.ge [sflag:s31], $0x4000  }
0xc7: {  	[sflag:s31] =	ssyncset.done $0x0  }
0xc8: {  	s14 =	sadd.s32 $0x1380, s13;
	[sflag:s31] =	ssyncadd.s32 $0xFFFFC000  }
0xc9: {  	[tilespmem:s28], [sflag:$0x2] =	stream.indirect.gather [hbm4b:s4+s5], $0x80, s14, s5, $0xb8;
	[tilespmem:$0x1E400] =	vst v63  }
0xca: {  	_ =	swait.ge [sflag:s29], $0x4000  }
0xcb: {  	p0 =	seq.s32 s12, $0x0;
	[sflag:s29] =	ssyncset.done $0x0  }
.Ltmp4:
0xcc: {  	s14 =	sadd.s32 $0x2780, s13;
	[sflag:s29] =	ssyncadd.s32 $0xFFFFC000;
	(pc) =	sbr.rel @p0 .LBB2_7-.Ltmp4, $4  }
0xcd: {  	[spmem:s1] =	stream.indirect.scatter.add.f32 [tilespmem:s28], [sflag:$0x4], $0x80, s14, s5, $0xb8;
	[tilespmem:$0x1E400] =	vst v63  }
0xce: {  	_ =	swait.ge [sflag:s30], $0x4000  }
0xcf: {  	[sflag:s30] =	ssyncset.done $0x0  }
0xd0: {  	[sflag:s30] =	ssyncadd.s32 $0xFFFFC000  }
.Ltmp5:
0xd1: {  	(pc) =	sbr.rel .LBB2_5-.Ltmp5, $3  }
0xd2: {  	_ =	sdelay $0x1  }
0xd3: {  	s13 =	sadd.s32 $0x1400, s13;
	s12 =	sadd.s32 $0x400, s12  }
0xd4: {  	[tilespmem:s25], [sflag:$0x1] =	stream.indirect.gather [hbm4b:s4+s5], $0x80, s13, s5, $0xb8;
	[tilespmem:$0x1E400] =	vst v63  }
.LBB2_8:
0xd5: {  	_ =	sfence.sel $0x180000  }
0xd6: {  	[bflag:$0x0] =	sbarrier.arrive $0xFFFF  }
0xd7: {  	_ =	strace $0x9000004A  }
0xd8: {  	s0 =	stileid.u32;
	[bflag:$0x2] =	sbarrier.arrive $0xFFFF  }
0xd9: {  	p0 =	sne.s32 s0, $0x0;
	s0 =	rddreg [dreg:$0x2]  }
0xda: {  	s0 =	sadd.s32 @!p0 $0x100000, s0  }
0xdb: {  	[sflag:s0] =	ssyncadd.tile.s32 @!p0 $0x1;
	_ =	shalt  }
.Lfunc_end2:
_tile_overlayer_lowered:
.L_overlay_start_2:
0xdc: {  	(tag) =	ssettag $0x2  }
0xdd: {  	s0 =	rddreg [dreg:$0x0];
	s2 =	stileid.u32  }
0xde: {  	s1 =	rddreg [dreg:$0x1];
	p0 =	sne.s32 s2, $0x0  }
0xdf: {  	s3 =	rddreg [dreg:$0x2];
	[bflag:$0x3] =	sbarrier.arrive $0xFFFF;
	s2 =	simm.s32 @!p0 $0x1C05  }
0xe0: {  	[timem:s3], [sflag:s2] =	dma.local @!p0 [hbm:s0], s1  }
0xe1: {  	s0 =	simm.s32 @!p0 $0x5  }
0xe2: {  	_ =	swait.ge @!p0 [sflag:s0], s1  }
0xe3: {  	s1 =	ssub.s32 @!p0 $0x0, s1;
	[sflag:s0] =	ssyncset.done @!p0 $0x0  }
0xe4: {  	[sflag:s0] =	ssyncadd.s32 @!p0 s1  }
0xe5: {  	[bflag:$0x3] =	sbarrier.arrive $0xFFFF  }
0xe6: {  	_ =	shalt  }

// kernel: kernel.16.cloned.1.call-start
scs
__scs_entry_jumppad:
0x0: {  	(pc) =	sbr.rel $0x88, $3  }
0x1: {  	(tag) =	ssettag $0x0;
	lr =	simm.s32 $0x1  }
0x2: {  	[smem:$0x3F99] =	sst lr;
	_ =	strace $0xD0000000  }
0x3: {  	_ = 	snop  }
0x4: {  	_ = 	snop  }
0x5: {  	_ = 	snop  }
0x6: {  	_ = 	snop  }
0x7: {  	_ = 	snop  }
__scs_overlays_trampoline_lowered:
0x8: {  	[smem:$0x3FA8] =	sst s0  }
0x9: {  	[smem:$0x3FA9] =	sst s1  }
0xa: {  	[smem:$0x3FAA] =	sst s2  }
0xb: {  	[smem:$0x3FAB] =	sst s3  }
0xc: {  	[smem:$0x3FAC] =	sst s4  }
0xd: {  	[smem:$0x3FAD] =	sst s5  }
0xe: {  	[smem:$0x3FAE] =	sst s6  }
0xf: {  	[smem:$0x3FAF] =	sst s7  }
0x10: {  	[smem:$0x3FB0] =	sst s8  }
0x11: {  	[smem:$0x3FB1] =	sst s9;
	s0 =	simm.s32 @!p0 $0x0  }
0x12: {  	s1 =	sld [smem:$0x3F97];
	s0 =	simm.s32 @p0 $0x1  }
0x13: {  	[smem:$0x3FB2] =	sst s0;
	s0 =	simm.s32 @!p1 $0x0  }
0x14: {  	s2 =	sld [smem:$0x3F96];
	s0 =	simm.s32 @p1 $0x1  }
0x15: {  	[smem:$0x3FB3] =	sst s0;
	s0 =	simm.s32 @!p2 $0x0  }
0x16: {  	s3 =	sld [smem:$0x3FDB];
	s0 =	simm.s32 @p2 $0x1  }
0x17: {  	s4 =	simm.s32 $0x1BF5;
	[smem:$0x3FB5] =	sst s0  }
0x18: {  	s0 =	sld [smem:$0x3F98];
	_ =	swait.ge [sflag:s4], $0x0  }
0x19: {  	s7 =	sld [smem:$0x3F99]  }
0x1a: {  	s8 =	sadd.s32 $0xFFFFE003, lr  }
0x1b: {  	s9 =	sadd.s32 $0xFFFFFEF7, lr;
	s5 =	simm.s32 $0xFFFFFFFF;
	p2 =	slt.u32 s8, $0xFFFFF086  }
0x1c: {  	p1 =	slt.u32 s9, $0xF7A;
	s5 =	simm.s32 @!p2 $0x0  }
0x1d: {  	s5 =	simm.s32 @p1 $0x1;
	p0 =	seq.s32 s7, s2  }
0x1e: {  	s7 =	smul.u32 @!p0 $0xF7A, s2;
	p2 =	seq.s32 @!p0 s5, $0x0  }
0x1f: {  	s9 =	smul.u32 $0xF7A, s1;
	s8 =	simm.s32 @!p0 $0x1BF5;
	p2 =	por !p2, p0  }
0x20: {  	[sflag:s8] =	ssyncset.s32 @!p0 $0xFFFFF086;
	s6 =	sadd.s32 @!p0 s3, s7;
	s7 =	simm.s32 @!p0 $0x108  }
0x21: {  	s3 =	sadd.s32 s3, s9;
	s6 =	sadd.s32 @!p0 $0x88, s6;
	s7 =	simm.s32 @p2 $0x1082  }
0x22: {  	[simem:s7], [sflag:s8] =	dma.local @!p0 [hbm:s6], $0xF7A  }
0x23: {  	s9 =	sor.u32 $0xD0000000, s2;
	s6 =	simm.s32 $0x108;
	_ =	swait.ge @!p0 [sflag:s8], $0x0  }
0x24: {  	s3 =	sadd.s32 $0x88, s3;
	s6 =	simm.s32 @!p1 $0x1082;
	[sflag:s4] =	ssyncset.s32 $0xFFFFF086  }
0x25: {  	[simem:s6], [sflag:s4] =	dma.local [hbm:s3], $0xF7A  }
0x26: {  	[smem:$0x3F99] =	sst s1;
	(tag) =	ssettag s2;
	_ =	strace s9  }
0x27: {  	s1 =	sld [smem:$0x3FA9]  }
0x28: {  	s2 =	sld [smem:$0x3FAA]  }
0x29: {  	s4 =	sld [smem:$0x3FAC]  }
0x2a: {  	p0 =	seq.s32 s5, $0x0;
	s5 =	sld [smem:$0x3FAD]  }
0x2b: {  	s6 =	sld [smem:$0x3FAE]  }
0x2c: {  	s7 =	sld [smem:$0x3FAF]  }
0x2d: {  	s3 =	simm.s32 $0x108;
	s8 =	sld [smem:$0x3FB0]  }
0x2e: {  	s3 =	simm.s32 @!p0 $0x1082;
	s9 =	sld [smem:$0x3FB1]  }
0x2f: {  	lr =	sadd.s32 s0, s3;
	s0 =	sld [smem:$0x3FA8]  }
0x30: {  	s3 =	sld [smem:$0x3FAB]  }
0x31: {  	[smem:$0x3FB4] =	sst s10  }
0x32: {  	s10 =	sld [smem:$0x3FB2];
	_ =	sdelay $0x3  }
0x33: {  	p0 =	seq.s32 s10, $0x1;
	s10 =	sld [smem:$0x3FB4];
	_ =	sdelay $0x3  }
0x34: {  	[smem:$0x3FB4] =	sst s10  }
0x35: {  	s10 =	sld [smem:$0x3FB3];
	_ =	sdelay $0x3  }
0x36: {  	p1 =	seq.s32 s10, $0x1;
	s10 =	sld [smem:$0x3FB4];
	_ =	sdelay $0x3  }
0x37: {  	[smem:$0x3FB4] =	sst s10  }
0x38: {  	s10 =	sld [smem:$0x3FB5]  }
0x39: {  	_ = 	snop;
	(pc) =	sbr.ind lr, $3  }
0x3a: {  	_ = 	snop  }
0x3b: {  	_ = 	snop  }
0x3c: {  	p2 =	seq.s32 s10, $0x1;
	s10 =	sld [smem:$0x3FB4]  }
0x3d: {  	_ =	shalt  }
0x3e: {  	_ =	shalt  }
0x3f: {  	_ =	shalt  }
0x40: {  	_ =	shalt  }
0x41: {  	_ =	shalt  }
0x42: {  	_ =	shalt  }
0x43: {  	_ =	shalt  }
0x44: {  	_ =	shalt  }
0x45: {  	_ =	shalt  }
0x46: {  	_ =	shalt  }
0x47: {  	_ =	shalt  }
0x48: {  	_ =	shalt  }
0x49: {  	_ =	shalt  }
0x4a: {  	_ =	shalt  }
0x4b: {  	_ =	shalt  }
0x4c: {  	_ =	shalt  }
0x4d: {  	_ =	shalt  }
0x4e: {  	_ =	shalt  }
0x4f: {  	_ =	shalt  }
0x50: {  	_ =	shalt  }
0x51: {  	_ =	shalt  }
0x52: {  	_ =	shalt  }
0x53: {  	_ =	shalt  }
0x54: {  	_ =	shalt  }
0x55: {  	_ =	shalt  }
0x56: {  	_ =	shalt  }
0x57: {  	_ =	shalt  }
0x58: {  	_ =	shalt  }
0x59: {  	_ =	shalt  }
0x5a: {  	_ =	shalt  }
0x5b: {  	_ =	shalt  }
0x5c: {  	_ =	shalt  }
0x5d: {  	_ =	shalt  }
0x5e: {  	_ =	shalt  }
0x5f: {  	_ =	shalt  }
0x60: {  	_ =	shalt  }
0x61: {  	_ =	shalt  }
0x62: {  	_ =	shalt  }
0x63: {  	_ =	shalt  }
0x64: {  	_ =	shalt  }
0x65: {  	_ =	shalt  }
0x66: {  	_ =	shalt  }
0x67: {  	_ =	shalt  }
0x68: {  	_ =	shalt  }
0x69: {  	_ =	shalt  }
0x6a: {  	_ =	shalt  }
0x6b: {  	_ =	shalt  }
0x6c: {  	_ =	shalt  }
0x6d: {  	_ =	shalt  }
0x6e: {  	_ =	shalt  }
0x6f: {  	_ =	shalt  }
0x70: {  	_ =	shalt  }
0x71: {  	_ =	shalt  }
0x72: {  	_ =	shalt  }
0x73: {  	_ =	shalt  }
0x74: {  	_ =	shalt  }
0x75: {  	_ =	shalt  }
0x76: {  	_ =	shalt  }
0x77: {  	_ =	shalt  }
0x78: {  	_ =	shalt  }
0x79: {  	_ =	shalt  }
0x7a: {  	_ =	shalt  }
0x7b: {  	_ =	shalt  }
0x7c: {  	_ =	shalt  }
0x7d: {  	_ =	shalt  }
0x7e: {  	_ =	shalt  }
0x7f: {  	_ =	shalt  }
0x80: {  	_ =	shalt  }
0x81: {  	_ =	shalt  }
0x82: {  	_ =	shalt  }
0x83: {  	_ =	shalt  }
0x84: {  	_ =	shalt  }
0x85: {  	_ =	shalt  }
0x86: {  	_ =	shalt  }
0x87: {  	_ =	shalt  }
.Lfunc_end0:
.L_simem_size_0:
called_computation.2_lowered:
.L_overlay_start_0:
0x88: {  	s2 =	sld [smem:$0x3FD9]  }
0x89: {  	s3 =	sld [smem:$0x3FFE];
	_ =	sdelay $0x1  }
0x8a: {  	s1 =	srdreg.scid  }
0x8b: {  	s0 =	sand.u32 $0x1, s1  }
0x8c: {  	s16 =	sshll.u32 s0, $0xA;
	s2 =	sadd.s32 s3, s2  }
0x8d: {  	s2 =	sadd.s32 s2, s16  }
0x8e: {  	[smem:$0x3FC0] =	sst s2  }
0x8f: {  	_ = 	snop  }
0x90: {  	(tm) =	ssettm $0x1  }
0x91: {  	s17 =	sld [smem:$0x3FFB];
	_ =	sdelay $0x3  }
0x92: {  	_ =	strace s17  }
0x93: {  	s2 =	sld [smem:$0x3FFC];
	_ =	sdelay $0x3  }
0x94: {  	_ =	strace s2  }
0x95: {  	s2 =	sld [smem:$0x3FFD];
	_ =	sdelay $0x3  }
0x96: {  	_ =	strace s2  }
0x97: {  	_ =	strace $0x8FFFFFFF  }
0x98: {  	s18 =	sld [smem:$0x3FDB];
	_ =	sdelay $0x1  }
0x99: {  	s19 =	simm.s32 $_scs_section_size  }
0x9a: {  	s4 =	simm.s32 $_size__tile_overlayer_lowered;
	s5 =	simm.s32 $_tile_overlayer_lowered  }
0x9b: {  	s22 =	simm.s32 $0x1BFF;
	s21 =	sshll.u32 s5, $0x1;
	s2 =	sadd.s32 s19, s18  }
0x9c: {  	s6 =	simm.s32 $0x0;
	s20 =	sshll.u32 s4, $0x1;
	s4 =	sadd.s32 s21, s2  }
0x9d: {  	[timem:s6], [sflag:s22] =	dma.local [hbm:s4], s20  }
0x9e: {  	_ =	swait.ge [sflag:s22], s20  }
0x9f: {  	s3 =	ssub.s32 $0x0, s20;
	[sflag:s22] =	ssyncset.done $0x0  }
0xa0: {  	[sflag:s22] =	ssyncadd.s32 s3;
	_ =	sdelay $0x1  }
0xa1: {  	s23 =	simm.s32 $0x1B8B  }
0xa2: {  	_ =	swait.ge [sflag:s23], $0x1  }
0xa3: {  	[sflag:s23] =	ssyncset.done $0x0  }
0xa4: {  	s25 =	simm.s32 $0x1B8E;
	s24 =	sld [smem:$0x3FFE];
	[sflag:s23] =	ssyncadd.s32 $0xFFFFFFFF  }
0xa5: {  	s26 =	simm.s32 $execute0_lowered;
	[smem:$0x3FD2] =	sst s25  }
0xa6: {  	s4 =	sshll.u32 s26, $0x1;
	_ =	strace $0x8000004C;
	[dreg:$0x1] =	wrdreg $0xFFFFFFFF  }
0xa7: {  	s28 =	simm.s32 $_size_execute0_lowered;
	s2 =	sadd.s32 s2, s4;
	[dreg:$0x0] =	wrdreg $0x0  }
0xa8: {  	s4 =	sshll.u32 s28, $0x1;
	[dreg:$0x2] =	wrdreg s2  }
0xa9: {  	[dreg:$0x3] =	wrdreg s4  }
0xaa: {  	[dreg:$0x4] =	wrdreg $0xC0  }
0xab: {  	_ =	task [dreg:s6], $0x5FFFF  }
0xac: {  	[dreg:$0x1] =	wrdreg $0xFFFFFFFF  }
0xad: {  	[dreg:$0x0] =	wrdreg $0x60  }
0xae: {  	[dreg:$0x2] =	wrdreg s24  }
0xaf: {  	[dreg:$0x3] =	wrdreg $0xA8000  }
0xb0: {  	[dreg:$0x4] =	wrdreg $0x9  }
0xb1: {  	_ =	task.clear_ibuf [dreg:s6], $0x5FFFF;
	_ =	strace $0x9000004C  }
0xb2: {  	s29 =	simm.s32 $0x9;
	_ =	strace $0x8000004E  }
0xb3: {  	_ =	swait.ge [sflag:s29], $0x1  }
0xb4: {  	[sflag:s29] =	ssyncadd.s32 $0xFFFFFFFF  }
0xb5: {  	_ =	strace $0x9000004E  }
0xb6: {  	_ =	sfence  }
0xb7: {  	s30 =	sld [smem:$0x0];
	_ =	sdelay $0x2  }
0xb8: {  	s31 =	sshll.u32 s1, $0xD;
	s1 =	sshrl.u32 s1, $0x2  }
0xb9: {  	s3 =	sand.u32 $0x4000, s31;
	s1 =	sadd.s32 s1, s30  }
0xba: {  	s0 =	sor.u32 s3, s0;
	s1 =	sshll.u32 s1, $0x11  }
0xbb: {  	s0 =	sor.u32 s1, s0  }
0xbc: {  	s0 =	sadd.s32 $0x8F2B, s0  }
0xbd: {  	[sflag:s0] =	ssyncadd.remote.s32 $0x1  }
0xbe: {  	_ =	sfence.sel $0xFFFF  }
0xbf: {  	[dreg:$0x0] =	wrdreg $0xFFFFFFFF;
	(pc) =	sbr.abs _section_cstart, $3  }
0xc0: {  	[dreg:$0x1] =	wrdreg $0xFFFFFFFF  }
0xc1: {  	_ =	task.clear_ibuf [dreg:s6], $0x2FFFF;
	_ =	strace $0x9FFFFFFF  }
0xc2: {  	(tm) =	ssettm $0x7FFFFFFF  }
0xc3: {  	_ =	shalt  }
tec
execute0_lowered:
.L_overlay_start_1:
0x0: {  	(tag) =	ssettag $0x1  }
0x1: {  	s0 =	rddreg [dreg:$0x0]  }
0x2: {  	s1 =	rddreg [dreg:$0x1];
	s2 =	simm.s32 $0x0;
	s3 =	srdreg.scid  }
0x3: {  	s12 =	stileid.u32;
	s28 =	simm.s32 $0x6800;
	s29 =	simm.s32 $0x2  }
0x4: {  	s30 =	simm.s32 $0x3;
	s31 =	simm.s32 $0x4;
	[smem:$0x7FF] =	sst s2  }
0x5: {  	s4 =	sadd.s32 $0x18800, s0;
	s3 =	sand.u32 $0x1, s3;
	s10 =	smul.u32 $0x13C00, s12  }
0x6: {  	s5 =	sadd.s32 $0x4800, s0;
	s8 =	sadd.s32 $0xE800, s0;
	s11 =	smul.u32 $0x278, s12  }
0x7: {  	s0 =	sadd.s32 $0x67800, s0;
	s21 =	sshll.u32 s12, $0x1;
	s12 =	smul.u32 $0x4F000, s12  }
0x8: {  	_ =	strace $0x8000004D;
	s6 =	ssub.s32 $0x2, s3;
	s13 =	sor.u32 s3, s21  }
0x9: {  	s3 =	smul.u32 $0x13C000, s3;
	s7 =	sshrl.u32 s6, $0x1;
	s9 =	sshrl.u32 s10, $0x3  }
0xa: {  	s23 =	sadd.s32 $0x80, s11;
	s24 =	sshrl.u32 s12, $0x2;
	s25 =	sadd.s32 $0x100, s11  }
0xb: {  	s14 =	sadd.s32 $0x180, s11;
	s15 =	sadd.s32 $0x200, s11;
	s13 =	smul.u32 $0x2800, s13  }
0xc: {  	s6 =	ssub.s32 s6, s7;
	s22 =	sadd.s32 s4, s9;
	s18 =	sshll.u32 s23, $0x7  }
0xd: {  	s7 =	sshll.u32 s23, $0x4;
	s26 =	sshll.u32 s25, $0x7;
	s9 =	sshll.u32 s25, $0x4  }
0xe: {  	s19 =	sshll.u32 s14, $0x7;
	s14 =	sshll.u32 s14, $0x4;
	s16 =	sshll.u32 s15, $0x4  }
0xf: {  	s20 =	sshll.u32 s15, $0x7;
	s21 =	sadd.s32 s10, s3;
	s10 =	simm.s32 $0x0  }
0x10: {  	[dreg:$0x3] =	wrdreg s22;
	s7 =	sadd.s32 s4, s7;
	s9 =	sadd.s32 s4, s9  }
0x11: {  	s14 =	sadd.s32 s4, s14;
	s11 =	sadd.s32 s26, s1;
	s13 =	sshrl.u32 s13, $0x3  }
0x12: {  	s22 =	sadd.s32 s3, s18;
	s23 =	sadd.s32 s3, s26;
	[dreg:$0x4] =	wrdreg s7  }
0x13: {  	s7 =	sadd.s32 s24, s1;
	[dreg:$0x5] =	wrdreg s9;
	s9 =	sadd.s32 s18, s1  }
0x14: {  	[dreg:$0x6] =	wrdreg s14;
	s14 =	sadd.s32 s4, s16;
	s17 =	sadd.s32 s5, s13  }
0x15: {  	s16 =	sadd.s32 $0x280, s13;
	s13 =	sadd.s32 s8, s13;
	[dreg:$0x7] =	wrdreg s14  }
0x16: {  	s24 =	sadd.s32 s3, s19;
	s3 =	sadd.s32 s3, s20;
	[dreg:$0x8] =	wrdreg s17  }
0x17: {  	s18 =	sadd.s32 s20, s1;
	s25 =	sshrl.u32 s23, $0x3;
	[dreg:$0x9] =	wrdreg s13  }
0x18: {  	s15 =	sadd.s32 s5, s16;
	s16 =	sadd.s32 s8, s16;
	s17 =	sadd.s32 s19, s1  }
0x19: {  	s5 =	sshrl.u32 s21, $0x3;
	s8 =	sshrl.u32 s22, $0x3;
	s21 =	sadd.s32 s0, s25  }
.Ltmp0:
0x1a: {  	s26 =	sshrl.u32 s24, $0x3;
	s3 =	sshrl.u32 s3, $0x3;
	(pc) =	sbr.rel .LBB2_1-.Ltmp0, $4  }
0x1b: {  	s24 =	smax.u32 s6, $0x1;
	s25 =	simm.s32 $0x2800;
	s6 =	simm.s32 $0x1480  }
0x1c: {  	s19 =	sadd.s32 s0, s5;
	s20 =	sadd.s32 s0, s8;
	s22 =	sadd.s32 s0, s26  }
0x1d: {  	s23 =	sadd.s32 s0, s3;
	s26 =	simm.s32 $0x1;
	s0 =	simm.s32 $0x5  }
0x1e: {  	s3 =	simm.s32 $0x1400;
	s5 =	simm.s32 $0x80;
	s8 =	simm.s32 $0x100  }
.LBB2_7:
0x1f: {  	_ =	swait.ge [sflag:s31], $0x4000  }
0x20: {  	[sflag:s31] =	ssyncset.done $0x0  }
0x21: {  	[sflag:s31] =	ssyncadd.s32 $0xFFFFC000  }
0x22: {  	[bflag:$0x0] =	sbarrier.arrive $0xFFFF  }
0x23: {  	[tilespmem:s25], [sflag:$0x1] =	stream.linear.gather [spmem:s7], $0x4000, $0x38;
	[tilespmem:$0x1E400] =	vst v63  }
0x24: {  	_ =	swait.ge [sflag:s26], $0x4000  }
0x25: {  	[sflag:s26] =	ssyncset.done $0x0  }
0x26: {  	[sflag:s26] =	ssyncadd.s32 $0xFFFFC000  }
0x27: {  	[tilespmem:s28], [sflag:$0x2] =	stream.linear.gather [spmem:s9], $0x4000, $0x38;
	[tilespmem:$0x1E400] =	vst v63  }
0x28: {  	_ = 	snop  }
0x29: {  	[hbm4b:s19+s2] =	stream.linear.scatter [tilespmem:s25], [sflag:$0x3], $0x4000, $0x38;
	[tilespmem:$0x1E400] =	vst v63  }
0x2a: {  	_ =	swait.ge [sflag:s29], $0x4000  }
0x2b: {  	[sflag:s29] =	ssyncset.done $0x0  }
0x2c: {  	[sflag:s29] =	ssyncadd.s32 $0xFFFFC000  }
0x2d: {  	_ =	swait.ge [sflag:s30], $0x4000  }
0x2e: {  	[sflag:s30] =	ssyncset.done $0x0  }
0x2f: {  	[sflag:s30] =	ssyncadd.s32 $0xFFFFC000  }
0x30: {  	[tilespmem:s25], [sflag:$0x1] =	stream.linear.gather [spmem:s11], $0x4000, $0x38;
	[tilespmem:$0x1E400] =	vst v63  }
0x31: {  	_ = 	snop  }
0x32: {  	[hbm4b:s20+s2] =	stream.linear.scatter [tilespmem:s28], [sflag:$0x4], $0x4000, $0x38;
	[tilespmem:$0x1E400] =	vst v63  }
0x33: {  	_ =	swait.ge [sflag:s26], $0x4000  }
0x34: {  	[sflag:s26] =	ssyncset.done $0x0  }
0x35: {  	[sflag:s26] =	ssyncadd.s32 $0xFFFFC000  }
0x36: {  	_ =	swait.ge [sflag:s31], $0x4000  }
0x37: {  	[sflag:s31] =	ssyncset.done $0x0  }
0x38: {  	[sflag:s31] =	ssyncadd.s32 $0xFFFFC000  }
0x39: {  	[tilespmem:s28], [sflag:$0x2] =	stream.linear.gather [spmem:s17], $0x4000, $0x38;
	[tilespmem:$0x1E400] =	vst v63  }
0x3a: {  	_ = 	snop  }
0x3b: {  	[hbm4b:s21+s2] =	stream.linear.scatter [tilespmem:s25], [sflag:$0x3], $0x4000, $0x38;
	[tilespmem:$0x1E400] =	vst v63  }
0x3c: {  	_ =	swait.ge [sflag:s29], $0x4000  }
0x3d: {  	[sflag:s29] =	ssyncset.done $0x0  }
0x3e: {  	[sflag:s29] =	ssyncadd.s32 $0xFFFFC000  }
0x3f: {  	_ =	swait.ge [sflag:s30], $0x4000  }
0x40: {  	[sflag:s30] =	ssyncset.done $0x0  }
0x41: {  	[sflag:s30] =	ssyncadd.s32 $0xFFFFC000  }
0x42: {  	[tilespmem:s25], [sflag:$0x1] =	stream.linear.gather [spmem:s18], $0x3C00, $0x38;
	[tilespmem:$0x1E400] =	vst v63  }
0x43: {  	_ = 	snop  }
0x44: {  	[hbm4b:s22+s2] =	stream.linear.scatter [tilespmem:s28], [sflag:$0x4], $0x4000, $0x38;
	[tilespmem:$0x1E400] =	vst v63  }
0x45: {  	_ =	swait.ge [sflag:s26], $0x3C00  }
0x46: {  	[sflag:s26] =	ssyncset.done $0x0  }
0x47: {  	s10 =	sadd.s32 $0x1, s10;
	[sflag:s26] =	ssyncadd.s32 $0xFFFFC400  }
0x48: {  	[hbm4b:s23+s2] =	stream.linear.scatter [tilespmem:s25], [sflag:$0x3], $0x3C00, $0x38;
	[tilespmem:$0x1E400] =	vst v63  }
0x49: {  	p0 =	sne.s32 s10, s24;
	_ =	swait.ge [sflag:s31], $0x4000  }
.Ltmp1:
0x4a: {  	[sflag:s31] =	ssyncset.done $0x0;
	(pc) =	sbr.rel @!p0 .LBB2_8-.Ltmp1, $4  }
0x4b: {  	[sflag:s31] =	ssyncadd.s32 $0xFFFFC000  }
0x4c: {  	_ =	swait.ge [sflag:s30], $0x3C00  }
0x4d: {  	[sflag:s30] =	ssyncset.done $0x0  }
0x4e: {  	[sflag:s30] =	ssyncadd.s32 $0xFFFFC400  }
.LBB2_1:
0x4f: {  	s12 =	rddreg [dreg:$0x3]  }
0x50: {  	[tilespmem:s25], [sflag:$0x1] =	stream.linear.gather [hbm4b:s12+s2], $0x4000, $0x38;
	[tilespmem:$0x1E400] =	vst v63  }
0x51: {  	_ =	swait.ge [sflag:s26], $0x4000  }
0x52: {  	[sflag:s26] =	ssyncset.done $0x0  }
0x53: {  	s13 =	rddreg [dreg:$0x4];
	[sflag:s26] =	ssyncadd.s32 $0xFFFFC000  }
0x54: {  	[tilespmem:s28], [sflag:$0x2] =	stream.linear.gather [hbm4b:s13+s2], $0x4000, $0x38;
	[tilespmem:$0x1E400] =	vst v63  }
0x55: {  	_ = 	snop  }
0x56: {  	[spmem:s7] =	stream.linear.scatter [tilespmem:s25], [sflag:$0x3], $0x4000, $0x38;
	[tilespmem:$0x1E400] =	vst v63  }
0x57: {  	_ =	swait.ge [sflag:s29], $0x4000  }
0x58: {  	[sflag:s29] =	ssyncset.done $0x0  }
0x59: {  	[sflag:s29] =	ssyncadd.s32 $0xFFFFC000  }
0x5a: {  	_ =	swait.ge [sflag:s30], $0x4000  }
0x5b: {  	[sflag:s30] =	ssyncset.done $0x0  }
0x5c: {  	s14 =	rddreg [dreg:$0x5];
	[sflag:s30] =	ssyncadd.s32 $0xFFFFC000  }
0x5d: {  	[tilespmem:s25], [sflag:$0x1] =	stream.linear.gather [hbm4b:s14+s2], $0x4000, $0x38;
	[tilespmem:$0x1E400] =	vst v63  }
0x5e: {  	_ = 	snop  }
0x5f: {  	[spmem:s9] =	stream.linear.scatter [tilespmem:s28], [sflag:$0x4], $0x4000, $0x38;
	[tilespmem:$0x1E400] =	vst v63  }
0x60: {  	_ =	swait.ge [sflag:s26], $0x4000  }
0x61: {  	[sflag:s26] =	ssyncset.done $0x0  }
0x62: {  	[sflag:s26] =	ssyncadd.s32 $0xFFFFC000  }
0x63: {  	_ =	swait.ge [sflag:s31], $0x4000  }
0x64: {  	[sflag:s31] =	ssyncset.done $0x0  }
0x65: {  	s13 =	rddreg [dreg:$0x6];
	[sflag:s31] =	ssyncadd.s32 $0xFFFFC000  }
0x66: {  	[tilespmem:s28], [sflag:$0x2] =	stream.linear.gather [hbm4b:s13+s2], $0x4000, $0x38;
	[tilespmem:$0x1E400] =	vst v63  }
0x67: {  	_ = 	snop  }
0x68: {  	[spmem:s11] =	stream.linear.scatter [tilespmem:s25], [sflag:$0x3], $0x4000, $0x38;
	[tilespmem:$0x1E400] =	vst v63  }
0x69: {  	_ =	swait.ge [sflag:s29], $0x4000  }
0x6a: {  	[sflag:s29] =	ssyncset.done $0x0  }
0x6b: {  	[sflag:s29] =	ssyncadd.s32 $0xFFFFC000  }
0x6c: {  	_ =	swait.ge [sflag:s30], $0x4000  }
0x6d: {  	[sflag:s30] =	ssyncset.done $0x0  }
0x6e: {  	s14 =	rddreg [dreg:$0x7];
	[sflag:s30] =	ssyncadd.s32 $0xFFFFC000  }
0x6f: {  	[tilespmem:s25], [sflag:$0x1] =	stream.linear.gather [hbm4b:s14+s2], $0x3C00, $0x38;
	[tilespmem:$0x1E400] =	vst v63  }
0x70: {  	_ = 	snop  }
0x71: {  	[spmem:s17] =	stream.linear.scatter [tilespmem:s28], [sflag:$0x4], $0x4000, $0x38;
	[tilespmem:$0x1E400] =	vst v63  }
0x72: {  	_ =	swait.ge [sflag:s26], $0x3C00  }
0x73: {  	[sflag:s26] =	ssyncset.done $0x0  }
0x74: {  	[sflag:s26] =	ssyncadd.s32 $0xFFFFC400  }
0x75: {  	[spmem:s18] =	stream.linear.scatter [tilespmem:s25], [sflag:$0x3], $0x3C00, $0x38;
	[tilespmem:$0x1E400] =	vst v63  }
0x76: {  	_ =	swait.ge [sflag:s31], $0x4000  }
0x77: {  	[sflag:s31] =	ssyncset.done $0x0  }
0x78: {  	[sflag:s31] =	ssyncadd.s32 $0xFFFFC000  }
0x79: {  	_ =	swait.ge [sflag:s30], $0x3C00  }
0x7a: {  	[sflag:s30] =	ssyncset.done $0x0  }
0x7b: {  	[sflag:s30] =	ssyncadd.s32 $0xFFFFC400  }
0x7c: {  	[bflag:$0x0] =	sbarrier.arrive $0xFFFF  }
0x7d: {  	s13 =	rddreg [dreg:$0x8]  }
0x7e: {  	[tilespmem:s2], [sflag:$0x5] =	stream.linear.gather [hbm4b:s13+s2], $0x1400, $0x38;
	[tilespmem:$0x1E400] =	vst v63  }
0x7f: {  	_ =	swait.ge [sflag:s0], $0x1400  }
0x80: {  	[sflag:s0] =	ssyncset.done $0x0  }
0x81: {  	s14 =	rddreg [dreg:$0x9];
	[sflag:s0] =	ssyncadd.s32 $0xFFFFEC00  }
0x82: {  	[tilespmem:s3], [sflag:$0x5] =	stream.linear.gather [hbm4b:s14+s2], $0x1400, $0x38;
	[tilespmem:$0x1E400] =	vst v63  }
0x83: {  	_ =	swait.ge [sflag:s0], $0x1400  }
0x84: {  	[sflag:s0] =	ssyncset.done $0x0  }
0x85: {  	[sflag:s0] =	ssyncadd.s32 $0xFFFFEC00  }
0x86: {  	[tilespmem:s25], [sflag:$0x1] =	stream.indirect.gather [hbm4b:s4+s5], $0x80, s2, s5, $0xb8;
	[tilespmem:$0x1E400] =	vst v63  }
0x87: {  	_ =	swait.ge [sflag:s26], $0x4000  }
0x88: {  	[sflag:s26] =	ssyncset.done $0x0  }
0x89: {  	[sflag:s26] =	ssyncadd.s32 $0xFFFFC000  }
0x8a: {  	[spmem:s1] =	stream.indirect.scatter.add.f32 [tilespmem:s25], [sflag:$0x3], $0x80, s3, s5, $0xb8;
	[tilespmem:$0x1E400] =	vst v63  }
0x8b: {  	_ = 	snop  }
0x8c: {  	[tilespmem:s28], [sflag:$0x2] =	stream.indirect.gather [hbm4b:s4+s5], $0x80, s5, s5, $0xb8;
	[tilespmem:$0x1E400] =	vst v63  }
0x8d: {  	_ =	swait.ge [sflag:s29], $0x4000  }
0x8e: {  	[sflag:s29] =	ssyncset.done $0x0  }
0x8f: {  	[sflag:s29] =	ssyncadd.s32 $0xFFFFC000  }
0x90: {  	[spmem:s1] =	stream.indirect.scatter.add.f32 [tilespmem:s28], [sflag:$0x4], $0x80, s6, s5, $0xb8;
	[tilespmem:$0x1E400] =	vst v63  }
0x91: {  	_ =	swait.ge [sflag:s30], $0x4000  }
0x92: {  	[sflag:s30] =	ssyncset.done $0x0  }
0x93: {  	s12 =	simm.s32 $0xFFFFB800;
	[sflag:s30] =	ssyncadd.s32 $0xFFFFC000  }
0x94: {  	[tilespmem:s25], [sflag:$0x1] =	stream.indirect.gather [hbm4b:s4+s5], $0x80, s8, s5, $0xb8;
	[tilespmem:$0x1E400] =	vst v63  }
.LBB2_2:
0x95: {  	_ =	swait.ge [sflag:s26], $0x4000  }
0x96: {  	s13 =	sshra.s32 s12, $0x2;
	[sflag:s26] =	ssyncset.done $0x0  }
0x97: {  	s14 =	sadd.s32 $0x2700, s13;
	[sflag:s26] =	ssyncadd.s32 $0xFFFFC000  }
0x98: {  	[spmem:s1] =	stream.indirect.scatter.add.f32 [tilespmem:s25], [sflag:$0x3], $0x80, s14, s5, $0xb8;
	[tilespmem:$0x1E400] =	vst v63  }
0x99: {  	_ =	swait.ge [sflag:s31], $0x4000  }
0x9a: {  	[sflag:s31] =	ssyncset.done $0x0  }
0x9b: {  	s14 =	sadd.s32 $0x1380, s13;
	[sflag:s31] =	ssyncadd.s32 $0xFFFFC000  }
0x9c: {  	[tilespmem:s28], [sflag:$0x2] =	stream.indirect.gather [hbm4b:s4+s5], $0x80, s14, s5, $0xb8;
	[tilespmem:$0x1E400] =	vst v63  }
0x9d: {  	_ =	swait.ge [sflag:s29], $0x4000  }
0x9e: {  	p0 =	seq.s32 s12, $0x0;
	[sflag:s29] =	ssyncset.done $0x0  }
.Ltmp2:
0x9f: {  	s14 =	sadd.s32 $0x2780, s13;
	[sflag:s29] =	ssyncadd.s32 $0xFFFFC000;
	(pc) =	sbr.rel @p0 .LBB2_4-.Ltmp2, $4  }
0xa0: {  	[spmem:s1] =	stream.indirect.scatter.add.f32 [tilespmem:s28], [sflag:$0x4], $0x80, s14, s5, $0xb8;
	[tilespmem:$0x1E400] =	vst v63  }
0xa1: {  	_ =	swait.ge [sflag:s30], $0x4000  }
0xa2: {  	[sflag:s30] =	ssyncset.done $0x0  }
0xa3: {  	[sflag:s30] =	ssyncadd.s32 $0xFFFFC000  }
.Ltmp3:
0xa4: {  	(pc) =	sbr.rel .LBB2_2-.Ltmp3, $3  }
0xa5: {  	_ =	sdelay $0x1  }
0xa6: {  	s13 =	sadd.s32 $0x1400, s13;
	s12 =	sadd.s32 $0x400, s12  }
0xa7: {  	[tilespmem:s25], [sflag:$0x1] =	stream.indirect.gather [hbm4b:s4+s5], $0x80, s13, s5, $0xb8;
	[tilespmem:$0x1E400] =	vst v63  }
.LBB2_4:
0xa8: {  	_ =	swait.ge [sflag:s31], $0x4000  }
0xa9: {  	[sflag:s31] =	ssyncset.done $0x0  }
0xaa: {  	[sflag:s31] =	ssyncadd.s32 $0xFFFFC000  }
0xab: {  	[tilespmem:s2], [sflag:$0x5] =	stream.linear.gather [hbm4b:s15+s2], $0x1400, $0x38;
	[tilespmem:$0x1E400] =	vst v63  }
0xac: {  	_ =	swait.ge [sflag:s0], $0x1400  }
0xad: {  	[sflag:s0] =	ssyncset.done $0x0  }
0xae: {  	[sflag:s0] =	ssyncadd.s32 $0xFFFFEC00  }
0xaf: {  	[tilespmem:s3], [sflag:$0x5] =	stream.linear.gather [hbm4b:s16+s2], $0x1400, $0x38;
	[tilespmem:$0x1E400] =	vst v63  }
0xb0: {  	_ =	swait.ge [sflag:s0], $0x1400  }
0xb1: {  	[sflag:s0] =	ssyncset.done $0x0  }
0xb2: {  	[sflag:s0] =	ssyncadd.s32 $0xFFFFEC00  }
0xb3: {  	[tilespmem:s25], [sflag:$0x1] =	stream.indirect.gather [hbm4b:s4+s5], $0x80, s2, s5, $0xb8;
	[tilespmem:$0x1E400] =	vst v63  }
0xb4: {  	_ =	swait.ge [sflag:s26], $0x4000  }
0xb5: {  	[sflag:s26] =	ssyncset.done $0x0  }
0xb6: {  	[sflag:s26] =	ssyncadd.s32 $0xFFFFC000  }
0xb7: {  	[spmem:s1] =	stream.indirect.scatter.add.f32 [tilespmem:s25], [sflag:$0x3], $0x80, s3, s5, $0xb8;
	[tilespmem:$0x1E400] =	vst v63  }
0xb8: {  	_ = 	snop  }
0xb9: {  	[tilespmem:s28], [sflag:$0x2] =	stream.indirect.gather [hbm4b:s4+s5], $0x80, s5, s5, $0xb8;
	[tilespmem:$0x1E400] =	vst v63  }
0xba: {  	_ =	swait.ge [sflag:s29], $0x4000  }
0xbb: {  	[sflag:s29] =	ssyncset.done $0x0  }
0xbc: {  	[sflag:s29] =	ssyncadd.s32 $0xFFFFC000  }
0xbd: {  	[spmem:s1] =	stream.indirect.scatter.add.f32 [tilespmem:s28], [sflag:$0x4], $0x80, s6, s5, $0xb8;
	[tilespmem:$0x1E400] =	vst v63  }
0xbe: {  	_ =	swait.ge [sflag:s30], $0x4000  }
0xbf: {  	[sflag:s30] =	ssyncset.done $0x0  }
0xc0: {  	s12 =	simm.s32 $0xFFFFB800;
	[sflag:s30] =	ssyncadd.s32 $0xFFFFC000  }
0xc1: {  	[tilespmem:s25], [sflag:$0x1] =	stream.indirect.gather [hbm4b:s4+s5], $0x80, s8, s5, $0xb8;
	[tilespmem:$0x1E400] =	vst v63  }
.LBB2_5:
0xc2: {  	_ =	swait.ge [sflag:s26], $0x4000  }
0xc3: {  	s13 =	sshra.s32 s12, $0x2;
	[sflag:s26] =	ssyncset.done $0x0  }
0xc4: {  	s14 =	sadd.s32 $0x2700, s13;
	[sflag:s26] =	ssyncadd.s32 $0xFFFFC000  }
0xc5: {  	[spmem:s1] =	stream.indirect.scatter.add.f32 [tilespmem:s25], [sflag:$0x3], $0x80, s14, s5, $0xb8;
	[tilespmem:$0x1E400] =	vst v63  }
0xc6: {  	_ =	swait.ge [sflag:s31], $0x4000  }
0xc7: {  	[sflag:s31] =	ssyncset.done $0x0  }
0xc8: {  	s14 =	sadd.s32 $0x1380, s13;
	[sflag:s31] =	ssyncadd.s32 $0xFFFFC000  }
0xc9: {  	[tilespmem:s28], [sflag:$0x2] =	stream.indirect.gather [hbm4b:s4+s5], $0x80, s14, s5, $0xb8;
	[tilespmem:$0x1E400] =	vst v63  }
0xca: {  	_ =	swait.ge [sflag:s29], $0x4000  }
0xcb: {  	p0 =	seq.s32 s12, $0x0;
	[sflag:s29] =	ssyncset.done $0x0  }
.Ltmp4:
0xcc: {  	s14 =	sadd.s32 $0x2780, s13;
	[sflag:s29] =	ssyncadd.s32 $0xFFFFC000;
	(pc) =	sbr.rel @p0 .LBB2_7-.Ltmp4, $4  }
0xcd: {  	[spmem:s1] =	stream.indirect.scatter.add.f32 [tilespmem:s28], [sflag:$0x4], $0x80, s14, s5, $0xb8;
	[tilespmem:$0x1E400] =	vst v63  }
0xce: {  	_ =	swait.ge [sflag:s30], $0x4000  }
0xcf: {  	[sflag:s30] =	ssyncset.done $0x0  }
0xd0: {  	[sflag:s30] =	ssyncadd.s32 $0xFFFFC000  }
.Ltmp5:
0xd1: {  	(pc) =	sbr.rel .LBB2_5-.Ltmp5, $3  }
0xd2: {  	_ =	sdelay $0x1  }
0xd3: {  	s13 =	sadd.s32 $0x1400, s13;
	s12 =	sadd.s32 $0x400, s12  }
0xd4: {  	[tilespmem:s25], [sflag:$0x1] =	stream.indirect.gather [hbm4b:s4+s5], $0x80, s13, s5, $0xb8;
	[tilespmem:$0x1E400] =	vst v63  }
.LBB2_8:
0xd5: {  	_ =	sfence.sel $0x180000  }
0xd6: {  	[bflag:$0x0] =	sbarrier.arrive $0xFFFF  }
0xd7: {  	_ =	strace $0x9000004D  }
0xd8: {  	s0 =	stileid.u32;
	[bflag:$0x2] =	sbarrier.arrive $0xFFFF  }
0xd9: {  	p0 =	sne.s32 s0, $0x0;
	s0 =	rddreg [dreg:$0x2]  }
0xda: {  	s0 =	sadd.s32 @!p0 $0x100000, s0  }
0xdb: {  	[sflag:s0] =	ssyncadd.tile.s32 @!p0 $0x1;
	_ =	shalt  }
.Lfunc_end2:
_tile_overlayer_lowered:
.L_overlay_start_2:
0xdc: {  	(tag) =	ssettag $0x2  }
0xdd: {  	s0 =	rddreg [dreg:$0x0];
	s2 =	stileid.u32  }
0xde: {  	s1 =	rddreg [dreg:$0x1];
	p0 =	sne.s32 s2, $0x0  }
0xdf: {  	s3 =	rddreg [dreg:$0x2];
	[bflag:$0x3] =	sbarrier.arrive $0xFFFF;
	s2 =	simm.s32 @!p0 $0x1C05  }
0xe0: {  	[timem:s3], [sflag:s2] =	dma.local @!p0 [hbm:s0], s1  }
0xe1: {  	s0 =	simm.s32 @!p0 $0x5  }
0xe2: {  	_ =	swait.ge @!p0 [sflag:s0], s1  }
0xe3: {  	s1 =	ssub.s32 @!p0 $0x0, s1;
	[sflag:s0] =	ssyncset.done @!p0 $0x0  }
0xe4: {  	[sflag:s0] =	ssyncadd.s32 @!p0 s1  }
0xe5: {  	[bflag:$0x3] =	sbarrier.arrive $0xFFFF  }
0xe6: {  	_ =	shalt  }

// kernel: kernel.19.cloned.1.call-start
scs
__scs_entry_jumppad:
0x0: {  	(pc) =	sbr.rel $0x88, $3  }
0x1: {  	(tag) =	ssettag $0x0;
	lr =	simm.s32 $0x1  }
0x2: {  	[smem:$0x3F99] =	sst lr;
	_ =	strace $0xD0000000  }
0x3: {  	_ = 	snop  }
0x4: {  	_ = 	snop  }
0x5: {  	_ = 	snop  }
0x6: {  	_ = 	snop  }
0x7: {  	_ = 	snop  }
__scs_overlays_trampoline_lowered:
0x8: {  	[smem:$0x3FA8] =	sst s0  }
0x9: {  	[smem:$0x3FA9] =	sst s1  }
0xa: {  	[smem:$0x3FAA] =	sst s2  }
0xb: {  	[smem:$0x3FAB] =	sst s3  }
0xc: {  	[smem:$0x3FAC] =	sst s4  }
0xd: {  	[smem:$0x3FAD] =	sst s5  }
0xe: {  	[smem:$0x3FAE] =	sst s6  }
0xf: {  	[smem:$0x3FAF] =	sst s7  }
0x10: {  	[smem:$0x3FB0] =	sst s8  }
0x11: {  	[smem:$0x3FB1] =	sst s9;
	s0 =	simm.s32 @!p0 $0x0  }
0x12: {  	s1 =	sld [smem:$0x3F97];
	s0 =	simm.s32 @p0 $0x1  }
0x13: {  	[smem:$0x3FB2] =	sst s0;
	s0 =	simm.s32 @!p1 $0x0  }
0x14: {  	s2 =	sld [smem:$0x3F96];
	s0 =	simm.s32 @p1 $0x1  }
0x15: {  	[smem:$0x3FB3] =	sst s0;
	s0 =	simm.s32 @!p2 $0x0  }
0x16: {  	s3 =	sld [smem:$0x3FDB];
	s0 =	simm.s32 @p2 $0x1  }
0x17: {  	s4 =	simm.s32 $0x1BF5;
	[smem:$0x3FB5] =	sst s0  }
0x18: {  	s0 =	sld [smem:$0x3F98];
	_ =	swait.ge [sflag:s4], $0x0  }
0x19: {  	s7 =	sld [smem:$0x3F99]  }
0x1a: {  	s8 =	sadd.s32 $0xFFFFE003, lr  }
0x1b: {  	s9 =	sadd.s32 $0xFFFFFEF7, lr;
	s5 =	simm.s32 $0xFFFFFFFF;
	p2 =	slt.u32 s8, $0xFFFFF086  }
0x1c: {  	p1 =	slt.u32 s9, $0xF7A;
	s5 =	simm.s32 @!p2 $0x0  }
0x1d: {  	s5 =	simm.s32 @p1 $0x1;
	p0 =	seq.s32 s7, s2  }
0x1e: {  	s7 =	smul.u32 @!p0 $0xF7A, s2;
	p2 =	seq.s32 @!p0 s5, $0x0  }
0x1f: {  	s9 =	smul.u32 $0xF7A, s1;
	s8 =	simm.s32 @!p0 $0x1BF5;
	p2 =	por !p2, p0  }
0x20: {  	[sflag:s8] =	ssyncset.s32 @!p0 $0xFFFFF086;
	s6 =	sadd.s32 @!p0 s3, s7;
	s7 =	simm.s32 @!p0 $0x108  }
0x21: {  	s3 =	sadd.s32 s3, s9;
	s6 =	sadd.s32 @!p0 $0x88, s6;
	s7 =	simm.s32 @p2 $0x1082  }
0x22: {  	[simem:s7], [sflag:s8] =	dma.local @!p0 [hbm:s6], $0xF7A  }
0x23: {  	s9 =	sor.u32 $0xD0000000, s2;
	s6 =	simm.s32 $0x108;
	_ =	swait.ge @!p0 [sflag:s8], $0x0  }
0x24: {  	s3 =	sadd.s32 $0x88, s3;
	s6 =	simm.s32 @!p1 $0x1082;
	[sflag:s4] =	ssyncset.s32 $0xFFFFF086  }
0x25: {  	[simem:s6], [sflag:s4] =	dma.local [hbm:s3], $0xF7A  }
0x26: {  	[smem:$0x3F99] =	sst s1;
	(tag) =	ssettag s2;
	_ =	strace s9  }
0x27: {  	s1 =	sld [smem:$0x3FA9]  }
0x28: {  	s2 =	sld [smem:$0x3FAA]  }
0x29: {  	s4 =	sld [smem:$0x3FAC]  }
0x2a: {  	p0 =	seq.s32 s5, $0x0;
	s5 =	sld [smem:$0x3FAD]  }
0x2b: {  	s6 =	sld [smem:$0x3FAE]  }
0x2c: {  	s7 =	sld [smem:$0x3FAF]  }
0x2d: {  	s3 =	simm.s32 $0x108;
	s8 =	sld [smem:$0x3FB0]  }
0x2e: {  	s3 =	simm.s32 @!p0 $0x1082;
	s9 =	sld [smem:$0x3FB1]  }
0x2f: {  	lr =	sadd.s32 s0, s3;
	s0 =	sld [smem:$0x3FA8]  }
0x30: {  	s3 =	sld [smem:$0x3FAB]  }
0x31: {  	[smem:$0x3FB4] =	sst s10  }
0x32: {  	s10 =	sld [smem:$0x3FB2];
	_ =	sdelay $0x3  }
0x33: {  	p0 =	seq.s32 s10, $0x1;
	s10 =	sld [smem:$0x3FB4];
	_ =	sdelay $0x3  }
0x34: {  	[smem:$0x3FB4] =	sst s10  }
0x35: {  	s10 =	sld [smem:$0x3FB3];
	_ =	sdelay $0x3  }
0x36: {  	p1 =	seq.s32 s10, $0x1;
	s10 =	sld [smem:$0x3FB4];
	_ =	sdelay $0x3  }
0x37: {  	[smem:$0x3FB4] =	sst s10  }
0x38: {  	s10 =	sld [smem:$0x3FB5]  }
0x39: {  	_ = 	snop;
	(pc) =	sbr.ind lr, $3  }
0x3a: {  	_ = 	snop  }
0x3b: {  	_ = 	snop  }
0x3c: {  	p2 =	seq.s32 s10, $0x1;
	s10 =	sld [smem:$0x3FB4]  }
0x3d: {  	_ =	shalt  }
0x3e: {  	_ =	shalt  }
0x3f: {  	_ =	shalt  }
0x40: {  	_ =	shalt  }
0x41: {  	_ =	shalt  }
0x42: {  	_ =	shalt  }
0x43: {  	_ =	shalt  }
0x44: {  	_ =	shalt  }
0x45: {  	_ =	shalt  }
0x46: {  	_ =	shalt  }
0x47: {  	_ =	shalt  }
0x48: {  	_ =	shalt  }
0x49: {  	_ =	shalt  }
0x4a: {  	_ =	shalt  }
0x4b: {  	_ =	shalt  }
0x4c: {  	_ =	shalt  }
0x4d: {  	_ =	shalt  }
0x4e: {  	_ =	shalt  }
0x4f: {  	_ =	shalt  }
0x50: {  	_ =	shalt  }
0x51: {  	_ =	shalt  }
0x52: {  	_ =	shalt  }
0x53: {  	_ =	shalt  }
0x54: {  	_ =	shalt  }
0x55: {  	_ =	shalt  }
0x56: {  	_ =	shalt  }
0x57: {  	_ =	shalt  }
0x58: {  	_ =	shalt  }
0x59: {  	_ =	shalt  }
0x5a: {  	_ =	shalt  }
0x5b: {  	_ =	shalt  }
0x5c: {  	_ =	shalt  }
0x5d: {  	_ =	shalt  }
0x5e: {  	_ =	shalt  }
0x5f: {  	_ =	shalt  }
0x60: {  	_ =	shalt  }
0x61: {  	_ =	shalt  }
0x62: {  	_ =	shalt  }
0x63: {  	_ =	shalt  }
0x64: {  	_ =	shalt  }
0x65: {  	_ =	shalt  }
0x66: {  	_ =	shalt  }
0x67: {  	_ =	shalt  }
0x68: {  	_ =	shalt  }
0x69: {  	_ =	shalt  }
0x6a: {  	_ =	shalt  }
0x6b: {  	_ =	shalt  }
0x6c: {  	_ =	shalt  }
0x6d: {  	_ =	shalt  }
0x6e: {  	_ =	shalt  }
0x6f: {  	_ =	shalt  }
0x70: {  	_ =	shalt  }
0x71: {  	_ =	shalt  }
0x72: {  	_ =	shalt  }
0x73: {  	_ =	shalt  }
0x74: {  	_ =	shalt  }
0x75: {  	_ =	shalt  }
0x76: {  	_ =	shalt  }
0x77: {  	_ =	shalt  }
0x78: {  	_ =	shalt  }
0x79: {  	_ =	shalt  }
0x7a: {  	_ =	shalt  }
0x7b: {  	_ =	shalt  }
0x7c: {  	_ =	shalt  }
0x7d: {  	_ =	shalt  }
0x7e: {  	_ =	shalt  }
0x7f: {  	_ =	shalt  }
0x80: {  	_ =	shalt  }
0x81: {  	_ =	shalt  }
0x82: {  	_ =	shalt  }
0x83: {  	_ =	shalt  }
0x84: {  	_ =	shalt  }
0x85: {  	_ =	shalt  }
0x86: {  	_ =	shalt  }
0x87: {  	_ =	shalt  }
.Lfunc_end0:
.L_simem_size_0:
called_computation.3_lowered:
.L_overlay_start_0:
0x88: {  	s2 =	sld [smem:$0x3FD9]  }
0x89: {  	s3 =	sld [smem:$0x3FFE];
	_ =	sdelay $0x1  }
0x8a: {  	s1 =	srdreg.scid  }
0x8b: {  	s0 =	sand.u32 $0x1, s1  }
0x8c: {  	s16 =	sshll.u32 s0, $0xA;
	s2 =	sadd.s32 s3, s2  }
0x8d: {  	s2 =	sadd.s32 s2, s16  }
0x8e: {  	[smem:$0x3FC0] =	sst s2  }
0x8f: {  	_ = 	snop  }
0x90: {  	(tm) =	ssettm $0x1  }
0x91: {  	s17 =	sld [smem:$0x3FFB];
	_ =	sdelay $0x3  }
0x92: {  	_ =	strace s17  }
0x93: {  	s2 =	sld [smem:$0x3FFC];
	_ =	sdelay $0x3  }
0x94: {  	_ =	strace s2  }
0x95: {  	s2 =	sld [smem:$0x3FFD];
	_ =	sdelay $0x3  }
0x96: {  	_ =	strace s2  }
0x97: {  	_ =	strace $0x8FFFFFFF  }
0x98: {  	s18 =	sld [smem:$0x3FDB];
	_ =	sdelay $0x1  }
0x99: {  	s19 =	simm.s32 $_scs_section_size  }
0x9a: {  	s4 =	simm.s32 $_size__tile_overlayer_lowered;
	s5 =	simm.s32 $_tile_overlayer_lowered  }
0x9b: {  	s22 =	simm.s32 $0x1BFF;
	s21 =	sshll.u32 s5, $0x1;
	s2 =	sadd.s32 s19, s18  }
0x9c: {  	s6 =	simm.s32 $0x0;
	s20 =	sshll.u32 s4, $0x1;
	s4 =	sadd.s32 s21, s2  }
0x9d: {  	[timem:s6], [sflag:s22] =	dma.local [hbm:s4], s20  }
0x9e: {  	_ =	swait.ge [sflag:s22], s20  }
0x9f: {  	s3 =	ssub.s32 $0x0, s20;
	[sflag:s22] =	ssyncset.done $0x0  }
0xa0: {  	[sflag:s22] =	ssyncadd.s32 s3;
	_ =	sdelay $0x1  }
0xa1: {  	s23 =	simm.s32 $0x1B8B  }
0xa2: {  	_ =	swait.ge [sflag:s23], $0x1  }
0xa3: {  	[sflag:s23] =	ssyncset.done $0x0  }
0xa4: {  	s25 =	simm.s32 $0x1B8E;
	s24 =	sld [smem:$0x3FFE];
	[sflag:s23] =	ssyncadd.s32 $0xFFFFFFFF  }
0xa5: {  	s26 =	simm.s32 $execute0_lowered;
	[smem:$0x3FD2] =	sst s25  }
0xa6: {  	s4 =	sshll.u32 s26, $0x1;
	_ =	strace $0x8000004F;
	[dreg:$0x1] =	wrdreg $0xFFFFFFFF  }
0xa7: {  	s28 =	simm.s32 $_size_execute0_lowered;
	s2 =	sadd.s32 s2, s4;
	[dreg:$0x0] =	wrdreg $0x0  }
0xa8: {  	s4 =	sshll.u32 s28, $0x1;
	[dreg:$0x2] =	wrdreg s2  }
0xa9: {  	[dreg:$0x3] =	wrdreg s4  }
0xaa: {  	[dreg:$0x4] =	wrdreg $0xC0  }
0xab: {  	_ =	task [dreg:s6], $0x5FFFF  }
0xac: {  	[dreg:$0x1] =	wrdreg $0xFFFFFFFF  }
0xad: {  	[dreg:$0x0] =	wrdreg $0x60  }
0xae: {  	[dreg:$0x2] =	wrdreg s24  }
0xaf: {  	[dreg:$0x3] =	wrdreg $0xA8000  }
0xb0: {  	[dreg:$0x4] =	wrdreg $0x9  }
0xb1: {  	_ =	task.clear_ibuf [dreg:s6], $0x5FFFF;
	_ =	strace $0x9000004F  }
0xb2: {  	s29 =	simm.s32 $0x9;
	_ =	strace $0x80000051  }
0xb3: {  	_ =	swait.ge [sflag:s29], $0x1  }
0xb4: {  	[sflag:s29] =	ssyncadd.s32 $0xFFFFFFFF  }
0xb5: {  	_ =	strace $0x90000051  }
0xb6: {  	_ =	sfence  }
0xb7: {  	s30 =	sld [smem:$0x0];
	_ =	sdelay $0x2  }
0xb8: {  	s31 =	sshll.u32 s1, $0xD;
	s1 =	sshrl.u32 s1, $0x2  }
0xb9: {  	s3 =	sand.u32 $0x4000, s31;
	s1 =	sadd.s32 s1, s30  }
0xba: {  	s0 =	sor.u32 s3, s0;
	s1 =	sshll.u32 s1, $0x11  }
0xbb: {  	s0 =	sor.u32 s1, s0  }
0xbc: {  	s0 =	sadd.s32 $0x8F2B, s0  }
0xbd: {  	[sflag:s0] =	ssyncadd.remote.s32 $0x1  }
0xbe: {  	_ =	sfence.sel $0xFFFF  }
0xbf: {  	[dreg:$0x0] =	wrdreg $0xFFFFFFFF;
	(pc) =	sbr.abs _section_cstart, $3  }
0xc0: {  	[dreg:$0x1] =	wrdreg $0xFFFFFFFF  }
0xc1: {  	_ =	task.clear_ibuf [dreg:s6], $0x2FFFF;
	_ =	strace $0x9FFFFFFF  }
0xc2: {  	(tm) =	ssettm $0x7FFFFFFF  }
0xc3: {  	_ =	shalt  }
tec
execute0_lowered:
.L_overlay_start_1:
0x0: {  	(tag) =	ssettag $0x1  }
0x1: {  	s0 =	rddreg [dreg:$0x0]  }
0x2: {  	s1 =	rddreg [dreg:$0x1];
	s2 =	simm.s32 $0x0;
	s3 =	srdreg.scid  }
0x3: {  	s12 =	stileid.u32;
	s28 =	simm.s32 $0x6800;
	s29 =	simm.s32 $0x2  }
0x4: {  	s30 =	simm.s32 $0x3;
	s31 =	simm.s32 $0x4;
	[smem:$0x7FF] =	sst s2  }
0x5: {  	s4 =	sadd.s32 $0x18800, s0;
	s3 =	sand.u32 $0x1, s3;
	s10 =	smul.u32 $0x13C00, s12  }
0x6: {  	s5 =	sadd.s32 $0x4800, s0;
	s8 =	sadd.s32 $0xE800, s0;
	s11 =	smul.u32 $0x278, s12  }
0x7: {  	s0 =	sadd.s32 $0x67800, s0;
	s21 =	sshll.u32 s12, $0x1;
	s12 =	smul.u32 $0x4F000, s12  }
0x8: {  	_ =	strace $0x80000050;
	s6 =	ssub.s32 $0x2, s3;
	s13 =	sor.u32 s3, s21  }
0x9: {  	s3 =	smul.u32 $0x13C000, s3;
	s7 =	sshrl.u32 s6, $0x1;
	s9 =	sshrl.u32 s10, $0x3  }
0xa: {  	s23 =	sadd.s32 $0x80, s11;
	s24 =	sshrl.u32 s12, $0x2;
	s25 =	sadd.s32 $0x100, s11  }
0xb: {  	s14 =	sadd.s32 $0x180, s11;
	s15 =	sadd.s32 $0x200, s11;
	s13 =	smul.u32 $0x2800, s13  }
0xc: {  	s6 =	ssub.s32 s6, s7;
	s22 =	sadd.s32 s4, s9;
	s18 =	sshll.u32 s23, $0x7  }
0xd: {  	s7 =	sshll.u32 s23, $0x4;
	s26 =	sshll.u32 s25, $0x7;
	s9 =	sshll.u32 s25, $0x4  }
0xe: {  	s19 =	sshll.u32 s14, $0x7;
	s14 =	sshll.u32 s14, $0x4;
	s16 =	sshll.u32 s15, $0x4  }
0xf: {  	s20 =	sshll.u32 s15, $0x7;
	s21 =	sadd.s32 s10, s3;
	s10 =	simm.s32 $0x0  }
0x10: {  	[dreg:$0x3] =	wrdreg s22;
	s7 =	sadd.s32 s4, s7;
	s9 =	sadd.s32 s4, s9  }
0x11: {  	s14 =	sadd.s32 s4, s14;
	s11 =	sadd.s32 s26, s1;
	s13 =	sshrl.u32 s13, $0x3  }
0x12: {  	s22 =	sadd.s32 s3, s18;
	s23 =	sadd.s32 s3, s26;
	[dreg:$0x4] =	wrdreg s7  }
0x13: {  	s7 =	sadd.s32 s24, s1;
	[dreg:$0x5] =	wrdreg s9;
	s9 =	sadd.s32 s18, s1  }
0x14: {  	[dreg:$0x6] =	wrdreg s14;
	s14 =	sadd.s32 s4, s16;
	s17 =	sadd.s32 s5, s13  }
0x15: {  	s16 =	sadd.s32 $0x280, s13;
	s13 =	sadd.s32 s8, s13;
	[dreg:$0x7] =	wrdreg s14  }
0x16: {  	s24 =	sadd.s32 s3, s19;
	s3 =	sadd.s32 s3, s20;
	[dreg:$0x8] =	wrdreg s17  }
0x17: {  	s18 =	sadd.s32 s20, s1;
	s25 =	sshrl.u32 s23, $0x3;
	[dreg:$0x9] =	wrdreg s13  }
0x18: {  	s15 =	sadd.s32 s5, s16;
	s16 =	sadd.s32 s8, s16;
	s17 =	sadd.s32 s19, s1  }
0x19: {  	s5 =	sshrl.u32 s21, $0x3;
	s8 =	sshrl.u32 s22, $0x3;
	s21 =	sadd.s32 s0, s25  }
.Ltmp0:
0x1a: {  	s26 =	sshrl.u32 s24, $0x3;
	s3 =	sshrl.u32 s3, $0x3;
	(pc) =	sbr.rel .LBB2_1-.Ltmp0, $4  }
0x1b: {  	s24 =	smax.u32 s6, $0x1;
	s25 =	simm.s32 $0x2800;
	s6 =	simm.s32 $0x1480  }
0x1c: {  	s19 =	sadd.s32 s0, s5;
	s20 =	sadd.s32 s0, s8;
	s22 =	sadd.s32 s0, s26  }
0x1d: {  	s23 =	sadd.s32 s0, s3;
	s26 =	simm.s32 $0x1;
	s0 =	simm.s32 $0x5  }
0x1e: {  	s3 =	simm.s32 $0x1400;
	s5 =	simm.s32 $0x80;
	s8 =	simm.s32 $0x100  }
.LBB2_7:
0x1f: {  	_ =	swait.ge [sflag:s31], $0x4000  }
0x20: {  	[sflag:s31] =	ssyncset.done $0x0  }
0x21: {  	[sflag:s31] =	ssyncadd.s32 $0xFFFFC000  }
0x22: {  	[bflag:$0x0] =	sbarrier.arrive $0xFFFF  }
0x23: {  	[tilespmem:s25], [sflag:$0x1] =	stream.linear.gather [spmem:s7], $0x4000, $0x38;
	[tilespmem:$0x1E400] =	vst v63  }
0x24: {  	_ =	swait.ge [sflag:s26], $0x4000  }
0x25: {  	[sflag:s26] =	ssyncset.done $0x0  }
0x26: {  	[sflag:s26] =	ssyncadd.s32 $0xFFFFC000  }
0x27: {  	[tilespmem:s28], [sflag:$0x2] =	stream.linear.gather [spmem:s9], $0x4000, $0x38;
	[tilespmem:$0x1E400] =	vst v63  }
0x28: {  	_ = 	snop  }
0x29: {  	[hbm4b:s19+s2] =	stream.linear.scatter [tilespmem:s25], [sflag:$0x3], $0x4000, $0x38;
	[tilespmem:$0x1E400] =	vst v63  }
0x2a: {  	_ =	swait.ge [sflag:s29], $0x4000  }
0x2b: {  	[sflag:s29] =	ssyncset.done $0x0  }
0x2c: {  	[sflag:s29] =	ssyncadd.s32 $0xFFFFC000  }
0x2d: {  	_ =	swait.ge [sflag:s30], $0x4000  }
0x2e: {  	[sflag:s30] =	ssyncset.done $0x0  }
0x2f: {  	[sflag:s30] =	ssyncadd.s32 $0xFFFFC000  }
0x30: {  	[tilespmem:s25], [sflag:$0x1] =	stream.linear.gather [spmem:s11], $0x4000, $0x38;
	[tilespmem:$0x1E400] =	vst v63  }
0x31: {  	_ = 	snop  }
0x32: {  	[hbm4b:s20+s2] =	stream.linear.scatter [tilespmem:s28], [sflag:$0x4], $0x4000, $0x38;
	[tilespmem:$0x1E400] =	vst v63  }
0x33: {  	_ =	swait.ge [sflag:s26], $0x4000  }
0x34: {  	[sflag:s26] =	ssyncset.done $0x0  }
0x35: {  	[sflag:s26] =	ssyncadd.s32 $0xFFFFC000  }
0x36: {  	_ =	swait.ge [sflag:s31], $0x4000  }
0x37: {  	[sflag:s31] =	ssyncset.done $0x0  }
0x38: {  	[sflag:s31] =	ssyncadd.s32 $0xFFFFC000  }
0x39: {  	[tilespmem:s28], [sflag:$0x2] =	stream.linear.gather [spmem:s17], $0x4000, $0x38;
	[tilespmem:$0x1E400] =	vst v63  }
0x3a: {  	_ = 	snop  }
0x3b: {  	[hbm4b:s21+s2] =	stream.linear.scatter [tilespmem:s25], [sflag:$0x3], $0x4000, $0x38;
	[tilespmem:$0x1E400] =	vst v63  }
0x3c: {  	_ =	swait.ge [sflag:s29], $0x4000  }
0x3d: {  	[sflag:s29] =	ssyncset.done $0x0  }
0x3e: {  	[sflag:s29] =	ssyncadd.s32 $0xFFFFC000  }
0x3f: {  	_ =	swait.ge [sflag:s30], $0x4000  }
0x40: {  	[sflag:s30] =	ssyncset.done $0x0  }
0x41: {  	[sflag:s30] =	ssyncadd.s32 $0xFFFFC000  }
0x42: {  	[tilespmem:s25], [sflag:$0x1] =	stream.linear.gather [spmem:s18], $0x3C00, $0x38;
	[tilespmem:$0x1E400] =	vst v63  }
0x43: {  	_ = 	snop  }
0x44: {  	[hbm4b:s22+s2] =	stream.linear.scatter [tilespmem:s28], [sflag:$0x4], $0x4000, $0x38;
	[tilespmem:$0x1E400] =	vst v63  }
0x45: {  	_ =	swait.ge [sflag:s26], $0x3C00  }
0x46: {  	[sflag:s26] =	ssyncset.done $0x0  }
0x47: {  	s10 =	sadd.s32 $0x1, s10;
	[sflag:s26] =	ssyncadd.s32 $0xFFFFC400  }
0x48: {  	[hbm4b:s23+s2] =	stream.linear.scatter [tilespmem:s25], [sflag:$0x3], $0x3C00, $0x38;
	[tilespmem:$0x1E400] =	vst v63  }
0x49: {  	p0 =	sne.s32 s10, s24;
	_ =	swait.ge [sflag:s31], $0x4000  }
.Ltmp1:
0x4a: {  	[sflag:s31] =	ssyncset.done $0x0;
	(pc) =	sbr.rel @!p0 .LBB2_8-.Ltmp1, $4  }
0x4b: {  	[sflag:s31] =	ssyncadd.s32 $0xFFFFC000  }
0x4c: {  	_ =	swait.ge [sflag:s30], $0x3C00  }
0x4d: {  	[sflag:s30] =	ssyncset.done $0x0  }
0x4e: {  	[sflag:s30] =	ssyncadd.s32 $0xFFFFC400  }
.LBB2_1:
0x4f: {  	s12 =	rddreg [dreg:$0x3]  }
0x50: {  	[tilespmem:s25], [sflag:$0x1] =	stream.linear.gather [hbm4b:s12+s2], $0x4000, $0x38;
	[tilespmem:$0x1E400] =	vst v63  }
0x51: {  	_ =	swait.ge [sflag:s26], $0x4000  }
0x52: {  	[sflag:s26] =	ssyncset.done $0x0  }
0x53: {  	s13 =	rddreg [dreg:$0x4];
	[sflag:s26] =	ssyncadd.s32 $0xFFFFC000  }
0x54: {  	[tilespmem:s28], [sflag:$0x2] =	stream.linear.gather [hbm4b:s13+s2], $0x4000, $0x38;
	[tilespmem:$0x1E400] =	vst v63  }
0x55: {  	_ = 	snop  }
0x56: {  	[spmem:s7] =	stream.linear.scatter [tilespmem:s25], [sflag:$0x3], $0x4000, $0x38;
	[tilespmem:$0x1E400] =	vst v63  }
0x57: {  	_ =	swait.ge [sflag:s29], $0x4000  }
0x58: {  	[sflag:s29] =	ssyncset.done $0x0  }
0x59: {  	[sflag:s29] =	ssyncadd.s32 $0xFFFFC000  }
0x5a: {  	_ =	swait.ge [sflag:s30], $0x4000  }
0x5b: {  	[sflag:s30] =	ssyncset.done $0x0  }
0x5c: {  	s14 =	rddreg [dreg:$0x5];
	[sflag:s30] =	ssyncadd.s32 $0xFFFFC000  }
0x5d: {  	[tilespmem:s25], [sflag:$0x1] =	stream.linear.gather [hbm4b:s14+s2], $0x4000, $0x38;
	[tilespmem:$0x1E400] =	vst v63  }
0x5e: {  	_ = 	snop  }
0x5f: {  	[spmem:s9] =	stream.linear.scatter [tilespmem:s28], [sflag:$0x4], $0x4000, $0x38;
	[tilespmem:$0x1E400] =	vst v63  }
0x60: {  	_ =	swait.ge [sflag:s26], $0x4000  }
0x61: {  	[sflag:s26] =	ssyncset.done $0x0  }
0x62: {  	[sflag:s26] =	ssyncadd.s32 $0xFFFFC000  }
0x63: {  	_ =	swait.ge [sflag:s31], $0x4000  }
0x64: {  	[sflag:s31] =	ssyncset.done $0x0  }
0x65: {  	s13 =	rddreg [dreg:$0x6];
	[sflag:s31] =	ssyncadd.s32 $0xFFFFC000  }
0x66: {  	[tilespmem:s28], [sflag:$0x2] =	stream.linear.gather [hbm4b:s13+s2], $0x4000, $0x38;
	[tilespmem:$0x1E400] =	vst v63  }
0x67: {  	_ = 	snop  }
0x68: {  	[spmem:s11] =	stream.linear.scatter [tilespmem:s25], [sflag:$0x3], $0x4000, $0x38;
	[tilespmem:$0x1E400] =	vst v63  }
0x69: {  	_ =	swait.ge [sflag:s29], $0x4000  }
0x6a: {  	[sflag:s29] =	ssyncset.done $0x0  }
0x6b: {  	[sflag:s29] =	ssyncadd.s32 $0xFFFFC000  }
0x6c: {  	_ =	swait.ge [sflag:s30], $0x4000  }
0x6d: {  	[sflag:s30] =	ssyncset.done $0x0  }
0x6e: {  	s14 =	rddreg [dreg:$0x7];
	[sflag:s30] =	ssyncadd.s32 $0xFFFFC000  }
0x6f: {  	[tilespmem:s25], [sflag:$0x1] =	stream.linear.gather [hbm4b:s14+s2], $0x3C00, $0x38;
	[tilespmem:$0x1E400] =	vst v63  }
0x70: {  	_ = 	snop  }
0x71: {  	[spmem:s17] =	stream.linear.scatter [tilespmem:s28], [sflag:$0x4], $0x4000, $0x38;
	[tilespmem:$0x1E400] =	vst v63  }
0x72: {  	_ =	swait.ge [sflag:s26], $0x3C00  }
0x73: {  	[sflag:s26] =	ssyncset.done $0x0  }
0x74: {  	[sflag:s26] =	ssyncadd.s32 $0xFFFFC400  }
0x75: {  	[spmem:s18] =	stream.linear.scatter [tilespmem:s25], [sflag:$0x3], $0x3C00, $0x38;
	[tilespmem:$0x1E400] =	vst v63  }
0x76: {  	_ =	swait.ge [sflag:s31], $0x4000  }
0x77: {  	[sflag:s31] =	ssyncset.done $0x0  }
0x78: {  	[sflag:s31] =	ssyncadd.s32 $0xFFFFC000  }
0x79: {  	_ =	swait.ge [sflag:s30], $0x3C00  }
0x7a: {  	[sflag:s30] =	ssyncset.done $0x0  }
0x7b: {  	[sflag:s30] =	ssyncadd.s32 $0xFFFFC400  }
0x7c: {  	[bflag:$0x0] =	sbarrier.arrive $0xFFFF  }
0x7d: {  	s13 =	rddreg [dreg:$0x8]  }
0x7e: {  	[tilespmem:s2], [sflag:$0x5] =	stream.linear.gather [hbm4b:s13+s2], $0x1400, $0x38;
	[tilespmem:$0x1E400] =	vst v63  }
0x7f: {  	_ =	swait.ge [sflag:s0], $0x1400  }
0x80: {  	[sflag:s0] =	ssyncset.done $0x0  }
0x81: {  	s14 =	rddreg [dreg:$0x9];
	[sflag:s0] =	ssyncadd.s32 $0xFFFFEC00  }
0x82: {  	[tilespmem:s3], [sflag:$0x5] =	stream.linear.gather [hbm4b:s14+s2], $0x1400, $0x38;
	[tilespmem:$0x1E400] =	vst v63  }
0x83: {  	_ =	swait.ge [sflag:s0], $0x1400  }
0x84: {  	[sflag:s0] =	ssyncset.done $0x0  }
0x85: {  	[sflag:s0] =	ssyncadd.s32 $0xFFFFEC00  }
0x86: {  	[tilespmem:s25], [sflag:$0x1] =	stream.indirect.gather [hbm4b:s4+s5], $0x80, s2, s5, $0xb8;
	[tilespmem:$0x1E400] =	vst v63  }
0x87: {  	_ =	swait.ge [sflag:s26], $0x4000  }
0x88: {  	[sflag:s26] =	ssyncset.done $0x0  }
0x89: {  	[sflag:s26] =	ssyncadd.s32 $0xFFFFC000  }
0x8a: {  	[spmem:s1] =	stream.indirect.scatter.add.f32 [tilespmem:s25], [sflag:$0x3], $0x80, s3, s5, $0xb8;
	[tilespmem:$0x1E400] =	vst v63  }
0x8b: {  	_ = 	snop  }
0x8c: {  	[tilespmem:s28], [sflag:$0x2] =	stream.indirect.gather [hbm4b:s4+s5], $0x80, s5, s5, $0xb8;
	[tilespmem:$0x1E400] =	vst v63  }
0x8d: {  	_ =	swait.ge [sflag:s29], $0x4000  }
0x8e: {  	[sflag:s29] =	ssyncset.done $0x0  }
0x8f: {  	[sflag:s29] =	ssyncadd.s32 $0xFFFFC000  }
0x90: {  	[spmem:s1] =	stream.indirect.scatter.add.f32 [tilespmem:s28], [sflag:$0x4], $0x80, s6, s5, $0xb8;
	[tilespmem:$0x1E400] =	vst v63  }
0x91: {  	_ =	swait.ge [sflag:s30], $0x4000  }
0x92: {  	[sflag:s30] =	ssyncset.done $0x0  }
0x93: {  	s12 =	simm.s32 $0xFFFFB800;
	[sflag:s30] =	ssyncadd.s32 $0xFFFFC000  }
0x94: {  	[tilespmem:s25], [sflag:$0x1] =	stream.indirect.gather [hbm4b:s4+s5], $0x80, s8, s5, $0xb8;
	[tilespmem:$0x1E400] =	vst v63  }
.LBB2_2:
0x95: {  	_ =	swait.ge [sflag:s26], $0x4000  }
0x96: {  	s13 =	sshra.s32 s12, $0x2;
	[sflag:s26] =	ssyncset.done $0x0  }
0x97: {  	s14 =	sadd.s32 $0x2700, s13;
	[sflag:s26] =	ssyncadd.s32 $0xFFFFC000  }
0x98: {  	[spmem:s1] =	stream.indirect.scatter.add.f32 [tilespmem:s25], [sflag:$0x3], $0x80, s14, s5, $0xb8;
	[tilespmem:$0x1E400] =	vst v63  }
0x99: {  	_ =	swait.ge [sflag:s31], $0x4000  }
0x9a: {  	[sflag:s31] =	ssyncset.done $0x0  }
0x9b: {  	s14 =	sadd.s32 $0x1380, s13;
	[sflag:s31] =	ssyncadd.s32 $0xFFFFC000  }
0x9c: {  	[tilespmem:s28], [sflag:$0x2] =	stream.indirect.gather [hbm4b:s4+s5], $0x80, s14, s5, $0xb8;
	[tilespmem:$0x1E400] =	vst v63  }
0x9d: {  	_ =	swait.ge [sflag:s29], $0x4000  }
0x9e: {  	p0 =	seq.s32 s12, $0x0;
	[sflag:s29] =	ssyncset.done $0x0  }
.Ltmp2:
0x9f: {  	s14 =	sadd.s32 $0x2780, s13;
	[sflag:s29] =	ssyncadd.s32 $0xFFFFC000;
	(pc) =	sbr.rel @p0 .LBB2_4-.Ltmp2, $4  }
0xa0: {  	[spmem:s1] =	stream.indirect.scatter.add.f32 [tilespmem:s28], [sflag:$0x4], $0x80, s14, s5, $0xb8;
	[tilespmem:$0x1E400] =	vst v63  }
0xa1: {  	_ =	swait.ge [sflag:s30], $0x4000  }
0xa2: {  	[sflag:s30] =	ssyncset.done $0x0  }
0xa3: {  	[sflag:s30] =	ssyncadd.s32 $0xFFFFC000  }
.Ltmp3:
0xa4: {  	(pc) =	sbr.rel .LBB2_2-.Ltmp3, $3  }
0xa5: {  	_ =	sdelay $0x1  }
0xa6: {  	s13 =	sadd.s32 $0x1400, s13;
	s12 =	sadd.s32 $0x400, s12  }
0xa7: {  	[tilespmem:s25], [sflag:$0x1] =	stream.indirect.gather [hbm4b:s4+s5], $0x80, s13, s5, $0xb8;
	[tilespmem:$0x1E400] =	vst v63  }
.LBB2_4:
0xa8: {  	_ =	swait.ge [sflag:s31], $0x4000  }
0xa9: {  	[sflag:s31] =	ssyncset.done $0x0  }
0xaa: {  	[sflag:s31] =	ssyncadd.s32 $0xFFFFC000  }
0xab: {  	[tilespmem:s2], [sflag:$0x5] =	stream.linear.gather [hbm4b:s15+s2], $0x1400, $0x38;
	[tilespmem:$0x1E400] =	vst v63  }
0xac: {  	_ =	swait.ge [sflag:s0], $0x1400  }
0xad: {  	[sflag:s0] =	ssyncset.done $0x0  }
0xae: {  	[sflag:s0] =	ssyncadd.s32 $0xFFFFEC00  }
0xaf: {  	[tilespmem:s3], [sflag:$0x5] =	stream.linear.gather [hbm4b:s16+s2], $0x1400, $0x38;
	[tilespmem:$0x1E400] =	vst v63  }
0xb0: {  	_ =	swait.ge [sflag:s0], $0x1400  }
0xb1: {  	[sflag:s0] =	ssyncset.done $0x0  }
0xb2: {  	[sflag:s0] =	ssyncadd.s32 $0xFFFFEC00  }
0xb3: {  	[tilespmem:s25], [sflag:$0x1] =	stream.indirect.gather [hbm4b:s4+s5], $0x80, s2, s5, $0xb8;
	[tilespmem:$0x1E400] =	vst v63  }
0xb4: {  	_ =	swait.ge [sflag:s26], $0x4000  }
0xb5: {  	[sflag:s26] =	ssyncset.done $0x0  }
0xb6: {  	[sflag:s26] =	ssyncadd.s32 $0xFFFFC000  }
0xb7: {  	[spmem:s1] =	stream.indirect.scatter.add.f32 [tilespmem:s25], [sflag:$0x3], $0x80, s3, s5, $0xb8;
	[tilespmem:$0x1E400] =	vst v63  }
0xb8: {  	_ = 	snop  }
0xb9: {  	[tilespmem:s28], [sflag:$0x2] =	stream.indirect.gather [hbm4b:s4+s5], $0x80, s5, s5, $0xb8;
	[tilespmem:$0x1E400] =	vst v63  }
0xba: {  	_ =	swait.ge [sflag:s29], $0x4000  }
0xbb: {  	[sflag:s29] =	ssyncset.done $0x0  }
0xbc: {  	[sflag:s29] =	ssyncadd.s32 $0xFFFFC000  }
0xbd: {  	[spmem:s1] =	stream.indirect.scatter.add.f32 [tilespmem:s28], [sflag:$0x4], $0x80, s6, s5, $0xb8;
	[tilespmem:$0x1E400] =	vst v63  }
0xbe: {  	_ =	swait.ge [sflag:s30], $0x4000  }
0xbf: {  	[sflag:s30] =	ssyncset.done $0x0  }
0xc0: {  	s12 =	simm.s32 $0xFFFFB800;
	[sflag:s30] =	ssyncadd.s32 $0xFFFFC000  }
0xc1: {  	[tilespmem:s25], [sflag:$0x1] =	stream.indirect.gather [hbm4b:s4+s5], $0x80, s8, s5, $0xb8;
	[tilespmem:$0x1E400] =	vst v63  }
.LBB2_5:
0xc2: {  	_ =	swait.ge [sflag:s26], $0x4000  }
0xc3: {  	s13 =	sshra.s32 s12, $0x2;
	[sflag:s26] =	ssyncset.done $0x0  }
0xc4: {  	s14 =	sadd.s32 $0x2700, s13;
	[sflag:s26] =	ssyncadd.s32 $0xFFFFC000  }
0xc5: {  	[spmem:s1] =	stream.indirect.scatter.add.f32 [tilespmem:s25], [sflag:$0x3], $0x80, s14, s5, $0xb8;
	[tilespmem:$0x1E400] =	vst v63  }
0xc6: {  	_ =	swait.ge [sflag:s31], $0x4000  }
0xc7: {  	[sflag:s31] =	ssyncset.done $0x0  }
0xc8: {  	s14 =	sadd.s32 $0x1380, s13;
	[sflag:s31] =	ssyncadd.s32 $0xFFFFC000  }
0xc9: {  	[tilespmem:s28], [sflag:$0x2] =	stream.indirect.gather [hbm4b:s4+s5], $0x80, s14, s5, $0xb8;
	[tilespmem:$0x1E400] =	vst v63  }
0xca: {  	_ =	swait.ge [sflag:s29], $0x4000  }
0xcb: {  	p0 =	seq.s32 s12, $0x0;
	[sflag:s29] =	ssyncset.done $0x0  }
.Ltmp4:
0xcc: {  	s14 =	sadd.s32 $0x2780, s13;
	[sflag:s29] =	ssyncadd.s32 $0xFFFFC000;
	(pc) =	sbr.rel @p0 .LBB2_7-.Ltmp4, $4  }
0xcd: {  	[spmem:s1] =	stream.indirect.scatter.add.f32 [tilespmem:s28], [sflag:$0x4], $0x80, s14, s5, $0xb8;
	[tilespmem:$0x1E400] =	vst v63  }
0xce: {  	_ =	swait.ge [sflag:s30], $0x4000  }
0xcf: {  	[sflag:s30] =	ssyncset.done $0x0  }
0xd0: {  	[sflag:s30] =	ssyncadd.s32 $0xFFFFC000  }
.Ltmp5:
0xd1: {  	(pc) =	sbr.rel .LBB2_5-.Ltmp5, $3  }
0xd2: {  	_ =	sdelay $0x1  }
0xd3: {  	s13 =	sadd.s32 $0x1400, s13;
	s12 =	sadd.s32 $0x400, s12  }
0xd4: {  	[tilespmem:s25], [sflag:$0x1] =	stream.indirect.gather [hbm4b:s4+s5], $0x80, s13, s5, $0xb8;
	[tilespmem:$0x1E400] =	vst v63  }
.LBB2_8:
0xd5: {  	_ =	sfence.sel $0x180000  }
0xd6: {  	[bflag:$0x0] =	sbarrier.arrive $0xFFFF  }
0xd7: {  	_ =	strace $0x90000050  }
0xd8: {  	s0 =	stileid.u32;
	[bflag:$0x2] =	sbarrier.arrive $0xFFFF  }
0xd9: {  	p0 =	sne.s32 s0, $0x0;
	s0 =	rddreg [dreg:$0x2]  }
0xda: {  	s0 =	sadd.s32 @!p0 $0x100000, s0  }
0xdb: {  	[sflag:s0] =	ssyncadd.tile.s32 @!p0 $0x1;
	_ =	shalt  }
.Lfunc_end2:
_tile_overlayer_lowered:
.L_overlay_start_2:
0xdc: {  	(tag) =	ssettag $0x2  }
0xdd: {  	s0 =	rddreg [dreg:$0x0];
	s2 =	stileid.u32  }
0xde: {  	s1 =	rddreg [dreg:$0x1];
	p0 =	sne.s32 s2, $0x0  }
0xdf: {  	s3 =	rddreg [dreg:$0x2];
	[bflag:$0x3] =	sbarrier.arrive $0xFFFF;
	s2 =	simm.s32 @!p0 $0x1C05  }
0xe0: {  	[timem:s3], [sflag:s2] =	dma.local @!p0 [hbm:s0], s1  }
0xe1: {  	s0 =	simm.s32 @!p0 $0x5  }
0xe2: {  	_ =	swait.ge @!p0 [sflag:s0], s1  }
0xe3: {  	s1 =	ssub.s32 @!p0 $0x0, s1;
	[sflag:s0] =	ssyncset.done @!p0 $0x0  }
0xe4: {  	[sflag:s0] =	ssyncadd.s32 @!p0 s1  }
0xe5: {  	[bflag:$0x3] =	sbarrier.arrive $0xFFFF  }
0xe6: {  	_ =	shalt  }

</sc_bundles>
